<compile_context>
chip_gen: v7x
topology: tpu7x:2x2x1
jax: 0.10.2.dev20260603
libtpu: 0.0.44.dev20260713+nightly
codegen_flags: <defaults>
</compile_context>

<pallas_src>
import functools

import jax
from jax import lax
import jax.numpy as jnp
from jax.experimental import pallas as pl
from jax.experimental.pallas import tpu as pltpu
from jax.experimental.pallas import tpu_sc as plsc

_W = 128
_NBUF = 2
_LANES = 16
_NC = 2
_NS = 16
_NW = _NC * _NS


def _relu_chunk(src, dst, d):
  @pl.loop(0, _W, step=8)
  def _(r0):
    for r in range(8):
      for c in range(0, d, _LANES):
        slc = (pl.ds(r0 + r, 1), pl.ds(c, _LANES))
        dst.at[slc][...] = jnp.maximum(src.at[slc][...], 0.0)


def _make_sc_gather_relu(B, D, dtype):
  b_per_w = B // _NW
  n_chunks = b_per_w // _W
  mesh = plsc.VectorSubcoreMesh(core_axis_name="c", subcore_axis_name="s")

  @functools.partial(
      pl.kernel,
      out_type=jax.ShapeDtypeStruct((B, D), dtype),
      mesh=mesh,
      compiler_params=pltpu.CompilerParams(use_tc_tiling_on_sc=True),
      scratch_types=(
          [pltpu.VMEM((b_per_w,), jnp.int32)]
          + [pltpu.VMEM((_W, D), dtype) for _ in range(2 * _NBUF)]
          + [pltpu.SemaphoreType.DMA for _ in range(2 * _NBUF)]
      ),
  )
  def run(table_hbm, idx_hbm, out_hbm, idx_v, *bufs_and_sems):
    rows_g = bufs_and_sems[:_NBUF]
    rows_o = bufs_and_sems[_NBUF:2 * _NBUF]
    g_sem = bufs_and_sems[2 * _NBUF:3 * _NBUF]
    o_sem = bufs_and_sems[3 * _NBUF:]

    wid = lax.axis_index("s") * _NC + lax.axis_index("c")
    base = wid * b_per_w

    pltpu.sync_copy(idx_hbm.at[pl.ds(base, b_per_w)], idx_v)

    def start_gather(j, b):
      @pl.loop(0, _W, step=_LANES)
      def _(r0):
        v = idx_v[pl.ds(j * _W + r0, _LANES)]
        for t in range(_LANES):
          pltpu.async_copy(table_hbm.at[0, v[t]], rows_g[b].at[r0 + t],
                           g_sem[b])

    for b in range(_NBUF):
      start_gather(b, b)

    @pl.loop(0, n_chunks, step=_NBUF)
    def _(j0):
      for b in range(_NBUF):
        j = j0 + b
        @pl.loop(0, _W)
        def _(r):
          pltpu.make_async_copy(table_hbm.at[0, 0], rows_g[b].at[0],
                                g_sem[b]).wait()
        @pl.when(j >= _NBUF)
        def _():
          pltpu.make_async_copy(rows_o[b],
                                out_hbm.at[pl.ds(base, _W)], o_sem[b]).wait()
        _relu_chunk(rows_g[b], rows_o[b], D)
        @pl.when(j + _NBUF < n_chunks)
        def _():
          start_gather(j + _NBUF, b)
        pltpu.async_copy(rows_o[b], out_hbm.at[pl.ds(base + j * _W, _W)],
                         o_sem[b])

    for b in range(_NBUF):
      pltpu.make_async_copy(rows_o[b], out_hbm.at[pl.ds(base, _W)],
                            o_sem[b]).wait()

  return run


def kernel(x, table):
  n0, n1 = x.shape
  B = n0 * n1
  D = table.shape[1]
  idx = x.reshape(B).astype(jnp.int32)
  run = _make_sc_gather_relu(B, D, table.dtype)
  out = run(table.reshape(1, table.shape[0], D), idx)
  return out.reshape(n0, n1, D)

# --- scband reference (transcript-rebuilt; emitter-appended) ---
"""Pipeline reference for scband-word-embedding-5093831213761 (READ-ONLY COPY).

The authoritative reference and input builder live on the scoring server;
editing this copy changes nothing except your own understanding.
"""

import jax, jax.numpy as jnp
import numpy as np

VOCAB = 1000000
EMBD = 64

def setup_inputs(seed: int = 0) -> dict:
    key = jax.random.key(seed)
    k1, k2 = jax.random.split(key)
    x = jax.random.randint(k1, (4096, 200), 0, VOCAB, dtype=jnp.int64) if jax.config.jax_enable_x64 else jax.random.randint(k1, (4096, 200), 0, VOCAB, dtype=jnp.int32)
    table = jax.random.normal(k2, (VOCAB, EMBD), dtype=jnp.float32) * 0.02
    return {"x": x, "table": table}

def reference(x, table):
    # nn.Embedding lookup followed by ReLU
    emb = jnp.take(table, x, axis=0)
    return jax.nn.relu(emb)

if __name__ == "__main__":
    import jax
    _d = setup_inputs()
    print(jax.jit(kernel)(*tuple(_d.values())))

</pallas_src>

<mosaic_0001>
#map = affine_map<(d0, d1) -> (0, 0, 0)>
#map1 = affine_map<(d0, d1) -> (0)>
#map2 = affine_map<(d0, d1) -> (0, 0)>
module attributes {stable_mosaic.version = 14 : i64} {
  func.func @run(%arg0: i32, %arg1: i32, %arg2: memref<1x1000000x64xf32, #tpu.memory_space<hbm>>, %arg3: memref<819200xi32, #tpu.memory_space<hbm>>, %arg4: memref<819200x64xf32, #tpu.memory_space<hbm>>, %arg5: memref<25600xi32, #tpu.memory_space<vmem>>, %arg6: memref<128x64xf32, #tpu.memory_space<vmem>>, %arg7: memref<128x64xf32, #tpu.memory_space<vmem>>, %arg8: memref<128x64xf32, #tpu.memory_space<vmem>>, %arg9: memref<128x64xf32, #tpu.memory_space<vmem>>, %arg10: memref<!tpu.dma_semaphore, #tpu.memory_space<semaphore_mem>>, %arg11: memref<!tpu.dma_semaphore, #tpu.memory_space<semaphore_mem>>, %arg12: memref<!tpu.dma_semaphore, #tpu.memory_space<semaphore_mem>>, %arg13: memref<!tpu.dma_semaphore, #tpu.memory_space<semaphore_mem>>) attributes {dimension_semantics = [#tpu.dimension_semantics<core_parallel>, #tpu.dimension_semantics<subcore_parallel>], iteration_bounds = array<i64: 2, 16>, scalar_prefetch = 0 : i64, scratch_operands = 9 : i64, tpu.core_type = #tpu.core_type<sc_vector_subcore>, window_params = [{transform_indices = #map}, {transform_indices = #map1}, {transform_indices = #map2}]} {
    %mul3A = arith.constant 2 : i32
    %mul3A_0 = arith.muli %arg1, %mul3A : i32
    %add3A = arith.addi %mul3A_0, %arg0 : i32
    %mul3A_1 = arith.constant 25600 : i32
    %mul3A_2 = arith.muli %add3A, %mul3A_1 : i32
    "tpu.region"() ({
      %run_scoped3A = tpu.sem_alloc : memref<!tpu.dma_semaphore, #tpu.memory_space<semaphore_mem>>
      %dma_start3A = tpu.memref_slice %arg3[%mul3A_2] : memref<819200xi32, #tpu.memory_space<hbm>> -> memref<25600xi32, #tpu.memory_space<hbm>>
      %dma_start3A_24 = tpu.memref_slice %arg3[%mul3A_2] : memref<819200xi32, #tpu.memory_space<hbm>> -> memref<25600xi32, #tpu.memory_space<hbm>>
      tpu.enqueue_dma source(%dma_start3A_24 : memref<25600xi32, #tpu.memory_space<hbm>>) target(%arg5 : memref<25600xi32, #tpu.memory_space<vmem>>) target_semaphore(%run_scoped3A : memref<!tpu.dma_semaphore, #tpu.memory_space<semaphore_mem>>)
      %dma_wait3A_25 = tpu.memref_slice %arg3[%mul3A_2] : memref<819200xi32, #tpu.memory_space<hbm>> -> memref<25600xi32, #tpu.memory_space<hbm>>
      %dma_wait3A_26 = tpu.memref_slice %arg3[%mul3A_2] : memref<819200xi32, #tpu.memory_space<hbm>> -> memref<25600xi32, #tpu.memory_space<hbm>>
      tpu.wait_dma2 semaphore(%run_scoped3A : memref<!tpu.dma_semaphore, #tpu.memory_space<semaphore_mem>>) src(%dma_wait3A_26 : memref<25600xi32, #tpu.memory_space<hbm>>) dst(%arg5 : memref<25600xi32, #tpu.memory_space<vmem>>)
      tpu.yield
    }) : () -> ()
    %scan3A = arith.constant 0 : i32
    %scan3A_3 = arith.constant 8 : i32
    %scan3A_4 = arith.addi %scan3A, %scan3A_3 : i32
    %scan3A_5 = arith.constant 1 : i32
    scf.for %scan3A_24 = %scan3A to %scan3A_4 step %scan3A_5  : i32 {
      %mul3A_25 = arith.constant 16 : i32
      %mul3A_26 = arith.muli %scan3A_24, %mul3A_25 : i32
      %add3A_27 = arith.constant 0 : i32
      %add3A_28 = arith.addi %add3A_27, %mul3A_26 : i32
      %add3A_29 = arith.constant 0 : i32
      %add3A_30 = arith.addi %add3A_29, %add3A_28 : i32
      %get3A = arith.index_cast %add3A_30 : i32 to index
      %get3A_31 = tpu.vector_load %arg5[%get3A] {strides = array<i32>} : memref<25600xi32, #tpu.memory_space<vmem>>, vector<16xi32>,
      %get3A_32 = vector.shape_cast %get3A_31 : vector<16xi32> to vector<16xi32>
      %slice3A = vector.extract_strided_slice %get3A_32 {offsets = [0], sizes = [1], strides = [1]} : vector<16xi32> to vector<1xi32>
      %squeeze3A = vector.extract %slice3A[0] : i32 from vector<1xi32>
      %add3A_33 = arith.constant 0 : i32
      %add3A_34 = arith.addi %add3A_28, %add3A_33 : i32
      %dma_start3A = arith.constant 0 : i32
      %dma_start3A_35 = arith.constant 0 : i32
      %dma_start3A_36 = tpu.memref_slice %arg6[%add3A_34, %dma_start3A_35] : memref<128x64xf32, #tpu.memory_space<vmem>> -> memref<1x64xf32, #tpu.memory_space<vmem>>
      %dma_start3A_37 = tpu.memref_squeeze %dma_start3A_36 : memref<1x64xf32, #tpu.memory_space<vmem>> -> memref<64xf32, #tpu.memory_space<vmem>>
      %dma_start3A_38 = arith.constant 0 : i32
      %dma_start3A_39 = tpu.memref_slice %arg2[%dma_start3A, %squeeze3A, %dma_start3A_38] : memref<1x1000000x64xf32, #tpu.memory_space<hbm>> -> memref<1x1x64xf32, #tpu.memory_space<hbm>>
      %dma_start3A_40 = tpu.memref_squeeze %dma_start3A_39 : memref<1x1x64xf32, #tpu.memory_space<hbm>> -> memref<64xf32, #tpu.memory_space<hbm>>
      %dma_start3A_41 = arith.constant 0 : i32
      %dma_start3A_42 = tpu.memref_slice %arg6[%add3A_34, %dma_start3A_41] : memref<128x64xf32, #tpu.memory_space<vmem>> -> memref<1x64xf32, #tpu.memory_space<vmem>>
      %dma_start3A_43 = tpu.memref_squeeze %dma_start3A_42 : memref<1x64xf32, #tpu.memory_space<vmem>> -> memref<64xf32, #tpu.memory_space<vmem>>
      %dma_start3A_44 = arith.constant 0 : i32
      %dma_start3A_45 = tpu.memref_slice %arg2[%dma_start3A, %squeeze3A, %dma_start3A_44] : memref<1x1000000x64xf32, #tpu.memory_space<hbm>> -> memref<1x1x64xf32, #tpu.memory_space<hbm>>
      %dma_start3A_46 = tpu.memref_squeeze %dma_start3A_45 : memref<1x1x64xf32, #tpu.memory_space<hbm>> -> memref<64xf32, #tpu.memory_space<hbm>>
      tpu.enqueue_dma source(%dma_start3A_46 : memref<64xf32, #tpu.memory_space<hbm>>) target(%dma_start3A_43 : memref<64xf32, #tpu.memory_space<vmem>>) target_semaphore(%arg10 : memref<!tpu.dma_semaphore, #tpu.memory_space<semaphore_mem>>)
      %slice3A_47 = vector.extract_strided_slice %get3A_32 {offsets = [1], sizes = [1], strides = [1]} : vector<16xi32> to vector<1xi32>
      %squeeze3A_48 = vector.extract %slice3A_47[0] : i32 from vector<1xi32>
      %add3A_49 = arith.constant 1 : i32
      %add3A_50 = arith.addi %add3A_28, %add3A_49 : i32
      %dma_start3A_51 = arith.constant 0 : i32
      %dma_start3A_52 = arith.constant 0 : i32
      %dma_start3A_53 = tpu.memref_slice %arg6[%add3A_50, %dma_start3A_52] : memref<128x64xf32, #tpu.memory_space<vmem>> -> memref<1x64xf32, #tpu.memory_space<vmem>>
      %dma_start3A_54 = tpu.memref_squeeze %dma_start3A_53 : memref<1x64xf32, #tpu.memory_space<vmem>> -> memref<64xf32, #tpu.memory_space<vmem>>
      %dma_start3A_55 = arith.constant 0 : i32
      %dma_start3A_56 = tpu.memref_slice %arg2[%dma_start3A_51, %squeeze3A_48, %dma_start3A_55] : memref<1x1000000x64xf32, #tpu.memory_space<hbm>> -> memref<1x1x64xf32, #tpu.memory_space<hbm>>
      %dma_start3A_57 = tpu.memref_squeeze %dma_start3A_56 : memref<1x1x64xf32, #tpu.memory_space<hbm>> -> memref<64xf32, #tpu.memory_space<hbm>>
      %dma_start3A_58 = arith.constant 0 : i32
      %dma_start3A_59 = tpu.memref_slice %arg6[%add3A_50, %dma_start3A_58] : memref<128x64xf32, #tpu.memory_space<vmem>> -> memref<1x64xf32, #tpu.memory_space<vmem>>
      %dma_start3A_60 = tpu.memref_squeeze %dma_start3A_59 : memref<1x64xf32, #tpu.memory_space<vmem>> -> memref<64xf32, #tpu.memory_space<vmem>>
      %dma_start3A_61 = arith.constant 0 : i32
      %dma_start3A_62 = tpu.memref_slice %arg2[%dma_start3A_51, %squeeze3A_48, %dma_start3A_61] : memref<1x1000000x64xf32, #tpu.memory_space<hbm>> -> memref<1x1x64xf32, #tpu.memory_space<hbm>>
      %dma_start3A_63 = tpu.memref_squeeze %dma_start3A_62 : memref<1x1x64xf32, #tpu.memory_space<hbm>> -> memref<64xf32, #tpu.memory_space<hbm>>
      tpu.enqueue_dma source(%dma_start3A_63 : memref<64xf32, #tpu.memory_space<hbm>>) target(%dma_start3A_60 : memref<64xf32, #tpu.memory_space<vmem>>) target_semaphore(%arg10 : memref<!tpu.dma_semaphore, #tpu.memory_space<semaphore_mem>>)
      %slice3A_64 = vector.extract_strided_slice %get3A_32 {offsets = [2], sizes = [1], strides = [1]} : vector<16xi32> to vector<1xi32>
      %squeeze3A_65 = vector.extract %slice3A_64[0] : i32 from vector<1xi32>
      %add3A_66 = arith.constant 2 : i32
      %add3A_67 = arith.addi %add3A_28, %add3A_66 : i32
      %dma_start3A_68 = arith.constant 0 : i32
      %dma_start3A_69 = arith.constant 0 : i32
      %dma_start3A_70 = tpu.memref_slice %arg6[%add3A_67, %dma_start3A_69] : memref<128x64xf32, #tpu.memory_space<vmem>> -> memref<1x64xf32, #tpu.memory_space<vmem>>
      %dma_start3A_71 = tpu.memref_squeeze %dma_start3A_70 : memref<1x64xf32, #tpu.memory_space<vmem>> -> memref<64xf32, #tpu.memory_space<vmem>>
      %dma_start3A_72 = arith.constant 0 : i32
      %dma_start3A_73 = tpu.memref_slice %arg2[%dma_start3A_68, %squeeze3A_65, %dma_start3A_72] : memref<1x1000000x64xf32, #tpu.memory_space<hbm>> -> memref<1x1x64xf32, #tpu.memory_space<hbm>>
      %dma_start3A_74 = tpu.memref_squeeze %dma_start3A_73 : memref<1x1x64xf32, #tpu.memory_space<hbm>> -> memref<64xf32, #tpu.memory_space<hbm>>
      %dma_start3A_75 = arith.constant 0 : i32
      %dma_start3A_76 = tpu.memref_slice %arg6[%add3A_67, %dma_start3A_75] : memref<128x64xf32, #tpu.memory_space<vmem>> -> memref<1x64xf32, #tpu.memory_space<vmem>>
      %dma_start3A_77 = tpu.memref_squeeze %dma_start3A_76 : memref<1x64xf32, #tpu.memory_space<vmem>> -> memref<64xf32, #tpu.memory_space<vmem>>
      %dma_start3A_78 = arith.constant 0 : i32
      %dma_start3A_79 = tpu.memref_slice %arg2[%dma_start3A_68, %squeeze3A_65, %dma_start3A_78] : memref<1x1000000x64xf32, #tpu.memory_space<hbm>> -> memref<1x1x64xf32, #tpu.memory_space<hbm>>
      %dma_start3A_80 = tpu.memref_squeeze %dma_start3A_79 : memref<1x1x64xf32, #tpu.memory_space<hbm>> -> memref<64xf32, #tpu.memory_space<hbm>>
      tpu.enqueue_dma source(%dma_start3A_80 : memref<64xf32, #tpu.memory_space<hbm>>) target(%dma_start3A_77 : memref<64xf32, #tpu.memory_space<vmem>>) target_semaphore(%arg10 : memref<!tpu.dma_semaphore, #tpu.memory_space<semaphore_mem>>)
      %slice3A_81 = vector.extract_strided_slice %get3A_32 {offsets = [3], sizes = [1], strides = [1]} : vector<16xi32> to vector<1xi32>
      %squeeze3A_82 = vector.extract %slice3A_81[0] : i32 from vector<1xi32>
      %add3A_83 = arith.constant 3 : i32
      %add3A_84 = arith.addi %add3A_28, %add3A_83 : i32
      %dma_start3A_85 = arith.constant 0 : i32
      %dma_start3A_86 = arith.constant 0 : i32
      %dma_start3A_87 = tpu.memref_slice %arg6[%add3A_84, %dma_start3A_86] : memref<128x64xf32, #tpu.memory_space<vmem>> -> memref<1x64xf32, #tpu.memory_space<vmem>>
      %dma_start3A_88 = tpu.memref_squeeze %dma_start3A_87 : memref<1x64xf32, #tpu.memory_space<vmem>> -> memref<64xf32, #tpu.memory_space<vmem>>
      %dma_start3A_89 = arith.constant 0 : i32
      %dma_start3A_90 = tpu.memref_slice %arg2[%dma_start3A_85, %squeeze3A_82, %dma_start3A_89] : memref<1x1000000x64xf32, #tpu.memory_space<hbm>> -> memref<1x1x64xf32, #tpu.memory_space<hbm>>
      %dma_start3A_91 = tpu.memref_squeeze %dma_start3A_90 : memref<1x1x64xf32, #tpu.memory_space<hbm>> -> memref<64xf32, #tpu.memory_space<hbm>>
      %dma_start3A_92 = arith.constant 0 : i32
      %dma_start3A_93 = tpu.memref_slice %arg6[%add3A_84, %dma_start3A_92] : memref<128x64xf32, #tpu.memory_space<vmem>> -> memref<1x64xf32, #tpu.memory_space<vmem>>
      %dma_start3A_94 = tpu.memref_squeeze %dma_start3A_93 : memref<1x64xf32, #tpu.memory_space<vmem>> -> memref<64xf32, #tpu.memory_space<vmem>>
      %dma_start3A_95 = arith.constant 0 : i32
      %dma_start3A_96 = tpu.memref_slice %arg2[%dma_start3A_85, %squeeze3A_82, %dma_start3A_95] : memref<1x1000000x64xf32, #tpu.memory_space<hbm>> -> memref<1x1x64xf32, #tpu.memory_space<hbm>>
      %dma_start3A_97 = tpu.memref_squeeze %dma_start3A_96 : memref<1x1x64xf32, #tpu.memory_space<hbm>> -> memref<64xf32, #tpu.memory_space<hbm>>
      tpu.enqueue_dma source(%dma_start3A_97 : memref<64xf32, #tpu.memory_space<hbm>>) target(%dma_start3A_94 : memref<64xf32, #tpu.memory_space<vmem>>) target_semaphore(%arg10 : memref<!tpu.dma_semaphore, #tpu.memory_space<semaphore_mem>>)
      %slice3A_98 = vector.extract_strided_slice %get3A_32 {offsets = [4], sizes = [1], strides = [1]} : vector<16xi32> to vector<1xi32>
      %squeeze3A_99 = vector.extract %slice3A_98[0] : i32 from vector<1xi32>
      %add3A_100 = arith.constant 4 : i32
      %add3A_101 = arith.addi %add3A_28, %add3A_100 : i32
      %dma_start3A_102 = arith.constant 0 : i32
      %dma_start3A_103 = arith.constant 0 : i32
      %dma_start3A_104 = tpu.memref_slice %arg6[%add3A_101, %dma_start3A_103] : memref<128x64xf32, #tpu.memory_space<vmem>> -> memref<1x64xf32, #tpu.memory_space<vmem>>
      %dma_start3A_105 = tpu.memref_squeeze %dma_start3A_104 : memref<1x64xf32, #tpu.memory_space<vmem>> -> memref<64xf32, #tpu.memory_space<vmem>>
      %dma_start3A_106 = arith.constant 0 : i32
      %dma_start3A_107 = tpu.memref_slice %arg2[%dma_start3A_102, %squeeze3A_99, %dma_start3A_106] : memref<1x1000000x64xf32, #tpu.memory_space<hbm>> -> memref<1x1x64xf32, #tpu.memory_space<hbm>>
      %dma_start3A_108 = tpu.memref_squeeze %dma_start3A_107 : memref<1x1x64xf32, #tpu.memory_space<hbm>> -> memref<64xf32, #tpu.memory_space<hbm>>
      %dma_start3A_109 = arith.constant 0 : i32
      %dma_start3A_110 = tpu.memref_slice %arg6[%add3A_101, %dma_start3A_109] : memref<128x64xf32, #tpu.memory_space<vmem>> -> memref<1x64xf32, #tpu.memory_space<vmem>>
      %dma_start3A_111 = tpu.memref_squeeze %dma_start3A_110 : memref<1x64xf32, #tpu.memory_space<vmem>> -> memref<64xf32, #tpu.memory_space<vmem>>
      %dma_start3A_112 = arith.constant 0 : i32
      %dma_start3A_113 = tpu.memref_slice %arg2[%dma_start3A_102, %squeeze3A_99, %dma_start3A_112] : memref<1x1000000x64xf32, #tpu.memory_space<hbm>> -> memref<1x1x64xf32, #tpu.memory_space<hbm>>
      %dma_start3A_114 = tpu.memref_squeeze %dma_start3A_113 : memref<1x1x64xf32, #tpu.memory_space<hbm>> -> memref<64xf32, #tpu.memory_space<hbm>>
      tpu.enqueue_dma source(%dma_start3A_114 : memref<64xf32, #tpu.memory_space<hbm>>) target(%dma_start3A_111 : memref<64xf32, #tpu.memory_space<vmem>>) target_semaphore(%arg10 : memref<!tpu.dma_semaphore, #tpu.memory_space<semaphore_mem>>)
      %slice3A_115 = vector.extract_strided_slice %get3A_32 {offsets = [5], sizes = [1], strides = [1]} : vector<16xi32> to vector<1xi32>
      %squeeze3A_116 = vector.extract %slice3A_115[0] : i32 from vector<1xi32>
      %add3A_117 = arith.constant 5 : i32
      %add3A_118 = arith.addi %add3A_28, %add3A_117 : i32
      %dma_start3A_119 = arith.constant 0 : i32
      %dma_start3A_120 = arith.constant 0 : i32
      %dma_start3A_121 = tpu.memref_slice %arg6[%add3A_118, %dma_start3A_120] : memref<128x64xf32, #tpu.memory_space<vmem>> -> memref<1x64xf32, #tpu.memory_space<vmem>>
      %dma_start3A_122 = tpu.memref_squeeze %dma_start3A_121 : memref<1x64xf32, #tpu.memory_space<vmem>> -> memref<64xf32, #tpu.memory_space<vmem>>
      %dma_start3A_123 = arith.constant 0 : i32
      %dma_start3A_124 = tpu.memref_slice %arg2[%dma_start3A_119, %squeeze3A_116, %dma_start3A_123] : memref<1x1000000x64xf32, #tpu.memory_space<hbm>> -> memref<1x1x64xf32, #tpu.memory_space<hbm>>
      %dma_start3A_125 = tpu.memref_squeeze %dma_start3A_124 : memref<1x1x64xf32, #tpu.memory_space<hbm>> -> memref<64xf32, #tpu.memory_space<hbm>>
      %dma_start3A_126 = arith.constant 0 : i32
      %dma_start3A_127 = tpu.memref_slice %arg6[%add3A_118, %dma_start3A_126] : memref<128x64xf32, #tpu.memory_space<vmem>> -> memref<1x64xf32, #tpu.memory_space<vmem>>
      %dma_start3A_128 = tpu.memref_squeeze %dma_start3A_127 : memref<1x64xf32, #tpu.memory_space<vmem>> -> memref<64xf32, #tpu.memory_space<vmem>>
      %dma_start3A_129 = arith.constant 0 : i32
      %dma_start3A_130 = tpu.memref_slice %arg2[%dma_start3A_119, %squeeze3A_116, %dma_start3A_129] : memref<1x1000000x64xf32, #tpu.memory_space<hbm>> -> memref<1x1x64xf32, #tpu.memory_space<hbm>>
      %dma_start3A_131 = tpu.memref_squeeze %dma_start3A_130 : memref<1x1x64xf32, #tpu.memory_space<hbm>> -> memref<64xf32, #tpu.memory_space<hbm>>
      tpu.enqueue_dma source(%dma_start3A_131 : memref<64xf32, #tpu.memory_space<hbm>>) target(%dma_start3A_128 : memref<64xf32, #tpu.memory_space<vmem>>) target_semaphore(%arg10 : memref<!tpu.dma_semaphore, #tpu.memory_space<semaphore_mem>>)
      %slice3A_132 = vector.extract_strided_slice %get3A_32 {offsets = [6], sizes = [1], strides = [1]} : vector<16xi32> to vector<1xi32>
      %squeeze3A_133 = vector.extract %slice3A_132[0] : i32 from vector<1xi32>
      %add3A_134 = arith.constant 6 : i32
      %add3A_135 = arith.addi %add3A_28, %add3A_134 : i32
      %dma_start3A_136 = arith.constant 0 : i32
      %dma_start3A_137 = arith.constant 0 : i32
      %dma_start3A_138 = tpu.memref_slice %arg6[%add3A_135, %dma_start3A_137] : memref<128x64xf32, #tpu.memory_space<vmem>> -> memref<1x64xf32, #tpu.memory_space<vmem>>
      %dma_start3A_139 = tpu.memref_squeeze %dma_start3A_138 : memref<1x64xf32, #tpu.memory_space<vmem>> -> memref<64xf32, #tpu.memory_space<vmem>>
      %dma_start3A_140 = arith.constant 0 : i32
      %dma_start3A_141 = tpu.memref_slice %arg2[%dma_start3A_136, %squeeze3A_133, %dma_start3A_140] : memref<1x1000000x64xf32, #tpu.memory_space<hbm>> -> memref<1x1x64xf32, #tpu.memory_space<hbm>>
      %dma_start3A_142 = tpu.memref_squeeze %dma_start3A_141 : memref<1x1x64xf32, #tpu.memory_space<hbm>> -> memref<64xf32, #tpu.memory_space<hbm>>
      %dma_start3A_143 = arith.constant 0 : i32
      %dma_start3A_144 = tpu.memref_slice %arg6[%add3A_135, %dma_start3A_143] : memref<128x64xf32, #tpu.memory_space<vmem>> -> memref<1x64xf32, #tpu.memory_space<vmem>>
      %dma_start3A_145 = tpu.memref_squeeze %dma_start3A_144 : memref<1x64xf32, #tpu.memory_space<vmem>> -> memref<64xf32, #tpu.memory_space<vmem>>
      %dma_start3A_146 = arith.constant 0 : i32
      %dma_start3A_147 = tpu.memref_slice %arg2[%dma_start3A_136, %squeeze3A_133, %dma_start3A_146] : memref<1x1000000x64xf32, #tpu.memory_space<hbm>> -> memref<1x1x64xf32, #tpu.memory_space<hbm>>
      %dma_start3A_148 = tpu.memref_squeeze %dma_start3A_147 : memref<1x1x64xf32, #tpu.memory_space<hbm>> -> memref<64xf32, #tpu.memory_space<hbm>>
      tpu.enqueue_dma source(%dma_start3A_148 : memref<64xf32, #tpu.memory_space<hbm>>) target(%dma_start3A_145 : memref<64xf32, #tpu.memory_space<vmem>>) target_semaphore(%arg10 : memref<!tpu.dma_semaphore, #tpu.memory_space<semaphore_mem>>)
      %slice3A_149 = vector.extract_strided_slice %get3A_32 {offsets = [7], sizes = [1], strides = [1]} : vector<16xi32> to vector<1xi32>
      %squeeze3A_150 = vector.extract %slice3A_149[0] : i32 from vector<1xi32>
      %add3A_151 = arith.constant 7 : i32
      %add3A_152 = arith.addi %add3A_28, %add3A_151 : i32
      %dma_start3A_153 = arith.constant 0 : i32
      %dma_start3A_154 = arith.constant 0 : i32
      %dma_start3A_155 = tpu.memref_slice %arg6[%add3A_152, %dma_start3A_154] : memref<128x64xf32, #tpu.memory_space<vmem>> -> memref<1x64xf32, #tpu.memory_space<vmem>>
      %dma_start3A_156 = tpu.memref_squeeze %dma_start3A_155 : memref<1x64xf32, #tpu.memory_space<vmem>> -> memref<64xf32, #tpu.memory_space<vmem>>
      %dma_start3A_157 = arith.constant 0 : i32
      %dma_start3A_158 = tpu.memref_slice %arg2[%dma_start3A_153, %squeeze3A_150, %dma_start3A_157] : memref<1x1000000x64xf32, #tpu.memory_space<hbm>> -> memref<1x1x64xf32, #tpu.memory_space<hbm>>
      %dma_start3A_159 = tpu.memref_squeeze %dma_start3A_158 : memref<1x1x64xf32, #tpu.memory_space<hbm>> -> memref<64xf32, #tpu.memory_space<hbm>>
      %dma_start3A_160 = arith.constant 0 : i32
      %dma_start3A_161 = tpu.memref_slice %arg6[%add3A_152, %dma_start3A_160] : memref<128x64xf32, #tpu.memory_space<vmem>> -> memref<1x64xf32, #tpu.memory_space<vmem>>
      %dma_start3A_162 = tpu.memref_squeeze %dma_start3A_161 : memref<1x64xf32, #tpu.memory_space<vmem>> -> memref<64xf32, #tpu.memory_space<vmem>>
      %dma_start3A_163 = arith.constant 0 : i32
      %dma_start3A_164 = tpu.memref_slice %arg2[%dma_start3A_153, %squeeze3A_150, %dma_start3A_163] : memref<1x1000000x64xf32, #tpu.memory_space<hbm>> -> memref<1x1x64xf32, #tpu.memory_space<hbm>>
      %dma_start3A_165 = tpu.memref_squeeze %dma_start3A_164 : memref<1x1x64xf32, #tpu.memory_space<hbm>> -> memref<64xf32, #tpu.memory_space<hbm>>
      tpu.enqueue_dma source(%dma_start3A_165 : memref<64xf32, #tpu.memory_space<hbm>>) target(%dma_start3A_162 : memref<64xf32, #tpu.memory_space<vmem>>) target_semaphore(%arg10 : memref<!tpu.dma_semaphore, #tpu.memory_space<semaphore_mem>>)
      %slice3A_166 = vector.extract_strided_slice %get3A_32 {offsets = [8], sizes = [1], strides = [1]} : vector<16xi32> to vector<1xi32>
      %squeeze3A_167 = vector.extract %slice3A_166[0] : i32 from vector<1xi32>
      %add3A_168 = arith.constant 8 : i32
      %add3A_169 = arith.addi %add3A_28, %add3A_168 : i32
      %dma_start3A_170 = arith.constant 0 : i32
      %dma_start3A_171 = arith.constant 0 : i32
      %dma_start3A_172 = tpu.memref_slice %arg6[%add3A_169, %dma_start3A_171] : memref<128x64xf32, #tpu.memory_space<vmem>> -> memref<1x64xf32, #tpu.memory_space<vmem>>
      %dma_start3A_173 = tpu.memref_squeeze %dma_start3A_172 : memref<1x64xf32, #tpu.memory_space<vmem>> -> memref<64xf32, #tpu.memory_space<vmem>>
      %dma_start3A_174 = arith.constant 0 : i32
      %dma_start3A_175 = tpu.memref_slice %arg2[%dma_start3A_170, %squeeze3A_167, %dma_start3A_174] : memref<1x1000000x64xf32, #tpu.memory_space<hbm>> -> memref<1x1x64xf32, #tpu.memory_space<hbm>>
      %dma_start3A_176 = tpu.memref_squeeze %dma_start3A_175 : memref<1x1x64xf32, #tpu.memory_space<hbm>> -> memref<64xf32, #tpu.memory_space<hbm>>
      %dma_start3A_177 = arith.constant 0 : i32
      %dma_start3A_178 = tpu.memref_slice %arg6[%add3A_169, %dma_start3A_177] : memref<128x64xf32, #tpu.memory_space<vmem>> -> memref<1x64xf32, #tpu.memory_space<vmem>>
      %dma_start3A_179 = tpu.memref_squeeze %dma_start3A_178 : memref<1x64xf32, #tpu.memory_space<vmem>> -> memref<64xf32, #tpu.memory_space<vmem>>
      %dma_start3A_180 = arith.constant 0 : i32
      %dma_start3A_181 = tpu.memref_slice %arg2[%dma_start3A_170, %squeeze3A_167, %dma_start3A_180] : memref<1x1000000x64xf32, #tpu.memory_space<hbm>> -> memref<1x1x64xf32, #tpu.memory_space<hbm>>
      %dma_start3A_182 = tpu.memref_squeeze %dma_start3A_181 : memref<1x1x64xf32, #tpu.memory_space<hbm>> -> memref<64xf32, #tpu.memory_space<hbm>>
      tpu.enqueue_dma source(%dma_start3A_182 : memref<64xf32, #tpu.memory_space<hbm>>) target(%dma_start3A_179 : memref<64xf32, #tpu.memory_space<vmem>>) target_semaphore(%arg10 : memref<!tpu.dma_semaphore, #tpu.memory_space<semaphore_mem>>)
      %slice3A_183 = vector.extract_strided_slice %get3A_32 {offsets = [9], sizes = [1], strides = [1]} : vector<16xi32> to vector<1xi32>
      %squeeze3A_184 = vector.extract %slice3A_183[0] : i32 from vector<1xi32>
      %add3A_185 = arith.constant 9 : i32
      %add3A_186 = arith.addi %add3A_28, %add3A_185 : i32
      %dma_start3A_187 = arith.constant 0 : i32
      %dma_start3A_188 = arith.constant 0 : i32
      %dma_start3A_189 = tpu.memref_slice %arg6[%add3A_186, %dma_start3A_188] : memref<128x64xf32, #tpu.memory_space<vmem>> -> memref<1x64xf32, #tpu.memory_space<vmem>>
      %dma_start3A_190 = tpu.memref_squeeze %dma_start3A_189 : memref<1x64xf32, #tpu.memory_space<vmem>> -> memref<64xf32, #tpu.memory_space<vmem>>
      %dma_start3A_191 = arith.constant 0 : i32
      %dma_start3A_192 = tpu.memref_slice %arg2[%dma_start3A_187, %squeeze3A_184, %dma_start3A_191] : memref<1x1000000x64xf32, #tpu.memory_space<hbm>> -> memref<1x1x64xf32, #tpu.memory_space<hbm>>
      %dma_start3A_193 = tpu.memref_squeeze %dma_start3A_192 : memref<1x1x64xf32, #tpu.memory_space<hbm>> -> memref<64xf32, #tpu.memory_space<hbm>>
      %dma_start3A_194 = arith.constant 0 : i32
      %dma_start3A_195 = tpu.memref_slice %arg6[%add3A_186, %dma_start3A_194] : memref<128x64xf32, #tpu.memory_space<vmem>> -> memref<1x64xf32, #tpu.memory_space<vmem>>
      %dma_start3A_196 = tpu.memref_squeeze %dma_start3A_195 : memref<1x64xf32, #tpu.memory_space<vmem>> -> memref<64xf32, #tpu.memory_space<vmem>>
      %dma_start3A_197 = arith.constant 0 : i32
      %dma_start3A_198 = tpu.memref_slice %arg2[%dma_start3A_187, %squeeze3A_184, %dma_start3A_197] : memref<1x1000000x64xf32, #tpu.memory_space<hbm>> -> memref<1x1x64xf32, #tpu.memory_space<hbm>>
      %dma_start3A_199 = tpu.memref_squeeze %dma_start3A_198 : memref<1x1x64xf32, #tpu.memory_space<hbm>> -> memref<64xf32, #tpu.memory_space<hbm>>
      tpu.enqueue_dma source(%dma_start3A_199 : memref<64xf32, #tpu.memory_space<hbm>>) target(%dma_start3A_196 : memref<64xf32, #tpu.memory_space<vmem>>) target_semaphore(%arg10 : memref<!tpu.dma_semaphore, #tpu.memory_space<semaphore_mem>>)
      %slice3A_200 = vector.extract_strided_slice %get3A_32 {offsets = [10], sizes = [1], strides = [1]} : vector<16xi32> to vector<1xi32>
      %squeeze3A_201 = vector.extract %slice3A_200[0] : i32 from vector<1xi32>
      %add3A_202 = arith.constant 10 : i32
      %add3A_203 = arith.addi %add3A_28, %add3A_202 : i32
      %dma_start3A_204 = arith.constant 0 : i32
      %dma_start3A_205 = arith.constant 0 : i32
      %dma_start3A_206 = tpu.memref_slice %arg6[%add3A_203, %dma_start3A_205] : memref<128x64xf32, #tpu.memory_space<vmem>> -> memref<1x64xf32, #tpu.memory_space<vmem>>
      %dma_start3A_207 = tpu.memref_squeeze %dma_start3A_206 : memref<1x64xf32, #tpu.memory_space<vmem>> -> memref<64xf32, #tpu.memory_space<vmem>>
      %dma_start3A_208 = arith.constant 0 : i32
      %dma_start3A_209 = tpu.memref_slice %arg2[%dma_start3A_204, %squeeze3A_201, %dma_start3A_208] : memref<1x1000000x64xf32, #tpu.memory_space<hbm>> -> memref<1x1x64xf32, #tpu.memory_space<hbm>>
      %dma_start3A_210 = tpu.memref_squeeze %dma_start3A_209 : memref<1x1x64xf32, #tpu.memory_space<hbm>> -> memref<64xf32, #tpu.memory_space<hbm>>
      %dma_start3A_211 = arith.constant 0 : i32
      %dma_start3A_212 = tpu.memref_slice %arg6[%add3A_203, %dma_start3A_211] : memref<128x64xf32, #tpu.memory_space<vmem>> -> memref<1x64xf32, #tpu.memory_space<vmem>>
      %dma_start3A_213 = tpu.memref_squeeze %dma_start3A_212 : memref<1x64xf32, #tpu.memory_space<vmem>> -> memref<64xf32, #tpu.memory_space<vmem>>
      %dma_start3A_214 = arith.constant 0 : i32
      %dma_start3A_215 = tpu.memref_slice %arg2[%dma_start3A_204, %squeeze3A_201, %dma_start3A_214] : memref<1x1000000x64xf32, #tpu.memory_space<hbm>> -> memref<1x1x64xf32, #tpu.memory_space<hbm>>
      %dma_start3A_216 = tpu.memref_squeeze %dma_start3A_215 : memref<1x1x64xf32, #tpu.memory_space<hbm>> -> memref<64xf32, #tpu.memory_space<hbm>>
      tpu.enqueue_dma source(%dma_start3A_216 : memref<64xf32, #tpu.memory_space<hbm>>) target(%dma_start3A_213 : memref<64xf32, #tpu.memory_space<vmem>>) target_semaphore(%arg10 : memref<!tpu.dma_semaphore, #tpu.memory_space<semaphore_mem>>)
      %slice3A_217 = vector.extract_strided_slice %get3A_32 {offsets = [11], sizes = [1], strides = [1]} : vector<16xi32> to vector<1xi32>
      %squeeze3A_218 = vector.extract %slice3A_217[0] : i32 from vector<1xi32>
      %add3A_219 = arith.constant 11 : i32
      %add3A_220 = arith.addi %add3A_28, %add3A_219 : i32
      %dma_start3A_221 = arith.constant 0 : i32
      %dma_start3A_222 = arith.constant 0 : i32
      %dma_start3A_223 = tpu.memref_slice %arg6[%add3A_220, %dma_start3A_222] : memref<128x64xf32, #tpu.memory_space<vmem>> -> memref<1x64xf32, #tpu.memory_space<vmem>>
      %dma_start3A_224 = tpu.memref_squeeze %dma_start3A_223 : memref<1x64xf32, #tpu.memory_space<vmem>> -> memref<64xf32, #tpu.memory_space<vmem>>
      %dma_start3A_225 = arith.constant 0 : i32
      %dma_start3A_226 = tpu.memref_slice %arg2[%dma_start3A_221, %squeeze3A_218, %dma_start3A_225] : memref<1x1000000x64xf32, #tpu.memory_space<hbm>> -> memref<1x1x64xf32, #tpu.memory_space<hbm>>
      %dma_start3A_227 = tpu.memref_squeeze %dma_start3A_226 : memref<1x1x64xf32, #tpu.memory_space<hbm>> -> memref<64xf32, #tpu.memory_space<hbm>>
      %dma_start3A_228 = arith.constant 0 : i32
      %dma_start3A_229 = tpu.memref_slice %arg6[%add3A_220, %dma_start3A_228] : memref<128x64xf32, #tpu.memory_space<vmem>> -> memref<1x64xf32, #tpu.memory_space<vmem>>
      %dma_start3A_230 = tpu.memref_squeeze %dma_start3A_229 : memref<1x64xf32, #tpu.memory_space<vmem>> -> memref<64xf32, #tpu.memory_space<vmem>>
      %dma_start3A_231 = arith.constant 0 : i32
      %dma_start3A_232 = tpu.memref_slice %arg2[%dma_start3A_221, %squeeze3A_218, %dma_start3A_231] : memref<1x1000000x64xf32, #tpu.memory_space<hbm>> -> memref<1x1x64xf32, #tpu.memory_space<hbm>>
      %dma_start3A_233 = tpu.memref_squeeze %dma_start3A_232 : memref<1x1x64xf32, #tpu.memory_space<hbm>> -> memref<64xf32, #tpu.memory_space<hbm>>
      tpu.enqueue_dma source(%dma_start3A_233 : memref<64xf32, #tpu.memory_space<hbm>>) target(%dma_start3A_230 : memref<64xf32, #tpu.memory_space<vmem>>) target_semaphore(%arg10 : memref<!tpu.dma_semaphore, #tpu.memory_space<semaphore_mem>>)
      %slice3A_234 = vector.extract_strided_slice %get3A_32 {offsets = [12], sizes = [1], strides = [1]} : vector<16xi32> to vector<1xi32>
      %squeeze3A_235 = vector.extract %slice3A_234[0] : i32 from vector<1xi32>
      %add3A_236 = arith.constant 12 : i32
      %add3A_237 = arith.addi %add3A_28, %add3A_236 : i32
      %dma_start3A_238 = arith.constant 0 : i32
      %dma_start3A_239 = arith.constant 0 : i32
      %dma_start3A_240 = tpu.memref_slice %arg6[%add3A_237, %dma_start3A_239] : memref<128x64xf32, #tpu.memory_space<vmem>> -> memref<1x64xf32, #tpu.memory_space<vmem>>
      %dma_start3A_241 = tpu.memref_squeeze %dma_start3A_240 : memref<1x64xf32, #tpu.memory_space<vmem>> -> memref<64xf32, #tpu.memory_space<vmem>>
      %dma_start3A_242 = arith.constant 0 : i32
      %dma_start3A_243 = tpu.memref_slice %arg2[%dma_start3A_238, %squeeze3A_235, %dma_start3A_242] : memref<1x1000000x64xf32, #tpu.memory_space<hbm>> -> memref<1x1x64xf32, #tpu.memory_space<hbm>>
      %dma_start3A_244 = tpu.memref_squeeze %dma_start3A_243 : memref<1x1x64xf32, #tpu.memory_space<hbm>> -> memref<64xf32, #tpu.memory_space<hbm>>
      %dma_start3A_245 = arith.constant 0 : i32
      %dma_start3A_246 = tpu.memref_slice %arg6[%add3A_237, %dma_start3A_245] : memref<128x64xf32, #tpu.memory_space<vmem>> -> memref<1x64xf32, #tpu.memory_space<vmem>>
      %dma_start3A_247 = tpu.memref_squeeze %dma_start3A_246 : memref<1x64xf32, #tpu.memory_space<vmem>> -> memref<64xf32, #tpu.memory_space<vmem>>
      %dma_start3A_248 = arith.constant 0 : i32
      %dma_start3A_249 = tpu.memref_slice %arg2[%dma_start3A_238, %squeeze3A_235, %dma_start3A_248] : memref<1x1000000x64xf32, #tpu.memory_space<hbm>> -> memref<1x1x64xf32, #tpu.memory_space<hbm>>
      %dma_start3A_250 = tpu.memref_squeeze %dma_start3A_249 : memref<1x1x64xf32, #tpu.memory_space<hbm>> -> memref<64xf32, #tpu.memory_space<hbm>>
      tpu.enqueue_dma source(%dma_start3A_250 : memref<64xf32, #tpu.memory_space<hbm>>) target(%dma_start3A_247 : memref<64xf32, #tpu.memory_space<vmem>>) target_semaphore(%arg10 : memref<!tpu.dma_semaphore, #tpu.memory_space<semaphore_mem>>)
      %slice3A_251 = vector.extract_strided_slice %get3A_32 {offsets = [13], sizes = [1], strides = [1]} : vector<16xi32> to vector<1xi32>
      %squeeze3A_252 = vector.extract %slice3A_251[0] : i32 from vector<1xi32>
      %add3A_253 = arith.constant 13 : i32
      %add3A_254 = arith.addi %add3A_28, %add3A_253 : i32
      %dma_start3A_255 = arith.constant 0 : i32
      %dma_start3A_256 = arith.constant 0 : i32
      %dma_start3A_257 = tpu.memref_slice %arg6[%add3A_254, %dma_start3A_256] : memref<128x64xf32, #tpu.memory_space<vmem>> -> memref<1x64xf32, #tpu.memory_space<vmem>>
      %dma_start3A_258 = tpu.memref_squeeze %dma_start3A_257 : memref<1x64xf32, #tpu.memory_space<vmem>> -> memref<64xf32, #tpu.memory_space<vmem>>
      %dma_start3A_259 = arith.constant 0 : i32
      %dma_start3A_260 = tpu.memref_slice %arg2[%dma_start3A_255, %squeeze3A_252, %dma_start3A_259] : memref<1x1000000x64xf32, #tpu.memory_space<hbm>> -> memref<1x1x64xf32, #tpu.memory_space<hbm>>
      %dma_start3A_261 = tpu.memref_squeeze %dma_start3A_260 : memref<1x1x64xf32, #tpu.memory_space<hbm>> -> memref<64xf32, #tpu.memory_space<hbm>>
      %dma_start3A_262 = arith.constant 0 : i32
      %dma_start3A_263 = tpu.memref_slice %arg6[%add3A_254, %dma_start3A_262] : memref<128x64xf32, #tpu.memory_space<vmem>> -> memref<1x64xf32, #tpu.memory_space<vmem>>
      %dma_start3A_264 = tpu.memref_squeeze %dma_start3A_263 : memref<1x64xf32, #tpu.memory_space<vmem>> -> memref<64xf32, #tpu.memory_space<vmem>>
      %dma_start3A_265 = arith.constant 0 : i32
      %dma_start3A_266 = tpu.memref_slice %arg2[%dma_start3A_255, %squeeze3A_252, %dma_start3A_265] : memref<1x1000000x64xf32, #tpu.memory_space<hbm>> -> memref<1x1x64xf32, #tpu.memory_space<hbm>>
      %dma_start3A_267 = tpu.memref_squeeze %dma_start3A_266 : memref<1x1x64xf32, #tpu.memory_space<hbm>> -> memref<64xf32, #tpu.memory_space<hbm>>
      tpu.enqueue_dma source(%dma_start3A_267 : memref<64xf32, #tpu.memory_space<hbm>>) target(%dma_start3A_264 : memref<64xf32, #tpu.memory_space<vmem>>) target_semaphore(%arg10 : memref<!tpu.dma_semaphore, #tpu.memory_space<semaphore_mem>>)
      %slice3A_268 = vector.extract_strided_slice %get3A_32 {offsets = [14], sizes = [1], strides = [1]} : vector<16xi32> to vector<1xi32>
      %squeeze3A_269 = vector.extract %slice3A_268[0] : i32 from vector<1xi32>
      %add3A_270 = arith.constant 14 : i32
      %add3A_271 = arith.addi %add3A_28, %add3A_270 : i32
      %dma_start3A_272 = arith.constant 0 : i32
      %dma_start3A_273 = arith.constant 0 : i32
      %dma_start3A_274 = tpu.memref_slice %arg6[%add3A_271, %dma_start3A_273] : memref<128x64xf32, #tpu.memory_space<vmem>> -> memref<1x64xf32, #tpu.memory_space<vmem>>
      %dma_start3A_275 = tpu.memref_squeeze %dma_start3A_274 : memref<1x64xf32, #tpu.memory_space<vmem>> -> memref<64xf32, #tpu.memory_space<vmem>>
      %dma_start3A_276 = arith.constant 0 : i32
      %dma_start3A_277 = tpu.memref_slice %arg2[%dma_start3A_272, %squeeze3A_269, %dma_start3A_276] : memref<1x1000000x64xf32, #tpu.memory_space<hbm>> -> memref<1x1x64xf32, #tpu.memory_space<hbm>>
      %dma_start3A_278 = tpu.memref_squeeze %dma_start3A_277 : memref<1x1x64xf32, #tpu.memory_space<hbm>> -> memref<64xf32, #tpu.memory_space<hbm>>
      %dma_start3A_279 = arith.constant 0 : i32
      %dma_start3A_280 = tpu.memref_slice %arg6[%add3A_271, %dma_start3A_279] : memref<128x64xf32, #tpu.memory_space<vmem>> -> memref<1x64xf32, #tpu.memory_space<vmem>>
      %dma_start3A_281 = tpu.memref_squeeze %dma_start3A_280 : memref<1x64xf32, #tpu.memory_space<vmem>> -> memref<64xf32, #tpu.memory_space<vmem>>
      %dma_start3A_282 = arith.constant 0 : i32
      %dma_start3A_283 = tpu.memref_slice %arg2[%dma_start3A_272, %squeeze3A_269, %dma_start3A_282] : memref<1x1000000x64xf32, #tpu.memory_space<hbm>> -> memref<1x1x64xf32, #tpu.memory_space<hbm>>
      %dma_start3A_284 = tpu.memref_squeeze %dma_start3A_283 : memref<1x1x64xf32, #tpu.memory_space<hbm>> -> memref<64xf32, #tpu.memory_space<hbm>>
      tpu.enqueue_dma source(%dma_start3A_284 : memref<64xf32, #tpu.memory_space<hbm>>) target(%dma_start3A_281 : memref<64xf32, #tpu.memory_space<vmem>>) target_semaphore(%arg10 : memref<!tpu.dma_semaphore, #tpu.memory_space<semaphore_mem>>)
      %slice3A_285 = vector.extract_strided_slice %get3A_32 {offsets = [15], sizes = [1], strides = [1]} : vector<16xi32> to vector<1xi32>
      %squeeze3A_286 = vector.extract %slice3A_285[0] : i32 from vector<1xi32>
      %add3A_287 = arith.constant 15 : i32
      %add3A_288 = arith.addi %add3A_28, %add3A_287 : i32
      %dma_start3A_289 = arith.constant 0 : i32
      %dma_start3A_290 = arith.constant 0 : i32
      %dma_start3A_291 = tpu.memref_slice %arg6[%add3A_288, %dma_start3A_290] : memref<128x64xf32, #tpu.memory_space<vmem>> -> memref<1x64xf32, #tpu.memory_space<vmem>>
      %dma_start3A_292 = tpu.memref_squeeze %dma_start3A_291 : memref<1x64xf32, #tpu.memory_space<vmem>> -> memref<64xf32, #tpu.memory_space<vmem>>
      %dma_start3A_293 = arith.constant 0 : i32
      %dma_start3A_294 = tpu.memref_slice %arg2[%dma_start3A_289, %squeeze3A_286, %dma_start3A_293] : memref<1x1000000x64xf32, #tpu.memory_space<hbm>> -> memref<1x1x64xf32, #tpu.memory_space<hbm>>
      %dma_start3A_295 = tpu.memref_squeeze %dma_start3A_294 : memref<1x1x64xf32, #tpu.memory_space<hbm>> -> memref<64xf32, #tpu.memory_space<hbm>>
      %dma_start3A_296 = arith.constant 0 : i32
      %dma_start3A_297 = tpu.memref_slice %arg6[%add3A_288, %dma_start3A_296] : memref<128x64xf32, #tpu.memory_space<vmem>> -> memref<1x64xf32, #tpu.memory_space<vmem>>
      %dma_start3A_298 = tpu.memref_squeeze %dma_start3A_297 : memref<1x64xf32, #tpu.memory_space<vmem>> -> memref<64xf32, #tpu.memory_space<vmem>>
      %dma_start3A_299 = arith.constant 0 : i32
      %dma_start3A_300 = tpu.memref_slice %arg2[%dma_start3A_289, %squeeze3A_286, %dma_start3A_299] : memref<1x1000000x64xf32, #tpu.memory_space<hbm>> -> memref<1x1x64xf32, #tpu.memory_space<hbm>>
      %dma_start3A_301 = tpu.memref_squeeze %dma_start3A_300 : memref<1x1x64xf32, #tpu.memory_space<hbm>> -> memref<64xf32, #tpu.memory_space<hbm>>
      tpu.enqueue_dma source(%dma_start3A_301 : memref<64xf32, #tpu.memory_space<hbm>>) target(%dma_start3A_298 : memref<64xf32, #tpu.memory_space<vmem>>) target_semaphore(%arg10 : memref<!tpu.dma_semaphore, #tpu.memory_space<semaphore_mem>>)
    }
    %scan3A_6 = arith.constant 8 : i32
    %scan3A_7 = arith.constant 0 : i32
    %scan3A_8 = arith.constant 8 : i32
    %scan3A_9 = arith.addi %scan3A_7, %scan3A_8 : i32
    %scan3A_10 = arith.constant 1 : i32
    scf.for %scan3A_24 = %scan3A_7 to %scan3A_9 step %scan3A_10  : i32 {
      %mul3A_25 = arith.constant 16 : i32
      %mul3A_26 = arith.muli %scan3A_24, %mul3A_25 : i32
      %add3A_27 = arith.constant 0 : i32
      %add3A_28 = arith.addi %add3A_27, %mul3A_26 : i32
      %add3A_29 = arith.constant 128 : i32
      %add3A_30 = arith.addi %add3A_29, %add3A_28 : i32
      %get3A = arith.index_cast %add3A_30 : i32 to index
      %get3A_31 = tpu.vector_load %arg5[%get3A] {strides = array<i32>} : memref<25600xi32, #tpu.memory_space<vmem>>, vector<16xi32>,
      %get3A_32 = vector.shape_cast %get3A_31 : vector<16xi32> to vector<16xi32>
      %slice3A = vector.extract_strided_slice %get3A_32 {offsets = [0], sizes = [1], strides = [1]} : vector<16xi32> to vector<1xi32>
      %squeeze3A = vector.extract %slice3A[0] : i32 from vector<1xi32>
      %add3A_33 = arith.constant 0 : i32
      %add3A_34 = arith.addi %add3A_28, %add3A_33 : i32
      %dma_start3A = arith.constant 0 : i32
      %dma_start3A_35 = arith.constant 0 : i32
      %dma_start3A_36 = tpu.memref_slice %arg7[%add3A_34, %dma_start3A_35] : memref<128x64xf32, #tpu.memory_space<vmem>> -> memref<1x64xf32, #tpu.memory_space<vmem>>
      %dma_start3A_37 = tpu.memref_squeeze %dma_start3A_36 : memref<1x64xf32, #tpu.memory_space<vmem>> -> memref<64xf32, #tpu.memory_space<vmem>>
      %dma_start3A_38 = arith.constant 0 : i32
      %dma_start3A_39 = tpu.memref_slice %arg2[%dma_start3A, %squeeze3A, %dma_start3A_38] : memref<1x1000000x64xf32, #tpu.memory_space<hbm>> -> memref<1x1x64xf32, #tpu.memory_space<hbm>>
      %dma_start3A_40 = tpu.memref_squeeze %dma_start3A_39 : memref<1x1x64xf32, #tpu.memory_space<hbm>> -> memref<64xf32, #tpu.memory_space<hbm>>
      %dma_start3A_41 = arith.constant 0 : i32
      %dma_start3A_42 = tpu.memref_slice %arg7[%add3A_34, %dma_start3A_41] : memref<128x64xf32, #tpu.memory_space<vmem>> -> memref<1x64xf32, #tpu.memory_space<vmem>>
      %dma_start3A_43 = tpu.memref_squeeze %dma_start3A_42 : memref<1x64xf32, #tpu.memory_space<vmem>> -> memref<64xf32, #tpu.memory_space<vmem>>
      %dma_start3A_44 = arith.constant 0 : i32
      %dma_start3A_45 = tpu.memref_slice %arg2[%dma_start3A, %squeeze3A, %dma_start3A_44] : memref<1x1000000x64xf32, #tpu.memory_space<hbm>> -> memref<1x1x64xf32, #tpu.memory_space<hbm>>
      %dma_start3A_46 = tpu.memref_squeeze %dma_start3A_45 : memref<1x1x64xf32, #tpu.memory_space<hbm>> -> memref<64xf32, #tpu.memory_space<hbm>>
      tpu.enqueue_dma source(%dma_start3A_46 : memref<64xf32, #tpu.memory_space<hbm>>) target(%dma_start3A_43 : memref<64xf32, #tpu.memory_space<vmem>>) target_semaphore(%arg11 : memref<!tpu.dma_semaphore, #tpu.memory_space<semaphore_mem>>)
      %slice3A_47 = vector.extract_strided_slice %get3A_32 {offsets = [1], sizes = [1], strides = [1]} : vector<16xi32> to vector<1xi32>
      %squeeze3A_48 = vector.extract %slice3A_47[0] : i32 from vector<1xi32>
      %add3A_49 = arith.constant 1 : i32
      %add3A_50 = arith.addi %add3A_28, %add3A_49 : i32
      %dma_start3A_51 = arith.constant 0 : i32
      %dma_start3A_52 = arith.constant 0 : i32
      %dma_start3A_53 = tpu.memref_slice %arg7[%add3A_50, %dma_start3A_52] : memref<128x64xf32, #tpu.memory_space<vmem>> -> memref<1x64xf32, #tpu.memory_space<vmem>>
      %dma_start3A_54 = tpu.memref_squeeze %dma_start3A_53 : memref<1x64xf32, #tpu.memory_space<vmem>> -> memref<64xf32, #tpu.memory_space<vmem>>
      %dma_start3A_55 = arith.constant 0 : i32
      %dma_start3A_56 = tpu.memref_slice %arg2[%dma_start3A_51, %squeeze3A_48, %dma_start3A_55] : memref<1x1000000x64xf32, #tpu.memory_space<hbm>> -> memref<1x1x64xf32, #tpu.memory_space<hbm>>
      %dma_start3A_57 = tpu.memref_squeeze %dma_start3A_56 : memref<1x1x64xf32, #tpu.memory_space<hbm>> -> memref<64xf32, #tpu.memory_space<hbm>>
      %dma_start3A_58 = arith.constant 0 : i32
      %dma_start3A_59 = tpu.memref_slice %arg7[%add3A_50, %dma_start3A_58] : memref<128x64xf32, #tpu.memory_space<vmem>> -> memref<1x64xf32, #tpu.memory_space<vmem>>
      %dma_start3A_60 = tpu.memref_squeeze %dma_start3A_59 : memref<1x64xf32, #tpu.memory_space<vmem>> -> memref<64xf32, #tpu.memory_space<vmem>>
      %dma_start3A_61 = arith.constant 0 : i32
      %dma_start3A_62 = tpu.memref_slice %arg2[%dma_start3A_51, %squeeze3A_48, %dma_start3A_61] : memref<1x1000000x64xf32, #tpu.memory_space<hbm>> -> memref<1x1x64xf32, #tpu.memory_space<hbm>>
      %dma_start3A_63 = tpu.memref_squeeze %dma_start3A_62 : memref<1x1x64xf32, #tpu.memory_space<hbm>> -> memref<64xf32, #tpu.memory_space<hbm>>
      tpu.enqueue_dma source(%dma_start3A_63 : memref<64xf32, #tpu.memory_space<hbm>>) target(%dma_start3A_60 : memref<64xf32, #tpu.memory_space<vmem>>) target_semaphore(%arg11 : memref<!tpu.dma_semaphore, #tpu.memory_space<semaphore_mem>>)
      %slice3A_64 = vector.extract_strided_slice %get3A_32 {offsets = [2], sizes = [1], strides = [1]} : vector<16xi32> to vector<1xi32>
      %squeeze3A_65 = vector.extract %slice3A_64[0] : i32 from vector<1xi32>
      %add3A_66 = arith.constant 2 : i32
      %add3A_67 = arith.addi %add3A_28, %add3A_66 : i32
      %dma_start3A_68 = arith.constant 0 : i32
      %dma_start3A_69 = arith.constant 0 : i32
      %dma_start3A_70 = tpu.memref_slice %arg7[%add3A_67, %dma_start3A_69] : memref<128x64xf32, #tpu.memory_space<vmem>> -> memref<1x64xf32, #tpu.memory_space<vmem>>
      %dma_start3A_71 = tpu.memref_squeeze %dma_start3A_70 : memref<1x64xf32, #tpu.memory_space<vmem>> -> memref<64xf32, #tpu.memory_space<vmem>>
      %dma_start3A_72 = arith.constant 0 : i32
      %dma_start3A_73 = tpu.memref_slice %arg2[%dma_start3A_68, %squeeze3A_65, %dma_start3A_72] : memref<1x1000000x64xf32, #tpu.memory_space<hbm>> -> memref<1x1x64xf32, #tpu.memory_space<hbm>>
      %dma_start3A_74 = tpu.memref_squeeze %dma_start3A_73 : memref<1x1x64xf32, #tpu.memory_space<hbm>> -> memref<64xf32, #tpu.memory_space<hbm>>
      %dma_start3A_75 = arith.constant 0 : i32
      %dma_start3A_76 = tpu.memref_slice %arg7[%add3A_67, %dma_start3A_75] : memref<128x64xf32, #tpu.memory_space<vmem>> -> memref<1x64xf32, #tpu.memory_space<vmem>>
      %dma_start3A_77 = tpu.memref_squeeze %dma_start3A_76 : memref<1x64xf32, #tpu.memory_space<vmem>> -> memref<64xf32, #tpu.memory_space<vmem>>
      %dma_start3A_78 = arith.constant 0 : i32
      %dma_start3A_79 = tpu.memref_slice %arg2[%dma_start3A_68, %squeeze3A_65, %dma_start3A_78] : memref<1x1000000x64xf32, #tpu.memory_space<hbm>> -> memref<1x1x64xf32, #tpu.memory_space<hbm>>
      %dma_start3A_80 = tpu.memref_squeeze %dma_start3A_79 : memref<1x1x64xf32, #tpu.memory_space<hbm>> -> memref<64xf32, #tpu.memory_space<hbm>>
      tpu.enqueue_dma source(%dma_start3A_80 : memref<64xf32, #tpu.memory_space<hbm>>) target(%dma_start3A_77 : memref<64xf32, #tpu.memory_space<vmem>>) target_semaphore(%arg11 : memref<!tpu.dma_semaphore, #tpu.memory_space<semaphore_mem>>)
      %slice3A_81 = vector.extract_strided_slice %get3A_32 {offsets = [3], sizes = [1], strides = [1]} : vector<16xi32> to vector<1xi32>
      %squeeze3A_82 = vector.extract %slice3A_81[0] : i32 from vector<1xi32>
      %add3A_83 = arith.constant 3 : i32
      %add3A_84 = arith.addi %add3A_28, %add3A_83 : i32
      %dma_start3A_85 = arith.constant 0 : i32
      %dma_start3A_86 = arith.constant 0 : i32
      %dma_start3A_87 = tpu.memref_slice %arg7[%add3A_84, %dma_start3A_86] : memref<128x64xf32, #tpu.memory_space<vmem>> -> memref<1x64xf32, #tpu.memory_space<vmem>>
      %dma_start3A_88 = tpu.memref_squeeze %dma_start3A_87 : memref<1x64xf32, #tpu.memory_space<vmem>> -> memref<64xf32, #tpu.memory_space<vmem>>
      %dma_start3A_89 = arith.constant 0 : i32
      %dma_start3A_90 = tpu.memref_slice %arg2[%dma_start3A_85, %squeeze3A_82, %dma_start3A_89] : memref<1x1000000x64xf32, #tpu.memory_space<hbm>> -> memref<1x1x64xf32, #tpu.memory_space<hbm>>
      %dma_start3A_91 = tpu.memref_squeeze %dma_start3A_90 : memref<1x1x64xf32, #tpu.memory_space<hbm>> -> memref<64xf32, #tpu.memory_space<hbm>>
      %dma_start3A_92 = arith.constant 0 : i32
      %dma_start3A_93 = tpu.memref_slice %arg7[%add3A_84, %dma_start3A_92] : memref<128x64xf32, #tpu.memory_space<vmem>> -> memref<1x64xf32, #tpu.memory_space<vmem>>
      %dma_start3A_94 = tpu.memref_squeeze %dma_start3A_93 : memref<1x64xf32, #tpu.memory_space<vmem>> -> memref<64xf32, #tpu.memory_space<vmem>>
      %dma_start3A_95 = arith.constant 0 : i32
      %dma_start3A_96 = tpu.memref_slice %arg2[%dma_start3A_85, %squeeze3A_82, %dma_start3A_95] : memref<1x1000000x64xf32, #tpu.memory_space<hbm>> -> memref<1x1x64xf32, #tpu.memory_space<hbm>>
      %dma_start3A_97 = tpu.memref_squeeze %dma_start3A_96 : memref<1x1x64xf32, #tpu.memory_space<hbm>> -> memref<64xf32, #tpu.memory_space<hbm>>
      tpu.enqueue_dma source(%dma_start3A_97 : memref<64xf32, #tpu.memory_space<hbm>>) target(%dma_start3A_94 : memref<64xf32, #tpu.memory_space<vmem>>) target_semaphore(%arg11 : memref<!tpu.dma_semaphore, #tpu.memory_space<semaphore_mem>>)
      %slice3A_98 = vector.extract_strided_slice %get3A_32 {offsets = [4], sizes = [1], strides = [1]} : vector<16xi32> to vector<1xi32>
      %squeeze3A_99 = vector.extract %slice3A_98[0] : i32 from vector<1xi32>
      %add3A_100 = arith.constant 4 : i32
      %add3A_101 = arith.addi %add3A_28, %add3A_100 : i32
      %dma_start3A_102 = arith.constant 0 : i32
      %dma_start3A_103 = arith.constant 0 : i32
      %dma_start3A_104 = tpu.memref_slice %arg7[%add3A_101, %dma_start3A_103] : memref<128x64xf32, #tpu.memory_space<vmem>> -> memref<1x64xf32, #tpu.memory_space<vmem>>
      %dma_start3A_105 = tpu.memref_squeeze %dma_start3A_104 : memref<1x64xf32, #tpu.memory_space<vmem>> -> memref<64xf32, #tpu.memory_space<vmem>>
      %dma_start3A_106 = arith.constant 0 : i32
      %dma_start3A_107 = tpu.memref_slice %arg2[%dma_start3A_102, %squeeze3A_99, %dma_start3A_106] : memref<1x1000000x64xf32, #tpu.memory_space<hbm>> -> memref<1x1x64xf32, #tpu.memory_space<hbm>>
      %dma_start3A_108 = tpu.memref_squeeze %dma_start3A_107 : memref<1x1x64xf32, #tpu.memory_space<hbm>> -> memref<64xf32, #tpu.memory_space<hbm>>
      %dma_start3A_109 = arith.constant 0 : i32
      %dma_start3A_110 = tpu.memref_slice %arg7[%add3A_101, %dma_start3A_109] : memref<128x64xf32, #tpu.memory_space<vmem>> -> memref<1x64xf32, #tpu.memory_space<vmem>>
      %dma_start3A_111 = tpu.memref_squeeze %dma_start3A_110 : memref<1x64xf32, #tpu.memory_space<vmem>> -> memref<64xf32, #tpu.memory_space<vmem>>
      %dma_start3A_112 = arith.constant 0 : i32
      %dma_start3A_113 = tpu.memref_slice %arg2[%dma_start3A_102, %squeeze3A_99, %dma_start3A_112] : memref<1x1000000x64xf32, #tpu.memory_space<hbm>> -> memref<1x1x64xf32, #tpu.memory_space<hbm>>
      %dma_start3A_114 = tpu.memref_squeeze %dma_start3A_113 : memref<1x1x64xf32, #tpu.memory_space<hbm>> -> memref<64xf32, #tpu.memory_space<hbm>>
      tpu.enqueue_dma source(%dma_start3A_114 : memref<64xf32, #tpu.memory_space<hbm>>) target(%dma_start3A_111 : memref<64xf32, #tpu.memory_space<vmem>>) target_semaphore(%arg11 : memref<!tpu.dma_semaphore, #tpu.memory_space<semaphore_mem>>)
      %slice3A_115 = vector.extract_strided_slice %get3A_32 {offsets = [5], sizes = [1], strides = [1]} : vector<16xi32> to vector<1xi32>
      %squeeze3A_116 = vector.extract %slice3A_115[0] : i32 from vector<1xi32>
      %add3A_117 = arith.constant 5 : i32
      %add3A_118 = arith.addi %add3A_28, %add3A_117 : i32
      %dma_start3A_119 = arith.constant 0 : i32
      %dma_start3A_120 = arith.constant 0 : i32
      %dma_start3A_121 = tpu.memref_slice %arg7[%add3A_118, %dma_start3A_120] : memref<128x64xf32, #tpu.memory_space<vmem>> -> memref<1x64xf32, #tpu.memory_space<vmem>>
      %dma_start3A_122 = tpu.memref_squeeze %dma_start3A_121 : memref<1x64xf32, #tpu.memory_space<vmem>> -> memref<64xf32, #tpu.memory_space<vmem>>
      %dma_start3A_123 = arith.constant 0 : i32
      %dma_start3A_124 = tpu.memref_slice %arg2[%dma_start3A_119, %squeeze3A_116, %dma_start3A_123] : memref<1x1000000x64xf32, #tpu.memory_space<hbm>> -> memref<1x1x64xf32, #tpu.memory_space<hbm>>
      %dma_start3A_125 = tpu.memref_squeeze %dma_start3A_124 : memref<1x1x64xf32, #tpu.memory_space<hbm>> -> memref<64xf32, #tpu.memory_space<hbm>>
      %dma_start3A_126 = arith.constant 0 : i32
      %dma_start3A_127 = tpu.memref_slice %arg7[%add3A_118, %dma_start3A_126] : memref<128x64xf32, #tpu.memory_space<vmem>> -> memref<1x64xf32, #tpu.memory_space<vmem>>
      %dma_start3A_128 = tpu.memref_squeeze %dma_start3A_127 : memref<1x64xf32, #tpu.memory_space<vmem>> -> memref<64xf32, #tpu.memory_space<vmem>>
      %dma_start3A_129 = arith.constant 0 : i32
      %dma_start3A_130 = tpu.memref_slice %arg2[%dma_start3A_119, %squeeze3A_116, %dma_start3A_129] : memref<1x1000000x64xf32, #tpu.memory_space<hbm>> -> memref<1x1x64xf32, #tpu.memory_space<hbm>>
      %dma_start3A_131 = tpu.memref_squeeze %dma_start3A_130 : memref<1x1x64xf32, #tpu.memory_space<hbm>> -> memref<64xf32, #tpu.memory_space<hbm>>
      tpu.enqueue_dma source(%dma_start3A_131 : memref<64xf32, #tpu.memory_space<hbm>>) target(%dma_start3A_128 : memref<64xf32, #tpu.memory_space<vmem>>) target_semaphore(%arg11 : memref<!tpu.dma_semaphore, #tpu.memory_space<semaphore_mem>>)
      %slice3A_132 = vector.extract_strided_slice %get3A_32 {offsets = [6], sizes = [1], strides = [1]} : vector<16xi32> to vector<1xi32>
      %squeeze3A_133 = vector.extract %slice3A_132[0] : i32 from vector<1xi32>
      %add3A_134 = arith.constant 6 : i32
      %add3A_135 = arith.addi %add3A_28, %add3A_134 : i32
      %dma_start3A_136 = arith.constant 0 : i32
      %dma_start3A_137 = arith.constant 0 : i32
      %dma_start3A_138 = tpu.memref_slice %arg7[%add3A_135, %dma_start3A_137] : memref<128x64xf32, #tpu.memory_space<vmem>> -> memref<1x64xf32, #tpu.memory_space<vmem>>
      %dma_start3A_139 = tpu.memref_squeeze %dma_start3A_138 : memref<1x64xf32, #tpu.memory_space<vmem>> -> memref<64xf32, #tpu.memory_space<vmem>>
      %dma_start3A_140 = arith.constant 0 : i32
      %dma_start3A_141 = tpu.memref_slice %arg2[%dma_start3A_136, %squeeze3A_133, %dma_start3A_140] : memref<1x1000000x64xf32, #tpu.memory_space<hbm>> -> memref<1x1x64xf32, #tpu.memory_space<hbm>>
      %dma_start3A_142 = tpu.memref_squeeze %dma_start3A_141 : memref<1x1x64xf32, #tpu.memory_space<hbm>> -> memref<64xf32, #tpu.memory_space<hbm>>
      %dma_start3A_143 = arith.constant 0 : i32
      %dma_start3A_144 = tpu.memref_slice %arg7[%add3A_135, %dma_start3A_143] : memref<128x64xf32, #tpu.memory_space<vmem>> -> memref<1x64xf32, #tpu.memory_space<vmem>>
      %dma_start3A_145 = tpu.memref_squeeze %dma_start3A_144 : memref<1x64xf32, #tpu.memory_space<vmem>> -> memref<64xf32, #tpu.memory_space<vmem>>
      %dma_start3A_146 = arith.constant 0 : i32
      %dma_start3A_147 = tpu.memref_slice %arg2[%dma_start3A_136, %squeeze3A_133, %dma_start3A_146] : memref<1x1000000x64xf32, #tpu.memory_space<hbm>> -> memref<1x1x64xf32, #tpu.memory_space<hbm>>
      %dma_start3A_148 = tpu.memref_squeeze %dma_start3A_147 : memref<1x1x64xf32, #tpu.memory_space<hbm>> -> memref<64xf32, #tpu.memory_space<hbm>>
      tpu.enqueue_dma source(%dma_start3A_148 : memref<64xf32, #tpu.memory_space<hbm>>) target(%dma_start3A_145 : memref<64xf32, #tpu.memory_space<vmem>>) target_semaphore(%arg11 : memref<!tpu.dma_semaphore, #tpu.memory_space<semaphore_mem>>)
      %slice3A_149 = vector.extract_strided_slice %get3A_32 {offsets = [7], sizes = [1], strides = [1]} : vector<16xi32> to vector<1xi32>
      %squeeze3A_150 = vector.extract %slice3A_149[0] : i32 from vector<1xi32>
      %add3A_151 = arith.constant 7 : i32
      %add3A_152 = arith.addi %add3A_28, %add3A_151 : i32
      %dma_start3A_153 = arith.constant 0 : i32
      %dma_start3A_154 = arith.constant 0 : i32
      %dma_start3A_155 = tpu.memref_slice %arg7[%add3A_152, %dma_start3A_154] : memref<128x64xf32, #tpu.memory_space<vmem>> -> memref<1x64xf32, #tpu.memory_space<vmem>>
      %dma_start3A_156 = tpu.memref_squeeze %dma_start3A_155 : memref<1x64xf32, #tpu.memory_space<vmem>> -> memref<64xf32, #tpu.memory_space<vmem>>
      %dma_start3A_157 = arith.constant 0 : i32
      %dma_start3A_158 = tpu.memref_slice %arg2[%dma_start3A_153, %squeeze3A_150, %dma_start3A_157] : memref<1x1000000x64xf32, #tpu.memory_space<hbm>> -> memref<1x1x64xf32, #tpu.memory_space<hbm>>
      %dma_start3A_159 = tpu.memref_squeeze %dma_start3A_158 : memref<1x1x64xf32, #tpu.memory_space<hbm>> -> memref<64xf32, #tpu.memory_space<hbm>>
      %dma_start3A_160 = arith.constant 0 : i32
      %dma_start3A_161 = tpu.memref_slice %arg7[%add3A_152, %dma_start3A_160] : memref<128x64xf32, #tpu.memory_space<vmem>> -> memref<1x64xf32, #tpu.memory_space<vmem>>
      %dma_start3A_162 = tpu.memref_squeeze %dma_start3A_161 : memref<1x64xf32, #tpu.memory_space<vmem>> -> memref<64xf32, #tpu.memory_space<vmem>>
      %dma_start3A_163 = arith.constant 0 : i32
      %dma_start3A_164 = tpu.memref_slice %arg2[%dma_start3A_153, %squeeze3A_150, %dma_start3A_163] : memref<1x1000000x64xf32, #tpu.memory_space<hbm>> -> memref<1x1x64xf32, #tpu.memory_space<hbm>>
      %dma_start3A_165 = tpu.memref_squeeze %dma_start3A_164 : memref<1x1x64xf32, #tpu.memory_space<hbm>> -> memref<64xf32, #tpu.memory_space<hbm>>
      tpu.enqueue_dma source(%dma_start3A_165 : memref<64xf32, #tpu.memory_space<hbm>>) target(%dma_start3A_162 : memref<64xf32, #tpu.memory_space<vmem>>) target_semaphore(%arg11 : memref<!tpu.dma_semaphore, #tpu.memory_space<semaphore_mem>>)
      %slice3A_166 = vector.extract_strided_slice %get3A_32 {offsets = [8], sizes = [1], strides = [1]} : vector<16xi32> to vector<1xi32>
      %squeeze3A_167 = vector.extract %slice3A_166[0] : i32 from vector<1xi32>
      %add3A_168 = arith.constant 8 : i32
      %add3A_169 = arith.addi %add3A_28, %add3A_168 : i32
      %dma_start3A_170 = arith.constant 0 : i32
      %dma_start3A_171 = arith.constant 0 : i32
      %dma_start3A_172 = tpu.memref_slice %arg7[%add3A_169, %dma_start3A_171] : memref<128x64xf32, #tpu.memory_space<vmem>> -> memref<1x64xf32, #tpu.memory_space<vmem>>
      %dma_start3A_173 = tpu.memref_squeeze %dma_start3A_172 : memref<1x64xf32, #tpu.memory_space<vmem>> -> memref<64xf32, #tpu.memory_space<vmem>>
      %dma_start3A_174 = arith.constant 0 : i32
      %dma_start3A_175 = tpu.memref_slice %arg2[%dma_start3A_170, %squeeze3A_167, %dma_start3A_174] : memref<1x1000000x64xf32, #tpu.memory_space<hbm>> -> memref<1x1x64xf32, #tpu.memory_space<hbm>>
      %dma_start3A_176 = tpu.memref_squeeze %dma_start3A_175 : memref<1x1x64xf32, #tpu.memory_space<hbm>> -> memref<64xf32, #tpu.memory_space<hbm>>
      %dma_start3A_177 = arith.constant 0 : i32
      %dma_start3A_178 = tpu.memref_slice %arg7[%add3A_169, %dma_start3A_177] : memref<128x64xf32, #tpu.memory_space<vmem>> -> memref<1x64xf32, #tpu.memory_space<vmem>>
      %dma_start3A_179 = tpu.memref_squeeze %dma_start3A_178 : memref<1x64xf32, #tpu.memory_space<vmem>> -> memref<64xf32, #tpu.memory_space<vmem>>
      %dma_start3A_180 = arith.constant 0 : i32
      %dma_start3A_181 = tpu.memref_slice %arg2[%dma_start3A_170, %squeeze3A_167, %dma_start3A_180] : memref<1x1000000x64xf32, #tpu.memory_space<hbm>> -> memref<1x1x64xf32, #tpu.memory_space<hbm>>
      %dma_start3A_182 = tpu.memref_squeeze %dma_start3A_181 : memref<1x1x64xf32, #tpu.memory_space<hbm>> -> memref<64xf32, #tpu.memory_space<hbm>>
      tpu.enqueue_dma source(%dma_start3A_182 : memref<64xf32, #tpu.memory_space<hbm>>) target(%dma_start3A_179 : memref<64xf32, #tpu.memory_space<vmem>>) target_semaphore(%arg11 : memref<!tpu.dma_semaphore, #tpu.memory_space<semaphore_mem>>)
      %slice3A_183 = vector.extract_strided_slice %get3A_32 {offsets = [9], sizes = [1], strides = [1]} : vector<16xi32> to vector<1xi32>
      %squeeze3A_184 = vector.extract %slice3A_183[0] : i32 from vector<1xi32>
      %add3A_185 = arith.constant 9 : i32
      %add3A_186 = arith.addi %add3A_28, %add3A_185 : i32
      %dma_start3A_187 = arith.constant 0 : i32
      %dma_start3A_188 = arith.constant 0 : i32
      %dma_start3A_189 = tpu.memref_slice %arg7[%add3A_186, %dma_start3A_188] : memref<128x64xf32, #tpu.memory_space<vmem>> -> memref<1x64xf32, #tpu.memory_space<vmem>>
      %dma_start3A_190 = tpu.memref_squeeze %dma_start3A_189 : memref<1x64xf32, #tpu.memory_space<vmem>> -> memref<64xf32, #tpu.memory_space<vmem>>
      %dma_start3A_191 = arith.constant 0 : i32
      %dma_start3A_192 = tpu.memref_slice %arg2[%dma_start3A_187, %squeeze3A_184, %dma_start3A_191] : memref<1x1000000x64xf32, #tpu.memory_space<hbm>> -> memref<1x1x64xf32, #tpu.memory_space<hbm>>
      %dma_start3A_193 = tpu.memref_squeeze %dma_start3A_192 : memref<1x1x64xf32, #tpu.memory_space<hbm>> -> memref<64xf32, #tpu.memory_space<hbm>>
      %dma_start3A_194 = arith.constant 0 : i32
      %dma_start3A_195 = tpu.memref_slice %arg7[%add3A_186, %dma_start3A_194] : memref<128x64xf32, #tpu.memory_space<vmem>> -> memref<1x64xf32, #tpu.memory_space<vmem>>
      %dma_start3A_196 = tpu.memref_squeeze %dma_start3A_195 : memref<1x64xf32, #tpu.memory_space<vmem>> -> memref<64xf32, #tpu.memory_space<vmem>>
      %dma_start3A_197 = arith.constant 0 : i32
      %dma_start3A_198 = tpu.memref_slice %arg2[%dma_start3A_187, %squeeze3A_184, %dma_start3A_197] : memref<1x1000000x64xf32, #tpu.memory_space<hbm>> -> memref<1x1x64xf32, #tpu.memory_space<hbm>>
      %dma_start3A_199 = tpu.memref_squeeze %dma_start3A_198 : memref<1x1x64xf32, #tpu.memory_space<hbm>> -> memref<64xf32, #tpu.memory_space<hbm>>
      tpu.enqueue_dma source(%dma_start3A_199 : memref<64xf32, #tpu.memory_space<hbm>>) target(%dma_start3A_196 : memref<64xf32, #tpu.memory_space<vmem>>) target_semaphore(%arg11 : memref<!tpu.dma_semaphore, #tpu.memory_space<semaphore_mem>>)
      %slice3A_200 = vector.extract_strided_slice %get3A_32 {offsets = [10], sizes = [1], strides = [1]} : vector<16xi32> to vector<1xi32>
      %squeeze3A_201 = vector.extract %slice3A_200[0] : i32 from vector<1xi32>
      %add3A_202 = arith.constant 10 : i32
      %add3A_203 = arith.addi %add3A_28, %add3A_202 : i32
      %dma_start3A_204 = arith.constant 0 : i32
      %dma_start3A_205 = arith.constant 0 : i32
      %dma_start3A_206 = tpu.memref_slice %arg7[%add3A_203, %dma_start3A_205] : memref<128x64xf32, #tpu.memory_space<vmem>> -> memref<1x64xf32, #tpu.memory_space<vmem>>
      %dma_start3A_207 = tpu.memref_squeeze %dma_start3A_206 : memref<1x64xf32, #tpu.memory_space<vmem>> -> memref<64xf32, #tpu.memory_space<vmem>>
      %dma_start3A_208 = arith.constant 0 : i32
      %dma_start3A_209 = tpu.memref_slice %arg2[%dma_start3A_204, %squeeze3A_201, %dma_start3A_208] : memref<1x1000000x64xf32, #tpu.memory_space<hbm>> -> memref<1x1x64xf32, #tpu.memory_space<hbm>>
      %dma_start3A_210 = tpu.memref_squeeze %dma_start3A_209 : memref<1x1x64xf32, #tpu.memory_space<hbm>> -> memref<64xf32, #tpu.memory_space<hbm>>
      %dma_start3A_211 = arith.constant 0 : i32
      %dma_start3A_212 = tpu.memref_slice %arg7[%add3A_203, %dma_start3A_211] : memref<128x64xf32, #tpu.memory_space<vmem>> -> memref<1x64xf32, #tpu.memory_space<vmem>>
      %dma_start3A_213 = tpu.memref_squeeze %dma_start3A_212 : memref<1x64xf32, #tpu.memory_space<vmem>> -> memref<64xf32, #tpu.memory_space<vmem>>
      %dma_start3A_214 = arith.constant 0 : i32
      %dma_start3A_215 = tpu.memref_slice %arg2[%dma_start3A_204, %squeeze3A_201, %dma_start3A_214] : memref<1x1000000x64xf32, #tpu.memory_space<hbm>> -> memref<1x1x64xf32, #tpu.memory_space<hbm>>
      %dma_start3A_216 = tpu.memref_squeeze %dma_start3A_215 : memref<1x1x64xf32, #tpu.memory_space<hbm>> -> memref<64xf32, #tpu.memory_space<hbm>>
      tpu.enqueue_dma source(%dma_start3A_216 : memref<64xf32, #tpu.memory_space<hbm>>) target(%dma_start3A_213 : memref<64xf32, #tpu.memory_space<vmem>>) target_semaphore(%arg11 : memref<!tpu.dma_semaphore, #tpu.memory_space<semaphore_mem>>)
      %slice3A_217 = vector.extract_strided_slice %get3A_32 {offsets = [11], sizes = [1], strides = [1]} : vector<16xi32> to vector<1xi32>
      %squeeze3A_218 = vector.extract %slice3A_217[0] : i32 from vector<1xi32>
      %add3A_219 = arith.constant 11 : i32
      %add3A_220 = arith.addi %add3A_28, %add3A_219 : i32
      %dma_start3A_221 = arith.constant 0 : i32
      %dma_start3A_222 = arith.constant 0 : i32
      %dma_start3A_223 = tpu.memref_slice %arg7[%add3A_220, %dma_start3A_222] : memref<128x64xf32, #tpu.memory_space<vmem>> -> memref<1x64xf32, #tpu.memory_space<vmem>>
      %dma_start3A_224 = tpu.memref_squeeze %dma_start3A_223 : memref<1x64xf32, #tpu.memory_space<vmem>> -> memref<64xf32, #tpu.memory_space<vmem>>
      %dma_start3A_225 = arith.constant 0 : i32
      %dma_start3A_226 = tpu.memref_slice %arg2[%dma_start3A_221, %squeeze3A_218, %dma_start3A_225] : memref<1x1000000x64xf32, #tpu.memory_space<hbm>> -> memref<1x1x64xf32, #tpu.memory_space<hbm>>
      %dma_start3A_227 = tpu.memref_squeeze %dma_start3A_226 : memref<1x1x64xf32, #tpu.memory_space<hbm>> -> memref<64xf32, #tpu.memory_space<hbm>>
      %dma_start3A_228 = arith.constant 0 : i32
      %dma_start3A_229 = tpu.memref_slice %arg7[%add3A_220, %dma_start3A_228] : memref<128x64xf32, #tpu.memory_space<vmem>> -> memref<1x64xf32, #tpu.memory_space<vmem>>
      %dma_start3A_230 = tpu.memref_squeeze %dma_start3A_229 : memref<1x64xf32, #tpu.memory_space<vmem>> -> memref<64xf32, #tpu.memory_space<vmem>>
      %dma_start3A_231 = arith.constant 0 : i32
      %dma_start3A_232 = tpu.memref_slice %arg2[%dma_start3A_221, %squeeze3A_218, %dma_start3A_231] : memref<1x1000000x64xf32, #tpu.memory_space<hbm>> -> memref<1x1x64xf32, #tpu.memory_space<hbm>>
      %dma_start3A_233 = tpu.memref_squeeze %dma_start3A_232 : memref<1x1x64xf32, #tpu.memory_space<hbm>> -> memref<64xf32, #tpu.memory_space<hbm>>
      tpu.enqueue_dma source(%dma_start3A_233 : memref<64xf32, #tpu.memory_space<hbm>>) target(%dma_start3A_230 : memref<64xf32, #tpu.memory_space<vmem>>) target_semaphore(%arg11 : memref<!tpu.dma_semaphore, #tpu.memory_space<semaphore_mem>>)
      %slice3A_234 = vector.extract_strided_slice %get3A_32 {offsets = [12], sizes = [1], strides = [1]} : vector<16xi32> to vector<1xi32>
      %squeeze3A_235 = vector.extract %slice3A_234[0] : i32 from vector<1xi32>
      %add3A_236 = arith.constant 12 : i32
      %add3A_237 = arith.addi %add3A_28, %add3A_236 : i32
      %dma_start3A_238 = arith.constant 0 : i32
      %dma_start3A_239 = arith.constant 0 : i32
      %dma_start3A_240 = tpu.memref_slice %arg7[%add3A_237, %dma_start3A_239] : memref<128x64xf32, #tpu.memory_space<vmem>> -> memref<1x64xf32, #tpu.memory_space<vmem>>
      %dma_start3A_241 = tpu.memref_squeeze %dma_start3A_240 : memref<1x64xf32, #tpu.memory_space<vmem>> -> memref<64xf32, #tpu.memory_space<vmem>>
      %dma_start3A_242 = arith.constant 0 : i32
      %dma_start3A_243 = tpu.memref_slice %arg2[%dma_start3A_238, %squeeze3A_235, %dma_start3A_242] : memref<1x1000000x64xf32, #tpu.memory_space<hbm>> -> memref<1x1x64xf32, #tpu.memory_space<hbm>>
      %dma_start3A_244 = tpu.memref_squeeze %dma_start3A_243 : memref<1x1x64xf32, #tpu.memory_space<hbm>> -> memref<64xf32, #tpu.memory_space<hbm>>
      %dma_start3A_245 = arith.constant 0 : i32
      %dma_start3A_246 = tpu.memref_slice %arg7[%add3A_237, %dma_start3A_245] : memref<128x64xf32, #tpu.memory_space<vmem>> -> memref<1x64xf32, #tpu.memory_space<vmem>>
      %dma_start3A_247 = tpu.memref_squeeze %dma_start3A_246 : memref<1x64xf32, #tpu.memory_space<vmem>> -> memref<64xf32, #tpu.memory_space<vmem>>
      %dma_start3A_248 = arith.constant 0 : i32
      %dma_start3A_249 = tpu.memref_slice %arg2[%dma_start3A_238, %squeeze3A_235, %dma_start3A_248] : memref<1x1000000x64xf32, #tpu.memory_space<hbm>> -> memref<1x1x64xf32, #tpu.memory_space<hbm>>
      %dma_start3A_250 = tpu.memref_squeeze %dma_start3A_249 : memref<1x1x64xf32, #tpu.memory_space<hbm>> -> memref<64xf32, #tpu.memory_space<hbm>>
      tpu.enqueue_dma source(%dma_start3A_250 : memref<64xf32, #tpu.memory_space<hbm>>) target(%dma_start3A_247 : memref<64xf32, #tpu.memory_space<vmem>>) target_semaphore(%arg11 : memref<!tpu.dma_semaphore, #tpu.memory_space<semaphore_mem>>)
      %slice3A_251 = vector.extract_strided_slice %get3A_32 {offsets = [13], sizes = [1], strides = [1]} : vector<16xi32> to vector<1xi32>
      %squeeze3A_252 = vector.extract %slice3A_251[0] : i32 from vector<1xi32>
      %add3A_253 = arith.constant 13 : i32
      %add3A_254 = arith.addi %add3A_28, %add3A_253 : i32
      %dma_start3A_255 = arith.constant 0 : i32
      %dma_start3A_256 = arith.constant 0 : i32
      %dma_start3A_257 = tpu.memref_slice %arg7[%add3A_254, %dma_start3A_256] : memref<128x64xf32, #tpu.memory_space<vmem>> -> memref<1x64xf32, #tpu.memory_space<vmem>>
      %dma_start3A_258 = tpu.memref_squeeze %dma_start3A_257 : memref<1x64xf32, #tpu.memory_space<vmem>> -> memref<64xf32, #tpu.memory_space<vmem>>
      %dma_start3A_259 = arith.constant 0 : i32
      %dma_start3A_260 = tpu.memref_slice %arg2[%dma_start3A_255, %squeeze3A_252, %dma_start3A_259] : memref<1x1000000x64xf32, #tpu.memory_space<hbm>> -> memref<1x1x64xf32, #tpu.memory_space<hbm>>
      %dma_start3A_261 = tpu.memref_squeeze %dma_start3A_260 : memref<1x1x64xf32, #tpu.memory_space<hbm>> -> memref<64xf32, #tpu.memory_space<hbm>>
      %dma_start3A_262 = arith.constant 0 : i32
      %dma_start3A_263 = tpu.memref_slice %arg7[%add3A_254, %dma_start3A_262] : memref<128x64xf32, #tpu.memory_space<vmem>> -> memref<1x64xf32, #tpu.memory_space<vmem>>
      %dma_start3A_264 = tpu.memref_squeeze %dma_start3A_263 : memref<1x64xf32, #tpu.memory_space<vmem>> -> memref<64xf32, #tpu.memory_space<vmem>>
      %dma_start3A_265 = arith.constant 0 : i32
      %dma_start3A_266 = tpu.memref_slice %arg2[%dma_start3A_255, %squeeze3A_252, %dma_start3A_265] : memref<1x1000000x64xf32, #tpu.memory_space<hbm>> -> memref<1x1x64xf32, #tpu.memory_space<hbm>>
      %dma_start3A_267 = tpu.memref_squeeze %dma_start3A_266 : memref<1x1x64xf32, #tpu.memory_space<hbm>> -> memref<64xf32, #tpu.memory_space<hbm>>
      tpu.enqueue_dma source(%dma_start3A_267 : memref<64xf32, #tpu.memory_space<hbm>>) target(%dma_start3A_264 : memref<64xf32, #tpu.memory_space<vmem>>) target_semaphore(%arg11 : memref<!tpu.dma_semaphore, #tpu.memory_space<semaphore_mem>>)
      %slice3A_268 = vector.extract_strided_slice %get3A_32 {offsets = [14], sizes = [1], strides = [1]} : vector<16xi32> to vector<1xi32>
      %squeeze3A_269 = vector.extract %slice3A_268[0] : i32 from vector<1xi32>
      %add3A_270 = arith.constant 14 : i32
      %add3A_271 = arith.addi %add3A_28, %add3A_270 : i32
      %dma_start3A_272 = arith.constant 0 : i32
      %dma_start3A_273 = arith.constant 0 : i32
      %dma_start3A_274 = tpu.memref_slice %arg7[%add3A_271, %dma_start3A_273] : memref<128x64xf32, #tpu.memory_space<vmem>> -> memref<1x64xf32, #tpu.memory_space<vmem>>
      %dma_start3A_275 = tpu.memref_squeeze %dma_start3A_274 : memref<1x64xf32, #tpu.memory_space<vmem>> -> memref<64xf32, #tpu.memory_space<vmem>>
      %dma_start3A_276 = arith.constant 0 : i32
      %dma_start3A_277 = tpu.memref_slice %arg2[%dma_start3A_272, %squeeze3A_269, %dma_start3A_276] : memref<1x1000000x64xf32, #tpu.memory_space<hbm>> -> memref<1x1x64xf32, #tpu.memory_space<hbm>>
      %dma_start3A_278 = tpu.memref_squeeze %dma_start3A_277 : memref<1x1x64xf32, #tpu.memory_space<hbm>> -> memref<64xf32, #tpu.memory_space<hbm>>
      %dma_start3A_279 = arith.constant 0 : i32
      %dma_start3A_280 = tpu.memref_slice %arg7[%add3A_271, %dma_start3A_279] : memref<128x64xf32, #tpu.memory_space<vmem>> -> memref<1x64xf32, #tpu.memory_space<vmem>>
      %dma_start3A_281 = tpu.memref_squeeze %dma_start3A_280 : memref<1x64xf32, #tpu.memory_space<vmem>> -> memref<64xf32, #tpu.memory_space<vmem>>
      %dma_start3A_282 = arith.constant 0 : i32
      %dma_start3A_283 = tpu.memref_slice %arg2[%dma_start3A_272, %squeeze3A_269, %dma_start3A_282] : memref<1x1000000x64xf32, #tpu.memory_space<hbm>> -> memref<1x1x64xf32, #tpu.memory_space<hbm>>
      %dma_start3A_284 = tpu.memref_squeeze %dma_start3A_283 : memref<1x1x64xf32, #tpu.memory_space<hbm>> -> memref<64xf32, #tpu.memory_space<hbm>>
      tpu.enqueue_dma source(%dma_start3A_284 : memref<64xf32, #tpu.memory_space<hbm>>) target(%dma_start3A_281 : memref<64xf32, #tpu.memory_space<vmem>>) target_semaphore(%arg11 : memref<!tpu.dma_semaphore, #tpu.memory_space<semaphore_mem>>)
      %slice3A_285 = vector.extract_strided_slice %get3A_32 {offsets = [15], sizes = [1], strides = [1]} : vector<16xi32> to vector<1xi32>
      %squeeze3A_286 = vector.extract %slice3A_285[0] : i32 from vector<1xi32>
      %add3A_287 = arith.constant 15 : i32
      %add3A_288 = arith.addi %add3A_28, %add3A_287 : i32
      %dma_start3A_289 = arith.constant 0 : i32
      %dma_start3A_290 = arith.constant 0 : i32
      %dma_start3A_291 = tpu.memref_slice %arg7[%add3A_288, %dma_start3A_290] : memref<128x64xf32, #tpu.memory_space<vmem>> -> memref<1x64xf32, #tpu.memory_space<vmem>>
      %dma_start3A_292 = tpu.memref_squeeze %dma_start3A_291 : memref<1x64xf32, #tpu.memory_space<vmem>> -> memref<64xf32, #tpu.memory_space<vmem>>
      %dma_start3A_293 = arith.constant 0 : i32
      %dma_start3A_294 = tpu.memref_slice %arg2[%dma_start3A_289, %squeeze3A_286, %dma_start3A_293] : memref<1x1000000x64xf32, #tpu.memory_space<hbm>> -> memref<1x1x64xf32, #tpu.memory_space<hbm>>
      %dma_start3A_295 = tpu.memref_squeeze %dma_start3A_294 : memref<1x1x64xf32, #tpu.memory_space<hbm>> -> memref<64xf32, #tpu.memory_space<hbm>>
      %dma_start3A_296 = arith.constant 0 : i32
      %dma_start3A_297 = tpu.memref_slice %arg7[%add3A_288, %dma_start3A_296] : memref<128x64xf32, #tpu.memory_space<vmem>> -> memref<1x64xf32, #tpu.memory_space<vmem>>
      %dma_start3A_298 = tpu.memref_squeeze %dma_start3A_297 : memref<1x64xf32, #tpu.memory_space<vmem>> -> memref<64xf32, #tpu.memory_space<vmem>>
      %dma_start3A_299 = arith.constant 0 : i32
      %dma_start3A_300 = tpu.memref_slice %arg2[%dma_start3A_289, %squeeze3A_286, %dma_start3A_299] : memref<1x1000000x64xf32, #tpu.memory_space<hbm>> -> memref<1x1x64xf32, #tpu.memory_space<hbm>>
      %dma_start3A_301 = tpu.memref_squeeze %dma_start3A_300 : memref<1x1x64xf32, #tpu.memory_space<hbm>> -> memref<64xf32, #tpu.memory_space<hbm>>
      tpu.enqueue_dma source(%dma_start3A_301 : memref<64xf32, #tpu.memory_space<hbm>>) target(%dma_start3A_298 : memref<64xf32, #tpu.memory_space<vmem>>) target_semaphore(%arg11 : memref<!tpu.dma_semaphore, #tpu.memory_space<semaphore_mem>>)
    }
    %scan3A_11 = arith.constant 8 : i32
    %scan3A_12 = arith.constant 0 : i32
    %scan3A_13 = arith.constant 100 : i32
    %scan3A_14 = arith.addi %scan3A_12, %scan3A_13 : i32
    %scan3A_15 = arith.constant 1 : i32
    scf.for %scan3A_24 = %scan3A_12 to %scan3A_14 step %scan3A_15  : i32 {
      %mul3A_25 = arith.constant 2 : i32
      %mul3A_26 = arith.muli %scan3A_24, %mul3A_25 : i32
      %add3A_27 = arith.constant 0 : i32
      %add3A_28 = arith.addi %add3A_27, %mul3A_26 : i32
      %add3A_29 = arith.constant 0 : i32
      %add3A_30 = arith.addi %add3A_28, %add3A_29 : i32
      %scan3A_31 = arith.constant 0 : i32
      %scan3A_32 = arith.constant 128 : i32
      %scan3A_33 = arith.addi %scan3A_31, %scan3A_32 : i32
      %scan3A_34 = arith.constant 1 : i32
      scf.for %scan3A_86 = %scan3A_31 to %scan3A_33 step %scan3A_34  : i32 {
        %mul3A_87 = arith.constant 1 : i32
        %mul3A_88 = arith.muli %scan3A_86, %mul3A_87 : i32
        %add3A_89 = arith.constant 0 : i32
        %add3A_90 = arith.addi %add3A_89, %mul3A_88 : i32
        %dma_wait3A_91 = arith.constant 0 : i32
        %dma_wait3A_92 = arith.constant 0 : i32
        %dma_wait3A_93 = arith.constant 0 : i32
        %dma_wait3A_94 = arith.constant 0 : i32
        %dma_wait3A_95 = tpu.memref_slice %arg6[%dma_wait3A_93, %dma_wait3A_94] : memref<128x64xf32, #tpu.memory_space<vmem>> -> memref<1x64xf32, #tpu.memory_space<vmem>>
        %dma_wait3A_96 = tpu.memref_squeeze %dma_wait3A_95 : memref<1x64xf32, #tpu.memory_space<vmem>> -> memref<64xf32, #tpu.memory_space<vmem>>
        %dma_wait3A_97 = arith.constant 0 : i32
        %dma_wait3A_98 = tpu.memref_slice %arg2[%dma_wait3A_91, %dma_wait3A_92, %dma_wait3A_97] : memref<1x1000000x64xf32, #tpu.memory_space<hbm>> -> memref<1x1x64xf32, #tpu.memory_space<hbm>>
        %dma_wait3A_99 = tpu.memref_squeeze %dma_wait3A_98 : memref<1x1x64xf32, #tpu.memory_space<hbm>> -> memref<64xf32, #tpu.memory_space<hbm>>
        %dma_wait3A_100 = arith.constant 0 : i32
        %dma_wait3A_101 = tpu.memref_slice %arg6[%dma_wait3A_93, %dma_wait3A_100] : memref<128x64xf32, #tpu.memory_space<vmem>> -> memref<1x64xf32, #tpu.memory_space<vmem>>
        %dma_wait3A_102 = tpu.memref_squeeze %dma_wait3A_101 : memref<1x64xf32, #tpu.memory_space<vmem>> -> memref<64xf32, #tpu.memory_space<vmem>>
        %dma_wait3A_103 = arith.constant 0 : i32
        %dma_wait3A_104 = tpu.memref_slice %arg2[%dma_wait3A_91, %dma_wait3A_92, %dma_wait3A_103] : memref<1x1000000x64xf32, #tpu.memory_space<hbm>> -> memref<1x1x64xf32, #tpu.memory_space<hbm>>
        %dma_wait3A_105 = tpu.memref_squeeze %dma_wait3A_104 : memref<1x1x64xf32, #tpu.memory_space<hbm>> -> memref<64xf32, #tpu.memory_space<hbm>>
        tpu.wait_dma2 semaphore(%arg10 : memref<!tpu.dma_semaphore, #tpu.memory_space<semaphore_mem>>) src(%dma_wait3A_105 : memref<64xf32, #tpu.memory_space<hbm>>) dst(%dma_wait3A_102 : memref<64xf32, #tpu.memory_space<vmem>>)
      }
      %scan3A_35 = arith.constant 128 : i32
      %ge3A = arith.constant 2 : i32
      %ge3A_36 = arith.cmpi sge, %add3A_30, %ge3A : i32
      %convert_element_type3A = arith.extui %ge3A_36 : i1 to i32
      %cond3A = arith.constant 0 : i32
      %cond3A_37 = arith.cmpi ne, %convert_element_type3A, %cond3A : i32
      scf.if %cond3A_37 {
        %dma_wait3A_86 = arith.constant 0 : i32
        %dma_wait3A_87 = tpu.memref_slice %arg4[%mul3A_2, %dma_wait3A_86] : memref<819200x64xf32, #tpu.memory_space<hbm>> -> memref<128x64xf32, #tpu.memory_space<hbm>>
        %dma_wait3A_88 = arith.constant 0 : i32
        %dma_wait3A_89 = tpu.memref_slice %arg4[%mul3A_2, %dma_wait3A_88] : memref<819200x64xf32, #tpu.memory_space<hbm>> -> memref<128x64xf32, #tpu.memory_space<hbm>>
        tpu.wait_dma2 semaphore(%arg12 : memref<!tpu.dma_semaphore, #tpu.memory_space<semaphore_mem>>) src(%arg8 : memref<128x64xf32, #tpu.memory_space<vmem>>) dst(%dma_wait3A_89 : memref<128x64xf32, #tpu.memory_space<hbm>>)
      } else {
      }
      %scan3A_38 = arith.constant 0 : i32
      %scan3A_39 = arith.constant 16 : i32
      %scan3A_40 = arith.addi %scan3A_38, %scan3A_39 : i32
      %scan3A_41 = arith.constant 1 : i32
      scf.for %scan3A_86 = %scan3A_38 to %scan3A_40 step %scan3A_41  : i32 {
        %mul3A_87 = arith.constant 8 : i32
        %mul3A_88 = arith.muli %scan3A_86, %mul3A_87 : i32
        %add3A_89 = arith.constant 0 : i32
        %add3A_90 = arith.addi %add3A_89, %mul3A_88 : i32
        %add3A_91 = arith.constant 0 : i32
        %add3A_92 = arith.addi %add3A_90, %add3A_91 : i32
        %get3A = arith.index_cast %add3A_92 : i32 to index
        %get3A_93 = arith.constant 0 : index
        %get3A_94 = tpu.vector_load %arg6[%get3A, %get3A_93] {strides = array<i32>} : memref<128x64xf32, #tpu.memory_space<vmem>>, vector<1x16xf32>,
        %get3A_95 = vector.shape_cast %get3A_94 : vector<1x16xf32> to vector<1x16xf32>
        %max3A = arith.constant 0.000000e+00 : f32
        %max3A_96 = vector.broadcast %max3A : f32 to vector<1x16xf32>
        %max3A_97 = arith.maximumf %get3A_95, %max3A_96 : vector<1x16xf32>
        %swap3A = arith.index_cast %add3A_92 : i32 to index
        %swap3A_98 = arith.constant 0 : index
        %swap3A_99 = tpu.vector_load %arg8[%swap3A, %swap3A_98] {strides = array<i32>} : memref<128x64xf32, #tpu.memory_space<vmem>>, vector<1x16xf32>,
        %swap3A_100 = vector.shape_cast %swap3A_99 : vector<1x16xf32> to vector<1x16xf32>
        %swap3A_101 = vector.shape_cast %max3A_97 : vector<1x16xf32> to vector<1x16xf32>
        tpu.vector_store %arg8[%swap3A, %swap3A_98], %swap3A_101 {strides = array<i32>} : memref<128x64xf32, #tpu.memory_space<vmem>>, vector<1x16xf32>,
        %add3A_102 = arith.constant 0 : i32
        %add3A_103 = arith.addi %add3A_90, %add3A_102 : i32
        %get3A_104 = arith.index_cast %add3A_103 : i32 to index
        %get3A_105 = arith.constant 16 : index
        %get3A_106 = tpu.vector_load %arg6[%get3A_104, %get3A_105] {strides = array<i32>} : memref<128x64xf32, #tpu.memory_space<vmem>>, vector<1x16xf32>,
        %get3A_107 = vector.shape_cast %get3A_106 : vector<1x16xf32> to vector<1x16xf32>
        %max3A_108 = arith.constant 0.000000e+00 : f32
        %max3A_109 = vector.broadcast %max3A_108 : f32 to vector<1x16xf32>
        %max3A_110 = arith.maximumf %get3A_107, %max3A_109 : vector<1x16xf32>
        %swap3A_111 = arith.index_cast %add3A_103 : i32 to index
        %swap3A_112 = arith.constant 16 : index
        %swap3A_113 = tpu.vector_load %arg8[%swap3A_111, %swap3A_112] {strides = array<i32>} : memref<128x64xf32, #tpu.memory_space<vmem>>, vector<1x16xf32>,
        %swap3A_114 = vector.shape_cast %swap3A_113 : vector<1x16xf32> to vector<1x16xf32>
        %swap3A_115 = vector.shape_cast %max3A_110 : vector<1x16xf32> to vector<1x16xf32>
        tpu.vector_store %arg8[%swap3A_111, %swap3A_112], %swap3A_115 {strides = array<i32>} : memref<128x64xf32, #tpu.memory_space<vmem>>, vector<1x16xf32>,
        %add3A_116 = arith.constant 0 : i32
        %add3A_117 = arith.addi %add3A_90, %add3A_116 : i32
        %get3A_118 = arith.index_cast %add3A_117 : i32 to index
        %get3A_119 = arith.constant 32 : index
        %get3A_120 = tpu.vector_load %arg6[%get3A_118, %get3A_119] {strides = array<i32>} : memref<128x64xf32, #tpu.memory_space<vmem>>, vector<1x16xf32>,
        %get3A_121 = vector.shape_cast %get3A_120 : vector<1x16xf32> to vector<1x16xf32>
        %max3A_122 = arith.constant 0.000000e+00 : f32
        %max3A_123 = vector.broadcast %max3A_122 : f32 to vector<1x16xf32>
        %max3A_124 = arith.maximumf %get3A_121, %max3A_123 : vector<1x16xf32>
        %swap3A_125 = arith.index_cast %add3A_117 : i32 to index
        %swap3A_126 = arith.constant 32 : index
        %swap3A_127 = tpu.vector_load %arg8[%swap3A_125, %swap3A_126] {strides = array<i32>} : memref<128x64xf32, #tpu.memory_space<vmem>>, vector<1x16xf32>,
        %swap3A_128 = vector.shape_cast %swap3A_127 : vector<1x16xf32> to vector<1x16xf32>
        %swap3A_129 = vector.shape_cast %max3A_124 : vector<1x16xf32> to vector<1x16xf32>
        tpu.vector_store %arg8[%swap3A_125, %swap3A_126], %swap3A_129 {strides = array<i32>} : memref<128x64xf32, #tpu.memory_space<vmem>>, vector<1x16xf32>,
        %add3A_130 = arith.constant 0 : i32
        %add3A_131 = arith.addi %add3A_90, %add3A_130 : i32
        %get3A_132 = arith.index_cast %add3A_131 : i32 to index
        %get3A_133 = arith.constant 48 : index
        %get3A_134 = tpu.vector_load %arg6[%get3A_132, %get3A_133] {strides = array<i32>} : memref<128x64xf32, #tpu.memory_space<vmem>>, vector<1x16xf32>,
        %get3A_135 = vector.shape_cast %get3A_134 : vector<1x16xf32> to vector<1x16xf32>
        %max3A_136 = arith.constant 0.000000e+00 : f32
        %max3A_137 = vector.broadcast %max3A_136 : f32 to vector<1x16xf32>
        %max3A_138 = arith.maximumf %get3A_135, %max3A_137 : vector<1x16xf32>
        %swap3A_139 = arith.index_cast %add3A_131 : i32 to index
        %swap3A_140 = arith.constant 48 : index
        %swap3A_141 = tpu.vector_load %arg8[%swap3A_139, %swap3A_140] {strides = array<i32>} : memref<128x64xf32, #tpu.memory_space<vmem>>, vector<1x16xf32>,
        %swap3A_142 = vector.shape_cast %swap3A_141 : vector<1x16xf32> to vector<1x16xf32>
        %swap3A_143 = vector.shape_cast %max3A_138 : vector<1x16xf32> to vector<1x16xf32>
        tpu.vector_store %arg8[%swap3A_139, %swap3A_140], %swap3A_143 {strides = array<i32>} : memref<128x64xf32, #tpu.memory_space<vmem>>, vector<1x16xf32>,
        %add3A_144 = arith.constant 1 : i32
        %add3A_145 = arith.addi %add3A_90, %add3A_144 : i32
        %get3A_146 = arith.index_cast %add3A_145 : i32 to index
        %get3A_147 = arith.constant 0 : index
        %get3A_148 = tpu.vector_load %arg6[%get3A_146, %get3A_147] {strides = array<i32>} : memref<128x64xf32, #tpu.memory_space<vmem>>, vector<1x16xf32>,
        %get3A_149 = vector.shape_cast %get3A_148 : vector<1x16xf32> to vector<1x16xf32>
        %max3A_150 = arith.constant 0.000000e+00 : f32
        %max3A_151 = vector.broadcast %max3A_150 : f32 to vector<1x16xf32>
        %max3A_152 = arith.maximumf %get3A_149, %max3A_151 : vector<1x16xf32>
        %swap3A_153 = arith.index_cast %add3A_145 : i32 to index
        %swap3A_154 = arith.constant 0 : index
        %swap3A_155 = tpu.vector_load %arg8[%swap3A_153, %swap3A_154] {strides = array<i32>} : memref<128x64xf32, #tpu.memory_space<vmem>>, vector<1x16xf32>,
        %swap3A_156 = vector.shape_cast %swap3A_155 : vector<1x16xf32> to vector<1x16xf32>
        %swap3A_157 = vector.shape_cast %max3A_152 : vector<1x16xf32> to vector<1x16xf32>
        tpu.vector_store %arg8[%swap3A_153, %swap3A_154], %swap3A_157 {strides = array<i32>} : memref<128x64xf32, #tpu.memory_space<vmem>>, vector<1x16xf32>,
        %add3A_158 = arith.constant 1 : i32
        %add3A_159 = arith.addi %add3A_90, %add3A_158 : i32
        %get3A_160 = arith.index_cast %add3A_159 : i32 to index
        %get3A_161 = arith.constant 16 : index
        %get3A_162 = tpu.vector_load %arg6[%get3A_160, %get3A_161] {strides = array<i32>} : memref<128x64xf32, #tpu.memory_space<vmem>>, vector<1x16xf32>,
        %get3A_163 = vector.shape_cast %get3A_162 : vector<1x16xf32> to vector<1x16xf32>
        %max3A_164 = arith.constant 0.000000e+00 : f32
        %max3A_165 = vector.broadcast %max3A_164 : f32 to vector<1x16xf32>
        %max3A_166 = arith.maximumf %get3A_163, %max3A_165 : vector<1x16xf32>
        %swap3A_167 = arith.index_cast %add3A_159 : i32 to index
        %swap3A_168 = arith.constant 16 : index
        %swap3A_169 = tpu.vector_load %arg8[%swap3A_167, %swap3A_168] {strides = array<i32>} : memref<128x64xf32, #tpu.memory_space<vmem>>, vector<1x16xf32>,
        %swap3A_170 = vector.shape_cast %swap3A_169 : vector<1x16xf32> to vector<1x16xf32>
        %swap3A_171 = vector.shape_cast %max3A_166 : vector<1x16xf32> to vector<1x16xf32>
        tpu.vector_store %arg8[%swap3A_167, %swap3A_168], %swap3A_171 {strides = array<i32>} : memref<128x64xf32, #tpu.memory_space<vmem>>, vector<1x16xf32>,
        %add3A_172 = arith.constant 1 : i32
        %add3A_173 = arith.addi %add3A_90, %add3A_172 : i32
        %get3A_174 = arith.index_cast %add3A_173 : i32 to index
        %get3A_175 = arith.constant 32 : index
        %get3A_176 = tpu.vector_load %arg6[%get3A_174, %get3A_175] {strides = array<i32>} : memref<128x64xf32, #tpu.memory_space<vmem>>, vector<1x16xf32>,
        %get3A_177 = vector.shape_cast %get3A_176 : vector<1x16xf32> to vector<1x16xf32>
        %max3A_178 = arith.constant 0.000000e+00 : f32
        %max3A_179 = vector.broadcast %max3A_178 : f32 to vector<1x16xf32>
        %max3A_180 = arith.maximumf %get3A_177, %max3A_179 : vector<1x16xf32>
        %swap3A_181 = arith.index_cast %add3A_173 : i32 to index
        %swap3A_182 = arith.constant 32 : index
        %swap3A_183 = tpu.vector_load %arg8[%swap3A_181, %swap3A_182] {strides = array<i32>} : memref<128x64xf32, #tpu.memory_space<vmem>>, vector<1x16xf32>,
        %swap3A_184 = vector.shape_cast %swap3A_183 : vector<1x16xf32> to vector<1x16xf32>
        %swap3A_185 = vector.shape_cast %max3A_180 : vector<1x16xf32> to vector<1x16xf32>
        tpu.vector_store %arg8[%swap3A_181, %swap3A_182], %swap3A_185 {strides = array<i32>} : memref<128x64xf32, #tpu.memory_space<vmem>>, vector<1x16xf32>,
        %add3A_186 = arith.constant 1 : i32
        %add3A_187 = arith.addi %add3A_90, %add3A_186 : i32
        %get3A_188 = arith.index_cast %add3A_187 : i32 to index
        %get3A_189 = arith.constant 48 : index
        %get3A_190 = tpu.vector_load %arg6[%get3A_188, %get3A_189] {strides = array<i32>} : memref<128x64xf32, #tpu.memory_space<vmem>>, vector<1x16xf32>,
        %get3A_191 = vector.shape_cast %get3A_190 : vector<1x16xf32> to vector<1x16xf32>
        %max3A_192 = arith.constant 0.000000e+00 : f32
        %max3A_193 = vector.broadcast %max3A_192 : f32 to vector<1x16xf32>
        %max3A_194 = arith.maximumf %get3A_191, %max3A_193 : vector<1x16xf32>
        %swap3A_195 = arith.index_cast %add3A_187 : i32 to index
        %swap3A_196 = arith.constant 48 : index
        %swap3A_197 = tpu.vector_load %arg8[%swap3A_195, %swap3A_196] {strides = array<i32>} : memref<128x64xf32, #tpu.memory_space<vmem>>, vector<1x16xf32>,
        %swap3A_198 = vector.shape_cast %swap3A_197 : vector<1x16xf32> to vector<1x16xf32>
        %swap3A_199 = vector.shape_cast %max3A_194 : vector<1x16xf32> to vector<1x16xf32>
        tpu.vector_store %arg8[%swap3A_195, %swap3A_196], %swap3A_199 {strides = array<i32>} : memref<128x64xf32, #tpu.memory_space<vmem>>, vector<1x16xf32>,
        %add3A_200 = arith.constant 2 : i32
        %add3A_201 = arith.addi %add3A_90, %add3A_200 : i32
        %get3A_202 = arith.index_cast %add3A_201 : i32 to index
        %get3A_203 = arith.constant 0 : index
        %get3A_204 = tpu.vector_load %arg6[%get3A_202, %get3A_203] {strides = array<i32>} : memref<128x64xf32, #tpu.memory_space<vmem>>, vector<1x16xf32>,
        %get3A_205 = vector.shape_cast %get3A_204 : vector<1x16xf32> to vector<1x16xf32>
        %max3A_206 = arith.constant 0.000000e+00 : f32
        %max3A_207 = vector.broadcast %max3A_206 : f32 to vector<1x16xf32>
        %max3A_208 = arith.maximumf %get3A_205, %max3A_207 : vector<1x16xf32>
        %swap3A_209 = arith.index_cast %add3A_201 : i32 to index
        %swap3A_210 = arith.constant 0 : index
        %swap3A_211 = tpu.vector_load %arg8[%swap3A_209, %swap3A_210] {strides = array<i32>} : memref<128x64xf32, #tpu.memory_space<vmem>>, vector<1x16xf32>,
        %swap3A_212 = vector.shape_cast %swap3A_211 : vector<1x16xf32> to vector<1x16xf32>
        %swap3A_213 = vector.shape_cast %max3A_208 : vector<1x16xf32> to vector<1x16xf32>
        tpu.vector_store %arg8[%swap3A_209, %swap3A_210], %swap3A_213 {strides = array<i32>} : memref<128x64xf32, #tpu.memory_space<vmem>>, vector<1x16xf32>,
        %add3A_214 = arith.constant 2 : i32
        %add3A_215 = arith.addi %add3A_90, %add3A_214 : i32
        %get3A_216 = arith.index_cast %add3A_215 : i32 to index
        %get3A_217 = arith.constant 16 : index
        %get3A_218 = tpu.vector_load %arg6[%get3A_216, %get3A_217] {strides = array<i32>} : memref<128x64xf32, #tpu.memory_space<vmem>>, vector<1x16xf32>,
        %get3A_219 = vector.shape_cast %get3A_218 : vector<1x16xf32> to vector<1x16xf32>
        %max3A_220 = arith.constant 0.000000e+00 : f32
        %max3A_221 = vector.broadcast %max3A_220 : f32 to vector<1x16xf32>
        %max3A_222 = arith.maximumf %get3A_219, %max3A_221 : vector<1x16xf32>
        %swap3A_223 = arith.index_cast %add3A_215 : i32 to index
        %swap3A_224 = arith.constant 16 : index
        %swap3A_225 = tpu.vector_load %arg8[%swap3A_223, %swap3A_224] {strides = array<i32>} : memref<128x64xf32, #tpu.memory_space<vmem>>, vector<1x16xf32>,
        %swap3A_226 = vector.shape_cast %swap3A_225 : vector<1x16xf32> to vector<1x16xf32>
        %swap3A_227 = vector.shape_cast %max3A_222 : vector<1x16xf32> to vector<1x16xf32>
        tpu.vector_store %arg8[%swap3A_223, %swap3A_224], %swap3A_227 {strides = array<i32>} : memref<128x64xf32, #tpu.memory_space<vmem>>, vector<1x16xf32>,
        %add3A_228 = arith.constant 2 : i32
        %add3A_229 = arith.addi %add3A_90, %add3A_228 : i32
        %get3A_230 = arith.index_cast %add3A_229 : i32 to index
        %get3A_231 = arith.constant 32 : index
        %get3A_232 = tpu.vector_load %arg6[%get3A_230, %get3A_231] {strides = array<i32>} : memref<128x64xf32, #tpu.memory_space<vmem>>, vector<1x16xf32>,
        %get3A_233 = vector.shape_cast %get3A_232 : vector<1x16xf32> to vector<1x16xf32>
        %max3A_234 = arith.constant 0.000000e+00 : f32
        %max3A_235 = vector.broadcast %max3A_234 : f32 to vector<1x16xf32>
        %max3A_236 = arith.maximumf %get3A_233, %max3A_235 : vector<1x16xf32>
        %swap3A_237 = arith.index_cast %add3A_229 : i32 to index
        %swap3A_238 = arith.constant 32 : index
        %swap3A_239 = tpu.vector_load %arg8[%swap3A_237, %swap3A_238] {strides = array<i32>} : memref<128x64xf32, #tpu.memory_space<vmem>>, vector<1x16xf32>,
        %swap3A_240 = vector.shape_cast %swap3A_239 : vector<1x16xf32> to vector<1x16xf32>
        %swap3A_241 = vector.shape_cast %max3A_236 : vector<1x16xf32> to vector<1x16xf32>
        tpu.vector_store %arg8[%swap3A_237, %swap3A_238], %swap3A_241 {strides = array<i32>} : memref<128x64xf32, #tpu.memory_space<vmem>>, vector<1x16xf32>,
        %add3A_242 = arith.constant 2 : i32
        %add3A_243 = arith.addi %add3A_90, %add3A_242 : i32
        %get3A_244 = arith.index_cast %add3A_243 : i32 to index
        %get3A_245 = arith.constant 48 : index
        %get3A_246 = tpu.vector_load %arg6[%get3A_244, %get3A_245] {strides = array<i32>} : memref<128x64xf32, #tpu.memory_space<vmem>>, vector<1x16xf32>,
        %get3A_247 = vector.shape_cast %get3A_246 : vector<1x16xf32> to vector<1x16xf32>
        %max3A_248 = arith.constant 0.000000e+00 : f32
        %max3A_249 = vector.broadcast %max3A_248 : f32 to vector<1x16xf32>
        %max3A_250 = arith.maximumf %get3A_247, %max3A_249 : vector<1x16xf32>
        %swap3A_251 = arith.index_cast %add3A_243 : i32 to index
        %swap3A_252 = arith.constant 48 : index
        %swap3A_253 = tpu.vector_load %arg8[%swap3A_251, %swap3A_252] {strides = array<i32>} : memref<128x64xf32, #tpu.memory_space<vmem>>, vector<1x16xf32>,
        %swap3A_254 = vector.shape_cast %swap3A_253 : vector<1x16xf32> to vector<1x16xf32>
        %swap3A_255 = vector.shape_cast %max3A_250 : vector<1x16xf32> to vector<1x16xf32>
        tpu.vector_store %arg8[%swap3A_251, %swap3A_252], %swap3A_255 {strides = array<i32>} : memref<128x64xf32, #tpu.memory_space<vmem>>, vector<1x16xf32>,
        %add3A_256 = arith.constant 3 : i32
        %add3A_257 = arith.addi %add3A_90, %add3A_256 : i32
        %get3A_258 = arith.index_cast %add3A_257 : i32 to index
        %get3A_259 = arith.constant 0 : index
        %get3A_260 = tpu.vector_load %arg6[%get3A_258, %get3A_259] {strides = array<i32>} : memref<128x64xf32, #tpu.memory_space<vmem>>, vector<1x16xf32>,
        %get3A_261 = vector.shape_cast %get3A_260 : vector<1x16xf32> to vector<1x16xf32>
        %max3A_262 = arith.constant 0.000000e+00 : f32
        %max3A_263 = vector.broadcast %max3A_262 : f32 to vector<1x16xf32>
        %max3A_264 = arith.maximumf %get3A_261, %max3A_263 : vector<1x16xf32>
        %swap3A_265 = arith.index_cast %add3A_257 : i32 to index
        %swap3A_266 = arith.constant 0 : index
        %swap3A_267 = tpu.vector_load %arg8[%swap3A_265, %swap3A_266] {strides = array<i32>} : memref<128x64xf32, #tpu.memory_space<vmem>>, vector<1x16xf32>,
        %swap3A_268 = vector.shape_cast %swap3A_267 : vector<1x16xf32> to vector<1x16xf32>
        %swap3A_269 = vector.shape_cast %max3A_264 : vector<1x16xf32> to vector<1x16xf32>
        tpu.vector_store %arg8[%swap3A_265, %swap3A_266], %swap3A_269 {strides = array<i32>} : memref<128x64xf32, #tpu.memory_space<vmem>>, vector<1x16xf32>,
        %add3A_270 = arith.constant 3 : i32
        %add3A_271 = arith.addi %add3A_90, %add3A_270 : i32
        %get3A_272 = arith.index_cast %add3A_271 : i32 to index
        %get3A_273 = arith.constant 16 : index
        %get3A_274 = tpu.vector_load %arg6[%get3A_272, %get3A_273] {strides = array<i32>} : memref<128x64xf32, #tpu.memory_space<vmem>>, vector<1x16xf32>,
        %get3A_275 = vector.shape_cast %get3A_274 : vector<1x16xf32> to vector<1x16xf32>
        %max3A_276 = arith.constant 0.000000e+00 : f32
        %max3A_277 = vector.broadcast %max3A_276 : f32 to vector<1x16xf32>
        %max3A_278 = arith.maximumf %get3A_275, %max3A_277 : vector<1x16xf32>
        %swap3A_279 = arith.index_cast %add3A_271 : i32 to index
        %swap3A_280 = arith.constant 16 : index
        %swap3A_281 = tpu.vector_load %arg8[%swap3A_279, %swap3A_280] {strides = array<i32>} : memref<128x64xf32, #tpu.memory_space<vmem>>, vector<1x16xf32>,
        %swap3A_282 = vector.shape_cast %swap3A_281 : vector<1x16xf32> to vector<1x16xf32>
        %swap3A_283 = vector.shape_cast %max3A_278 : vector<1x16xf32> to vector<1x16xf32>
        tpu.vector_store %arg8[%swap3A_279, %swap3A_280], %swap3A_283 {strides = array<i32>} : memref<128x64xf32, #tpu.memory_space<vmem>>, vector<1x16xf32>,
        %add3A_284 = arith.constant 3 : i32
        %add3A_285 = arith.addi %add3A_90, %add3A_284 : i32
        %get3A_286 = arith.index_cast %add3A_285 : i32 to index
        %get3A_287 = arith.constant 32 : index
        %get3A_288 = tpu.vector_load %arg6[%get3A_286, %get3A_287] {strides = array<i32>} : memref<128x64xf32, #tpu.memory_space<vmem>>, vector<1x16xf32>,
        %get3A_289 = vector.shape_cast %get3A_288 : vector<1x16xf32> to vector<1x16xf32>
        %max3A_290 = arith.constant 0.000000e+00 : f32
        %max3A_291 = vector.broadcast %max3A_290 : f32 to vector<1x16xf32>
        %max3A_292 = arith.maximumf %get3A_289, %max3A_291 : vector<1x16xf32>
        %swap3A_293 = arith.index_cast %add3A_285 : i32 to index
        %swap3A_294 = arith.constant 32 : index
        %swap3A_295 = tpu.vector_load %arg8[%swap3A_293, %swap3A_294] {strides = array<i32>} : memref<128x64xf32, #tpu.memory_space<vmem>>, vector<1x16xf32>,
        %swap3A_296 = vector.shape_cast %swap3A_295 : vector<1x16xf32> to vector<1x16xf32>
        %swap3A_297 = vector.shape_cast %max3A_292 : vector<1x16xf32> to vector<1x16xf32>
        tpu.vector_store %arg8[%swap3A_293, %swap3A_294], %swap3A_297 {strides = array<i32>} : memref<128x64xf32, #tpu.memory_space<vmem>>, vector<1x16xf32>,
        %add3A_298 = arith.constant 3 : i32
        %add3A_299 = arith.addi %add3A_90, %add3A_298 : i32
        %get3A_300 = arith.index_cast %add3A_299 : i32 to index
        %get3A_301 = arith.constant 48 : index
        %get3A_302 = tpu.vector_load %arg6[%get3A_300, %get3A_301] {strides = array<i32>} : memref<128x64xf32, #tpu.memory_space<vmem>>, vector<1x16xf32>,
        %get3A_303 = vector.shape_cast %get3A_302 : vector<1x16xf32> to vector<1x16xf32>
        %max3A_304 = arith.constant 0.000000e+00 : f32
        %max3A_305 = vector.broadcast %max3A_304 : f32 to vector<1x16xf32>
        %max3A_306 = arith.maximumf %get3A_303, %max3A_305 : vector<1x16xf32>
        %swap3A_307 = arith.index_cast %add3A_299 : i32 to index
        %swap3A_308 = arith.constant 48 : index
        %swap3A_309 = tpu.vector_load %arg8[%swap3A_307, %swap3A_308] {strides = array<i32>} : memref<128x64xf32, #tpu.memory_space<vmem>>, vector<1x16xf32>,
        %swap3A_310 = vector.shape_cast %swap3A_309 : vector<1x16xf32> to vector<1x16xf32>
        %swap3A_311 = vector.shape_cast %max3A_306 : vector<1x16xf32> to vector<1x16xf32>
        tpu.vector_store %arg8[%swap3A_307, %swap3A_308], %swap3A_311 {strides = array<i32>} : memref<128x64xf32, #tpu.memory_space<vmem>>, vector<1x16xf32>,
        %add3A_312 = arith.constant 4 : i32
        %add3A_313 = arith.addi %add3A_90, %add3A_312 : i32
        %get3A_314 = arith.index_cast %add3A_313 : i32 to index
        %get3A_315 = arith.constant 0 : index
        %get3A_316 = tpu.vector_load %arg6[%get3A_314, %get3A_315] {strides = array<i32>} : memref<128x64xf32, #tpu.memory_space<vmem>>, vector<1x16xf32>,
        %get3A_317 = vector.shape_cast %get3A_316 : vector<1x16xf32> to vector<1x16xf32>
        %max3A_318 = arith.constant 0.000000e+00 : f32
        %max3A_319 = vector.broadcast %max3A_318 : f32 to vector<1x16xf32>
        %max3A_320 = arith.maximumf %get3A_317, %max3A_319 : vector<1x16xf32>
        %swap3A_321 = arith.index_cast %add3A_313 : i32 to index
        %swap3A_322 = arith.constant 0 : index
        %swap3A_323 = tpu.vector_load %arg8[%swap3A_321, %swap3A_322] {strides = array<i32>} : memref<128x64xf32, #tpu.memory_space<vmem>>, vector<1x16xf32>,
        %swap3A_324 = vector.shape_cast %swap3A_323 : vector<1x16xf32> to vector<1x16xf32>
        %swap3A_325 = vector.shape_cast %max3A_320 : vector<1x16xf32> to vector<1x16xf32>
        tpu.vector_store %arg8[%swap3A_321, %swap3A_322], %swap3A_325 {strides = array<i32>} : memref<128x64xf32, #tpu.memory_space<vmem>>, vector<1x16xf32>,
        %add3A_326 = arith.constant 4 : i32
        %add3A_327 = arith.addi %add3A_90, %add3A_326 : i32
        %get3A_328 = arith.index_cast %add3A_327 : i32 to index
        %get3A_329 = arith.constant 16 : index
        %get3A_330 = tpu.vector_load %arg6[%get3A_328, %get3A_329] {strides = array<i32>} : memref<128x64xf32, #tpu.memory_space<vmem>>, vector<1x16xf32>,
        %get3A_331 = vector.shape_cast %get3A_330 : vector<1x16xf32> to vector<1x16xf32>
        %max3A_332 = arith.constant 0.000000e+00 : f32
        %max3A_333 = vector.broadcast %max3A_332 : f32 to vector<1x16xf32>
        %max3A_334 = arith.maximumf %get3A_331, %max3A_333 : vector<1x16xf32>
        %swap3A_335 = arith.index_cast %add3A_327 : i32 to index
        %swap3A_336 = arith.constant 16 : index
        %swap3A_337 = tpu.vector_load %arg8[%swap3A_335, %swap3A_336] {strides = array<i32>} : memref<128x64xf32, #tpu.memory_space<vmem>>, vector<1x16xf32>,
        %swap3A_338 = vector.shape_cast %swap3A_337 : vector<1x16xf32> to vector<1x16xf32>
        %swap3A_339 = vector.shape_cast %max3A_334 : vector<1x16xf32> to vector<1x16xf32>
        tpu.vector_store %arg8[%swap3A_335, %swap3A_336], %swap3A_339 {strides = array<i32>} : memref<128x64xf32, #tpu.memory_space<vmem>>, vector<1x16xf32>,
        %add3A_340 = arith.constant 4 : i32
        %add3A_341 = arith.addi %add3A_90, %add3A_340 : i32
        %get3A_342 = arith.index_cast %add3A_341 : i32 to index
        %get3A_343 = arith.constant 32 : index
        %get3A_344 = tpu.vector_load %arg6[%get3A_342, %get3A_343] {strides = array<i32>} : memref<128x64xf32, #tpu.memory_space<vmem>>, vector<1x16xf32>,
        %get3A_345 = vector.shape_cast %get3A_344 : vector<1x16xf32> to vector<1x16xf32>
        %max3A_346 = arith.constant 0.000000e+00 : f32
        %max3A_347 = vector.broadcast %max3A_346 : f32 to vector<1x16xf32>
        %max3A_348 = arith.maximumf %get3A_345, %max3A_347 : vector<1x16xf32>
        %swap3A_349 = arith.index_cast %add3A_341 : i32 to index
        %swap3A_350 = arith.constant 32 : index
        %swap3A_351 = tpu.vector_load %arg8[%swap3A_349, %swap3A_350] {strides = array<i32>} : memref<128x64xf32, #tpu.memory_space<vmem>>, vector<1x16xf32>,
        %swap3A_352 = vector.shape_cast %swap3A_351 : vector<1x16xf32> to vector<1x16xf32>
        %swap3A_353 = vector.shape_cast %max3A_348 : vector<1x16xf32> to vector<1x16xf32>
        tpu.vector_store %arg8[%swap3A_349, %swap3A_350], %swap3A_353 {strides = array<i32>} : memref<128x64xf32, #tpu.memory_space<vmem>>, vector<1x16xf32>,
        %add3A_354 = arith.constant 4 : i32
        %add3A_355 = arith.addi %add3A_90, %add3A_354 : i32
        %get3A_356 = arith.index_cast %add3A_355 : i32 to index
        %get3A_357 = arith.constant 48 : index
        %get3A_358 = tpu.vector_load %arg6[%get3A_356, %get3A_357] {strides = array<i32>} : memref<128x64xf32, #tpu.memory_space<vmem>>, vector<1x16xf32>,
        %get3A_359 = vector.shape_cast %get3A_358 : vector<1x16xf32> to vector<1x16xf32>
        %max3A_360 = arith.constant 0.000000e+00 : f32
        %max3A_361 = vector.broadcast %max3A_360 : f32 to vector<1x16xf32>
        %max3A_362 = arith.maximumf %get3A_359, %max3A_361 : vector<1x16xf32>
        %swap3A_363 = arith.index_cast %add3A_355 : i32 to index
        %swap3A_364 = arith.constant 48 : index
        %swap3A_365 = tpu.vector_load %arg8[%swap3A_363, %swap3A_364] {strides = array<i32>} : memref<128x64xf32, #tpu.memory_space<vmem>>, vector<1x16xf32>,
        %swap3A_366 = vector.shape_cast %swap3A_365 : vector<1x16xf32> to vector<1x16xf32>
        %swap3A_367 = vector.shape_cast %max3A_362 : vector<1x16xf32> to vector<1x16xf32>
        tpu.vector_store %arg8[%swap3A_363, %swap3A_364], %swap3A_367 {strides = array<i32>} : memref<128x64xf32, #tpu.memory_space<vmem>>, vector<1x16xf32>,
        %add3A_368 = arith.constant 5 : i32
        %add3A_369 = arith.addi %add3A_90, %add3A_368 : i32
        %get3A_370 = arith.index_cast %add3A_369 : i32 to index
        %get3A_371 = arith.constant 0 : index
        %get3A_372 = tpu.vector_load %arg6[%get3A_370, %get3A_371] {strides = array<i32>} : memref<128x64xf32, #tpu.memory_space<vmem>>, vector<1x16xf32>,
        %get3A_373 = vector.shape_cast %get3A_372 : vector<1x16xf32> to vector<1x16xf32>
        %max3A_374 = arith.constant 0.000000e+00 : f32
        %max3A_375 = vector.broadcast %max3A_374 : f32 to vector<1x16xf32>
        %max3A_376 = arith.maximumf %get3A_373, %max3A_375 : vector<1x16xf32>
        %swap3A_377 = arith.index_cast %add3A_369 : i32 to index
        %swap3A_378 = arith.constant 0 : index
        %swap3A_379 = tpu.vector_load %arg8[%swap3A_377, %swap3A_378] {strides = array<i32>} : memref<128x64xf32, #tpu.memory_space<vmem>>, vector<1x16xf32>,
        %swap3A_380 = vector.shape_cast %swap3A_379 : vector<1x16xf32> to vector<1x16xf32>
        %swap3A_381 = vector.shape_cast %max3A_376 : vector<1x16xf32> to vector<1x16xf32>
        tpu.vector_store %arg8[%swap3A_377, %swap3A_378], %swap3A_381 {strides = array<i32>} : memref<128x64xf32, #tpu.memory_space<vmem>>, vector<1x16xf32>,
        %add3A_382 = arith.constant 5 : i32
        %add3A_383 = arith.addi %add3A_90, %add3A_382 : i32
        %get3A_384 = arith.index_cast %add3A_383 : i32 to index
        %get3A_385 = arith.constant 16 : index
        %get3A_386 = tpu.vector_load %arg6[%get3A_384, %get3A_385] {strides = array<i32>} : memref<128x64xf32, #tpu.memory_space<vmem>>, vector<1x16xf32>,
        %get3A_387 = vector.shape_cast %get3A_386 : vector<1x16xf32> to vector<1x16xf32>
        %max3A_388 = arith.constant 0.000000e+00 : f32
        %max3A_389 = vector.broadcast %max3A_388 : f32 to vector<1x16xf32>
        %max3A_390 = arith.maximumf %get3A_387, %max3A_389 : vector<1x16xf32>
        %swap3A_391 = arith.index_cast %add3A_383 : i32 to index
        %swap3A_392 = arith.constant 16 : index
        %swap3A_393 = tpu.vector_load %arg8[%swap3A_391, %swap3A_392] {strides = array<i32>} : memref<128x64xf32, #tpu.memory_space<vmem>>, vector<1x16xf32>,
        %swap3A_394 = vector.shape_cast %swap3A_393 : vector<1x16xf32> to vector<1x16xf32>
        %swap3A_395 = vector.shape_cast %max3A_390 : vector<1x16xf32> to vector<1x16xf32>
        tpu.vector_store %arg8[%swap3A_391, %swap3A_392], %swap3A_395 {strides = array<i32>} : memref<128x64xf32, #tpu.memory_space<vmem>>, vector<1x16xf32>,
        %add3A_396 = arith.constant 5 : i32
        %add3A_397 = arith.addi %add3A_90, %add3A_396 : i32
        %get3A_398 = arith.index_cast %add3A_397 : i32 to index
        %get3A_399 = arith.constant 32 : index
        %get3A_400 = tpu.vector_load %arg6[%get3A_398, %get3A_399] {strides = array<i32>} : memref<128x64xf32, #tpu.memory_space<vmem>>, vector<1x16xf32>,
        %get3A_401 = vector.shape_cast %get3A_400 : vector<1x16xf32> to vector<1x16xf32>
        %max3A_402 = arith.constant 0.000000e+00 : f32
        %max3A_403 = vector.broadcast %max3A_402 : f32 to vector<1x16xf32>
        %max3A_404 = arith.maximumf %get3A_401, %max3A_403 : vector<1x16xf32>
        %swap3A_405 = arith.index_cast %add3A_397 : i32 to index
        %swap3A_406 = arith.constant 32 : index
        %swap3A_407 = tpu.vector_load %arg8[%swap3A_405, %swap3A_406] {strides = array<i32>} : memref<128x64xf32, #tpu.memory_space<vmem>>, vector<1x16xf32>,
        %swap3A_408 = vector.shape_cast %swap3A_407 : vector<1x16xf32> to vector<1x16xf32>
        %swap3A_409 = vector.shape_cast %max3A_404 : vector<1x16xf32> to vector<1x16xf32>
        tpu.vector_store %arg8[%swap3A_405, %swap3A_406], %swap3A_409 {strides = array<i32>} : memref<128x64xf32, #tpu.memory_space<vmem>>, vector<1x16xf32>,
        %add3A_410 = arith.constant 5 : i32
        %add3A_411 = arith.addi %add3A_90, %add3A_410 : i32
        %get3A_412 = arith.index_cast %add3A_411 : i32 to index
        %get3A_413 = arith.constant 48 : index
        %get3A_414 = tpu.vector_load %arg6[%get3A_412, %get3A_413] {strides = array<i32>} : memref<128x64xf32, #tpu.memory_space<vmem>>, vector<1x16xf32>,
        %get3A_415 = vector.shape_cast %get3A_414 : vector<1x16xf32> to vector<1x16xf32>
        %max3A_416 = arith.constant 0.000000e+00 : f32
        %max3A_417 = vector.broadcast %max3A_416 : f32 to vector<1x16xf32>
        %max3A_418 = arith.maximumf %get3A_415, %max3A_417 : vector<1x16xf32>
        %swap3A_419 = arith.index_cast %add3A_411 : i32 to index
        %swap3A_420 = arith.constant 48 : index
        %swap3A_421 = tpu.vector_load %arg8[%swap3A_419, %swap3A_420] {strides = array<i32>} : memref<128x64xf32, #tpu.memory_space<vmem>>, vector<1x16xf32>,
        %swap3A_422 = vector.shape_cast %swap3A_421 : vector<1x16xf32> to vector<1x16xf32>
        %swap3A_423 = vector.shape_cast %max3A_418 : vector<1x16xf32> to vector<1x16xf32>
        tpu.vector_store %arg8[%swap3A_419, %swap3A_420], %swap3A_423 {strides = array<i32>} : memref<128x64xf32, #tpu.memory_space<vmem>>, vector<1x16xf32>,
        %add3A_424 = arith.constant 6 : i32
        %add3A_425 = arith.addi %add3A_90, %add3A_424 : i32
        %get3A_426 = arith.index_cast %add3A_425 : i32 to index
        %get3A_427 = arith.constant 0 : index
        %get3A_428 = tpu.vector_load %arg6[%get3A_426, %get3A_427] {strides = array<i32>} : memref<128x64xf32, #tpu.memory_space<vmem>>, vector<1x16xf32>,
        %get3A_429 = vector.shape_cast %get3A_428 : vector<1x16xf32> to vector<1x16xf32>
        %max3A_430 = arith.constant 0.000000e+00 : f32
        %max3A_431 = vector.broadcast %max3A_430 : f32 to vector<1x16xf32>
        %max3A_432 = arith.maximumf %get3A_429, %max3A_431 : vector<1x16xf32>
        %swap3A_433 = arith.index_cast %add3A_425 : i32 to index
        %swap3A_434 = arith.constant 0 : index
        %swap3A_435 = tpu.vector_load %arg8[%swap3A_433, %swap3A_434] {strides = array<i32>} : memref<128x64xf32, #tpu.memory_space<vmem>>, vector<1x16xf32>,
        %swap3A_436 = vector.shape_cast %swap3A_435 : vector<1x16xf32> to vector<1x16xf32>
        %swap3A_437 = vector.shape_cast %max3A_432 : vector<1x16xf32> to vector<1x16xf32>
        tpu.vector_store %arg8[%swap3A_433, %swap3A_434], %swap3A_437 {strides = array<i32>} : memref<128x64xf32, #tpu.memory_space<vmem>>, vector<1x16xf32>,
        %add3A_438 = arith.constant 6 : i32
        %add3A_439 = arith.addi %add3A_90, %add3A_438 : i32
        %get3A_440 = arith.index_cast %add3A_439 : i32 to index
        %get3A_441 = arith.constant 16 : index
        %get3A_442 = tpu.vector_load %arg6[%get3A_440, %get3A_441] {strides = array<i32>} : memref<128x64xf32, #tpu.memory_space<vmem>>, vector<1x16xf32>,
        %get3A_443 = vector.shape_cast %get3A_442 : vector<1x16xf32> to vector<1x16xf32>
        %max3A_444 = arith.constant 0.000000e+00 : f32
        %max3A_445 = vector.broadcast %max3A_444 : f32 to vector<1x16xf32>
        %max3A_446 = arith.maximumf %get3A_443, %max3A_445 : vector<1x16xf32>
        %swap3A_447 = arith.index_cast %add3A_439 : i32 to index
        %swap3A_448 = arith.constant 16 : index
        %swap3A_449 = tpu.vector_load %arg8[%swap3A_447, %swap3A_448] {strides = array<i32>} : memref<128x64xf32, #tpu.memory_space<vmem>>, vector<1x16xf32>,
        %swap3A_450 = vector.shape_cast %swap3A_449 : vector<1x16xf32> to vector<1x16xf32>
        %swap3A_451 = vector.shape_cast %max3A_446 : vector<1x16xf32> to vector<1x16xf32>
        tpu.vector_store %arg8[%swap3A_447, %swap3A_448], %swap3A_451 {strides = array<i32>} : memref<128x64xf32, #tpu.memory_space<vmem>>, vector<1x16xf32>,
        %add3A_452 = arith.constant 6 : i32
        %add3A_453 = arith.addi %add3A_90, %add3A_452 : i32
        %get3A_454 = arith.index_cast %add3A_453 : i32 to index
        %get3A_455 = arith.constant 32 : index
        %get3A_456 = tpu.vector_load %arg6[%get3A_454, %get3A_455] {strides = array<i32>} : memref<128x64xf32, #tpu.memory_space<vmem>>, vector<1x16xf32>,
        %get3A_457 = vector.shape_cast %get3A_456 : vector<1x16xf32> to vector<1x16xf32>
        %max3A_458 = arith.constant 0.000000e+00 : f32
        %max3A_459 = vector.broadcast %max3A_458 : f32 to vector<1x16xf32>
        %max3A_460 = arith.maximumf %get3A_457, %max3A_459 : vector<1x16xf32>
        %swap3A_461 = arith.index_cast %add3A_453 : i32 to index
        %swap3A_462 = arith.constant 32 : index
        %swap3A_463 = tpu.vector_load %arg8[%swap3A_461, %swap3A_462] {strides = array<i32>} : memref<128x64xf32, #tpu.memory_space<vmem>>, vector<1x16xf32>,
        %swap3A_464 = vector.shape_cast %swap3A_463 : vector<1x16xf32> to vector<1x16xf32>
        %swap3A_465 = vector.shape_cast %max3A_460 : vector<1x16xf32> to vector<1x16xf32>
        tpu.vector_store %arg8[%swap3A_461, %swap3A_462], %swap3A_465 {strides = array<i32>} : memref<128x64xf32, #tpu.memory_space<vmem>>, vector<1x16xf32>,
        %add3A_466 = arith.constant 6 : i32
        %add3A_467 = arith.addi %add3A_90, %add3A_466 : i32
        %get3A_468 = arith.index_cast %add3A_467 : i32 to index
        %get3A_469 = arith.constant 48 : index
        %get3A_470 = tpu.vector_load %arg6[%get3A_468, %get3A_469] {strides = array<i32>} : memref<128x64xf32, #tpu.memory_space<vmem>>, vector<1x16xf32>,
        %get3A_471 = vector.shape_cast %get3A_470 : vector<1x16xf32> to vector<1x16xf32>
        %max3A_472 = arith.constant 0.000000e+00 : f32
        %max3A_473 = vector.broadcast %max3A_472 : f32 to vector<1x16xf32>
        %max3A_474 = arith.maximumf %get3A_471, %max3A_473 : vector<1x16xf32>
        %swap3A_475 = arith.index_cast %add3A_467 : i32 to index
        %swap3A_476 = arith.constant 48 : index
        %swap3A_477 = tpu.vector_load %arg8[%swap3A_475, %swap3A_476] {strides = array<i32>} : memref<128x64xf32, #tpu.memory_space<vmem>>, vector<1x16xf32>,
        %swap3A_478 = vector.shape_cast %swap3A_477 : vector<1x16xf32> to vector<1x16xf32>
        %swap3A_479 = vector.shape_cast %max3A_474 : vector<1x16xf32> to vector<1x16xf32>
        tpu.vector_store %arg8[%swap3A_475, %swap3A_476], %swap3A_479 {strides = array<i32>} : memref<128x64xf32, #tpu.memory_space<vmem>>, vector<1x16xf32>,
        %add3A_480 = arith.constant 7 : i32
        %add3A_481 = arith.addi %add3A_90, %add3A_480 : i32
        %get3A_482 = arith.index_cast %add3A_481 : i32 to index
        %get3A_483 = arith.constant 0 : index
        %get3A_484 = tpu.vector_load %arg6[%get3A_482, %get3A_483] {strides = array<i32>} : memref<128x64xf32, #tpu.memory_space<vmem>>, vector<1x16xf32>,
        %get3A_485 = vector.shape_cast %get3A_484 : vector<1x16xf32> to vector<1x16xf32>
        %max3A_486 = arith.constant 0.000000e+00 : f32
        %max3A_487 = vector.broadcast %max3A_486 : f32 to vector<1x16xf32>
        %max3A_488 = arith.maximumf %get3A_485, %max3A_487 : vector<1x16xf32>
        %swap3A_489 = arith.index_cast %add3A_481 : i32 to index
        %swap3A_490 = arith.constant 0 : index
        %swap3A_491 = tpu.vector_load %arg8[%swap3A_489, %swap3A_490] {strides = array<i32>} : memref<128x64xf32, #tpu.memory_space<vmem>>, vector<1x16xf32>,
        %swap3A_492 = vector.shape_cast %swap3A_491 : vector<1x16xf32> to vector<1x16xf32>
        %swap3A_493 = vector.shape_cast %max3A_488 : vector<1x16xf32> to vector<1x16xf32>
        tpu.vector_store %arg8[%swap3A_489, %swap3A_490], %swap3A_493 {strides = array<i32>} : memref<128x64xf32, #tpu.memory_space<vmem>>, vector<1x16xf32>,
        %add3A_494 = arith.constant 7 : i32
        %add3A_495 = arith.addi %add3A_90, %add3A_494 : i32
        %get3A_496 = arith.index_cast %add3A_495 : i32 to index
        %get3A_497 = arith.constant 16 : index
        %get3A_498 = tpu.vector_load %arg6[%get3A_496, %get3A_497] {strides = array<i32>} : memref<128x64xf32, #tpu.memory_space<vmem>>, vector<1x16xf32>,
        %get3A_499 = vector.shape_cast %get3A_498 : vector<1x16xf32> to vector<1x16xf32>
        %max3A_500 = arith.constant 0.000000e+00 : f32
        %max3A_501 = vector.broadcast %max3A_500 : f32 to vector<1x16xf32>
        %max3A_502 = arith.maximumf %get3A_499, %max3A_501 : vector<1x16xf32>
        %swap3A_503 = arith.index_cast %add3A_495 : i32 to index
        %swap3A_504 = arith.constant 16 : index
        %swap3A_505 = tpu.vector_load %arg8[%swap3A_503, %swap3A_504] {strides = array<i32>} : memref<128x64xf32, #tpu.memory_space<vmem>>, vector<1x16xf32>,
        %swap3A_506 = vector.shape_cast %swap3A_505 : vector<1x16xf32> to vector<1x16xf32>
        %swap3A_507 = vector.shape_cast %max3A_502 : vector<1x16xf32> to vector<1x16xf32>
        tpu.vector_store %arg8[%swap3A_503, %swap3A_504], %swap3A_507 {strides = array<i32>} : memref<128x64xf32, #tpu.memory_space<vmem>>, vector<1x16xf32>,
        %add3A_508 = arith.constant 7 : i32
        %add3A_509 = arith.addi %add3A_90, %add3A_508 : i32
        %get3A_510 = arith.index_cast %add3A_509 : i32 to index
        %get3A_511 = arith.constant 32 : index
        %get3A_512 = tpu.vector_load %arg6[%get3A_510, %get3A_511] {strides = array<i32>} : memref<128x64xf32, #tpu.memory_space<vmem>>, vector<1x16xf32>,
        %get3A_513 = vector.shape_cast %get3A_512 : vector<1x16xf32> to vector<1x16xf32>
        %max3A_514 = arith.constant 0.000000e+00 : f32
        %max3A_515 = vector.broadcast %max3A_514 : f32 to vector<1x16xf32>
        %max3A_516 = arith.maximumf %get3A_513, %max3A_515 : vector<1x16xf32>
        %swap3A_517 = arith.index_cast %add3A_509 : i32 to index
        %swap3A_518 = arith.constant 32 : index
        %swap3A_519 = tpu.vector_load %arg8[%swap3A_517, %swap3A_518] {strides = array<i32>} : memref<128x64xf32, #tpu.memory_space<vmem>>, vector<1x16xf32>,
        %swap3A_520 = vector.shape_cast %swap3A_519 : vector<1x16xf32> to vector<1x16xf32>
        %swap3A_521 = vector.shape_cast %max3A_516 : vector<1x16xf32> to vector<1x16xf32>
        tpu.vector_store %arg8[%swap3A_517, %swap3A_518], %swap3A_521 {strides = array<i32>} : memref<128x64xf32, #tpu.memory_space<vmem>>, vector<1x16xf32>,
        %add3A_522 = arith.constant 7 : i32
        %add3A_523 = arith.addi %add3A_90, %add3A_522 : i32
        %get3A_524 = arith.index_cast %add3A_523 : i32 to index
        %get3A_525 = arith.constant 48 : index
        %get3A_526 = tpu.vector_load %arg6[%get3A_524, %get3A_525] {strides = array<i32>} : memref<128x64xf32, #tpu.memory_space<vmem>>, vector<1x16xf32>,
        %get3A_527 = vector.shape_cast %get3A_526 : vector<1x16xf32> to vector<1x16xf32>
        %max3A_528 = arith.constant 0.000000e+00 : f32
        %max3A_529 = vector.broadcast %max3A_528 : f32 to vector<1x16xf32>
        %max3A_530 = arith.maximumf %get3A_527, %max3A_529 : vector<1x16xf32>
        %swap3A_531 = arith.index_cast %add3A_523 : i32 to index
        %swap3A_532 = arith.constant 48 : index
        %swap3A_533 = tpu.vector_load %arg8[%swap3A_531, %swap3A_532] {strides = array<i32>} : memref<128x64xf32, #tpu.memory_space<vmem>>, vector<1x16xf32>,
        %swap3A_534 = vector.shape_cast %swap3A_533 : vector<1x16xf32> to vector<1x16xf32>
        %swap3A_535 = vector.shape_cast %max3A_530 : vector<1x16xf32> to vector<1x16xf32>
        tpu.vector_store %arg8[%swap3A_531, %swap3A_532], %swap3A_535 {strides = array<i32>} : memref<128x64xf32, #tpu.memory_space<vmem>>, vector<1x16xf32>,
      }
      %scan3A_42 = arith.constant 16 : i32
      %add3A_43 = arith.constant 2 : i32
      %add3A_44 = arith.addi %add3A_30, %add3A_43 : i32
      %lt3A = arith.constant 200 : i32
      %lt3A_45 = arith.cmpi slt, %add3A_44, %lt3A : i32
      %convert_element_type3A_46 = arith.extui %lt3A_45 : i1 to i32
      %cond3A_47 = arith.constant 0 : i32
      %cond3A_48 = arith.cmpi ne, %convert_element_type3A_46, %cond3A_47 : i32
      scf.if %cond3A_48 {
        %add3A_86 = arith.constant 2 : i32
        %add3A_87 = arith.addi %add3A_30, %add3A_86 : i32
        %scan3A_88 = arith.constant 0 : i32
        %scan3A_89 = arith.constant 8 : i32
        %scan3A_90 = arith.addi %scan3A_88, %scan3A_89 : i32
        %scan3A_91 = arith.constant 1 : i32
        scf.for %scan3A_93 = %scan3A_88 to %scan3A_90 step %scan3A_91  : i32 {
          %mul3A_94 = arith.constant 16 : i32
          %mul3A_95 = arith.muli %scan3A_93, %mul3A_94 : i32
          %add3A_96 = arith.constant 0 : i32
          %add3A_97 = arith.addi %add3A_96, %mul3A_95 : i32
          %mul3A_98 = arith.constant 128 : i32
          %mul3A_99 = arith.muli %add3A_87, %mul3A_98 : i32
          %add3A_100 = arith.addi %mul3A_99, %add3A_97 : i32
          %get3A = arith.index_cast %add3A_100 : i32 to index
          %get3A_101 = tpu.vector_load %arg5[%get3A] {strides = array<i32>} : memref<25600xi32, #tpu.memory_space<vmem>>, vector<16xi32>,
          %get3A_102 = vector.shape_cast %get3A_101 : vector<16xi32> to vector<16xi32>
          %slice3A = vector.extract_strided_slice %get3A_102 {offsets = [0], sizes = [1], strides = [1]} : vector<16xi32> to vector<1xi32>
          %squeeze3A = vector.extract %slice3A[0] : i32 from vector<1xi32>
          %add3A_103 = arith.constant 0 : i32
          %add3A_104 = arith.addi %add3A_97, %add3A_103 : i32
          %dma_start3A_105 = arith.constant 0 : i32
          %dma_start3A_106 = arith.constant 0 : i32
          %dma_start3A_107 = tpu.memref_slice %arg6[%add3A_104, %dma_start3A_106] : memref<128x64xf32, #tpu.memory_space<vmem>> -> memref<1x64xf32, #tpu.memory_space<vmem>>
          %dma_start3A_108 = tpu.memref_squeeze %dma_start3A_107 : memref<1x64xf32, #tpu.memory_space<vmem>> -> memref<64xf32, #tpu.memory_space<vmem>>
          %dma_start3A_109 = arith.constant 0 : i32
          %dma_start3A_110 = tpu.memref_slice %arg2[%dma_start3A_105, %squeeze3A, %dma_start3A_109] : memref<1x1000000x64xf32, #tpu.memory_space<hbm>> -> memref<1x1x64xf32, #tpu.memory_space<hbm>>
          %dma_start3A_111 = tpu.memref_squeeze %dma_start3A_110 : memref<1x1x64xf32, #tpu.memory_space<hbm>> -> memref<64xf32, #tpu.memory_space<hbm>>
          %dma_start3A_112 = arith.constant 0 : i32
          %dma_start3A_113 = tpu.memref_slice %arg6[%add3A_104, %dma_start3A_112] : memref<128x64xf32, #tpu.memory_space<vmem>> -> memref<1x64xf32, #tpu.memory_space<vmem>>
          %dma_start3A_114 = tpu.memref_squeeze %dma_start3A_113 : memref<1x64xf32, #tpu.memory_space<vmem>> -> memref<64xf32, #tpu.memory_space<vmem>>
          %dma_start3A_115 = arith.constant 0 : i32
          %dma_start3A_116 = tpu.memref_slice %arg2[%dma_start3A_105, %squeeze3A, %dma_start3A_115] : memref<1x1000000x64xf32, #tpu.memory_space<hbm>> -> memref<1x1x64xf32, #tpu.memory_space<hbm>>
          %dma_start3A_117 = tpu.memref_squeeze %dma_start3A_116 : memref<1x1x64xf32, #tpu.memory_space<hbm>> -> memref<64xf32, #tpu.memory_space<hbm>>
          tpu.enqueue_dma source(%dma_start3A_117 : memref<64xf32, #tpu.memory_space<hbm>>) target(%dma_start3A_114 : memref<64xf32, #tpu.memory_space<vmem>>) target_semaphore(%arg10 : memref<!tpu.dma_semaphore, #tpu.memory_space<semaphore_mem>>)
          %slice3A_118 = vector.extract_strided_slice %get3A_102 {offsets = [1], sizes = [1], strides = [1]} : vector<16xi32> to vector<1xi32>
          %squeeze3A_119 = vector.extract %slice3A_118[0] : i32 from vector<1xi32>
          %add3A_120 = arith.constant 1 : i32
          %add3A_121 = arith.addi %add3A_97, %add3A_120 : i32
          %dma_start3A_122 = arith.constant 0 : i32
          %dma_start3A_123 = arith.constant 0 : i32
          %dma_start3A_124 = tpu.memref_slice %arg6[%add3A_121, %dma_start3A_123] : memref<128x64xf32, #tpu.memory_space<vmem>> -> memref<1x64xf32, #tpu.memory_space<vmem>>
          %dma_start3A_125 = tpu.memref_squeeze %dma_start3A_124 : memref<1x64xf32, #tpu.memory_space<vmem>> -> memref<64xf32, #tpu.memory_space<vmem>>
          %dma_start3A_126 = arith.constant 0 : i32
          %dma_start3A_127 = tpu.memref_slice %arg2[%dma_start3A_122, %squeeze3A_119, %dma_start3A_126] : memref<1x1000000x64xf32, #tpu.memory_space<hbm>> -> memref<1x1x64xf32, #tpu.memory_space<hbm>>
          %dma_start3A_128 = tpu.memref_squeeze %dma_start3A_127 : memref<1x1x64xf32, #tpu.memory_space<hbm>> -> memref<64xf32, #tpu.memory_space<hbm>>
          %dma_start3A_129 = arith.constant 0 : i32
          %dma_start3A_130 = tpu.memref_slice %arg6[%add3A_121, %dma_start3A_129] : memref<128x64xf32, #tpu.memory_space<vmem>> -> memref<1x64xf32, #tpu.memory_space<vmem>>
          %dma_start3A_131 = tpu.memref_squeeze %dma_start3A_130 : memref<1x64xf32, #tpu.memory_space<vmem>> -> memref<64xf32, #tpu.memory_space<vmem>>
          %dma_start3A_132 = arith.constant 0 : i32
          %dma_start3A_133 = tpu.memref_slice %arg2[%dma_start3A_122, %squeeze3A_119, %dma_start3A_132] : memref<1x1000000x64xf32, #tpu.memory_space<hbm>> -> memref<1x1x64xf32, #tpu.memory_space<hbm>>
          %dma_start3A_134 = tpu.memref_squeeze %dma_start3A_133 : memref<1x1x64xf32, #tpu.memory_space<hbm>> -> memref<64xf32, #tpu.memory_space<hbm>>
          tpu.enqueue_dma source(%dma_start3A_134 : memref<64xf32, #tpu.memory_space<hbm>>) target(%dma_start3A_131 : memref<64xf32, #tpu.memory_space<vmem>>) target_semaphore(%arg10 : memref<!tpu.dma_semaphore, #tpu.memory_space<semaphore_mem>>)
          %slice3A_135 = vector.extract_strided_slice %get3A_102 {offsets = [2], sizes = [1], strides = [1]} : vector<16xi32> to vector<1xi32>
          %squeeze3A_136 = vector.extract %slice3A_135[0] : i32 from vector<1xi32>
          %add3A_137 = arith.constant 2 : i32
          %add3A_138 = arith.addi %add3A_97, %add3A_137 : i32
          %dma_start3A_139 = arith.constant 0 : i32
          %dma_start3A_140 = arith.constant 0 : i32
          %dma_start3A_141 = tpu.memref_slice %arg6[%add3A_138, %dma_start3A_140] : memref<128x64xf32, #tpu.memory_space<vmem>> -> memref<1x64xf32, #tpu.memory_space<vmem>>
          %dma_start3A_142 = tpu.memref_squeeze %dma_start3A_141 : memref<1x64xf32, #tpu.memory_space<vmem>> -> memref<64xf32, #tpu.memory_space<vmem>>
          %dma_start3A_143 = arith.constant 0 : i32
          %dma_start3A_144 = tpu.memref_slice %arg2[%dma_start3A_139, %squeeze3A_136, %dma_start3A_143] : memref<1x1000000x64xf32, #tpu.memory_space<hbm>> -> memref<1x1x64xf32, #tpu.memory_space<hbm>>
          %dma_start3A_145 = tpu.memref_squeeze %dma_start3A_144 : memref<1x1x64xf32, #tpu.memory_space<hbm>> -> memref<64xf32, #tpu.memory_space<hbm>>
          %dma_start3A_146 = arith.constant 0 : i32
          %dma_start3A_147 = tpu.memref_slice %arg6[%add3A_138, %dma_start3A_146] : memref<128x64xf32, #tpu.memory_space<vmem>> -> memref<1x64xf32, #tpu.memory_space<vmem>>
          %dma_start3A_148 = tpu.memref_squeeze %dma_start3A_147 : memref<1x64xf32, #tpu.memory_space<vmem>> -> memref<64xf32, #tpu.memory_space<vmem>>
          %dma_start3A_149 = arith.constant 0 : i32
          %dma_start3A_150 = tpu.memref_slice %arg2[%dma_start3A_139, %squeeze3A_136, %dma_start3A_149] : memref<1x1000000x64xf32, #tpu.memory_space<hbm>> -> memref<1x1x64xf32, #tpu.memory_space<hbm>>
          %dma_start3A_151 = tpu.memref_squeeze %dma_start3A_150 : memref<1x1x64xf32, #tpu.memory_space<hbm>> -> memref<64xf32, #tpu.memory_space<hbm>>
          tpu.enqueue_dma source(%dma_start3A_151 : memref<64xf32, #tpu.memory_space<hbm>>) target(%dma_start3A_148 : memref<64xf32, #tpu.memory_space<vmem>>) target_semaphore(%arg10 : memref<!tpu.dma_semaphore, #tpu.memory_space<semaphore_mem>>)
          %slice3A_152 = vector.extract_strided_slice %get3A_102 {offsets = [3], sizes = [1], strides = [1]} : vector<16xi32> to vector<1xi32>
          %squeeze3A_153 = vector.extract %slice3A_152[0] : i32 from vector<1xi32>
          %add3A_154 = arith.constant 3 : i32
          %add3A_155 = arith.addi %add3A_97, %add3A_154 : i32
          %dma_start3A_156 = arith.constant 0 : i32
          %dma_start3A_157 = arith.constant 0 : i32
          %dma_start3A_158 = tpu.memref_slice %arg6[%add3A_155, %dma_start3A_157] : memref<128x64xf32, #tpu.memory_space<vmem>> -> memref<1x64xf32, #tpu.memory_space<vmem>>
          %dma_start3A_159 = tpu.memref_squeeze %dma_start3A_158 : memref<1x64xf32, #tpu.memory_space<vmem>> -> memref<64xf32, #tpu.memory_space<vmem>>
          %dma_start3A_160 = arith.constant 0 : i32
          %dma_start3A_161 = tpu.memref_slice %arg2[%dma_start3A_156, %squeeze3A_153, %dma_start3A_160] : memref<1x1000000x64xf32, #tpu.memory_space<hbm>> -> memref<1x1x64xf32, #tpu.memory_space<hbm>>
          %dma_start3A_162 = tpu.memref_squeeze %dma_start3A_161 : memref<1x1x64xf32, #tpu.memory_space<hbm>> -> memref<64xf32, #tpu.memory_space<hbm>>
          %dma_start3A_163 = arith.constant 0 : i32
          %dma_start3A_164 = tpu.memref_slice %arg6[%add3A_155, %dma_start3A_163] : memref<128x64xf32, #tpu.memory_space<vmem>> -> memref<1x64xf32, #tpu.memory_space<vmem>>
          %dma_start3A_165 = tpu.memref_squeeze %dma_start3A_164 : memref<1x64xf32, #tpu.memory_space<vmem>> -> memref<64xf32, #tpu.memory_space<vmem>>
          %dma_start3A_166 = arith.constant 0 : i32
          %dma_start3A_167 = tpu.memref_slice %arg2[%dma_start3A_156, %squeeze3A_153, %dma_start3A_166] : memref<1x1000000x64xf32, #tpu.memory_space<hbm>> -> memref<1x1x64xf32, #tpu.memory_space<hbm>>
          %dma_start3A_168 = tpu.memref_squeeze %dma_start3A_167 : memref<1x1x64xf32, #tpu.memory_space<hbm>> -> memref<64xf32, #tpu.memory_space<hbm>>
          tpu.enqueue_dma source(%dma_start3A_168 : memref<64xf32, #tpu.memory_space<hbm>>) target(%dma_start3A_165 : memref<64xf32, #tpu.memory_space<vmem>>) target_semaphore(%arg10 : memref<!tpu.dma_semaphore, #tpu.memory_space<semaphore_mem>>)
          %slice3A_169 = vector.extract_strided_slice %get3A_102 {offsets = [4], sizes = [1], strides = [1]} : vector<16xi32> to vector<1xi32>
          %squeeze3A_170 = vector.extract %slice3A_169[0] : i32 from vector<1xi32>
          %add3A_171 = arith.constant 4 : i32
          %add3A_172 = arith.addi %add3A_97, %add3A_171 : i32
          %dma_start3A_173 = arith.constant 0 : i32
          %dma_start3A_174 = arith.constant 0 : i32
          %dma_start3A_175 = tpu.memref_slice %arg6[%add3A_172, %dma_start3A_174] : memref<128x64xf32, #tpu.memory_space<vmem>> -> memref<1x64xf32, #tpu.memory_space<vmem>>
          %dma_start3A_176 = tpu.memref_squeeze %dma_start3A_175 : memref<1x64xf32, #tpu.memory_space<vmem>> -> memref<64xf32, #tpu.memory_space<vmem>>
          %dma_start3A_177 = arith.constant 0 : i32
          %dma_start3A_178 = tpu.memref_slice %arg2[%dma_start3A_173, %squeeze3A_170, %dma_start3A_177] : memref<1x1000000x64xf32, #tpu.memory_space<hbm>> -> memref<1x1x64xf32, #tpu.memory_space<hbm>>
          %dma_start3A_179 = tpu.memref_squeeze %dma_start3A_178 : memref<1x1x64xf32, #tpu.memory_space<hbm>> -> memref<64xf32, #tpu.memory_space<hbm>>
          %dma_start3A_180 = arith.constant 0 : i32
          %dma_start3A_181 = tpu.memref_slice %arg6[%add3A_172, %dma_start3A_180] : memref<128x64xf32, #tpu.memory_space<vmem>> -> memref<1x64xf32, #tpu.memory_space<vmem>>
          %dma_start3A_182 = tpu.memref_squeeze %dma_start3A_181 : memref<1x64xf32, #tpu.memory_space<vmem>> -> memref<64xf32, #tpu.memory_space<vmem>>
          %dma_start3A_183 = arith.constant 0 : i32
          %dma_start3A_184 = tpu.memref_slice %arg2[%dma_start3A_173, %squeeze3A_170, %dma_start3A_183] : memref<1x1000000x64xf32, #tpu.memory_space<hbm>> -> memref<1x1x64xf32, #tpu.memory_space<hbm>>
          %dma_start3A_185 = tpu.memref_squeeze %dma_start3A_184 : memref<1x1x64xf32, #tpu.memory_space<hbm>> -> memref<64xf32, #tpu.memory_space<hbm>>
          tpu.enqueue_dma source(%dma_start3A_185 : memref<64xf32, #tpu.memory_space<hbm>>) target(%dma_start3A_182 : memref<64xf32, #tpu.memory_space<vmem>>) target_semaphore(%arg10 : memref<!tpu.dma_semaphore, #tpu.memory_space<semaphore_mem>>)
          %slice3A_186 = vector.extract_strided_slice %get3A_102 {offsets = [5], sizes = [1], strides = [1]} : vector<16xi32> to vector<1xi32>
          %squeeze3A_187 = vector.extract %slice3A_186[0] : i32 from vector<1xi32>
          %add3A_188 = arith.constant 5 : i32
          %add3A_189 = arith.addi %add3A_97, %add3A_188 : i32
          %dma_start3A_190 = arith.constant 0 : i32
          %dma_start3A_191 = arith.constant 0 : i32
          %dma_start3A_192 = tpu.memref_slice %arg6[%add3A_189, %dma_start3A_191] : memref<128x64xf32, #tpu.memory_space<vmem>> -> memref<1x64xf32, #tpu.memory_space<vmem>>
          %dma_start3A_193 = tpu.memref_squeeze %dma_start3A_192 : memref<1x64xf32, #tpu.memory_space<vmem>> -> memref<64xf32, #tpu.memory_space<vmem>>
          %dma_start3A_194 = arith.constant 0 : i32
          %dma_start3A_195 = tpu.memref_slice %arg2[%dma_start3A_190, %squeeze3A_187, %dma_start3A_194] : memref<1x1000000x64xf32, #tpu.memory_space<hbm>> -> memref<1x1x64xf32, #tpu.memory_space<hbm>>
          %dma_start3A_196 = tpu.memref_squeeze %dma_start3A_195 : memref<1x1x64xf32, #tpu.memory_space<hbm>> -> memref<64xf32, #tpu.memory_space<hbm>>
          %dma_start3A_197 = arith.constant 0 : i32
          %dma_start3A_198 = tpu.memref_slice %arg6[%add3A_189, %dma_start3A_197] : memref<128x64xf32, #tpu.memory_space<vmem>> -> memref<1x64xf32, #tpu.memory_space<vmem>>
          %dma_start3A_199 = tpu.memref_squeeze %dma_start3A_198 : memref<1x64xf32, #tpu.memory_space<vmem>> -> memref<64xf32, #tpu.memory_space<vmem>>
          %dma_start3A_200 = arith.constant 0 : i32
          %dma_start3A_201 = tpu.memref_slice %arg2[%dma_start3A_190, %squeeze3A_187, %dma_start3A_200] : memref<1x1000000x64xf32, #tpu.memory_space<hbm>> -> memref<1x1x64xf32, #tpu.memory_space<hbm>>
          %dma_start3A_202 = tpu.memref_squeeze %dma_start3A_201 : memref<1x1x64xf32, #tpu.memory_space<hbm>> -> memref<64xf32, #tpu.memory_space<hbm>>
          tpu.enqueue_dma source(%dma_start3A_202 : memref<64xf32, #tpu.memory_space<hbm>>) target(%dma_start3A_199 : memref<64xf32, #tpu.memory_space<vmem>>) target_semaphore(%arg10 : memref<!tpu.dma_semaphore, #tpu.memory_space<semaphore_mem>>)
          %slice3A_203 = vector.extract_strided_slice %get3A_102 {offsets = [6], sizes = [1], strides = [1]} : vector<16xi32> to vector<1xi32>
          %squeeze3A_204 = vector.extract %slice3A_203[0] : i32 from vector<1xi32>
          %add3A_205 = arith.constant 6 : i32
          %add3A_206 = arith.addi %add3A_97, %add3A_205 : i32
          %dma_start3A_207 = arith.constant 0 : i32
          %dma_start3A_208 = arith.constant 0 : i32
          %dma_start3A_209 = tpu.memref_slice %arg6[%add3A_206, %dma_start3A_208] : memref<128x64xf32, #tpu.memory_space<vmem>> -> memref<1x64xf32, #tpu.memory_space<vmem>>
          %dma_start3A_210 = tpu.memref_squeeze %dma_start3A_209 : memref<1x64xf32, #tpu.memory_space<vmem>> -> memref<64xf32, #tpu.memory_space<vmem>>
          %dma_start3A_211 = arith.constant 0 : i32
          %dma_start3A_212 = tpu.memref_slice %arg2[%dma_start3A_207, %squeeze3A_204, %dma_start3A_211] : memref<1x1000000x64xf32, #tpu.memory_space<hbm>> -> memref<1x1x64xf32, #tpu.memory_space<hbm>>
          %dma_start3A_213 = tpu.memref_squeeze %dma_start3A_212 : memref<1x1x64xf32, #tpu.memory_space<hbm>> -> memref<64xf32, #tpu.memory_space<hbm>>
          %dma_start3A_214 = arith.constant 0 : i32
          %dma_start3A_215 = tpu.memref_slice %arg6[%add3A_206, %dma_start3A_214] : memref<128x64xf32, #tpu.memory_space<vmem>> -> memref<1x64xf32, #tpu.memory_space<vmem>>
          %dma_start3A_216 = tpu.memref_squeeze %dma_start3A_215 : memref<1x64xf32, #tpu.memory_space<vmem>> -> memref<64xf32, #tpu.memory_space<vmem>>
          %dma_start3A_217 = arith.constant 0 : i32
          %dma_start3A_218 = tpu.memref_slice %arg2[%dma_start3A_207, %squeeze3A_204, %dma_start3A_217] : memref<1x1000000x64xf32, #tpu.memory_space<hbm>> -> memref<1x1x64xf32, #tpu.memory_space<hbm>>
          %dma_start3A_219 = tpu.memref_squeeze %dma_start3A_218 : memref<1x1x64xf32, #tpu.memory_space<hbm>> -> memref<64xf32, #tpu.memory_space<hbm>>
          tpu.enqueue_dma source(%dma_start3A_219 : memref<64xf32, #tpu.memory_space<hbm>>) target(%dma_start3A_216 : memref<64xf32, #tpu.memory_space<vmem>>) target_semaphore(%arg10 : memref<!tpu.dma_semaphore, #tpu.memory_space<semaphore_mem>>)
          %slice3A_220 = vector.extract_strided_slice %get3A_102 {offsets = [7], sizes = [1], strides = [1]} : vector<16xi32> to vector<1xi32>
          %squeeze3A_221 = vector.extract %slice3A_220[0] : i32 from vector<1xi32>
          %add3A_222 = arith.constant 7 : i32
          %add3A_223 = arith.addi %add3A_97, %add3A_222 : i32
          %dma_start3A_224 = arith.constant 0 : i32
          %dma_start3A_225 = arith.constant 0 : i32
          %dma_start3A_226 = tpu.memref_slice %arg6[%add3A_223, %dma_start3A_225] : memref<128x64xf32, #tpu.memory_space<vmem>> -> memref<1x64xf32, #tpu.memory_space<vmem>>
          %dma_start3A_227 = tpu.memref_squeeze %dma_start3A_226 : memref<1x64xf32, #tpu.memory_space<vmem>> -> memref<64xf32, #tpu.memory_space<vmem>>
          %dma_start3A_228 = arith.constant 0 : i32
          %dma_start3A_229 = tpu.memref_slice %arg2[%dma_start3A_224, %squeeze3A_221, %dma_start3A_228] : memref<1x1000000x64xf32, #tpu.memory_space<hbm>> -> memref<1x1x64xf32, #tpu.memory_space<hbm>>
          %dma_start3A_230 = tpu.memref_squeeze %dma_start3A_229 : memref<1x1x64xf32, #tpu.memory_space<hbm>> -> memref<64xf32, #tpu.memory_space<hbm>>
          %dma_start3A_231 = arith.constant 0 : i32
          %dma_start3A_232 = tpu.memref_slice %arg6[%add3A_223, %dma_start3A_231] : memref<128x64xf32, #tpu.memory_space<vmem>> -> memref<1x64xf32, #tpu.memory_space<vmem>>
          %dma_start3A_233 = tpu.memref_squeeze %dma_start3A_232 : memref<1x64xf32, #tpu.memory_space<vmem>> -> memref<64xf32, #tpu.memory_space<vmem>>
          %dma_start3A_234 = arith.constant 0 : i32
          %dma_start3A_235 = tpu.memref_slice %arg2[%dma_start3A_224, %squeeze3A_221, %dma_start3A_234] : memref<1x1000000x64xf32, #tpu.memory_space<hbm>> -> memref<1x1x64xf32, #tpu.memory_space<hbm>>
          %dma_start3A_236 = tpu.memref_squeeze %dma_start3A_235 : memref<1x1x64xf32, #tpu.memory_space<hbm>> -> memref<64xf32, #tpu.memory_space<hbm>>
          tpu.enqueue_dma source(%dma_start3A_236 : memref<64xf32, #tpu.memory_space<hbm>>) target(%dma_start3A_233 : memref<64xf32, #tpu.memory_space<vmem>>) target_semaphore(%arg10 : memref<!tpu.dma_semaphore, #tpu.memory_space<semaphore_mem>>)
          %slice3A_237 = vector.extract_strided_slice %get3A_102 {offsets = [8], sizes = [1], strides = [1]} : vector<16xi32> to vector<1xi32>
          %squeeze3A_238 = vector.extract %slice3A_237[0] : i32 from vector<1xi32>
          %add3A_239 = arith.constant 8 : i32
          %add3A_240 = arith.addi %add3A_97, %add3A_239 : i32
          %dma_start3A_241 = arith.constant 0 : i32
          %dma_start3A_242 = arith.constant 0 : i32
          %dma_start3A_243 = tpu.memref_slice %arg6[%add3A_240, %dma_start3A_242] : memref<128x64xf32, #tpu.memory_space<vmem>> -> memref<1x64xf32, #tpu.memory_space<vmem>>
          %dma_start3A_244 = tpu.memref_squeeze %dma_start3A_243 : memref<1x64xf32, #tpu.memory_space<vmem>> -> memref<64xf32, #tpu.memory_space<vmem>>
          %dma_start3A_245 = arith.constant 0 : i32
          %dma_start3A_246 = tpu.memref_slice %arg2[%dma_start3A_241, %squeeze3A_238, %dma_start3A_245] : memref<1x1000000x64xf32, #tpu.memory_space<hbm>> -> memref<1x1x64xf32, #tpu.memory_space<hbm>>
          %dma_start3A_247 = tpu.memref_squeeze %dma_start3A_246 : memref<1x1x64xf32, #tpu.memory_space<hbm>> -> memref<64xf32, #tpu.memory_space<hbm>>
          %dma_start3A_248 = arith.constant 0 : i32
          %dma_start3A_249 = tpu.memref_slice %arg6[%add3A_240, %dma_start3A_248] : memref<128x64xf32, #tpu.memory_space<vmem>> -> memref<1x64xf32, #tpu.memory_space<vmem>>
          %dma_start3A_250 = tpu.memref_squeeze %dma_start3A_249 : memref<1x64xf32, #tpu.memory_space<vmem>> -> memref<64xf32, #tpu.memory_space<vmem>>
          %dma_start3A_251 = arith.constant 0 : i32
          %dma_start3A_252 = tpu.memref_slice %arg2[%dma_start3A_241, %squeeze3A_238, %dma_start3A_251] : memref<1x1000000x64xf32, #tpu.memory_space<hbm>> -> memref<1x1x64xf32, #tpu.memory_space<hbm>>
          %dma_start3A_253 = tpu.memref_squeeze %dma_start3A_252 : memref<1x1x64xf32, #tpu.memory_space<hbm>> -> memref<64xf32, #tpu.memory_space<hbm>>
          tpu.enqueue_dma source(%dma_start3A_253 : memref<64xf32, #tpu.memory_space<hbm>>) target(%dma_start3A_250 : memref<64xf32, #tpu.memory_space<vmem>>) target_semaphore(%arg10 : memref<!tpu.dma_semaphore, #tpu.memory_space<semaphore_mem>>)
          %slice3A_254 = vector.extract_strided_slice %get3A_102 {offsets = [9], sizes = [1], strides = [1]} : vector<16xi32> to vector<1xi32>
          %squeeze3A_255 = vector.extract %slice3A_254[0] : i32 from vector<1xi32>
          %add3A_256 = arith.constant 9 : i32
          %add3A_257 = arith.addi %add3A_97, %add3A_256 : i32
          %dma_start3A_258 = arith.constant 0 : i32
          %dma_start3A_259 = arith.constant 0 : i32
          %dma_start3A_260 = tpu.memref_slice %arg6[%add3A_257, %dma_start3A_259] : memref<128x64xf32, #tpu.memory_space<vmem>> -> memref<1x64xf32, #tpu.memory_space<vmem>>
          %dma_start3A_261 = tpu.memref_squeeze %dma_start3A_260 : memref<1x64xf32, #tpu.memory_space<vmem>> -> memref<64xf32, #tpu.memory_space<vmem>>
          %dma_start3A_262 = arith.constant 0 : i32
          %dma_start3A_263 = tpu.memref_slice %arg2[%dma_start3A_258, %squeeze3A_255, %dma_start3A_262] : memref<1x1000000x64xf32, #tpu.memory_space<hbm>> -> memref<1x1x64xf32, #tpu.memory_space<hbm>>
          %dma_start3A_264 = tpu.memref_squeeze %dma_start3A_263 : memref<1x1x64xf32, #tpu.memory_space<hbm>> -> memref<64xf32, #tpu.memory_space<hbm>>
          %dma_start3A_265 = arith.constant 0 : i32
          %dma_start3A_266 = tpu.memref_slice %arg6[%add3A_257, %dma_start3A_265] : memref<128x64xf32, #tpu.memory_space<vmem>> -> memref<1x64xf32, #tpu.memory_space<vmem>>
          %dma_start3A_267 = tpu.memref_squeeze %dma_start3A_266 : memref<1x64xf32, #tpu.memory_space<vmem>> -> memref<64xf32, #tpu.memory_space<vmem>>
          %dma_start3A_268 = arith.constant 0 : i32
          %dma_start3A_269 = tpu.memref_slice %arg2[%dma_start3A_258, %squeeze3A_255, %dma_start3A_268] : memref<1x1000000x64xf32, #tpu.memory_space<hbm>> -> memref<1x1x64xf32, #tpu.memory_space<hbm>>
          %dma_start3A_270 = tpu.memref_squeeze %dma_start3A_269 : memref<1x1x64xf32, #tpu.memory_space<hbm>> -> memref<64xf32, #tpu.memory_space<hbm>>
          tpu.enqueue_dma source(%dma_start3A_270 : memref<64xf32, #tpu.memory_space<hbm>>) target(%dma_start3A_267 : memref<64xf32, #tpu.memory_space<vmem>>) target_semaphore(%arg10 : memref<!tpu.dma_semaphore, #tpu.memory_space<semaphore_mem>>)
          %slice3A_271 = vector.extract_strided_slice %get3A_102 {offsets = [10], sizes = [1], strides = [1]} : vector<16xi32> to vector<1xi32>
          %squeeze3A_272 = vector.extract %slice3A_271[0] : i32 from vector<1xi32>
          %add3A_273 = arith.constant 10 : i32
          %add3A_274 = arith.addi %add3A_97, %add3A_273 : i32
          %dma_start3A_275 = arith.constant 0 : i32
          %dma_start3A_276 = arith.constant 0 : i32
          %dma_start3A_277 = tpu.memref_slice %arg6[%add3A_274, %dma_start3A_276] : memref<128x64xf32, #tpu.memory_space<vmem>> -> memref<1x64xf32, #tpu.memory_space<vmem>>
          %dma_start3A_278 = tpu.memref_squeeze %dma_start3A_277 : memref<1x64xf32, #tpu.memory_space<vmem>> -> memref<64xf32, #tpu.memory_space<vmem>>
          %dma_start3A_279 = arith.constant 0 : i32
          %dma_start3A_280 = tpu.memref_slice %arg2[%dma_start3A_275, %squeeze3A_272, %dma_start3A_279] : memref<1x1000000x64xf32, #tpu.memory_space<hbm>> -> memref<1x1x64xf32, #tpu.memory_space<hbm>>
          %dma_start3A_281 = tpu.memref_squeeze %dma_start3A_280 : memref<1x1x64xf32, #tpu.memory_space<hbm>> -> memref<64xf32, #tpu.memory_space<hbm>>
          %dma_start3A_282 = arith.constant 0 : i32
          %dma_start3A_283 = tpu.memref_slice %arg6[%add3A_274, %dma_start3A_282] : memref<128x64xf32, #tpu.memory_space<vmem>> -> memref<1x64xf32, #tpu.memory_space<vmem>>
          %dma_start3A_284 = tpu.memref_squeeze %dma_start3A_283 : memref<1x64xf32, #tpu.memory_space<vmem>> -> memref<64xf32, #tpu.memory_space<vmem>>
          %dma_start3A_285 = arith.constant 0 : i32
          %dma_start3A_286 = tpu.memref_slice %arg2[%dma_start3A_275, %squeeze3A_272, %dma_start3A_285] : memref<1x1000000x64xf32, #tpu.memory_space<hbm>> -> memref<1x1x64xf32, #tpu.memory_space<hbm>>
          %dma_start3A_287 = tpu.memref_squeeze %dma_start3A_286 : memref<1x1x64xf32, #tpu.memory_space<hbm>> -> memref<64xf32, #tpu.memory_space<hbm>>
          tpu.enqueue_dma source(%dma_start3A_287 : memref<64xf32, #tpu.memory_space<hbm>>) target(%dma_start3A_284 : memref<64xf32, #tpu.memory_space<vmem>>) target_semaphore(%arg10 : memref<!tpu.dma_semaphore, #tpu.memory_space<semaphore_mem>>)
          %slice3A_288 = vector.extract_strided_slice %get3A_102 {offsets = [11], sizes = [1], strides = [1]} : vector<16xi32> to vector<1xi32>
          %squeeze3A_289 = vector.extract %slice3A_288[0] : i32 from vector<1xi32>
          %add3A_290 = arith.constant 11 : i32
          %add3A_291 = arith.addi %add3A_97, %add3A_290 : i32
          %dma_start3A_292 = arith.constant 0 : i32
          %dma_start3A_293 = arith.constant 0 : i32
          %dma_start3A_294 = tpu.memref_slice %arg6[%add3A_291, %dma_start3A_293] : memref<128x64xf32, #tpu.memory_space<vmem>> -> memref<1x64xf32, #tpu.memory_space<vmem>>
          %dma_start3A_295 = tpu.memref_squeeze %dma_start3A_294 : memref<1x64xf32, #tpu.memory_space<vmem>> -> memref<64xf32, #tpu.memory_space<vmem>>
          %dma_start3A_296 = arith.constant 0 : i32
          %dma_start3A_297 = tpu.memref_slice %arg2[%dma_start3A_292, %squeeze3A_289, %dma_start3A_296] : memref<1x1000000x64xf32, #tpu.memory_space<hbm>> -> memref<1x1x64xf32, #tpu.memory_space<hbm>>
          %dma_start3A_298 = tpu.memref_squeeze %dma_start3A_297 : memref<1x1x64xf32, #tpu.memory_space<hbm>> -> memref<64xf32, #tpu.memory_space<hbm>>
          %dma_start3A_299 = arith.constant 0 : i32
          %dma_start3A_300 = tpu.memref_slice %arg6[%add3A_291, %dma_start3A_299] : memref<128x64xf32, #tpu.memory_space<vmem>> -> memref<1x64xf32, #tpu.memory_space<vmem>>
          %dma_start3A_301 = tpu.memref_squeeze %dma_start3A_300 : memref<1x64xf32, #tpu.memory_space<vmem>> -> memref<64xf32, #tpu.memory_space<vmem>>
          %dma_start3A_302 = arith.constant 0 : i32
          %dma_start3A_303 = tpu.memref_slice %arg2[%dma_start3A_292, %squeeze3A_289, %dma_start3A_302] : memref<1x1000000x64xf32, #tpu.memory_space<hbm>> -> memref<1x1x64xf32, #tpu.memory_space<hbm>>
          %dma_start3A_304 = tpu.memref_squeeze %dma_start3A_303 : memref<1x1x64xf32, #tpu.memory_space<hbm>> -> memref<64xf32, #tpu.memory_space<hbm>>
          tpu.enqueue_dma source(%dma_start3A_304 : memref<64xf32, #tpu.memory_space<hbm>>) target(%dma_start3A_301 : memref<64xf32, #tpu.memory_space<vmem>>) target_semaphore(%arg10 : memref<!tpu.dma_semaphore, #tpu.memory_space<semaphore_mem>>)
          %slice3A_305 = vector.extract_strided_slice %get3A_102 {offsets = [12], sizes = [1], strides = [1]} : vector<16xi32> to vector<1xi32>
          %squeeze3A_306 = vector.extract %slice3A_305[0] : i32 from vector<1xi32>
          %add3A_307 = arith.constant 12 : i32
          %add3A_308 = arith.addi %add3A_97, %add3A_307 : i32
          %dma_start3A_309 = arith.constant 0 : i32
          %dma_start3A_310 = arith.constant 0 : i32
          %dma_start3A_311 = tpu.memref_slice %arg6[%add3A_308, %dma_start3A_310] : memref<128x64xf32, #tpu.memory_space<vmem>> -> memref<1x64xf32, #tpu.memory_space<vmem>>
          %dma_start3A_312 = tpu.memref_squeeze %dma_start3A_311 : memref<1x64xf32, #tpu.memory_space<vmem>> -> memref<64xf32, #tpu.memory_space<vmem>>
          %dma_start3A_313 = arith.constant 0 : i32
          %dma_start3A_314 = tpu.memref_slice %arg2[%dma_start3A_309, %squeeze3A_306, %dma_start3A_313] : memref<1x1000000x64xf32, #tpu.memory_space<hbm>> -> memref<1x1x64xf32, #tpu.memory_space<hbm>>
          %dma_start3A_315 = tpu.memref_squeeze %dma_start3A_314 : memref<1x1x64xf32, #tpu.memory_space<hbm>> -> memref<64xf32, #tpu.memory_space<hbm>>
          %dma_start3A_316 = arith.constant 0 : i32
          %dma_start3A_317 = tpu.memref_slice %arg6[%add3A_308, %dma_start3A_316] : memref<128x64xf32, #tpu.memory_space<vmem>> -> memref<1x64xf32, #tpu.memory_space<vmem>>
          %dma_start3A_318 = tpu.memref_squeeze %dma_start3A_317 : memref<1x64xf32, #tpu.memory_space<vmem>> -> memref<64xf32, #tpu.memory_space<vmem>>
          %dma_start3A_319 = arith.constant 0 : i32
          %dma_start3A_320 = tpu.memref_slice %arg2[%dma_start3A_309, %squeeze3A_306, %dma_start3A_319] : memref<1x1000000x64xf32, #tpu.memory_space<hbm>> -> memref<1x1x64xf32, #tpu.memory_space<hbm>>
          %dma_start3A_321 = tpu.memref_squeeze %dma_start3A_320 : memref<1x1x64xf32, #tpu.memory_space<hbm>> -> memref<64xf32, #tpu.memory_space<hbm>>
          tpu.enqueue_dma source(%dma_start3A_321 : memref<64xf32, #tpu.memory_space<hbm>>) target(%dma_start3A_318 : memref<64xf32, #tpu.memory_space<vmem>>) target_semaphore(%arg10 : memref<!tpu.dma_semaphore, #tpu.memory_space<semaphore_mem>>)
          %slice3A_322 = vector.extract_strided_slice %get3A_102 {offsets = [13], sizes = [1], strides = [1]} : vector<16xi32> to vector<1xi32>
          %squeeze3A_323 = vector.extract %slice3A_322[0] : i32 from vector<1xi32>
          %add3A_324 = arith.constant 13 : i32
          %add3A_325 = arith.addi %add3A_97, %add3A_324 : i32
          %dma_start3A_326 = arith.constant 0 : i32
          %dma_start3A_327 = arith.constant 0 : i32
          %dma_start3A_328 = tpu.memref_slice %arg6[%add3A_325, %dma_start3A_327] : memref<128x64xf32, #tpu.memory_space<vmem>> -> memref<1x64xf32, #tpu.memory_space<vmem>>
          %dma_start3A_329 = tpu.memref_squeeze %dma_start3A_328 : memref<1x64xf32, #tpu.memory_space<vmem>> -> memref<64xf32, #tpu.memory_space<vmem>>
          %dma_start3A_330 = arith.constant 0 : i32
          %dma_start3A_331 = tpu.memref_slice %arg2[%dma_start3A_326, %squeeze3A_323, %dma_start3A_330] : memref<1x1000000x64xf32, #tpu.memory_space<hbm>> -> memref<1x1x64xf32, #tpu.memory_space<hbm>>
          %dma_start3A_332 = tpu.memref_squeeze %dma_start3A_331 : memref<1x1x64xf32, #tpu.memory_space<hbm>> -> memref<64xf32, #tpu.memory_space<hbm>>
          %dma_start3A_333 = arith.constant 0 : i32
          %dma_start3A_334 = tpu.memref_slice %arg6[%add3A_325, %dma_start3A_333] : memref<128x64xf32, #tpu.memory_space<vmem>> -> memref<1x64xf32, #tpu.memory_space<vmem>>
          %dma_start3A_335 = tpu.memref_squeeze %dma_start3A_334 : memref<1x64xf32, #tpu.memory_space<vmem>> -> memref<64xf32, #tpu.memory_space<vmem>>
          %dma_start3A_336 = arith.constant 0 : i32
          %dma_start3A_337 = tpu.memref_slice %arg2[%dma_start3A_326, %squeeze3A_323, %dma_start3A_336] : memref<1x1000000x64xf32, #tpu.memory_space<hbm>> -> memref<1x1x64xf32, #tpu.memory_space<hbm>>
          %dma_start3A_338 = tpu.memref_squeeze %dma_start3A_337 : memref<1x1x64xf32, #tpu.memory_space<hbm>> -> memref<64xf32, #tpu.memory_space<hbm>>
          tpu.enqueue_dma source(%dma_start3A_338 : memref<64xf32, #tpu.memory_space<hbm>>) target(%dma_start3A_335 : memref<64xf32, #tpu.memory_space<vmem>>) target_semaphore(%arg10 : memref<!tpu.dma_semaphore, #tpu.memory_space<semaphore_mem>>)
          %slice3A_339 = vector.extract_strided_slice %get3A_102 {offsets = [14], sizes = [1], strides = [1]} : vector<16xi32> to vector<1xi32>
          %squeeze3A_340 = vector.extract %slice3A_339[0] : i32 from vector<1xi32>
          %add3A_341 = arith.constant 14 : i32
          %add3A_342 = arith.addi %add3A_97, %add3A_341 : i32
          %dma_start3A_343 = arith.constant 0 : i32
          %dma_start3A_344 = arith.constant 0 : i32
          %dma_start3A_345 = tpu.memref_slice %arg6[%add3A_342, %dma_start3A_344] : memref<128x64xf32, #tpu.memory_space<vmem>> -> memref<1x64xf32, #tpu.memory_space<vmem>>
          %dma_start3A_346 = tpu.memref_squeeze %dma_start3A_345 : memref<1x64xf32, #tpu.memory_space<vmem>> -> memref<64xf32, #tpu.memory_space<vmem>>
          %dma_start3A_347 = arith.constant 0 : i32
          %dma_start3A_348 = tpu.memref_slice %arg2[%dma_start3A_343, %squeeze3A_340, %dma_start3A_347] : memref<1x1000000x64xf32, #tpu.memory_space<hbm>> -> memref<1x1x64xf32, #tpu.memory_space<hbm>>
          %dma_start3A_349 = tpu.memref_squeeze %dma_start3A_348 : memref<1x1x64xf32, #tpu.memory_space<hbm>> -> memref<64xf32, #tpu.memory_space<hbm>>
          %dma_start3A_350 = arith.constant 0 : i32
          %dma_start3A_351 = tpu.memref_slice %arg6[%add3A_342, %dma_start3A_350] : memref<128x64xf32, #tpu.memory_space<vmem>> -> memref<1x64xf32, #tpu.memory_space<vmem>>
          %dma_start3A_352 = tpu.memref_squeeze %dma_start3A_351 : memref<1x64xf32, #tpu.memory_space<vmem>> -> memref<64xf32, #tpu.memory_space<vmem>>
          %dma_start3A_353 = arith.constant 0 : i32
          %dma_start3A_354 = tpu.memref_slice %arg2[%dma_start3A_343, %squeeze3A_340, %dma_start3A_353] : memref<1x1000000x64xf32, #tpu.memory_space<hbm>> -> memref<1x1x64xf32, #tpu.memory_space<hbm>>
          %dma_start3A_355 = tpu.memref_squeeze %dma_start3A_354 : memref<1x1x64xf32, #tpu.memory_space<hbm>> -> memref<64xf32, #tpu.memory_space<hbm>>
          tpu.enqueue_dma source(%dma_start3A_355 : memref<64xf32, #tpu.memory_space<hbm>>) target(%dma_start3A_352 : memref<64xf32, #tpu.memory_space<vmem>>) target_semaphore(%arg10 : memref<!tpu.dma_semaphore, #tpu.memory_space<semaphore_mem>>)
          %slice3A_356 = vector.extract_strided_slice %get3A_102 {offsets = [15], sizes = [1], strides = [1]} : vector<16xi32> to vector<1xi32>
          %squeeze3A_357 = vector.extract %slice3A_356[0] : i32 from vector<1xi32>
          %add3A_358 = arith.constant 15 : i32
          %add3A_359 = arith.addi %add3A_97, %add3A_358 : i32
          %dma_start3A_360 = arith.constant 0 : i32
          %dma_start3A_361 = arith.constant 0 : i32
          %dma_start3A_362 = tpu.memref_slice %arg6[%add3A_359, %dma_start3A_361] : memref<128x64xf32, #tpu.memory_space<vmem>> -> memref<1x64xf32, #tpu.memory_space<vmem>>
          %dma_start3A_363 = tpu.memref_squeeze %dma_start3A_362 : memref<1x64xf32, #tpu.memory_space<vmem>> -> memref<64xf32, #tpu.memory_space<vmem>>
          %dma_start3A_364 = arith.constant 0 : i32
          %dma_start3A_365 = tpu.memref_slice %arg2[%dma_start3A_360, %squeeze3A_357, %dma_start3A_364] : memref<1x1000000x64xf32, #tpu.memory_space<hbm>> -> memref<1x1x64xf32, #tpu.memory_space<hbm>>
          %dma_start3A_366 = tpu.memref_squeeze %dma_start3A_365 : memref<1x1x64xf32, #tpu.memory_space<hbm>> -> memref<64xf32, #tpu.memory_space<hbm>>
          %dma_start3A_367 = arith.constant 0 : i32
          %dma_start3A_368 = tpu.memref_slice %arg6[%add3A_359, %dma_start3A_367] : memref<128x64xf32, #tpu.memory_space<vmem>> -> memref<1x64xf32, #tpu.memory_space<vmem>>
          %dma_start3A_369 = tpu.memref_squeeze %dma_start3A_368 : memref<1x64xf32, #tpu.memory_space<vmem>> -> memref<64xf32, #tpu.memory_space<vmem>>
          %dma_start3A_370 = arith.constant 0 : i32
          %dma_start3A_371 = tpu.memref_slice %arg2[%dma_start3A_360, %squeeze3A_357, %dma_start3A_370] : memref<1x1000000x64xf32, #tpu.memory_space<hbm>> -> memref<1x1x64xf32, #tpu.memory_space<hbm>>
          %dma_start3A_372 = tpu.memref_squeeze %dma_start3A_371 : memref<1x1x64xf32, #tpu.memory_space<hbm>> -> memref<64xf32, #tpu.memory_space<hbm>>
          tpu.enqueue_dma source(%dma_start3A_372 : memref<64xf32, #tpu.memory_space<hbm>>) target(%dma_start3A_369 : memref<64xf32, #tpu.memory_space<vmem>>) target_semaphore(%arg10 : memref<!tpu.dma_semaphore, #tpu.memory_space<semaphore_mem>>)
        }
        %scan3A_92 = arith.constant 8 : i32
      } else {
      }
      %mul3A_49 = arith.constant 128 : i32
      %mul3A_50 = arith.muli %add3A_30, %mul3A_49 : i32
      %add3A_51 = arith.addi %mul3A_2, %mul3A_50 : i32
      %dma_start3A = arith.constant 0 : i32
      %dma_start3A_52 = tpu.memref_slice %arg4[%add3A_51, %dma_start3A] : memref<819200x64xf32, #tpu.memory_space<hbm>> -> memref<128x64xf32, #tpu.memory_space<hbm>>
      %dma_start3A_53 = arith.constant 0 : i32
      %dma_start3A_54 = tpu.memref_slice %arg4[%add3A_51, %dma_start3A_53] : memref<819200x64xf32, #tpu.memory_space<hbm>> -> memref<128x64xf32, #tpu.memory_space<hbm>>
      tpu.enqueue_dma source(%arg8 : memref<128x64xf32, #tpu.memory_space<vmem>>) target(%dma_start3A_54 : memref<128x64xf32, #tpu.memory_space<hbm>>) target_semaphore(%arg12 : memref<!tpu.dma_semaphore, #tpu.memory_space<semaphore_mem>>)
      %add3A_55 = arith.constant 1 : i32
      %add3A_56 = arith.addi %add3A_28, %add3A_55 : i32
      %scan3A_57 = arith.constant 0 : i32
      %scan3A_58 = arith.constant 128 : i32
      %scan3A_59 = arith.addi %scan3A_57, %scan3A_58 : i32
      %scan3A_60 = arith.constant 1 : i32
      scf.for %scan3A_86 = %scan3A_57 to %scan3A_59 step %scan3A_60  : i32 {
        %mul3A_87 = arith.constant 1 : i32
        %mul3A_88 = arith.muli %scan3A_86, %mul3A_87 : i32
        %add3A_89 = arith.constant 0 : i32
        %add3A_90 = arith.addi %add3A_89, %mul3A_88 : i32
        %dma_wait3A_91 = arith.constant 0 : i32
        %dma_wait3A_92 = arith.constant 0 : i32
        %dma_wait3A_93 = arith.constant 0 : i32
        %dma_wait3A_94 = arith.constant 0 : i32
        %dma_wait3A_95 = tpu.memref_slice %arg7[%dma_wait3A_93, %dma_wait3A_94] : memref<128x64xf32, #tpu.memory_space<vmem>> -> memref<1x64xf32, #tpu.memory_space<vmem>>
        %dma_wait3A_96 = tpu.memref_squeeze %dma_wait3A_95 : memref<1x64xf32, #tpu.memory_space<vmem>> -> memref<64xf32, #tpu.memory_space<vmem>>
        %dma_wait3A_97 = arith.constant 0 : i32
        %dma_wait3A_98 = tpu.memref_slice %arg2[%dma_wait3A_91, %dma_wait3A_92, %dma_wait3A_97] : memref<1x1000000x64xf32, #tpu.memory_space<hbm>> -> memref<1x1x64xf32, #tpu.memory_space<hbm>>
        %dma_wait3A_99 = tpu.memref_squeeze %dma_wait3A_98 : memref<1x1x64xf32, #tpu.memory_space<hbm>> -> memref<64xf32, #tpu.memory_space<hbm>>
        %dma_wait3A_100 = arith.constant 0 : i32
        %dma_wait3A_101 = tpu.memref_slice %arg7[%dma_wait3A_93, %dma_wait3A_100] : memref<128x64xf32, #tpu.memory_space<vmem>> -> memref<1x64xf32, #tpu.memory_space<vmem>>
        %dma_wait3A_102 = tpu.memref_squeeze %dma_wait3A_101 : memref<1x64xf32, #tpu.memory_space<vmem>> -> memref<64xf32, #tpu.memory_space<vmem>>
        %dma_wait3A_103 = arith.constant 0 : i32
        %dma_wait3A_104 = tpu.memref_slice %arg2[%dma_wait3A_91, %dma_wait3A_92, %dma_wait3A_103] : memref<1x1000000x64xf32, #tpu.memory_space<hbm>> -> memref<1x1x64xf32, #tpu.memory_space<hbm>>
        %dma_wait3A_105 = tpu.memref_squeeze %dma_wait3A_104 : memref<1x1x64xf32, #tpu.memory_space<hbm>> -> memref<64xf32, #tpu.memory_space<hbm>>
        tpu.wait_dma2 semaphore(%arg11 : memref<!tpu.dma_semaphore, #tpu.memory_space<semaphore_mem>>) src(%dma_wait3A_105 : memref<64xf32, #tpu.memory_space<hbm>>) dst(%dma_wait3A_102 : memref<64xf32, #tpu.memory_space<vmem>>)
      }
      %scan3A_61 = arith.constant 128 : i32
      %ge3A_62 = arith.constant 2 : i32
      %ge3A_63 = arith.cmpi sge, %add3A_56, %ge3A_62 : i32
      %convert_element_type3A_64 = arith.extui %ge3A_63 : i1 to i32
      %cond3A_65 = arith.constant 0 : i32
      %cond3A_66 = arith.cmpi ne, %convert_element_type3A_64, %cond3A_65 : i32
      scf.if %cond3A_66 {
        %dma_wait3A_86 = arith.constant 0 : i32
        %dma_wait3A_87 = tpu.memref_slice %arg4[%mul3A_2, %dma_wait3A_86] : memref<819200x64xf32, #tpu.memory_space<hbm>> -> memref<128x64xf32, #tpu.memory_space<hbm>>
        %dma_wait3A_88 = arith.constant 0 : i32
        %dma_wait3A_89 = tpu.memref_slice %arg4[%mul3A_2, %dma_wait3A_88] : memref<819200x64xf32, #tpu.memory_space<hbm>> -> memref<128x64xf32, #tpu.memory_space<hbm>>
        tpu.wait_dma2 semaphore(%arg13 : memref<!tpu.dma_semaphore, #tpu.memory_space<semaphore_mem>>) src(%arg9 : memref<128x64xf32, #tpu.memory_space<vmem>>) dst(%dma_wait3A_89 : memref<128x64xf32, #tpu.memory_space<hbm>>)
      } else {
      }
      %scan3A_67 = arith.constant 0 : i32
      %scan3A_68 = arith.constant 16 : i32
      %scan3A_69 = arith.addi %scan3A_67, %scan3A_68 : i32
      %scan3A_70 = arith.constant 1 : i32
      scf.for %scan3A_86 = %scan3A_67 to %scan3A_69 step %scan3A_70  : i32 {
        %mul3A_87 = arith.constant 8 : i32
        %mul3A_88 = arith.muli %scan3A_86, %mul3A_87 : i32
        %add3A_89 = arith.constant 0 : i32
        %add3A_90 = arith.addi %add3A_89, %mul3A_88 : i32
        %add3A_91 = arith.constant 0 : i32
        %add3A_92 = arith.addi %add3A_90, %add3A_91 : i32
        %get3A = arith.index_cast %add3A_92 : i32 to index
        %get3A_93 = arith.constant 0 : index
        %get3A_94 = tpu.vector_load %arg7[%get3A, %get3A_93] {strides = array<i32>} : memref<128x64xf32, #tpu.memory_space<vmem>>, vector<1x16xf32>,
        %get3A_95 = vector.shape_cast %get3A_94 : vector<1x16xf32> to vector<1x16xf32>
        %max3A = arith.constant 0.000000e+00 : f32
        %max3A_96 = vector.broadcast %max3A : f32 to vector<1x16xf32>
        %max3A_97 = arith.maximumf %get3A_95, %max3A_96 : vector<1x16xf32>
        %swap3A = arith.index_cast %add3A_92 : i32 to index
        %swap3A_98 = arith.constant 0 : index
        %swap3A_99 = tpu.vector_load %arg9[%swap3A, %swap3A_98] {strides = array<i32>} : memref<128x64xf32, #tpu.memory_space<vmem>>, vector<1x16xf32>,
        %swap3A_100 = vector.shape_cast %swap3A_99 : vector<1x16xf32> to vector<1x16xf32>
        %swap3A_101 = vector.shape_cast %max3A_97 : vector<1x16xf32> to vector<1x16xf32>
        tpu.vector_store %arg9[%swap3A, %swap3A_98], %swap3A_101 {strides = array<i32>} : memref<128x64xf32, #tpu.memory_space<vmem>>, vector<1x16xf32>,
        %add3A_102 = arith.constant 0 : i32
        %add3A_103 = arith.addi %add3A_90, %add3A_102 : i32
        %get3A_104 = arith.index_cast %add3A_103 : i32 to index
        %get3A_105 = arith.constant 16 : index
        %get3A_106 = tpu.vector_load %arg7[%get3A_104, %get3A_105] {strides = array<i32>} : memref<128x64xf32, #tpu.memory_space<vmem>>, vector<1x16xf32>,
        %get3A_107 = vector.shape_cast %get3A_106 : vector<1x16xf32> to vector<1x16xf32>
        %max3A_108 = arith.constant 0.000000e+00 : f32
        %max3A_109 = vector.broadcast %max3A_108 : f32 to vector<1x16xf32>
        %max3A_110 = arith.maximumf %get3A_107, %max3A_109 : vector<1x16xf32>
        %swap3A_111 = arith.index_cast %add3A_103 : i32 to index
        %swap3A_112 = arith.constant 16 : index
        %swap3A_113 = tpu.vector_load %arg9[%swap3A_111, %swap3A_112] {strides = array<i32>} : memref<128x64xf32, #tpu.memory_space<vmem>>, vector<1x16xf32>,
        %swap3A_114 = vector.shape_cast %swap3A_113 : vector<1x16xf32> to vector<1x16xf32>
        %swap3A_115 = vector.shape_cast %max3A_110 : vector<1x16xf32> to vector<1x16xf32>
        tpu.vector_store %arg9[%swap3A_111, %swap3A_112], %swap3A_115 {strides = array<i32>} : memref<128x64xf32, #tpu.memory_space<vmem>>, vector<1x16xf32>,
        %add3A_116 = arith.constant 0 : i32
        %add3A_117 = arith.addi %add3A_90, %add3A_116 : i32
        %get3A_118 = arith.index_cast %add3A_117 : i32 to index
        %get3A_119 = arith.constant 32 : index
        %get3A_120 = tpu.vector_load %arg7[%get3A_118, %get3A_119] {strides = array<i32>} : memref<128x64xf32, #tpu.memory_space<vmem>>, vector<1x16xf32>,
        %get3A_121 = vector.shape_cast %get3A_120 : vector<1x16xf32> to vector<1x16xf32>
        %max3A_122 = arith.constant 0.000000e+00 : f32
        %max3A_123 = vector.broadcast %max3A_122 : f32 to vector<1x16xf32>
        %max3A_124 = arith.maximumf %get3A_121, %max3A_123 : vector<1x16xf32>
        %swap3A_125 = arith.index_cast %add3A_117 : i32 to index
        %swap3A_126 = arith.constant 32 : index
        %swap3A_127 = tpu.vector_load %arg9[%swap3A_125, %swap3A_126] {strides = array<i32>} : memref<128x64xf32, #tpu.memory_space<vmem>>, vector<1x16xf32>,
        %swap3A_128 = vector.shape_cast %swap3A_127 : vector<1x16xf32> to vector<1x16xf32>
        %swap3A_129 = vector.shape_cast %max3A_124 : vector<1x16xf32> to vector<1x16xf32>
        tpu.vector_store %arg9[%swap3A_125, %swap3A_126], %swap3A_129 {strides = array<i32>} : memref<128x64xf32, #tpu.memory_space<vmem>>, vector<1x16xf32>,
        %add3A_130 = arith.constant 0 : i32
        %add3A_131 = arith.addi %add3A_90, %add3A_130 : i32
        %get3A_132 = arith.index_cast %add3A_131 : i32 to index
        %get3A_133 = arith.constant 48 : index
        %get3A_134 = tpu.vector_load %arg7[%get3A_132, %get3A_133] {strides = array<i32>} : memref<128x64xf32, #tpu.memory_space<vmem>>, vector<1x16xf32>,
        %get3A_135 = vector.shape_cast %get3A_134 : vector<1x16xf32> to vector<1x16xf32>
        %max3A_136 = arith.constant 0.000000e+00 : f32
        %max3A_137 = vector.broadcast %max3A_136 : f32 to vector<1x16xf32>
        %max3A_138 = arith.maximumf %get3A_135, %max3A_137 : vector<1x16xf32>
        %swap3A_139 = arith.index_cast %add3A_131 : i32 to index
        %swap3A_140 = arith.constant 48 : index
        %swap3A_141 = tpu.vector_load %arg9[%swap3A_139, %swap3A_140] {strides = array<i32>} : memref<128x64xf32, #tpu.memory_space<vmem>>, vector<1x16xf32>,
        %swap3A_142 = vector.shape_cast %swap3A_141 : vector<1x16xf32> to vector<1x16xf32>
        %swap3A_143 = vector.shape_cast %max3A_138 : vector<1x16xf32> to vector<1x16xf32>
        tpu.vector_store %arg9[%swap3A_139, %swap3A_140], %swap3A_143 {strides = array<i32>} : memref<128x64xf32, #tpu.memory_space<vmem>>, vector<1x16xf32>,
        %add3A_144 = arith.constant 1 : i32
        %add3A_145 = arith.addi %add3A_90, %add3A_144 : i32
        %get3A_146 = arith.index_cast %add3A_145 : i32 to index
        %get3A_147 = arith.constant 0 : index
        %get3A_148 = tpu.vector_load %arg7[%get3A_146, %get3A_147] {strides = array<i32>} : memref<128x64xf32, #tpu.memory_space<vmem>>, vector<1x16xf32>,
        %get3A_149 = vector.shape_cast %get3A_148 : vector<1x16xf32> to vector<1x16xf32>
        %max3A_150 = arith.constant 0.000000e+00 : f32
        %max3A_151 = vector.broadcast %max3A_150 : f32 to vector<1x16xf32>
        %max3A_152 = arith.maximumf %get3A_149, %max3A_151 : vector<1x16xf32>
        %swap3A_153 = arith.index_cast %add3A_145 : i32 to index
        %swap3A_154 = arith.constant 0 : index
        %swap3A_155 = tpu.vector_load %arg9[%swap3A_153, %swap3A_154] {strides = array<i32>} : memref<128x64xf32, #tpu.memory_space<vmem>>, vector<1x16xf32>,
        %swap3A_156 = vector.shape_cast %swap3A_155 : vector<1x16xf32> to vector<1x16xf32>
        %swap3A_157 = vector.shape_cast %max3A_152 : vector<1x16xf32> to vector<1x16xf32>
        tpu.vector_store %arg9[%swap3A_153, %swap3A_154], %swap3A_157 {strides = array<i32>} : memref<128x64xf32, #tpu.memory_space<vmem>>, vector<1x16xf32>,
        %add3A_158 = arith.constant 1 : i32
        %add3A_159 = arith.addi %add3A_90, %add3A_158 : i32
        %get3A_160 = arith.index_cast %add3A_159 : i32 to index
        %get3A_161 = arith.constant 16 : index
        %get3A_162 = tpu.vector_load %arg7[%get3A_160, %get3A_161] {strides = array<i32>} : memref<128x64xf32, #tpu.memory_space<vmem>>, vector<1x16xf32>,
        %get3A_163 = vector.shape_cast %get3A_162 : vector<1x16xf32> to vector<1x16xf32>
        %max3A_164 = arith.constant 0.000000e+00 : f32
        %max3A_165 = vector.broadcast %max3A_164 : f32 to vector<1x16xf32>
        %max3A_166 = arith.maximumf %get3A_163, %max3A_165 : vector<1x16xf32>
        %swap3A_167 = arith.index_cast %add3A_159 : i32 to index
        %swap3A_168 = arith.constant 16 : index
        %swap3A_169 = tpu.vector_load %arg9[%swap3A_167, %swap3A_168] {strides = array<i32>} : memref<128x64xf32, #tpu.memory_space<vmem>>, vector<1x16xf32>,
        %swap3A_170 = vector.shape_cast %swap3A_169 : vector<1x16xf32> to vector<1x16xf32>
        %swap3A_171 = vector.shape_cast %max3A_166 : vector<1x16xf32> to vector<1x16xf32>
        tpu.vector_store %arg9[%swap3A_167, %swap3A_168], %swap3A_171 {strides = array<i32>} : memref<128x64xf32, #tpu.memory_space<vmem>>, vector<1x16xf32>,
        %add3A_172 = arith.constant 1 : i32
        %add3A_173 = arith.addi %add3A_90, %add3A_172 : i32
        %get3A_174 = arith.index_cast %add3A_173 : i32 to index
        %get3A_175 = arith.constant 32 : index
        %get3A_176 = tpu.vector_load %arg7[%get3A_174, %get3A_175] {strides = array<i32>} : memref<128x64xf32, #tpu.memory_space<vmem>>, vector<1x16xf32>,
        %get3A_177 = vector.shape_cast %get3A_176 : vector<1x16xf32> to vector<1x16xf32>
        %max3A_178 = arith.constant 0.000000e+00 : f32
        %max3A_179 = vector.broadcast %max3A_178 : f32 to vector<1x16xf32>
        %max3A_180 = arith.maximumf %get3A_177, %max3A_179 : vector<1x16xf32>
        %swap3A_181 = arith.index_cast %add3A_173 : i32 to index
        %swap3A_182 = arith.constant 32 : index
        %swap3A_183 = tpu.vector_load %arg9[%swap3A_181, %swap3A_182] {strides = array<i32>} : memref<128x64xf32, #tpu.memory_space<vmem>>, vector<1x16xf32>,
        %swap3A_184 = vector.shape_cast %swap3A_183 : vector<1x16xf32> to vector<1x16xf32>
        %swap3A_185 = vector.shape_cast %max3A_180 : vector<1x16xf32> to vector<1x16xf32>
        tpu.vector_store %arg9[%swap3A_181, %swap3A_182], %swap3A_185 {strides = array<i32>} : memref<128x64xf32, #tpu.memory_space<vmem>>, vector<1x16xf32>,
        %add3A_186 = arith.constant 1 : i32
        %add3A_187 = arith.addi %add3A_90, %add3A_186 : i32
        %get3A_188 = arith.index_cast %add3A_187 : i32 to index
        %get3A_189 = arith.constant 48 : index
        %get3A_190 = tpu.vector_load %arg7[%get3A_188, %get3A_189] {strides = array<i32>} : memref<128x64xf32, #tpu.memory_space<vmem>>, vector<1x16xf32>,
        %get3A_191 = vector.shape_cast %get3A_190 : vector<1x16xf32> to vector<1x16xf32>
        %max3A_192 = arith.constant 0.000000e+00 : f32
        %max3A_193 = vector.broadcast %max3A_192 : f32 to vector<1x16xf32>
        %max3A_194 = arith.maximumf %get3A_191, %max3A_193 : vector<1x16xf32>
        %swap3A_195 = arith.index_cast %add3A_187 : i32 to index
        %swap3A_196 = arith.constant 48 : index
        %swap3A_197 = tpu.vector_load %arg9[%swap3A_195, %swap3A_196] {strides = array<i32>} : memref<128x64xf32, #tpu.memory_space<vmem>>, vector<1x16xf32>,
        %swap3A_198 = vector.shape_cast %swap3A_197 : vector<1x16xf32> to vector<1x16xf32>
        %swap3A_199 = vector.shape_cast %max3A_194 : vector<1x16xf32> to vector<1x16xf32>
        tpu.vector_store %arg9[%swap3A_195, %swap3A_196], %swap3A_199 {strides = array<i32>} : memref<128x64xf32, #tpu.memory_space<vmem>>, vector<1x16xf32>,
        %add3A_200 = arith.constant 2 : i32
        %add3A_201 = arith.addi %add3A_90, %add3A_200 : i32
        %get3A_202 = arith.index_cast %add3A_201 : i32 to index
        %get3A_203 = arith.constant 0 : index
        %get3A_204 = tpu.vector_load %arg7[%get3A_202, %get3A_203] {strides = array<i32>} : memref<128x64xf32, #tpu.memory_space<vmem>>, vector<1x16xf32>,
        %get3A_205 = vector.shape_cast %get3A_204 : vector<1x16xf32> to vector<1x16xf32>
        %max3A_206 = arith.constant 0.000000e+00 : f32
        %max3A_207 = vector.broadcast %max3A_206 : f32 to vector<1x16xf32>
        %max3A_208 = arith.maximumf %get3A_205, %max3A_207 : vector<1x16xf32>
        %swap3A_209 = arith.index_cast %add3A_201 : i32 to index
        %swap3A_210 = arith.constant 0 : index
        %swap3A_211 = tpu.vector_load %arg9[%swap3A_209, %swap3A_210] {strides = array<i32>} : memref<128x64xf32, #tpu.memory_space<vmem>>, vector<1x16xf32>,
        %swap3A_212 = vector.shape_cast %swap3A_211 : vector<1x16xf32> to vector<1x16xf32>
        %swap3A_213 = vector.shape_cast %max3A_208 : vector<1x16xf32> to vector<1x16xf32>
        tpu.vector_store %arg9[%swap3A_209, %swap3A_210], %swap3A_213 {strides = array<i32>} : memref<128x64xf32, #tpu.memory_space<vmem>>, vector<1x16xf32>,
        %add3A_214 = arith.constant 2 : i32
        %add3A_215 = arith.addi %add3A_90, %add3A_214 : i32
        %get3A_216 = arith.index_cast %add3A_215 : i32 to index
        %get3A_217 = arith.constant 16 : index
        %get3A_218 = tpu.vector_load %arg7[%get3A_216, %get3A_217] {strides = array<i32>} : memref<128x64xf32, #tpu.memory_space<vmem>>, vector<1x16xf32>,
        %get3A_219 = vector.shape_cast %get3A_218 : vector<1x16xf32> to vector<1x16xf32>
        %max3A_220 = arith.constant 0.000000e+00 : f32
        %max3A_221 = vector.broadcast %max3A_220 : f32 to vector<1x16xf32>
        %max3A_222 = arith.maximumf %get3A_219, %max3A_221 : vector<1x16xf32>
        %swap3A_223 = arith.index_cast %add3A_215 : i32 to index
        %swap3A_224 = arith.constant 16 : index
        %swap3A_225 = tpu.vector_load %arg9[%swap3A_223, %swap3A_224] {strides = array<i32>} : memref<128x64xf32, #tpu.memory_space<vmem>>, vector<1x16xf32>,
        %swap3A_226 = vector.shape_cast %swap3A_225 : vector<1x16xf32> to vector<1x16xf32>
        %swap3A_227 = vector.shape_cast %max3A_222 : vector<1x16xf32> to vector<1x16xf32>
        tpu.vector_store %arg9[%swap3A_223, %swap3A_224], %swap3A_227 {strides = array<i32>} : memref<128x64xf32, #tpu.memory_space<vmem>>, vector<1x16xf32>,
        %add3A_228 = arith.constant 2 : i32
        %add3A_229 = arith.addi %add3A_90, %add3A_228 : i32
        %get3A_230 = arith.index_cast %add3A_229 : i32 to index
        %get3A_231 = arith.constant 32 : index
        %get3A_232 = tpu.vector_load %arg7[%get3A_230, %get3A_231] {strides = array<i32>} : memref<128x64xf32, #tpu.memory_space<vmem>>, vector<1x16xf32>,
        %get3A_233 = vector.shape_cast %get3A_232 : vector<1x16xf32> to vector<1x16xf32>
        %max3A_234 = arith.constant 0.000000e+00 : f32
        %max3A_235 = vector.broadcast %max3A_234 : f32 to vector<1x16xf32>
        %max3A_236 = arith.maximumf %get3A_233, %max3A_235 : vector<1x16xf32>
        %swap3A_237 = arith.index_cast %add3A_229 : i32 to index
        %swap3A_238 = arith.constant 32 : index
        %swap3A_239 = tpu.vector_load %arg9[%swap3A_237, %swap3A_238] {strides = array<i32>} : memref<128x64xf32, #tpu.memory_space<vmem>>, vector<1x16xf32>,
        %swap3A_240 = vector.shape_cast %swap3A_239 : vector<1x16xf32> to vector<1x16xf32>
        %swap3A_241 = vector.shape_cast %max3A_236 : vector<1x16xf32> to vector<1x16xf32>
        tpu.vector_store %arg9[%swap3A_237, %swap3A_238], %swap3A_241 {strides = array<i32>} : memref<128x64xf32, #tpu.memory_space<vmem>>, vector<1x16xf32>,
        %add3A_242 = arith.constant 2 : i32
        %add3A_243 = arith.addi %add3A_90, %add3A_242 : i32
        %get3A_244 = arith.index_cast %add3A_243 : i32 to index
        %get3A_245 = arith.constant 48 : index
        %get3A_246 = tpu.vector_load %arg7[%get3A_244, %get3A_245] {strides = array<i32>} : memref<128x64xf32, #tpu.memory_space<vmem>>, vector<1x16xf32>,
        %get3A_247 = vector.shape_cast %get3A_246 : vector<1x16xf32> to vector<1x16xf32>
        %max3A_248 = arith.constant 0.000000e+00 : f32
        %max3A_249 = vector.broadcast %max3A_248 : f32 to vector<1x16xf32>
        %max3A_250 = arith.maximumf %get3A_247, %max3A_249 : vector<1x16xf32>
        %swap3A_251 = arith.index_cast %add3A_243 : i32 to index
        %swap3A_252 = arith.constant 48 : index
        %swap3A_253 = tpu.vector_load %arg9[%swap3A_251, %swap3A_252] {strides = array<i32>} : memref<128x64xf32, #tpu.memory_space<vmem>>, vector<1x16xf32>,
        %swap3A_254 = vector.shape_cast %swap3A_253 : vector<1x16xf32> to vector<1x16xf32>
        %swap3A_255 = vector.shape_cast %max3A_250 : vector<1x16xf32> to vector<1x16xf32>
        tpu.vector_store %arg9[%swap3A_251, %swap3A_252], %swap3A_255 {strides = array<i32>} : memref<128x64xf32, #tpu.memory_space<vmem>>, vector<1x16xf32>,
        %add3A_256 = arith.constant 3 : i32
        %add3A_257 = arith.addi %add3A_90, %add3A_256 : i32
        %get3A_258 = arith.index_cast %add3A_257 : i32 to index
        %get3A_259 = arith.constant 0 : index
        %get3A_260 = tpu.vector_load %arg7[%get3A_258, %get3A_259] {strides = array<i32>} : memref<128x64xf32, #tpu.memory_space<vmem>>, vector<1x16xf32>,
        %get3A_261 = vector.shape_cast %get3A_260 : vector<1x16xf32> to vector<1x16xf32>
        %max3A_262 = arith.constant 0.000000e+00 : f32
        %max3A_263 = vector.broadcast %max3A_262 : f32 to vector<1x16xf32>
        %max3A_264 = arith.maximumf %get3A_261, %max3A_263 : vector<1x16xf32>
        %swap3A_265 = arith.index_cast %add3A_257 : i32 to index
        %swap3A_266 = arith.constant 0 : index
        %swap3A_267 = tpu.vector_load %arg9[%swap3A_265, %swap3A_266] {strides = array<i32>} : memref<128x64xf32, #tpu.memory_space<vmem>>, vector<1x16xf32>,
        %swap3A_268 = vector.shape_cast %swap3A_267 : vector<1x16xf32> to vector<1x16xf32>
        %swap3A_269 = vector.shape_cast %max3A_264 : vector<1x16xf32> to vector<1x16xf32>
        tpu.vector_store %arg9[%swap3A_265, %swap3A_266], %swap3A_269 {strides = array<i32>} : memref<128x64xf32, #tpu.memory_space<vmem>>, vector<1x16xf32>,
        %add3A_270 = arith.constant 3 : i32
        %add3A_271 = arith.addi %add3A_90, %add3A_270 : i32
        %get3A_272 = arith.index_cast %add3A_271 : i32 to index
        %get3A_273 = arith.constant 16 : index
        %get3A_274 = tpu.vector_load %arg7[%get3A_272, %get3A_273] {strides = array<i32>} : memref<128x64xf32, #tpu.memory_space<vmem>>, vector<1x16xf32>,
        %get3A_275 = vector.shape_cast %get3A_274 : vector<1x16xf32> to vector<1x16xf32>
        %max3A_276 = arith.constant 0.000000e+00 : f32
        %max3A_277 = vector.broadcast %max3A_276 : f32 to vector<1x16xf32>
        %max3A_278 = arith.maximumf %get3A_275, %max3A_277 : vector<1x16xf32>
        %swap3A_279 = arith.index_cast %add3A_271 : i32 to index
        %swap3A_280 = arith.constant 16 : index
        %swap3A_281 = tpu.vector_load %arg9[%swap3A_279, %swap3A_280] {strides = array<i32>} : memref<128x64xf32, #tpu.memory_space<vmem>>, vector<1x16xf32>,
        %swap3A_282 = vector.shape_cast %swap3A_281 : vector<1x16xf32> to vector<1x16xf32>
        %swap3A_283 = vector.shape_cast %max3A_278 : vector<1x16xf32> to vector<1x16xf32>
        tpu.vector_store %arg9[%swap3A_279, %swap3A_280], %swap3A_283 {strides = array<i32>} : memref<128x64xf32, #tpu.memory_space<vmem>>, vector<1x16xf32>,
        %add3A_284 = arith.constant 3 : i32
        %add3A_285 = arith.addi %add3A_90, %add3A_284 : i32
        %get3A_286 = arith.index_cast %add3A_285 : i32 to index
        %get3A_287 = arith.constant 32 : index
        %get3A_288 = tpu.vector_load %arg7[%get3A_286, %get3A_287] {strides = array<i32>} : memref<128x64xf32, #tpu.memory_space<vmem>>, vector<1x16xf32>,
        %get3A_289 = vector.shape_cast %get3A_288 : vector<1x16xf32> to vector<1x16xf32>
        %max3A_290 = arith.constant 0.000000e+00 : f32
        %max3A_291 = vector.broadcast %max3A_290 : f32 to vector<1x16xf32>
        %max3A_292 = arith.maximumf %get3A_289, %max3A_291 : vector<1x16xf32>
        %swap3A_293 = arith.index_cast %add3A_285 : i32 to index
        %swap3A_294 = arith.constant 32 : index
        %swap3A_295 = tpu.vector_load %arg9[%swap3A_293, %swap3A_294] {strides = array<i32>} : memref<128x64xf32, #tpu.memory_space<vmem>>, vector<1x16xf32>,
        %swap3A_296 = vector.shape_cast %swap3A_295 : vector<1x16xf32> to vector<1x16xf32>
        %swap3A_297 = vector.shape_cast %max3A_292 : vector<1x16xf32> to vector<1x16xf32>
        tpu.vector_store %arg9[%swap3A_293, %swap3A_294], %swap3A_297 {strides = array<i32>} : memref<128x64xf32, #tpu.memory_space<vmem>>, vector<1x16xf32>,
        %add3A_298 = arith.constant 3 : i32
        %add3A_299 = arith.addi %add3A_90, %add3A_298 : i32
        %get3A_300 = arith.index_cast %add3A_299 : i32 to index
        %get3A_301 = arith.constant 48 : index
        %get3A_302 = tpu.vector_load %arg7[%get3A_300, %get3A_301] {strides = array<i32>} : memref<128x64xf32, #tpu.memory_space<vmem>>, vector<1x16xf32>,
        %get3A_303 = vector.shape_cast %get3A_302 : vector<1x16xf32> to vector<1x16xf32>
        %max3A_304 = arith.constant 0.000000e+00 : f32
        %max3A_305 = vector.broadcast %max3A_304 : f32 to vector<1x16xf32>
        %max3A_306 = arith.maximumf %get3A_303, %max3A_305 : vector<1x16xf32>
        %swap3A_307 = arith.index_cast %add3A_299 : i32 to index
        %swap3A_308 = arith.constant 48 : index
        %swap3A_309 = tpu.vector_load %arg9[%swap3A_307, %swap3A_308] {strides = array<i32>} : memref<128x64xf32, #tpu.memory_space<vmem>>, vector<1x16xf32>,
        %swap3A_310 = vector.shape_cast %swap3A_309 : vector<1x16xf32> to vector<1x16xf32>
        %swap3A_311 = vector.shape_cast %max3A_306 : vector<1x16xf32> to vector<1x16xf32>
        tpu.vector_store %arg9[%swap3A_307, %swap3A_308], %swap3A_311 {strides = array<i32>} : memref<128x64xf32, #tpu.memory_space<vmem>>, vector<1x16xf32>,
        %add3A_312 = arith.constant 4 : i32
        %add3A_313 = arith.addi %add3A_90, %add3A_312 : i32
        %get3A_314 = arith.index_cast %add3A_313 : i32 to index
        %get3A_315 = arith.constant 0 : index
        %get3A_316 = tpu.vector_load %arg7[%get3A_314, %get3A_315] {strides = array<i32>} : memref<128x64xf32, #tpu.memory_space<vmem>>, vector<1x16xf32>,
        %get3A_317 = vector.shape_cast %get3A_316 : vector<1x16xf32> to vector<1x16xf32>
        %max3A_318 = arith.constant 0.000000e+00 : f32
        %max3A_319 = vector.broadcast %max3A_318 : f32 to vector<1x16xf32>
        %max3A_320 = arith.maximumf %get3A_317, %max3A_319 : vector<1x16xf32>
        %swap3A_321 = arith.index_cast %add3A_313 : i32 to index
        %swap3A_322 = arith.constant 0 : index
        %swap3A_323 = tpu.vector_load %arg9[%swap3A_321, %swap3A_322] {strides = array<i32>} : memref<128x64xf32, #tpu.memory_space<vmem>>, vector<1x16xf32>,
        %swap3A_324 = vector.shape_cast %swap3A_323 : vector<1x16xf32> to vector<1x16xf32>
        %swap3A_325 = vector.shape_cast %max3A_320 : vector<1x16xf32> to vector<1x16xf32>
        tpu.vector_store %arg9[%swap3A_321, %swap3A_322], %swap3A_325 {strides = array<i32>} : memref<128x64xf32, #tpu.memory_space<vmem>>, vector<1x16xf32>,
        %add3A_326 = arith.constant 4 : i32
        %add3A_327 = arith.addi %add3A_90, %add3A_326 : i32
        %get3A_328 = arith.index_cast %add3A_327 : i32 to index
        %get3A_329 = arith.constant 16 : index
        %get3A_330 = tpu.vector_load %arg7[%get3A_328, %get3A_329] {strides = array<i32>} : memref<128x64xf32, #tpu.memory_space<vmem>>, vector<1x16xf32>,
        %get3A_331 = vector.shape_cast %get3A_330 : vector<1x16xf32> to vector<1x16xf32>
        %max3A_332 = arith.constant 0.000000e+00 : f32
        %max3A_333 = vector.broadcast %max3A_332 : f32 to vector<1x16xf32>
        %max3A_334 = arith.maximumf %get3A_331, %max3A_333 : vector<1x16xf32>
        %swap3A_335 = arith.index_cast %add3A_327 : i32 to index
        %swap3A_336 = arith.constant 16 : index
        %swap3A_337 = tpu.vector_load %arg9[%swap3A_335, %swap3A_336] {strides = array<i32>} : memref<128x64xf32, #tpu.memory_space<vmem>>, vector<1x16xf32>,
        %swap3A_338 = vector.shape_cast %swap3A_337 : vector<1x16xf32> to vector<1x16xf32>
        %swap3A_339 = vector.shape_cast %max3A_334 : vector<1x16xf32> to vector<1x16xf32>
        tpu.vector_store %arg9[%swap3A_335, %swap3A_336], %swap3A_339 {strides = array<i32>} : memref<128x64xf32, #tpu.memory_space<vmem>>, vector<1x16xf32>,
        %add3A_340 = arith.constant 4 : i32
        %add3A_341 = arith.addi %add3A_90, %add3A_340 : i32
        %get3A_342 = arith.index_cast %add3A_341 : i32 to index
        %get3A_343 = arith.constant 32 : index
        %get3A_344 = tpu.vector_load %arg7[%get3A_342, %get3A_343] {strides = array<i32>} : memref<128x64xf32, #tpu.memory_space<vmem>>, vector<1x16xf32>,
        %get3A_345 = vector.shape_cast %get3A_344 : vector<1x16xf32> to vector<1x16xf32>
        %max3A_346 = arith.constant 0.000000e+00 : f32
        %max3A_347 = vector.broadcast %max3A_346 : f32 to vector<1x16xf32>
        %max3A_348 = arith.maximumf %get3A_345, %max3A_347 : vector<1x16xf32>
        %swap3A_349 = arith.index_cast %add3A_341 : i32 to index
        %swap3A_350 = arith.constant 32 : index
        %swap3A_351 = tpu.vector_load %arg9[%swap3A_349, %swap3A_350] {strides = array<i32>} : memref<128x64xf32, #tpu.memory_space<vmem>>, vector<1x16xf32>,
        %swap3A_352 = vector.shape_cast %swap3A_351 : vector<1x16xf32> to vector<1x16xf32>
        %swap3A_353 = vector.shape_cast %max3A_348 : vector<1x16xf32> to vector<1x16xf32>
        tpu.vector_store %arg9[%swap3A_349, %swap3A_350], %swap3A_353 {strides = array<i32>} : memref<128x64xf32, #tpu.memory_space<vmem>>, vector<1x16xf32>,
        %add3A_354 = arith.constant 4 : i32
        %add3A_355 = arith.addi %add3A_90, %add3A_354 : i32
        %get3A_356 = arith.index_cast %add3A_355 : i32 to index
        %get3A_357 = arith.constant 48 : index
        %get3A_358 = tpu.vector_load %arg7[%get3A_356, %get3A_357] {strides = array<i32>} : memref<128x64xf32, #tpu.memory_space<vmem>>, vector<1x16xf32>,
        %get3A_359 = vector.shape_cast %get3A_358 : vector<1x16xf32> to vector<1x16xf32>
        %max3A_360 = arith.constant 0.000000e+00 : f32
        %max3A_361 = vector.broadcast %max3A_360 : f32 to vector<1x16xf32>
        %max3A_362 = arith.maximumf %get3A_359, %max3A_361 : vector<1x16xf32>
        %swap3A_363 = arith.index_cast %add3A_355 : i32 to index
        %swap3A_364 = arith.constant 48 : index
        %swap3A_365 = tpu.vector_load %arg9[%swap3A_363, %swap3A_364] {strides = array<i32>} : memref<128x64xf32, #tpu.memory_space<vmem>>, vector<1x16xf32>,
        %swap3A_366 = vector.shape_cast %swap3A_365 : vector<1x16xf32> to vector<1x16xf32>
        %swap3A_367 = vector.shape_cast %max3A_362 : vector<1x16xf32> to vector<1x16xf32>
        tpu.vector_store %arg9[%swap3A_363, %swap3A_364], %swap3A_367 {strides = array<i32>} : memref<128x64xf32, #tpu.memory_space<vmem>>, vector<1x16xf32>,
        %add3A_368 = arith.constant 5 : i32
        %add3A_369 = arith.addi %add3A_90, %add3A_368 : i32
        %get3A_370 = arith.index_cast %add3A_369 : i32 to index
        %get3A_371 = arith.constant 0 : index
        %get3A_372 = tpu.vector_load %arg7[%get3A_370, %get3A_371] {strides = array<i32>} : memref<128x64xf32, #tpu.memory_space<vmem>>, vector<1x16xf32>,
        %get3A_373 = vector.shape_cast %get3A_372 : vector<1x16xf32> to vector<1x16xf32>
        %max3A_374 = arith.constant 0.000000e+00 : f32
        %max3A_375 = vector.broadcast %max3A_374 : f32 to vector<1x16xf32>
        %max3A_376 = arith.maximumf %get3A_373, %max3A_375 : vector<1x16xf32>
        %swap3A_377 = arith.index_cast %add3A_369 : i32 to index
        %swap3A_378 = arith.constant 0 : index
        %swap3A_379 = tpu.vector_load %arg9[%swap3A_377, %swap3A_378] {strides = array<i32>} : memref<128x64xf32, #tpu.memory_space<vmem>>, vector<1x16xf32>,
        %swap3A_380 = vector.shape_cast %swap3A_379 : vector<1x16xf32> to vector<1x16xf32>
        %swap3A_381 = vector.shape_cast %max3A_376 : vector<1x16xf32> to vector<1x16xf32>
        tpu.vector_store %arg9[%swap3A_377, %swap3A_378], %swap3A_381 {strides = array<i32>} : memref<128x64xf32, #tpu.memory_space<vmem>>, vector<1x16xf32>,
        %add3A_382 = arith.constant 5 : i32
        %add3A_383 = arith.addi %add3A_90, %add3A_382 : i32
        %get3A_384 = arith.index_cast %add3A_383 : i32 to index
        %get3A_385 = arith.constant 16 : index
        %get3A_386 = tpu.vector_load %arg7[%get3A_384, %get3A_385] {strides = array<i32>} : memref<128x64xf32, #tpu.memory_space<vmem>>, vector<1x16xf32>,
        %get3A_387 = vector.shape_cast %get3A_386 : vector<1x16xf32> to vector<1x16xf32>
        %max3A_388 = arith.constant 0.000000e+00 : f32
        %max3A_389 = vector.broadcast %max3A_388 : f32 to vector<1x16xf32>
        %max3A_390 = arith.maximumf %get3A_387, %max3A_389 : vector<1x16xf32>
        %swap3A_391 = arith.index_cast %add3A_383 : i32 to index
        %swap3A_392 = arith.constant 16 : index
        %swap3A_393 = tpu.vector_load %arg9[%swap3A_391, %swap3A_392] {strides = array<i32>} : memref<128x64xf32, #tpu.memory_space<vmem>>, vector<1x16xf32>,
        %swap3A_394 = vector.shape_cast %swap3A_393 : vector<1x16xf32> to vector<1x16xf32>
        %swap3A_395 = vector.shape_cast %max3A_390 : vector<1x16xf32> to vector<1x16xf32>
        tpu.vector_store %arg9[%swap3A_391, %swap3A_392], %swap3A_395 {strides = array<i32>} : memref<128x64xf32, #tpu.memory_space<vmem>>, vector<1x16xf32>,
        %add3A_396 = arith.constant 5 : i32
        %add3A_397 = arith.addi %add3A_90, %add3A_396 : i32
        %get3A_398 = arith.index_cast %add3A_397 : i32 to index
        %get3A_399 = arith.constant 32 : index
        %get3A_400 = tpu.vector_load %arg7[%get3A_398, %get3A_399] {strides = array<i32>} : memref<128x64xf32, #tpu.memory_space<vmem>>, vector<1x16xf32>,
        %get3A_401 = vector.shape_cast %get3A_400 : vector<1x16xf32> to vector<1x16xf32>
        %max3A_402 = arith.constant 0.000000e+00 : f32
        %max3A_403 = vector.broadcast %max3A_402 : f32 to vector<1x16xf32>
        %max3A_404 = arith.maximumf %get3A_401, %max3A_403 : vector<1x16xf32>
        %swap3A_405 = arith.index_cast %add3A_397 : i32 to index
        %swap3A_406 = arith.constant 32 : index
        %swap3A_407 = tpu.vector_load %arg9[%swap3A_405, %swap3A_406] {strides = array<i32>} : memref<128x64xf32, #tpu.memory_space<vmem>>, vector<1x16xf32>,
        %swap3A_408 = vector.shape_cast %swap3A_407 : vector<1x16xf32> to vector<1x16xf32>
        %swap3A_409 = vector.shape_cast %max3A_404 : vector<1x16xf32> to vector<1x16xf32>
        tpu.vector_store %arg9[%swap3A_405, %swap3A_406], %swap3A_409 {strides = array<i32>} : memref<128x64xf32, #tpu.memory_space<vmem>>, vector<1x16xf32>,
        %add3A_410 = arith.constant 5 : i32
        %add3A_411 = arith.addi %add3A_90, %add3A_410 : i32
        %get3A_412 = arith.index_cast %add3A_411 : i32 to index
        %get3A_413 = arith.constant 48 : index
        %get3A_414 = tpu.vector_load %arg7[%get3A_412, %get3A_413] {strides = array<i32>} : memref<128x64xf32, #tpu.memory_space<vmem>>, vector<1x16xf32>,
        %get3A_415 = vector.shape_cast %get3A_414 : vector<1x16xf32> to vector<1x16xf32>
        %max3A_416 = arith.constant 0.000000e+00 : f32
        %max3A_417 = vector.broadcast %max3A_416 : f32 to vector<1x16xf32>
        %max3A_418 = arith.maximumf %get3A_415, %max3A_417 : vector<1x16xf32>
        %swap3A_419 = arith.index_cast %add3A_411 : i32 to index
        %swap3A_420 = arith.constant 48 : index
        %swap3A_421 = tpu.vector_load %arg9[%swap3A_419, %swap3A_420] {strides = array<i32>} : memref<128x64xf32, #tpu.memory_space<vmem>>, vector<1x16xf32>,
        %swap3A_422 = vector.shape_cast %swap3A_421 : vector<1x16xf32> to vector<1x16xf32>
        %swap3A_423 = vector.shape_cast %max3A_418 : vector<1x16xf32> to vector<1x16xf32>
        tpu.vector_store %arg9[%swap3A_419, %swap3A_420], %swap3A_423 {strides = array<i32>} : memref<128x64xf32, #tpu.memory_space<vmem>>, vector<1x16xf32>,
        %add3A_424 = arith.constant 6 : i32
        %add3A_425 = arith.addi %add3A_90, %add3A_424 : i32
        %get3A_426 = arith.index_cast %add3A_425 : i32 to index
        %get3A_427 = arith.constant 0 : index
        %get3A_428 = tpu.vector_load %arg7[%get3A_426, %get3A_427] {strides = array<i32>} : memref<128x64xf32, #tpu.memory_space<vmem>>, vector<1x16xf32>,
        %get3A_429 = vector.shape_cast %get3A_428 : vector<1x16xf32> to vector<1x16xf32>
        %max3A_430 = arith.constant 0.000000e+00 : f32
        %max3A_431 = vector.broadcast %max3A_430 : f32 to vector<1x16xf32>
        %max3A_432 = arith.maximumf %get3A_429, %max3A_431 : vector<1x16xf32>
        %swap3A_433 = arith.index_cast %add3A_425 : i32 to index
        %swap3A_434 = arith.constant 0 : index
        %swap3A_435 = tpu.vector_load %arg9[%swap3A_433, %swap3A_434] {strides = array<i32>} : memref<128x64xf32, #tpu.memory_space<vmem>>, vector<1x16xf32>,
        %swap3A_436 = vector.shape_cast %swap3A_435 : vector<1x16xf32> to vector<1x16xf32>
        %swap3A_437 = vector.shape_cast %max3A_432 : vector<1x16xf32> to vector<1x16xf32>
        tpu.vector_store %arg9[%swap3A_433, %swap3A_434], %swap3A_437 {strides = array<i32>} : memref<128x64xf32, #tpu.memory_space<vmem>>, vector<1x16xf32>,
        %add3A_438 = arith.constant 6 : i32
        %add3A_439 = arith.addi %add3A_90, %add3A_438 : i32
        %get3A_440 = arith.index_cast %add3A_439 : i32 to index
        %get3A_441 = arith.constant 16 : index
        %get3A_442 = tpu.vector_load %arg7[%get3A_440, %get3A_441] {strides = array<i32>} : memref<128x64xf32, #tpu.memory_space<vmem>>, vector<1x16xf32>,
        %get3A_443 = vector.shape_cast %get3A_442 : vector<1x16xf32> to vector<1x16xf32>
        %max3A_444 = arith.constant 0.000000e+00 : f32
        %max3A_445 = vector.broadcast %max3A_444 : f32 to vector<1x16xf32>
        %max3A_446 = arith.maximumf %get3A_443, %max3A_445 : vector<1x16xf32>
        %swap3A_447 = arith.index_cast %add3A_439 : i32 to index
        %swap3A_448 = arith.constant 16 : index
        %swap3A_449 = tpu.vector_load %arg9[%swap3A_447, %swap3A_448] {strides = array<i32>} : memref<128x64xf32, #tpu.memory_space<vmem>>, vector<1x16xf32>,
        %swap3A_450 = vector.shape_cast %swap3A_449 : vector<1x16xf32> to vector<1x16xf32>
        %swap3A_451 = vector.shape_cast %max3A_446 : vector<1x16xf32> to vector<1x16xf32>
        tpu.vector_store %arg9[%swap3A_447, %swap3A_448], %swap3A_451 {strides = array<i32>} : memref<128x64xf32, #tpu.memory_space<vmem>>, vector<1x16xf32>,
        %add3A_452 = arith.constant 6 : i32
        %add3A_453 = arith.addi %add3A_90, %add3A_452 : i32
        %get3A_454 = arith.index_cast %add3A_453 : i32 to index
        %get3A_455 = arith.constant 32 : index
        %get3A_456 = tpu.vector_load %arg7[%get3A_454, %get3A_455] {strides = array<i32>} : memref<128x64xf32, #tpu.memory_space<vmem>>, vector<1x16xf32>,
        %get3A_457 = vector.shape_cast %get3A_456 : vector<1x16xf32> to vector<1x16xf32>
        %max3A_458 = arith.constant 0.000000e+00 : f32
        %max3A_459 = vector.broadcast %max3A_458 : f32 to vector<1x16xf32>
        %max3A_460 = arith.maximumf %get3A_457, %max3A_459 : vector<1x16xf32>
        %swap3A_461 = arith.index_cast %add3A_453 : i32 to index
        %swap3A_462 = arith.constant 32 : index
        %swap3A_463 = tpu.vector_load %arg9[%swap3A_461, %swap3A_462] {strides = array<i32>} : memref<128x64xf32, #tpu.memory_space<vmem>>, vector<1x16xf32>,
        %swap3A_464 = vector.shape_cast %swap3A_463 : vector<1x16xf32> to vector<1x16xf32>
        %swap3A_465 = vector.shape_cast %max3A_460 : vector<1x16xf32> to vector<1x16xf32>
        tpu.vector_store %arg9[%swap3A_461, %swap3A_462], %swap3A_465 {strides = array<i32>} : memref<128x64xf32, #tpu.memory_space<vmem>>, vector<1x16xf32>,
        %add3A_466 = arith.constant 6 : i32
        %add3A_467 = arith.addi %add3A_90, %add3A_466 : i32
        %get3A_468 = arith.index_cast %add3A_467 : i32 to index
        %get3A_469 = arith.constant 48 : index
        %get3A_470 = tpu.vector_load %arg7[%get3A_468, %get3A_469] {strides = array<i32>} : memref<128x64xf32, #tpu.memory_space<vmem>>, vector<1x16xf32>,
        %get3A_471 = vector.shape_cast %get3A_470 : vector<1x16xf32> to vector<1x16xf32>
        %max3A_472 = arith.constant 0.000000e+00 : f32
        %max3A_473 = vector.broadcast %max3A_472 : f32 to vector<1x16xf32>
        %max3A_474 = arith.maximumf %get3A_471, %max3A_473 : vector<1x16xf32>
        %swap3A_475 = arith.index_cast %add3A_467 : i32 to index
        %swap3A_476 = arith.constant 48 : index
        %swap3A_477 = tpu.vector_load %arg9[%swap3A_475, %swap3A_476] {strides = array<i32>} : memref<128x64xf32, #tpu.memory_space<vmem>>, vector<1x16xf32>,
        %swap3A_478 = vector.shape_cast %swap3A_477 : vector<1x16xf32> to vector<1x16xf32>
        %swap3A_479 = vector.shape_cast %max3A_474 : vector<1x16xf32> to vector<1x16xf32>
        tpu.vector_store %arg9[%swap3A_475, %swap3A_476], %swap3A_479 {strides = array<i32>} : memref<128x64xf32, #tpu.memory_space<vmem>>, vector<1x16xf32>,
        %add3A_480 = arith.constant 7 : i32
        %add3A_481 = arith.addi %add3A_90, %add3A_480 : i32
        %get3A_482 = arith.index_cast %add3A_481 : i32 to index
        %get3A_483 = arith.constant 0 : index
        %get3A_484 = tpu.vector_load %arg7[%get3A_482, %get3A_483] {strides = array<i32>} : memref<128x64xf32, #tpu.memory_space<vmem>>, vector<1x16xf32>,
        %get3A_485 = vector.shape_cast %get3A_484 : vector<1x16xf32> to vector<1x16xf32>
        %max3A_486 = arith.constant 0.000000e+00 : f32
        %max3A_487 = vector.broadcast %max3A_486 : f32 to vector<1x16xf32>
        %max3A_488 = arith.maximumf %get3A_485, %max3A_487 : vector<1x16xf32>
        %swap3A_489 = arith.index_cast %add3A_481 : i32 to index
        %swap3A_490 = arith.constant 0 : index
        %swap3A_491 = tpu.vector_load %arg9[%swap3A_489, %swap3A_490] {strides = array<i32>} : memref<128x64xf32, #tpu.memory_space<vmem>>, vector<1x16xf32>,
        %swap3A_492 = vector.shape_cast %swap3A_491 : vector<1x16xf32> to vector<1x16xf32>
        %swap3A_493 = vector.shape_cast %max3A_488 : vector<1x16xf32> to vector<1x16xf32>
        tpu.vector_store %arg9[%swap3A_489, %swap3A_490], %swap3A_493 {strides = array<i32>} : memref<128x64xf32, #tpu.memory_space<vmem>>, vector<1x16xf32>,
        %add3A_494 = arith.constant 7 : i32
        %add3A_495 = arith.addi %add3A_90, %add3A_494 : i32
        %get3A_496 = arith.index_cast %add3A_495 : i32 to index
        %get3A_497 = arith.constant 16 : index
        %get3A_498 = tpu.vector_load %arg7[%get3A_496, %get3A_497] {strides = array<i32>} : memref<128x64xf32, #tpu.memory_space<vmem>>, vector<1x16xf32>,
        %get3A_499 = vector.shape_cast %get3A_498 : vector<1x16xf32> to vector<1x16xf32>
        %max3A_500 = arith.constant 0.000000e+00 : f32
        %max3A_501 = vector.broadcast %max3A_500 : f32 to vector<1x16xf32>
        %max3A_502 = arith.maximumf %get3A_499, %max3A_501 : vector<1x16xf32>
        %swap3A_503 = arith.index_cast %add3A_495 : i32 to index
        %swap3A_504 = arith.constant 16 : index
        %swap3A_505 = tpu.vector_load %arg9[%swap3A_503, %swap3A_504] {strides = array<i32>} : memref<128x64xf32, #tpu.memory_space<vmem>>, vector<1x16xf32>,
        %swap3A_506 = vector.shape_cast %swap3A_505 : vector<1x16xf32> to vector<1x16xf32>
        %swap3A_507 = vector.shape_cast %max3A_502 : vector<1x16xf32> to vector<1x16xf32>
        tpu.vector_store %arg9[%swap3A_503, %swap3A_504], %swap3A_507 {strides = array<i32>} : memref<128x64xf32, #tpu.memory_space<vmem>>, vector<1x16xf32>,
        %add3A_508 = arith.constant 7 : i32
        %add3A_509 = arith.addi %add3A_90, %add3A_508 : i32
        %get3A_510 = arith.index_cast %add3A_509 : i32 to index
        %get3A_511 = arith.constant 32 : index
        %get3A_512 = tpu.vector_load %arg7[%get3A_510, %get3A_511] {strides = array<i32>} : memref<128x64xf32, #tpu.memory_space<vmem>>, vector<1x16xf32>,
        %get3A_513 = vector.shape_cast %get3A_512 : vector<1x16xf32> to vector<1x16xf32>
        %max3A_514 = arith.constant 0.000000e+00 : f32
        %max3A_515 = vector.broadcast %max3A_514 : f32 to vector<1x16xf32>
        %max3A_516 = arith.maximumf %get3A_513, %max3A_515 : vector<1x16xf32>
        %swap3A_517 = arith.index_cast %add3A_509 : i32 to index
        %swap3A_518 = arith.constant 32 : index
        %swap3A_519 = tpu.vector_load %arg9[%swap3A_517, %swap3A_518] {strides = array<i32>} : memref<128x64xf32, #tpu.memory_space<vmem>>, vector<1x16xf32>,
        %swap3A_520 = vector.shape_cast %swap3A_519 : vector<1x16xf32> to vector<1x16xf32>
        %swap3A_521 = vector.shape_cast %max3A_516 : vector<1x16xf32> to vector<1x16xf32>
        tpu.vector_store %arg9[%swap3A_517, %swap3A_518], %swap3A_521 {strides = array<i32>} : memref<128x64xf32, #tpu.memory_space<vmem>>, vector<1x16xf32>,
        %add3A_522 = arith.constant 7 : i32
        %add3A_523 = arith.addi %add3A_90, %add3A_522 : i32
        %get3A_524 = arith.index_cast %add3A_523 : i32 to index
        %get3A_525 = arith.constant 48 : index
        %get3A_526 = tpu.vector_load %arg7[%get3A_524, %get3A_525] {strides = array<i32>} : memref<128x64xf32, #tpu.memory_space<vmem>>, vector<1x16xf32>,
        %get3A_527 = vector.shape_cast %get3A_526 : vector<1x16xf32> to vector<1x16xf32>
        %max3A_528 = arith.constant 0.000000e+00 : f32
        %max3A_529 = vector.broadcast %max3A_528 : f32 to vector<1x16xf32>
        %max3A_530 = arith.maximumf %get3A_527, %max3A_529 : vector<1x16xf32>
        %swap3A_531 = arith.index_cast %add3A_523 : i32 to index
        %swap3A_532 = arith.constant 48 : index
        %swap3A_533 = tpu.vector_load %arg9[%swap3A_531, %swap3A_532] {strides = array<i32>} : memref<128x64xf32, #tpu.memory_space<vmem>>, vector<1x16xf32>,
        %swap3A_534 = vector.shape_cast %swap3A_533 : vector<1x16xf32> to vector<1x16xf32>
        %swap3A_535 = vector.shape_cast %max3A_530 : vector<1x16xf32> to vector<1x16xf32>
        tpu.vector_store %arg9[%swap3A_531, %swap3A_532], %swap3A_535 {strides = array<i32>} : memref<128x64xf32, #tpu.memory_space<vmem>>, vector<1x16xf32>,
      }
      %scan3A_71 = arith.constant 16 : i32
      %add3A_72 = arith.constant 2 : i32
      %add3A_73 = arith.addi %add3A_56, %add3A_72 : i32
      %lt3A_74 = arith.constant 200 : i32
      %lt3A_75 = arith.cmpi slt, %add3A_73, %lt3A_74 : i32
      %convert_element_type3A_76 = arith.extui %lt3A_75 : i1 to i32
      %cond3A_77 = arith.constant 0 : i32
      %cond3A_78 = arith.cmpi ne, %convert_element_type3A_76, %cond3A_77 : i32
      scf.if %cond3A_78 {
        %add3A_86 = arith.constant 2 : i32
        %add3A_87 = arith.addi %add3A_56, %add3A_86 : i32
        %scan3A_88 = arith.constant 0 : i32
        %scan3A_89 = arith.constant 8 : i32
        %scan3A_90 = arith.addi %scan3A_88, %scan3A_89 : i32
        %scan3A_91 = arith.constant 1 : i32
        scf.for %scan3A_93 = %scan3A_88 to %scan3A_90 step %scan3A_91  : i32 {
          %mul3A_94 = arith.constant 16 : i32
          %mul3A_95 = arith.muli %scan3A_93, %mul3A_94 : i32
          %add3A_96 = arith.constant 0 : i32
          %add3A_97 = arith.addi %add3A_96, %mul3A_95 : i32
          %mul3A_98 = arith.constant 128 : i32
          %mul3A_99 = arith.muli %add3A_87, %mul3A_98 : i32
          %add3A_100 = arith.addi %mul3A_99, %add3A_97 : i32
          %get3A = arith.index_cast %add3A_100 : i32 to index
          %get3A_101 = tpu.vector_load %arg5[%get3A] {strides = array<i32>} : memref<25600xi32, #tpu.memory_space<vmem>>, vector<16xi32>,
          %get3A_102 = vector.shape_cast %get3A_101 : vector<16xi32> to vector<16xi32>
          %slice3A = vector.extract_strided_slice %get3A_102 {offsets = [0], sizes = [1], strides = [1]} : vector<16xi32> to vector<1xi32>
          %squeeze3A = vector.extract %slice3A[0] : i32 from vector<1xi32>
          %add3A_103 = arith.constant 0 : i32
          %add3A_104 = arith.addi %add3A_97, %add3A_103 : i32
          %dma_start3A_105 = arith.constant 0 : i32
          %dma_start3A_106 = arith.constant 0 : i32
          %dma_start3A_107 = tpu.memref_slice %arg7[%add3A_104, %dma_start3A_106] : memref<128x64xf32, #tpu.memory_space<vmem>> -> memref<1x64xf32, #tpu.memory_space<vmem>>
          %dma_start3A_108 = tpu.memref_squeeze %dma_start3A_107 : memref<1x64xf32, #tpu.memory_space<vmem>> -> memref<64xf32, #tpu.memory_space<vmem>>
          %dma_start3A_109 = arith.constant 0 : i32
          %dma_start3A_110 = tpu.memref_slice %arg2[%dma_start3A_105, %squeeze3A, %dma_start3A_109] : memref<1x1000000x64xf32, #tpu.memory_space<hbm>> -> memref<1x1x64xf32, #tpu.memory_space<hbm>>
          %dma_start3A_111 = tpu.memref_squeeze %dma_start3A_110 : memref<1x1x64xf32, #tpu.memory_space<hbm>> -> memref<64xf32, #tpu.memory_space<hbm>>
          %dma_start3A_112 = arith.constant 0 : i32
          %dma_start3A_113 = tpu.memref_slice %arg7[%add3A_104, %dma_start3A_112] : memref<128x64xf32, #tpu.memory_space<vmem>> -> memref<1x64xf32, #tpu.memory_space<vmem>>
          %dma_start3A_114 = tpu.memref_squeeze %dma_start3A_113 : memref<1x64xf32, #tpu.memory_space<vmem>> -> memref<64xf32, #tpu.memory_space<vmem>>
          %dma_start3A_115 = arith.constant 0 : i32
          %dma_start3A_116 = tpu.memref_slice %arg2[%dma_start3A_105, %squeeze3A, %dma_start3A_115] : memref<1x1000000x64xf32, #tpu.memory_space<hbm>> -> memref<1x1x64xf32, #tpu.memory_space<hbm>>
          %dma_start3A_117 = tpu.memref_squeeze %dma_start3A_116 : memref<1x1x64xf32, #tpu.memory_space<hbm>> -> memref<64xf32, #tpu.memory_space<hbm>>
          tpu.enqueue_dma source(%dma_start3A_117 : memref<64xf32, #tpu.memory_space<hbm>>) target(%dma_start3A_114 : memref<64xf32, #tpu.memory_space<vmem>>) target_semaphore(%arg11 : memref<!tpu.dma_semaphore, #tpu.memory_space<semaphore_mem>>)
          %slice3A_118 = vector.extract_strided_slice %get3A_102 {offsets = [1], sizes = [1], strides = [1]} : vector<16xi32> to vector<1xi32>
          %squeeze3A_119 = vector.extract %slice3A_118[0] : i32 from vector<1xi32>
          %add3A_120 = arith.constant 1 : i32
          %add3A_121 = arith.addi %add3A_97, %add3A_120 : i32
          %dma_start3A_122 = arith.constant 0 : i32
          %dma_start3A_123 = arith.constant 0 : i32
          %dma_start3A_124 = tpu.memref_slice %arg7[%add3A_121, %dma_start3A_123] : memref<128x64xf32, #tpu.memory_space<vmem>> -> memref<1x64xf32, #tpu.memory_space<vmem>>
          %dma_start3A_125 = tpu.memref_squeeze %dma_start3A_124 : memref<1x64xf32, #tpu.memory_space<vmem>> -> memref<64xf32, #tpu.memory_space<vmem>>
          %dma_start3A_126 = arith.constant 0 : i32
          %dma_start3A_127 = tpu.memref_slice %arg2[%dma_start3A_122, %squeeze3A_119, %dma_start3A_126] : memref<1x1000000x64xf32, #tpu.memory_space<hbm>> -> memref<1x1x64xf32, #tpu.memory_space<hbm>>
          %dma_start3A_128 = tpu.memref_squeeze %dma_start3A_127 : memref<1x1x64xf32, #tpu.memory_space<hbm>> -> memref<64xf32, #tpu.memory_space<hbm>>
          %dma_start3A_129 = arith.constant 0 : i32
          %dma_start3A_130 = tpu.memref_slice %arg7[%add3A_121, %dma_start3A_129] : memref<128x64xf32, #tpu.memory_space<vmem>> -> memref<1x64xf32, #tpu.memory_space<vmem>>
          %dma_start3A_131 = tpu.memref_squeeze %dma_start3A_130 : memref<1x64xf32, #tpu.memory_space<vmem>> -> memref<64xf32, #tpu.memory_space<vmem>>
          %dma_start3A_132 = arith.constant 0 : i32
          %dma_start3A_133 = tpu.memref_slice %arg2[%dma_start3A_122, %squeeze3A_119, %dma_start3A_132] : memref<1x1000000x64xf32, #tpu.memory_space<hbm>> -> memref<1x1x64xf32, #tpu.memory_space<hbm>>
          %dma_start3A_134 = tpu.memref_squeeze %dma_start3A_133 : memref<1x1x64xf32, #tpu.memory_space<hbm>> -> memref<64xf32, #tpu.memory_space<hbm>>
          tpu.enqueue_dma source(%dma_start3A_134 : memref<64xf32, #tpu.memory_space<hbm>>) target(%dma_start3A_131 : memref<64xf32, #tpu.memory_space<vmem>>) target_semaphore(%arg11 : memref<!tpu.dma_semaphore, #tpu.memory_space<semaphore_mem>>)
          %slice3A_135 = vector.extract_strided_slice %get3A_102 {offsets = [2], sizes = [1], strides = [1]} : vector<16xi32> to vector<1xi32>
          %squeeze3A_136 = vector.extract %slice3A_135[0] : i32 from vector<1xi32>
          %add3A_137 = arith.constant 2 : i32
          %add3A_138 = arith.addi %add3A_97, %add3A_137 : i32
          %dma_start3A_139 = arith.constant 0 : i32
          %dma_start3A_140 = arith.constant 0 : i32
          %dma_start3A_141 = tpu.memref_slice %arg7[%add3A_138, %dma_start3A_140] : memref<128x64xf32, #tpu.memory_space<vmem>> -> memref<1x64xf32, #tpu.memory_space<vmem>>
          %dma_start3A_142 = tpu.memref_squeeze %dma_start3A_141 : memref<1x64xf32, #tpu.memory_space<vmem>> -> memref<64xf32, #tpu.memory_space<vmem>>
          %dma_start3A_143 = arith.constant 0 : i32
          %dma_start3A_144 = tpu.memref_slice %arg2[%dma_start3A_139, %squeeze3A_136, %dma_start3A_143] : memref<1x1000000x64xf32, #tpu.memory_space<hbm>> -> memref<1x1x64xf32, #tpu.memory_space<hbm>>
          %dma_start3A_145 = tpu.memref_squeeze %dma_start3A_144 : memref<1x1x64xf32, #tpu.memory_space<hbm>> -> memref<64xf32, #tpu.memory_space<hbm>>
          %dma_start3A_146 = arith.constant 0 : i32
          %dma_start3A_147 = tpu.memref_slice %arg7[%add3A_138, %dma_start3A_146] : memref<128x64xf32, #tpu.memory_space<vmem>> -> memref<1x64xf32, #tpu.memory_space<vmem>>
          %dma_start3A_148 = tpu.memref_squeeze %dma_start3A_147 : memref<1x64xf32, #tpu.memory_space<vmem>> -> memref<64xf32, #tpu.memory_space<vmem>>
          %dma_start3A_149 = arith.constant 0 : i32
          %dma_start3A_150 = tpu.memref_slice %arg2[%dma_start3A_139, %squeeze3A_136, %dma_start3A_149] : memref<1x1000000x64xf32, #tpu.memory_space<hbm>> -> memref<1x1x64xf32, #tpu.memory_space<hbm>>
          %dma_start3A_151 = tpu.memref_squeeze %dma_start3A_150 : memref<1x1x64xf32, #tpu.memory_space<hbm>> -> memref<64xf32, #tpu.memory_space<hbm>>
          tpu.enqueue_dma source(%dma_start3A_151 : memref<64xf32, #tpu.memory_space<hbm>>) target(%dma_start3A_148 : memref<64xf32, #tpu.memory_space<vmem>>) target_semaphore(%arg11 : memref<!tpu.dma_semaphore, #tpu.memory_space<semaphore_mem>>)
          %slice3A_152 = vector.extract_strided_slice %get3A_102 {offsets = [3], sizes = [1], strides = [1]} : vector<16xi32> to vector<1xi32>
          %squeeze3A_153 = vector.extract %slice3A_152[0] : i32 from vector<1xi32>
          %add3A_154 = arith.constant 3 : i32
          %add3A_155 = arith.addi %add3A_97, %add3A_154 : i32
          %dma_start3A_156 = arith.constant 0 : i32
          %dma_start3A_157 = arith.constant 0 : i32
          %dma_start3A_158 = tpu.memref_slice %arg7[%add3A_155, %dma_start3A_157] : memref<128x64xf32, #tpu.memory_space<vmem>> -> memref<1x64xf32, #tpu.memory_space<vmem>>
          %dma_start3A_159 = tpu.memref_squeeze %dma_start3A_158 : memref<1x64xf32, #tpu.memory_space<vmem>> -> memref<64xf32, #tpu.memory_space<vmem>>
          %dma_start3A_160 = arith.constant 0 : i32
          %dma_start3A_161 = tpu.memref_slice %arg2[%dma_start3A_156, %squeeze3A_153, %dma_start3A_160] : memref<1x1000000x64xf32, #tpu.memory_space<hbm>> -> memref<1x1x64xf32, #tpu.memory_space<hbm>>
          %dma_start3A_162 = tpu.memref_squeeze %dma_start3A_161 : memref<1x1x64xf32, #tpu.memory_space<hbm>> -> memref<64xf32, #tpu.memory_space<hbm>>
          %dma_start3A_163 = arith.constant 0 : i32
          %dma_start3A_164 = tpu.memref_slice %arg7[%add3A_155, %dma_start3A_163] : memref<128x64xf32, #tpu.memory_space<vmem>> -> memref<1x64xf32, #tpu.memory_space<vmem>>
          %dma_start3A_165 = tpu.memref_squeeze %dma_start3A_164 : memref<1x64xf32, #tpu.memory_space<vmem>> -> memref<64xf32, #tpu.memory_space<vmem>>
          %dma_start3A_166 = arith.constant 0 : i32
          %dma_start3A_167 = tpu.memref_slice %arg2[%dma_start3A_156, %squeeze3A_153, %dma_start3A_166] : memref<1x1000000x64xf32, #tpu.memory_space<hbm>> -> memref<1x1x64xf32, #tpu.memory_space<hbm>>
          %dma_start3A_168 = tpu.memref_squeeze %dma_start3A_167 : memref<1x1x64xf32, #tpu.memory_space<hbm>> -> memref<64xf32, #tpu.memory_space<hbm>>
          tpu.enqueue_dma source(%dma_start3A_168 : memref<64xf32, #tpu.memory_space<hbm>>) target(%dma_start3A_165 : memref<64xf32, #tpu.memory_space<vmem>>) target_semaphore(%arg11 : memref<!tpu.dma_semaphore, #tpu.memory_space<semaphore_mem>>)
          %slice3A_169 = vector.extract_strided_slice %get3A_102 {offsets = [4], sizes = [1], strides = [1]} : vector<16xi32> to vector<1xi32>
          %squeeze3A_170 = vector.extract %slice3A_169[0] : i32 from vector<1xi32>
          %add3A_171 = arith.constant 4 : i32
          %add3A_172 = arith.addi %add3A_97, %add3A_171 : i32
          %dma_start3A_173 = arith.constant 0 : i32
          %dma_start3A_174 = arith.constant 0 : i32
          %dma_start3A_175 = tpu.memref_slice %arg7[%add3A_172, %dma_start3A_174] : memref<128x64xf32, #tpu.memory_space<vmem>> -> memref<1x64xf32, #tpu.memory_space<vmem>>
          %dma_start3A_176 = tpu.memref_squeeze %dma_start3A_175 : memref<1x64xf32, #tpu.memory_space<vmem>> -> memref<64xf32, #tpu.memory_space<vmem>>
          %dma_start3A_177 = arith.constant 0 : i32
          %dma_start3A_178 = tpu.memref_slice %arg2[%dma_start3A_173, %squeeze3A_170, %dma_start3A_177] : memref<1x1000000x64xf32, #tpu.memory_space<hbm>> -> memref<1x1x64xf32, #tpu.memory_space<hbm>>
          %dma_start3A_179 = tpu.memref_squeeze %dma_start3A_178 : memref<1x1x64xf32, #tpu.memory_space<hbm>> -> memref<64xf32, #tpu.memory_space<hbm>>
          %dma_start3A_180 = arith.constant 0 : i32
          %dma_start3A_181 = tpu.memref_slice %arg7[%add3A_172, %dma_start3A_180] : memref<128x64xf32, #tpu.memory_space<vmem>> -> memref<1x64xf32, #tpu.memory_space<vmem>>
          %dma_start3A_182 = tpu.memref_squeeze %dma_start3A_181 : memref<1x64xf32, #tpu.memory_space<vmem>> -> memref<64xf32, #tpu.memory_space<vmem>>
          %dma_start3A_183 = arith.constant 0 : i32
          %dma_start3A_184 = tpu.memref_slice %arg2[%dma_start3A_173, %squeeze3A_170, %dma_start3A_183] : memref<1x1000000x64xf32, #tpu.memory_space<hbm>> -> memref<1x1x64xf32, #tpu.memory_space<hbm>>
          %dma_start3A_185 = tpu.memref_squeeze %dma_start3A_184 : memref<1x1x64xf32, #tpu.memory_space<hbm>> -> memref<64xf32, #tpu.memory_space<hbm>>
          tpu.enqueue_dma source(%dma_start3A_185 : memref<64xf32, #tpu.memory_space<hbm>>) target(%dma_start3A_182 : memref<64xf32, #tpu.memory_space<vmem>>) target_semaphore(%arg11 : memref<!tpu.dma_semaphore, #tpu.memory_space<semaphore_mem>>)
          %slice3A_186 = vector.extract_strided_slice %get3A_102 {offsets = [5], sizes = [1], strides = [1]} : vector<16xi32> to vector<1xi32>
          %squeeze3A_187 = vector.extract %slice3A_186[0] : i32 from vector<1xi32>
          %add3A_188 = arith.constant 5 : i32
          %add3A_189 = arith.addi %add3A_97, %add3A_188 : i32
          %dma_start3A_190 = arith.constant 0 : i32
          %dma_start3A_191 = arith.constant 0 : i32
          %dma_start3A_192 = tpu.memref_slice %arg7[%add3A_189, %dma_start3A_191] : memref<128x64xf32, #tpu.memory_space<vmem>> -> memref<1x64xf32, #tpu.memory_space<vmem>>
          %dma_start3A_193 = tpu.memref_squeeze %dma_start3A_192 : memref<1x64xf32, #tpu.memory_space<vmem>> -> memref<64xf32, #tpu.memory_space<vmem>>
          %dma_start3A_194 = arith.constant 0 : i32
          %dma_start3A_195 = tpu.memref_slice %arg2[%dma_start3A_190, %squeeze3A_187, %dma_start3A_194] : memref<1x1000000x64xf32, #tpu.memory_space<hbm>> -> memref<1x1x64xf32, #tpu.memory_space<hbm>>
          %dma_start3A_196 = tpu.memref_squeeze %dma_start3A_195 : memref<1x1x64xf32, #tpu.memory_space<hbm>> -> memref<64xf32, #tpu.memory_space<hbm>>
          %dma_start3A_197 = arith.constant 0 : i32
          %dma_start3A_198 = tpu.memref_slice %arg7[%add3A_189, %dma_start3A_197] : memref<128x64xf32, #tpu.memory_space<vmem>> -> memref<1x64xf32, #tpu.memory_space<vmem>>
          %dma_start3A_199 = tpu.memref_squeeze %dma_start3A_198 : memref<1x64xf32, #tpu.memory_space<vmem>> -> memref<64xf32, #tpu.memory_space<vmem>>
          %dma_start3A_200 = arith.constant 0 : i32
          %dma_start3A_201 = tpu.memref_slice %arg2[%dma_start3A_190, %squeeze3A_187, %dma_start3A_200] : memref<1x1000000x64xf32, #tpu.memory_space<hbm>> -> memref<1x1x64xf32, #tpu.memory_space<hbm>>
          %dma_start3A_202 = tpu.memref_squeeze %dma_start3A_201 : memref<1x1x64xf32, #tpu.memory_space<hbm>> -> memref<64xf32, #tpu.memory_space<hbm>>
          tpu.enqueue_dma source(%dma_start3A_202 : memref<64xf32, #tpu.memory_space<hbm>>) target(%dma_start3A_199 : memref<64xf32, #tpu.memory_space<vmem>>) target_semaphore(%arg11 : memref<!tpu.dma_semaphore, #tpu.memory_space<semaphore_mem>>)
          %slice3A_203 = vector.extract_strided_slice %get3A_102 {offsets = [6], sizes = [1], strides = [1]} : vector<16xi32> to vector<1xi32>
          %squeeze3A_204 = vector.extract %slice3A_203[0] : i32 from vector<1xi32>
          %add3A_205 = arith.constant 6 : i32
          %add3A_206 = arith.addi %add3A_97, %add3A_205 : i32
          %dma_start3A_207 = arith.constant 0 : i32
          %dma_start3A_208 = arith.constant 0 : i32
          %dma_start3A_209 = tpu.memref_slice %arg7[%add3A_206, %dma_start3A_208] : memref<128x64xf32, #tpu.memory_space<vmem>> -> memref<1x64xf32, #tpu.memory_space<vmem>>
          %dma_start3A_210 = tpu.memref_squeeze %dma_start3A_209 : memref<1x64xf32, #tpu.memory_space<vmem>> -> memref<64xf32, #tpu.memory_space<vmem>>
          %dma_start3A_211 = arith.constant 0 : i32
          %dma_start3A_212 = tpu.memref_slice %arg2[%dma_start3A_207, %squeeze3A_204, %dma_start3A_211] : memref<1x1000000x64xf32, #tpu.memory_space<hbm>> -> memref<1x1x64xf32, #tpu.memory_space<hbm>>
          %dma_start3A_213 = tpu.memref_squeeze %dma_start3A_212 : memref<1x1x64xf32, #tpu.memory_space<hbm>> -> memref<64xf32, #tpu.memory_space<hbm>>
          %dma_start3A_214 = arith.constant 0 : i32
          %dma_start3A_215 = tpu.memref_slice %arg7[%add3A_206, %dma_start3A_214] : memref<128x64xf32, #tpu.memory_space<vmem>> -> memref<1x64xf32, #tpu.memory_space<vmem>>
          %dma_start3A_216 = tpu.memref_squeeze %dma_start3A_215 : memref<1x64xf32, #tpu.memory_space<vmem>> -> memref<64xf32, #tpu.memory_space<vmem>>
          %dma_start3A_217 = arith.constant 0 : i32
          %dma_start3A_218 = tpu.memref_slice %arg2[%dma_start3A_207, %squeeze3A_204, %dma_start3A_217] : memref<1x1000000x64xf32, #tpu.memory_space<hbm>> -> memref<1x1x64xf32, #tpu.memory_space<hbm>>
          %dma_start3A_219 = tpu.memref_squeeze %dma_start3A_218 : memref<1x1x64xf32, #tpu.memory_space<hbm>> -> memref<64xf32, #tpu.memory_space<hbm>>
          tpu.enqueue_dma source(%dma_start3A_219 : memref<64xf32, #tpu.memory_space<hbm>>) target(%dma_start3A_216 : memref<64xf32, #tpu.memory_space<vmem>>) target_semaphore(%arg11 : memref<!tpu.dma_semaphore, #tpu.memory_space<semaphore_mem>>)
          %slice3A_220 = vector.extract_strided_slice %get3A_102 {offsets = [7], sizes = [1], strides = [1]} : vector<16xi32> to vector<1xi32>
          %squeeze3A_221 = vector.extract %slice3A_220[0] : i32 from vector<1xi32>
          %add3A_222 = arith.constant 7 : i32
          %add3A_223 = arith.addi %add3A_97, %add3A_222 : i32
          %dma_start3A_224 = arith.constant 0 : i32
          %dma_start3A_225 = arith.constant 0 : i32
          %dma_start3A_226 = tpu.memref_slice %arg7[%add3A_223, %dma_start3A_225] : memref<128x64xf32, #tpu.memory_space<vmem>> -> memref<1x64xf32, #tpu.memory_space<vmem>>
          %dma_start3A_227 = tpu.memref_squeeze %dma_start3A_226 : memref<1x64xf32, #tpu.memory_space<vmem>> -> memref<64xf32, #tpu.memory_space<vmem>>
          %dma_start3A_228 = arith.constant 0 : i32
          %dma_start3A_229 = tpu.memref_slice %arg2[%dma_start3A_224, %squeeze3A_221, %dma_start3A_228] : memref<1x1000000x64xf32, #tpu.memory_space<hbm>> -> memref<1x1x64xf32, #tpu.memory_space<hbm>>
          %dma_start3A_230 = tpu.memref_squeeze %dma_start3A_229 : memref<1x1x64xf32, #tpu.memory_space<hbm>> -> memref<64xf32, #tpu.memory_space<hbm>>
          %dma_start3A_231 = arith.constant 0 : i32
          %dma_start3A_232 = tpu.memref_slice %arg7[%add3A_223, %dma_start3A_231] : memref<128x64xf32, #tpu.memory_space<vmem>> -> memref<1x64xf32, #tpu.memory_space<vmem>>
          %dma_start3A_233 = tpu.memref_squeeze %dma_start3A_232 : memref<1x64xf32, #tpu.memory_space<vmem>> -> memref<64xf32, #tpu.memory_space<vmem>>
          %dma_start3A_234 = arith.constant 0 : i32
          %dma_start3A_235 = tpu.memref_slice %arg2[%dma_start3A_224, %squeeze3A_221, %dma_start3A_234] : memref<1x1000000x64xf32, #tpu.memory_space<hbm>> -> memref<1x1x64xf32, #tpu.memory_space<hbm>>
          %dma_start3A_236 = tpu.memref_squeeze %dma_start3A_235 : memref<1x1x64xf32, #tpu.memory_space<hbm>> -> memref<64xf32, #tpu.memory_space<hbm>>
          tpu.enqueue_dma source(%dma_start3A_236 : memref<64xf32, #tpu.memory_space<hbm>>) target(%dma_start3A_233 : memref<64xf32, #tpu.memory_space<vmem>>) target_semaphore(%arg11 : memref<!tpu.dma_semaphore, #tpu.memory_space<semaphore_mem>>)
          %slice3A_237 = vector.extract_strided_slice %get3A_102 {offsets = [8], sizes = [1], strides = [1]} : vector<16xi32> to vector<1xi32>
          %squeeze3A_238 = vector.extract %slice3A_237[0] : i32 from vector<1xi32>
          %add3A_239 = arith.constant 8 : i32
          %add3A_240 = arith.addi %add3A_97, %add3A_239 : i32
          %dma_start3A_241 = arith.constant 0 : i32
          %dma_start3A_242 = arith.constant 0 : i32
          %dma_start3A_243 = tpu.memref_slice %arg7[%add3A_240, %dma_start3A_242] : memref<128x64xf32, #tpu.memory_space<vmem>> -> memref<1x64xf32, #tpu.memory_space<vmem>>
          %dma_start3A_244 = tpu.memref_squeeze %dma_start3A_243 : memref<1x64xf32, #tpu.memory_space<vmem>> -> memref<64xf32, #tpu.memory_space<vmem>>
          %dma_start3A_245 = arith.constant 0 : i32
          %dma_start3A_246 = tpu.memref_slice %arg2[%dma_start3A_241, %squeeze3A_238, %dma_start3A_245] : memref<1x1000000x64xf32, #tpu.memory_space<hbm>> -> memref<1x1x64xf32, #tpu.memory_space<hbm>>
          %dma_start3A_247 = tpu.memref_squeeze %dma_start3A_246 : memref<1x1x64xf32, #tpu.memory_space<hbm>> -> memref<64xf32, #tpu.memory_space<hbm>>
          %dma_start3A_248 = arith.constant 0 : i32
          %dma_start3A_249 = tpu.memref_slice %arg7[%add3A_240, %dma_start3A_248] : memref<128x64xf32, #tpu.memory_space<vmem>> -> memref<1x64xf32, #tpu.memory_space<vmem>>
          %dma_start3A_250 = tpu.memref_squeeze %dma_start3A_249 : memref<1x64xf32, #tpu.memory_space<vmem>> -> memref<64xf32, #tpu.memory_space<vmem>>
          %dma_start3A_251 = arith.constant 0 : i32
          %dma_start3A_252 = tpu.memref_slice %arg2[%dma_start3A_241, %squeeze3A_238, %dma_start3A_251] : memref<1x1000000x64xf32, #tpu.memory_space<hbm>> -> memref<1x1x64xf32, #tpu.memory_space<hbm>>
          %dma_start3A_253 = tpu.memref_squeeze %dma_start3A_252 : memref<1x1x64xf32, #tpu.memory_space<hbm>> -> memref<64xf32, #tpu.memory_space<hbm>>
          tpu.enqueue_dma source(%dma_start3A_253 : memref<64xf32, #tpu.memory_space<hbm>>) target(%dma_start3A_250 : memref<64xf32, #tpu.memory_space<vmem>>) target_semaphore(%arg11 : memref<!tpu.dma_semaphore, #tpu.memory_space<semaphore_mem>>)
          %slice3A_254 = vector.extract_strided_slice %get3A_102 {offsets = [9], sizes = [1], strides = [1]} : vector<16xi32> to vector<1xi32>
          %squeeze3A_255 = vector.extract %slice3A_254[0] : i32 from vector<1xi32>
          %add3A_256 = arith.constant 9 : i32
          %add3A_257 = arith.addi %add3A_97, %add3A_256 : i32
          %dma_start3A_258 = arith.constant 0 : i32
          %dma_start3A_259 = arith.constant 0 : i32
          %dma_start3A_260 = tpu.memref_slice %arg7[%add3A_257, %dma_start3A_259] : memref<128x64xf32, #tpu.memory_space<vmem>> -> memref<1x64xf32, #tpu.memory_space<vmem>>
          %dma_start3A_261 = tpu.memref_squeeze %dma_start3A_260 : memref<1x64xf32, #tpu.memory_space<vmem>> -> memref<64xf32, #tpu.memory_space<vmem>>
          %dma_start3A_262 = arith.constant 0 : i32
          %dma_start3A_263 = tpu.memref_slice %arg2[%dma_start3A_258, %squeeze3A_255, %dma_start3A_262] : memref<1x1000000x64xf32, #tpu.memory_space<hbm>> -> memref<1x1x64xf32, #tpu.memory_space<hbm>>
          %dma_start3A_264 = tpu.memref_squeeze %dma_start3A_263 : memref<1x1x64xf32, #tpu.memory_space<hbm>> -> memref<64xf32, #tpu.memory_space<hbm>>
          %dma_start3A_265 = arith.constant 0 : i32
          %dma_start3A_266 = tpu.memref_slice %arg7[%add3A_257, %dma_start3A_265] : memref<128x64xf32, #tpu.memory_space<vmem>> -> memref<1x64xf32, #tpu.memory_space<vmem>>
          %dma_start3A_267 = tpu.memref_squeeze %dma_start3A_266 : memref<1x64xf32, #tpu.memory_space<vmem>> -> memref<64xf32, #tpu.memory_space<vmem>>
          %dma_start3A_268 = arith.constant 0 : i32
          %dma_start3A_269 = tpu.memref_slice %arg2[%dma_start3A_258, %squeeze3A_255, %dma_start3A_268] : memref<1x1000000x64xf32, #tpu.memory_space<hbm>> -> memref<1x1x64xf32, #tpu.memory_space<hbm>>
          %dma_start3A_270 = tpu.memref_squeeze %dma_start3A_269 : memref<1x1x64xf32, #tpu.memory_space<hbm>> -> memref<64xf32, #tpu.memory_space<hbm>>
          tpu.enqueue_dma source(%dma_start3A_270 : memref<64xf32, #tpu.memory_space<hbm>>) target(%dma_start3A_267 : memref<64xf32, #tpu.memory_space<vmem>>) target_semaphore(%arg11 : memref<!tpu.dma_semaphore, #tpu.memory_space<semaphore_mem>>)
          %slice3A_271 = vector.extract_strided_slice %get3A_102 {offsets = [10], sizes = [1], strides = [1]} : vector<16xi32> to vector<1xi32>
          %squeeze3A_272 = vector.extract %slice3A_271[0] : i32 from vector<1xi32>
          %add3A_273 = arith.constant 10 : i32
          %add3A_274 = arith.addi %add3A_97, %add3A_273 : i32
          %dma_start3A_275 = arith.constant 0 : i32
          %dma_start3A_276 = arith.constant 0 : i32
          %dma_start3A_277 = tpu.memref_slice %arg7[%add3A_274, %dma_start3A_276] : memref<128x64xf32, #tpu.memory_space<vmem>> -> memref<1x64xf32, #tpu.memory_space<vmem>>
          %dma_start3A_278 = tpu.memref_squeeze %dma_start3A_277 : memref<1x64xf32, #tpu.memory_space<vmem>> -> memref<64xf32, #tpu.memory_space<vmem>>
          %dma_start3A_279 = arith.constant 0 : i32
          %dma_start3A_280 = tpu.memref_slice %arg2[%dma_start3A_275, %squeeze3A_272, %dma_start3A_279] : memref<1x1000000x64xf32, #tpu.memory_space<hbm>> -> memref<1x1x64xf32, #tpu.memory_space<hbm>>
          %dma_start3A_281 = tpu.memref_squeeze %dma_start3A_280 : memref<1x1x64xf32, #tpu.memory_space<hbm>> -> memref<64xf32, #tpu.memory_space<hbm>>
          %dma_start3A_282 = arith.constant 0 : i32
          %dma_start3A_283 = tpu.memref_slice %arg7[%add3A_274, %dma_start3A_282] : memref<128x64xf32, #tpu.memory_space<vmem>> -> memref<1x64xf32, #tpu.memory_space<vmem>>
          %dma_start3A_284 = tpu.memref_squeeze %dma_start3A_283 : memref<1x64xf32, #tpu.memory_space<vmem>> -> memref<64xf32, #tpu.memory_space<vmem>>
          %dma_start3A_285 = arith.constant 0 : i32
          %dma_start3A_286 = tpu.memref_slice %arg2[%dma_start3A_275, %squeeze3A_272, %dma_start3A_285] : memref<1x1000000x64xf32, #tpu.memory_space<hbm>> -> memref<1x1x64xf32, #tpu.memory_space<hbm>>
          %dma_start3A_287 = tpu.memref_squeeze %dma_start3A_286 : memref<1x1x64xf32, #tpu.memory_space<hbm>> -> memref<64xf32, #tpu.memory_space<hbm>>
          tpu.enqueue_dma source(%dma_start3A_287 : memref<64xf32, #tpu.memory_space<hbm>>) target(%dma_start3A_284 : memref<64xf32, #tpu.memory_space<vmem>>) target_semaphore(%arg11 : memref<!tpu.dma_semaphore, #tpu.memory_space<semaphore_mem>>)
          %slice3A_288 = vector.extract_strided_slice %get3A_102 {offsets = [11], sizes = [1], strides = [1]} : vector<16xi32> to vector<1xi32>
          %squeeze3A_289 = vector.extract %slice3A_288[0] : i32 from vector<1xi32>
          %add3A_290 = arith.constant 11 : i32
          %add3A_291 = arith.addi %add3A_97, %add3A_290 : i32
          %dma_start3A_292 = arith.constant 0 : i32
          %dma_start3A_293 = arith.constant 0 : i32
          %dma_start3A_294 = tpu.memref_slice %arg7[%add3A_291, %dma_start3A_293] : memref<128x64xf32, #tpu.memory_space<vmem>> -> memref<1x64xf32, #tpu.memory_space<vmem>>
          %dma_start3A_295 = tpu.memref_squeeze %dma_start3A_294 : memref<1x64xf32, #tpu.memory_space<vmem>> -> memref<64xf32, #tpu.memory_space<vmem>>
          %dma_start3A_296 = arith.constant 0 : i32
          %dma_start3A_297 = tpu.memref_slice %arg2[%dma_start3A_292, %squeeze3A_289, %dma_start3A_296] : memref<1x1000000x64xf32, #tpu.memory_space<hbm>> -> memref<1x1x64xf32, #tpu.memory_space<hbm>>
          %dma_start3A_298 = tpu.memref_squeeze %dma_start3A_297 : memref<1x1x64xf32, #tpu.memory_space<hbm>> -> memref<64xf32, #tpu.memory_space<hbm>>
          %dma_start3A_299 = arith.constant 0 : i32
          %dma_start3A_300 = tpu.memref_slice %arg7[%add3A_291, %dma_start3A_299] : memref<128x64xf32, #tpu.memory_space<vmem>> -> memref<1x64xf32, #tpu.memory_space<vmem>>
          %dma_start3A_301 = tpu.memref_squeeze %dma_start3A_300 : memref<1x64xf32, #tpu.memory_space<vmem>> -> memref<64xf32, #tpu.memory_space<vmem>>
          %dma_start3A_302 = arith.constant 0 : i32
          %dma_start3A_303 = tpu.memref_slice %arg2[%dma_start3A_292, %squeeze3A_289, %dma_start3A_302] : memref<1x1000000x64xf32, #tpu.memory_space<hbm>> -> memref<1x1x64xf32, #tpu.memory_space<hbm>>
          %dma_start3A_304 = tpu.memref_squeeze %dma_start3A_303 : memref<1x1x64xf32, #tpu.memory_space<hbm>> -> memref<64xf32, #tpu.memory_space<hbm>>
          tpu.enqueue_dma source(%dma_start3A_304 : memref<64xf32, #tpu.memory_space<hbm>>) target(%dma_start3A_301 : memref<64xf32, #tpu.memory_space<vmem>>) target_semaphore(%arg11 : memref<!tpu.dma_semaphore, #tpu.memory_space<semaphore_mem>>)
          %slice3A_305 = vector.extract_strided_slice %get3A_102 {offsets = [12], sizes = [1], strides = [1]} : vector<16xi32> to vector<1xi32>
          %squeeze3A_306 = vector.extract %slice3A_305[0] : i32 from vector<1xi32>
          %add3A_307 = arith.constant 12 : i32
          %add3A_308 = arith.addi %add3A_97, %add3A_307 : i32
          %dma_start3A_309 = arith.constant 0 : i32
          %dma_start3A_310 = arith.constant 0 : i32
          %dma_start3A_311 = tpu.memref_slice %arg7[%add3A_308, %dma_start3A_310] : memref<128x64xf32, #tpu.memory_space<vmem>> -> memref<1x64xf32, #tpu.memory_space<vmem>>
          %dma_start3A_312 = tpu.memref_squeeze %dma_start3A_311 : memref<1x64xf32, #tpu.memory_space<vmem>> -> memref<64xf32, #tpu.memory_space<vmem>>
          %dma_start3A_313 = arith.constant 0 : i32
          %dma_start3A_314 = tpu.memref_slice %arg2[%dma_start3A_309, %squeeze3A_306, %dma_start3A_313] : memref<1x1000000x64xf32, #tpu.memory_space<hbm>> -> memref<1x1x64xf32, #tpu.memory_space<hbm>>
          %dma_start3A_315 = tpu.memref_squeeze %dma_start3A_314 : memref<1x1x64xf32, #tpu.memory_space<hbm>> -> memref<64xf32, #tpu.memory_space<hbm>>
          %dma_start3A_316 = arith.constant 0 : i32
          %dma_start3A_317 = tpu.memref_slice %arg7[%add3A_308, %dma_start3A_316] : memref<128x64xf32, #tpu.memory_space<vmem>> -> memref<1x64xf32, #tpu.memory_space<vmem>>
          %dma_start3A_318 = tpu.memref_squeeze %dma_start3A_317 : memref<1x64xf32, #tpu.memory_space<vmem>> -> memref<64xf32, #tpu.memory_space<vmem>>
          %dma_start3A_319 = arith.constant 0 : i32
          %dma_start3A_320 = tpu.memref_slice %arg2[%dma_start3A_309, %squeeze3A_306, %dma_start3A_319] : memref<1x1000000x64xf32, #tpu.memory_space<hbm>> -> memref<1x1x64xf32, #tpu.memory_space<hbm>>
          %dma_start3A_321 = tpu.memref_squeeze %dma_start3A_320 : memref<1x1x64xf32, #tpu.memory_space<hbm>> -> memref<64xf32, #tpu.memory_space<hbm>>
          tpu.enqueue_dma source(%dma_start3A_321 : memref<64xf32, #tpu.memory_space<hbm>>) target(%dma_start3A_318 : memref<64xf32, #tpu.memory_space<vmem>>) target_semaphore(%arg11 : memref<!tpu.dma_semaphore, #tpu.memory_space<semaphore_mem>>)
          %slice3A_322 = vector.extract_strided_slice %get3A_102 {offsets = [13], sizes = [1], strides = [1]} : vector<16xi32> to vector<1xi32>
          %squeeze3A_323 = vector.extract %slice3A_322[0] : i32 from vector<1xi32>
          %add3A_324 = arith.constant 13 : i32
          %add3A_325 = arith.addi %add3A_97, %add3A_324 : i32
          %dma_start3A_326 = arith.constant 0 : i32
          %dma_start3A_327 = arith.constant 0 : i32
          %dma_start3A_328 = tpu.memref_slice %arg7[%add3A_325, %dma_start3A_327] : memref<128x64xf32, #tpu.memory_space<vmem>> -> memref<1x64xf32, #tpu.memory_space<vmem>>
          %dma_start3A_329 = tpu.memref_squeeze %dma_start3A_328 : memref<1x64xf32, #tpu.memory_space<vmem>> -> memref<64xf32, #tpu.memory_space<vmem>>
          %dma_start3A_330 = arith.constant 0 : i32
          %dma_start3A_331 = tpu.memref_slice %arg2[%dma_start3A_326, %squeeze3A_323, %dma_start3A_330] : memref<1x1000000x64xf32, #tpu.memory_space<hbm>> -> memref<1x1x64xf32, #tpu.memory_space<hbm>>
          %dma_start3A_332 = tpu.memref_squeeze %dma_start3A_331 : memref<1x1x64xf32, #tpu.memory_space<hbm>> -> memref<64xf32, #tpu.memory_space<hbm>>
          %dma_start3A_333 = arith.constant 0 : i32
          %dma_start3A_334 = tpu.memref_slice %arg7[%add3A_325, %dma_start3A_333] : memref<128x64xf32, #tpu.memory_space<vmem>> -> memref<1x64xf32, #tpu.memory_space<vmem>>
          %dma_start3A_335 = tpu.memref_squeeze %dma_start3A_334 : memref<1x64xf32, #tpu.memory_space<vmem>> -> memref<64xf32, #tpu.memory_space<vmem>>
          %dma_start3A_336 = arith.constant 0 : i32
          %dma_start3A_337 = tpu.memref_slice %arg2[%dma_start3A_326, %squeeze3A_323, %dma_start3A_336] : memref<1x1000000x64xf32, #tpu.memory_space<hbm>> -> memref<1x1x64xf32, #tpu.memory_space<hbm>>
          %dma_start3A_338 = tpu.memref_squeeze %dma_start3A_337 : memref<1x1x64xf32, #tpu.memory_space<hbm>> -> memref<64xf32, #tpu.memory_space<hbm>>
          tpu.enqueue_dma source(%dma_start3A_338 : memref<64xf32, #tpu.memory_space<hbm>>) target(%dma_start3A_335 : memref<64xf32, #tpu.memory_space<vmem>>) target_semaphore(%arg11 : memref<!tpu.dma_semaphore, #tpu.memory_space<semaphore_mem>>)
          %slice3A_339 = vector.extract_strided_slice %get3A_102 {offsets = [14], sizes = [1], strides = [1]} : vector<16xi32> to vector<1xi32>
          %squeeze3A_340 = vector.extract %slice3A_339[0] : i32 from vector<1xi32>
          %add3A_341 = arith.constant 14 : i32
          %add3A_342 = arith.addi %add3A_97, %add3A_341 : i32
          %dma_start3A_343 = arith.constant 0 : i32
          %dma_start3A_344 = arith.constant 0 : i32
          %dma_start3A_345 = tpu.memref_slice %arg7[%add3A_342, %dma_start3A_344] : memref<128x64xf32, #tpu.memory_space<vmem>> -> memref<1x64xf32, #tpu.memory_space<vmem>>
          %dma_start3A_346 = tpu.memref_squeeze %dma_start3A_345 : memref<1x64xf32, #tpu.memory_space<vmem>> -> memref<64xf32, #tpu.memory_space<vmem>>
          %dma_start3A_347 = arith.constant 0 : i32
          %dma_start3A_348 = tpu.memref_slice %arg2[%dma_start3A_343, %squeeze3A_340, %dma_start3A_347] : memref<1x1000000x64xf32, #tpu.memory_space<hbm>> -> memref<1x1x64xf32, #tpu.memory_space<hbm>>
          %dma_start3A_349 = tpu.memref_squeeze %dma_start3A_348 : memref<1x1x64xf32, #tpu.memory_space<hbm>> -> memref<64xf32, #tpu.memory_space<hbm>>
          %dma_start3A_350 = arith.constant 0 : i32
          %dma_start3A_351 = tpu.memref_slice %arg7[%add3A_342, %dma_start3A_350] : memref<128x64xf32, #tpu.memory_space<vmem>> -> memref<1x64xf32, #tpu.memory_space<vmem>>
          %dma_start3A_352 = tpu.memref_squeeze %dma_start3A_351 : memref<1x64xf32, #tpu.memory_space<vmem>> -> memref<64xf32, #tpu.memory_space<vmem>>
          %dma_start3A_353 = arith.constant 0 : i32
          %dma_start3A_354 = tpu.memref_slice %arg2[%dma_start3A_343, %squeeze3A_340, %dma_start3A_353] : memref<1x1000000x64xf32, #tpu.memory_space<hbm>> -> memref<1x1x64xf32, #tpu.memory_space<hbm>>
          %dma_start3A_355 = tpu.memref_squeeze %dma_start3A_354 : memref<1x1x64xf32, #tpu.memory_space<hbm>> -> memref<64xf32, #tpu.memory_space<hbm>>
          tpu.enqueue_dma source(%dma_start3A_355 : memref<64xf32, #tpu.memory_space<hbm>>) target(%dma_start3A_352 : memref<64xf32, #tpu.memory_space<vmem>>) target_semaphore(%arg11 : memref<!tpu.dma_semaphore, #tpu.memory_space<semaphore_mem>>)
          %slice3A_356 = vector.extract_strided_slice %get3A_102 {offsets = [15], sizes = [1], strides = [1]} : vector<16xi32> to vector<1xi32>
          %squeeze3A_357 = vector.extract %slice3A_356[0] : i32 from vector<1xi32>
          %add3A_358 = arith.constant 15 : i32
          %add3A_359 = arith.addi %add3A_97, %add3A_358 : i32
          %dma_start3A_360 = arith.constant 0 : i32
          %dma_start3A_361 = arith.constant 0 : i32
          %dma_start3A_362 = tpu.memref_slice %arg7[%add3A_359, %dma_start3A_361] : memref<128x64xf32, #tpu.memory_space<vmem>> -> memref<1x64xf32, #tpu.memory_space<vmem>>
          %dma_start3A_363 = tpu.memref_squeeze %dma_start3A_362 : memref<1x64xf32, #tpu.memory_space<vmem>> -> memref<64xf32, #tpu.memory_space<vmem>>
          %dma_start3A_364 = arith.constant 0 : i32
          %dma_start3A_365 = tpu.memref_slice %arg2[%dma_start3A_360, %squeeze3A_357, %dma_start3A_364] : memref<1x1000000x64xf32, #tpu.memory_space<hbm>> -> memref<1x1x64xf32, #tpu.memory_space<hbm>>
          %dma_start3A_366 = tpu.memref_squeeze %dma_start3A_365 : memref<1x1x64xf32, #tpu.memory_space<hbm>> -> memref<64xf32, #tpu.memory_space<hbm>>
          %dma_start3A_367 = arith.constant 0 : i32
          %dma_start3A_368 = tpu.memref_slice %arg7[%add3A_359, %dma_start3A_367] : memref<128x64xf32, #tpu.memory_space<vmem>> -> memref<1x64xf32, #tpu.memory_space<vmem>>
          %dma_start3A_369 = tpu.memref_squeeze %dma_start3A_368 : memref<1x64xf32, #tpu.memory_space<vmem>> -> memref<64xf32, #tpu.memory_space<vmem>>
          %dma_start3A_370 = arith.constant 0 : i32
          %dma_start3A_371 = tpu.memref_slice %arg2[%dma_start3A_360, %squeeze3A_357, %dma_start3A_370] : memref<1x1000000x64xf32, #tpu.memory_space<hbm>> -> memref<1x1x64xf32, #tpu.memory_space<hbm>>
          %dma_start3A_372 = tpu.memref_squeeze %dma_start3A_371 : memref<1x1x64xf32, #tpu.memory_space<hbm>> -> memref<64xf32, #tpu.memory_space<hbm>>
          tpu.enqueue_dma source(%dma_start3A_372 : memref<64xf32, #tpu.memory_space<hbm>>) target(%dma_start3A_369 : memref<64xf32, #tpu.memory_space<vmem>>) target_semaphore(%arg11 : memref<!tpu.dma_semaphore, #tpu.memory_space<semaphore_mem>>)
        }
        %scan3A_92 = arith.constant 8 : i32
      } else {
      }
      %mul3A_79 = arith.constant 128 : i32
      %mul3A_80 = arith.muli %add3A_56, %mul3A_79 : i32
      %add3A_81 = arith.addi %mul3A_2, %mul3A_80 : i32
      %dma_start3A_82 = arith.constant 0 : i32
      %dma_start3A_83 = tpu.memref_slice %arg4[%add3A_81, %dma_start3A_82] : memref<819200x64xf32, #tpu.memory_space<hbm>> -> memref<128x64xf32, #tpu.memory_space<hbm>>
      %dma_start3A_84 = arith.constant 0 : i32
      %dma_start3A_85 = tpu.memref_slice %arg4[%add3A_81, %dma_start3A_84] : memref<819200x64xf32, #tpu.memory_space<hbm>> -> memref<128x64xf32, #tpu.memory_space<hbm>>
      tpu.enqueue_dma source(%arg9 : memref<128x64xf32, #tpu.memory_space<vmem>>) target(%dma_start3A_85 : memref<128x64xf32, #tpu.memory_space<hbm>>) target_semaphore(%arg13 : memref<!tpu.dma_semaphore, #tpu.memory_space<semaphore_mem>>)
    }
    %scan3A_16 = arith.constant 100 : i32
    %dma_wait3A = arith.constant 0 : i32
    %dma_wait3A_17 = tpu.memref_slice %arg4[%mul3A_2, %dma_wait3A] : memref<819200x64xf32, #tpu.memory_space<hbm>> -> memref<128x64xf32, #tpu.memory_space<hbm>>
    %dma_wait3A_18 = arith.constant 0 : i32
    %dma_wait3A_19 = tpu.memref_slice %arg4[%mul3A_2, %dma_wait3A_18] : memref<819200x64xf32, #tpu.memory_space<hbm>> -> memref<128x64xf32, #tpu.memory_space<hbm>>
    tpu.wait_dma2 semaphore(%arg12 : memref<!tpu.dma_semaphore, #tpu.memory_space<semaphore_mem>>) src(%arg8 : memref<128x64xf32, #tpu.memory_space<vmem>>) dst(%dma_wait3A_19 : memref<128x64xf32, #tpu.memory_space<hbm>>)
    %dma_wait3A_20 = arith.constant 0 : i32
    %dma_wait3A_21 = tpu.memref_slice %arg4[%mul3A_2, %dma_wait3A_20] : memref<819200x64xf32, #tpu.memory_space<hbm>> -> memref<128x64xf32, #tpu.memory_space<hbm>>
    %dma_wait3A_22 = arith.constant 0 : i32
    %dma_wait3A_23 = tpu.memref_slice %arg4[%mul3A_2, %dma_wait3A_22] : memref<819200x64xf32, #tpu.memory_space<hbm>> -> memref<128x64xf32, #tpu.memory_space<hbm>>
    tpu.wait_dma2 semaphore(%arg13 : memref<!tpu.dma_semaphore, #tpu.memory_space<semaphore_mem>>) src(%arg9 : memref<128x64xf32, #tpu.memory_space<vmem>>) dst(%dma_wait3A_23 : memref<128x64xf32, #tpu.memory_space<hbm>>)
    return
  }
}

</mosaic_0001>

<sc_bundles>
// kernel: kernel.3.cloned.1.call-start
scs
__scs_entry_jumppad:
0x0: {  	(pc) =	sbr.rel $0x88, $3  }
0x1: {  	(tag) =	ssettag $0x0;
	lr =	simm.s32 $0x1  }
0x2: {  	[smem:$0x3F9F] =	sst lr;
	_ =	strace $0xD0000000  }
0x3: {  	_ = 	snop  }
0x4: {  	_ = 	snop  }
0x5: {  	_ = 	snop  }
0x6: {  	_ = 	snop  }
0x7: {  	_ = 	snop  }
__scs_overlays_trampoline_lowered:
0x8: {  	[smem:$0x3FAE] =	sst s0  }
0x9: {  	[smem:$0x3FAF] =	sst s1  }
0xa: {  	[smem:$0x3FB0] =	sst s2  }
0xb: {  	[smem:$0x3FB1] =	sst s3  }
0xc: {  	[smem:$0x3FB2] =	sst s4  }
0xd: {  	[smem:$0x3FB3] =	sst s5  }
0xe: {  	[smem:$0x3FB4] =	sst s6  }
0xf: {  	[smem:$0x3FB5] =	sst s7  }
0x10: {  	[smem:$0x3FB6] =	sst s8  }
0x11: {  	[smem:$0x3FB7] =	sst s9;
	s0 =	simm.s32 @!p0 $0x0  }
0x12: {  	s1 =	sld [smem:$0x3F9D];
	s0 =	simm.s32 @p0 $0x1  }
0x13: {  	[smem:$0x3FB8] =	sst s0;
	s0 =	simm.s32 @!p1 $0x0  }
0x14: {  	s2 =	sld [smem:$0x3F9C];
	s0 =	simm.s32 @p1 $0x1  }
0x15: {  	[smem:$0x3FB9] =	sst s0;
	s0 =	simm.s32 @!p2 $0x0  }
0x16: {  	s3 =	sld [smem:$0x3FDB];
	s0 =	simm.s32 @p2 $0x1  }
0x17: {  	s4 =	simm.s32 $0x1BF5;
	[smem:$0x3FBB] =	sst s0  }
0x18: {  	s0 =	sld [smem:$0x3F9E];
	_ =	swait.ge [sflag:s4], $0x0  }
0x19: {  	s7 =	sld [smem:$0x3F9F]  }
0x1a: {  	s8 =	sadd.s32 $0xFFFFE003, lr  }
0x1b: {  	s9 =	sadd.s32 $0xFFFFFEF7, lr;
	s5 =	simm.s32 $0xFFFFFFFF;
	p2 =	slt.u32 s8, $0xFFFFF086  }
0x1c: {  	p1 =	slt.u32 s9, $0xF7A;
	s5 =	simm.s32 @!p2 $0x0  }
0x1d: {  	s5 =	simm.s32 @p1 $0x1;
	p0 =	seq.s32 s7, s2  }
0x1e: {  	s7 =	smul.u32 @!p0 $0xF7A, s2;
	p2 =	seq.s32 @!p0 s5, $0x0  }
0x1f: {  	s9 =	smul.u32 $0xF7A, s1;
	s8 =	simm.s32 @!p0 $0x1BF5;
	p2 =	por !p2, p0  }
0x20: {  	[sflag:s8] =	ssyncset.s32 @!p0 $0xFFFFF086;
	s6 =	sadd.s32 @!p0 s3, s7;
	s7 =	simm.s32 @!p0 $0x108  }
0x21: {  	s3 =	sadd.s32 s3, s9;
	s6 =	sadd.s32 @!p0 $0x88, s6;
	s7 =	simm.s32 @p2 $0x1082  }
0x22: {  	[simem:s7], [sflag:s8] =	dma.local @!p0 [hbm:s6], $0xF7A  }
0x23: {  	s9 =	sor.u32 $0xD0000000, s2;
	s6 =	simm.s32 $0x108;
	_ =	swait.ge @!p0 [sflag:s8], $0x0  }
0x24: {  	s3 =	sadd.s32 $0x88, s3;
	s6 =	simm.s32 @!p1 $0x1082;
	[sflag:s4] =	ssyncset.s32 $0xFFFFF086  }
0x25: {  	[simem:s6], [sflag:s4] =	dma.local [hbm:s3], $0xF7A  }
0x26: {  	[smem:$0x3F9F] =	sst s1;
	(tag) =	ssettag s2;
	_ =	strace s9  }
0x27: {  	s1 =	sld [smem:$0x3FAF]  }
0x28: {  	s2 =	sld [smem:$0x3FB0]  }
0x29: {  	s4 =	sld [smem:$0x3FB2]  }
0x2a: {  	p0 =	seq.s32 s5, $0x0;
	s5 =	sld [smem:$0x3FB3]  }
0x2b: {  	s6 =	sld [smem:$0x3FB4]  }
0x2c: {  	s7 =	sld [smem:$0x3FB5]  }
0x2d: {  	s3 =	simm.s32 $0x108;
	s8 =	sld [smem:$0x3FB6]  }
0x2e: {  	s3 =	simm.s32 @!p0 $0x1082;
	s9 =	sld [smem:$0x3FB7]  }
0x2f: {  	lr =	sadd.s32 s0, s3;
	s0 =	sld [smem:$0x3FAE]  }
0x30: {  	s3 =	sld [smem:$0x3FB1]  }
0x31: {  	[smem:$0x3FBA] =	sst s10  }
0x32: {  	s10 =	sld [smem:$0x3FB8];
	_ =	sdelay $0x3  }
0x33: {  	p0 =	seq.s32 s10, $0x1;
	s10 =	sld [smem:$0x3FBA];
	_ =	sdelay $0x3  }
0x34: {  	[smem:$0x3FBA] =	sst s10  }
0x35: {  	s10 =	sld [smem:$0x3FB9];
	_ =	sdelay $0x3  }
0x36: {  	p1 =	seq.s32 s10, $0x1;
	s10 =	sld [smem:$0x3FBA];
	_ =	sdelay $0x3  }
0x37: {  	[smem:$0x3FBA] =	sst s10  }
0x38: {  	s10 =	sld [smem:$0x3FBB]  }
0x39: {  	_ = 	snop;
	(pc) =	sbr.ind lr, $3  }
0x3a: {  	_ = 	snop  }
0x3b: {  	_ = 	snop  }
0x3c: {  	p2 =	seq.s32 s10, $0x1;
	s10 =	sld [smem:$0x3FBA]  }
0x3d: {  	_ =	shalt  }
0x3e: {  	_ =	shalt  }
0x3f: {  	_ =	shalt  }
0x40: {  	_ =	shalt  }
0x41: {  	_ =	shalt  }
0x42: {  	_ =	shalt  }
0x43: {  	_ =	shalt  }
0x44: {  	_ =	shalt  }
0x45: {  	_ =	shalt  }
0x46: {  	_ =	shalt  }
0x47: {  	_ =	shalt  }
0x48: {  	_ =	shalt  }
0x49: {  	_ =	shalt  }
0x4a: {  	_ =	shalt  }
0x4b: {  	_ =	shalt  }
0x4c: {  	_ =	shalt  }
0x4d: {  	_ =	shalt  }
0x4e: {  	_ =	shalt  }
0x4f: {  	_ =	shalt  }
0x50: {  	_ =	shalt  }
0x51: {  	_ =	shalt  }
0x52: {  	_ =	shalt  }
0x53: {  	_ =	shalt  }
0x54: {  	_ =	shalt  }
0x55: {  	_ =	shalt  }
0x56: {  	_ =	shalt  }
0x57: {  	_ =	shalt  }
0x58: {  	_ =	shalt  }
0x59: {  	_ =	shalt  }
0x5a: {  	_ =	shalt  }
0x5b: {  	_ =	shalt  }
0x5c: {  	_ =	shalt  }
0x5d: {  	_ =	shalt  }
0x5e: {  	_ =	shalt  }
0x5f: {  	_ =	shalt  }
0x60: {  	_ =	shalt  }
0x61: {  	_ =	shalt  }
0x62: {  	_ =	shalt  }
0x63: {  	_ =	shalt  }
0x64: {  	_ =	shalt  }
0x65: {  	_ =	shalt  }
0x66: {  	_ =	shalt  }
0x67: {  	_ =	shalt  }
0x68: {  	_ =	shalt  }
0x69: {  	_ =	shalt  }
0x6a: {  	_ =	shalt  }
0x6b: {  	_ =	shalt  }
0x6c: {  	_ =	shalt  }
0x6d: {  	_ =	shalt  }
0x6e: {  	_ =	shalt  }
0x6f: {  	_ =	shalt  }
0x70: {  	_ =	shalt  }
0x71: {  	_ =	shalt  }
0x72: {  	_ =	shalt  }
0x73: {  	_ =	shalt  }
0x74: {  	_ =	shalt  }
0x75: {  	_ =	shalt  }
0x76: {  	_ =	shalt  }
0x77: {  	_ =	shalt  }
0x78: {  	_ =	shalt  }
0x79: {  	_ =	shalt  }
0x7a: {  	_ =	shalt  }
0x7b: {  	_ =	shalt  }
0x7c: {  	_ =	shalt  }
0x7d: {  	_ =	shalt  }
0x7e: {  	_ =	shalt  }
0x7f: {  	_ =	shalt  }
0x80: {  	_ =	shalt  }
0x81: {  	_ =	shalt  }
0x82: {  	_ =	shalt  }
0x83: {  	_ =	shalt  }
0x84: {  	_ =	shalt  }
0x85: {  	_ =	shalt  }
0x86: {  	_ =	shalt  }
0x87: {  	_ =	shalt  }
.Lfunc_end0:
.L_simem_size_0:
called_computation.1_lowered:
.L_overlay_start_0:
0x88: {  	s2 =	sld [smem:$0x3FD9]  }
0x89: {  	s3 =	sld [smem:$0x3FFE];
	_ =	sdelay $0x1  }
0x8a: {  	s1 =	srdreg.scid  }
0x8b: {  	s0 =	sand.u32 $0x1, s1  }
0x8c: {  	s17 =	sshll.u32 s0, $0xA;
	s2 =	sadd.s32 s3, s2  }
0x8d: {  	s2 =	sadd.s32 s2, s17  }
0x8e: {  	[smem:$0x3FC6] =	sst s2  }
0x8f: {  	_ = 	snop  }
0x90: {  	s2 =	sld [smem:$0x3FD0];
	(tm) =	ssettm $0x1  }
0x91: {  	s18 =	sld [smem:$0x3FFB];
	_ =	sdelay $0x3  }
0x92: {  	_ =	strace s18  }
0x93: {  	s3 =	sld [smem:$0x3FFC];
	_ =	sdelay $0x3  }
0x94: {  	_ =	strace s3  }
0x95: {  	s3 =	sld [smem:$0x3FFD];
	_ =	sdelay $0x3  }
0x96: {  	_ =	strace s3  }
0x97: {  	_ =	strace $0x8FFFFFFF  }
0x98: {  	s19 =	sld [smem:$0x3FDB];
	_ =	sdelay $0x1  }
0x99: {  	s4 =	simm.s32 $_scs_section_size  }
0x9a: {  	s5 =	simm.s32 $_size__tile_overlayer_lowered;
	s6 =	simm.s32 $_tile_overlayer_lowered  }
0x9b: {  	s22 =	simm.s32 $0x1BFF;
	s21 =	sshll.u32 s6, $0x1;
	s3 =	sadd.s32 s4, s19  }
0x9c: {  	s7 =	simm.s32 $0x0;
	s20 =	sshll.u32 s5, $0x1;
	s5 =	sadd.s32 s21, s3  }
0x9d: {  	[timem:s7], [sflag:s22] =	dma.local [hbm:s5], s20  }
0x9e: {  	_ =	swait.ge [sflag:s22], s20  }
0x9f: {  	s4 =	ssub.s32 $0x0, s20;
	[sflag:s22] =	ssyncset.done $0x0  }
0xa0: {  	[sflag:s22] =	ssyncadd.s32 s4;
	_ =	sdelay $0x1  }
0xa1: {  	s23 =	simm.s32 $0x1B8B  }
0xa2: {  	_ =	swait.ge [sflag:s23], $0x1  }
0xa3: {  	[sflag:s23] =	ssyncset.done $0x0  }
0xa4: {  	s25 =	simm.s32 $0x1B8E;
	s24 =	sld [smem:$0x3FFE];
	[sflag:s23] =	ssyncadd.s32 $0xFFFFFFFF  }
0xa5: {  	s26 =	simm.s32 $execute0_lowered;
	[smem:$0x3FD2] =	sst s25  }
0xa6: {  	s5 =	sshll.u32 s26, $0x1;
	_ =	strace $0x80000046;
	[dreg:$0x1] =	wrdreg $0xFFFFFFFF  }
0xa7: {  	s28 =	simm.s32 $_size_execute0_lowered;
	s3 =	sadd.s32 s3, s5;
	[dreg:$0x0] =	wrdreg $0x0  }
0xa8: {  	s5 =	sshll.u32 s28, $0x1;
	[dreg:$0x2] =	wrdreg s3  }
0xa9: {  	[dreg:$0x3] =	wrdreg s5  }
0xaa: {  	[dreg:$0x4] =	wrdreg $0xC0  }
0xab: {  	_ =	task [dreg:s7], $0x5FFFF  }
0xac: {  	[dreg:$0x1] =	wrdreg $0xFFFFFFFF  }
0xad: {  	[dreg:$0x0] =	wrdreg $0x60  }
0xae: {  	[dreg:$0x2] =	wrdreg s24  }
0xaf: {  	[dreg:$0x3] =	wrdreg s2  }
0xb0: {  	[dreg:$0x4] =	wrdreg $0x9  }
0xb1: {  	_ =	task.clear_ibuf [dreg:s7], $0x5FFFF;
	_ =	strace $0x90000046  }
0xb2: {  	s29 =	simm.s32 $0x9;
	_ =	strace $0x80000048  }
0xb3: {  	_ =	swait.ge [sflag:s29], $0x1  }
0xb4: {  	[sflag:s29] =	ssyncadd.s32 $0xFFFFFFFF  }
0xb5: {  	_ =	strace $0x90000048  }
0xb6: {  	_ =	sfence  }
0xb7: {  	s30 =	sld [smem:$0x0];
	_ =	sdelay $0x2  }
0xb8: {  	s31 =	sshll.u32 s1, $0xD;
	s1 =	sshrl.u32 s1, $0x2  }
0xb9: {  	s3 =	sand.u32 $0x4000, s31;
	s1 =	sadd.s32 s1, s30  }
0xba: {  	s0 =	sor.u32 s3, s0;
	s1 =	sshll.u32 s1, $0x11  }
0xbb: {  	s0 =	sor.u32 s1, s0  }
0xbc: {  	s0 =	sadd.s32 $0x8F2B, s0  }
0xbd: {  	[sflag:s0] =	ssyncadd.remote.s32 $0x1  }
0xbe: {  	_ =	sfence.sel $0xFFFF  }
0xbf: {  	[dreg:$0x0] =	wrdreg $0xFFFFFFFF;
	(pc) =	sbr.abs _section_cstart, $3  }
0xc0: {  	[dreg:$0x1] =	wrdreg $0xFFFFFFFF  }
0xc1: {  	_ =	task.clear_ibuf [dreg:s7], $0x2FFFF;
	_ =	strace $0x9FFFFFFF  }
0xc2: {  	(tm) =	ssettm $0x7FFFFFFF  }
0xc3: {  	_ =	shalt  }
tec
execute0_lowered:
.L_overlay_start_1:
0x0: {  	(tag) =	ssettag $0x1  }
0x1: {  	s0 =	rddreg [dreg:$0x0]  }
0x2: {  	s5 =	rddreg [dreg:$0x1]  }
0x3: {  	s3 =	srdreg.scid;
	s1 =	stileid.u32;
	s2 =	simm.s32 $0x0  }
0x4: {  	s12 =	simm.s32 $0x2;
	s3 =	sand.u32 $0x1, s3;
	s4 =	sshll.u32 s1, $0x1  }
0x5: {  	s13 =	simm.s32 $0x12400;
	[smem:$0x7FF] =	sst s2;
	s6 =	sor.u32 s3, s4  }
0x6: {  	_ =	strace $0x80000047;
	s7 =	ssub.s32 $0x2, s3;
	s8 =	smul.u32 $0xC80, s6  }
.Ltmp0:
0x7: {  	s3 =	sadd.s32 $0x800, s0;
	s9 =	sshrl.u32 s7, $0x1;
	(pc) =	sbr.rel .LBB2_1-.Ltmp0, $4  }
0x8: {  	s4 =	sadd.s32 $0xF42C00, s0;
	s10 =	smul.u32 $0x64000, s6;
	s29 =	ssub.s32 s7, s9  }
0x9: {  	s6 =	smul.u32 $0x320000, s6;
	s30 =	sadd.s32 s5, s8;
	s0 =	smax.u32 s29, $0x1  }
0xa: {  	s31 =	sadd.s32 s10, s4;
	s10 =	simm.s32 $0x1;
	[dreg:$0x3] =	wrdreg s30  }
0xb: {  	s5 =	simm.s32 $0x0;
	[dreg:$0x4] =	wrdreg s0;
	s8 =	sadd.s32 $0x800, s31  }
.LBB2_23:
0xc: {  	s0 =	simm.s32 $0x3  }
0xd: {  	_ =	swait.ge [sflag:s0], $0x4000  }
0xe: {  	[sflag:s0] =	ssyncset.done $0x0  }
0xf: {  	s1 =	simm.s32 $0x4;
	[sflag:s0] =	ssyncadd.s32 $0xFFFFC000  }
0x10: {  	_ =	swait.ge [sflag:s1], $0x4000  }
0x11: {  	s5 =	rddreg [dreg:$0x5]  }
0x12: {  	s31 =	rddreg [dreg:$0x4];
	s5 =	sadd.s32 $0x1, s5  }
0x13: {  	p0 =	sne.s32 s5, s31  }
.Ltmp1:
0x14: {  	_ = 	snop;
	(pc) =	sbr.rel @!p0 .LBB2_24-.Ltmp1, $3  }
0x15: {  	_ =	sdelay $0x1  }
0x16: {  	[sflag:s1] =	ssyncset.done $0x0  }
0x17: {  	[sflag:s1] =	ssyncadd.s32 $0xFFFFC000  }
.LBB2_1:
0x18: {  	[dreg:$0x5] =	wrdreg s5  }
0x19: {  	s0 =	rddreg [dreg:$0x3];
	s31 =	simm.s32 $0x5  }
0x1a: {  	[tilespmem:s2], [sflag:$0x5] =	stream.linear.gather [hbm4b:s0+s2], $0x6400, $0x38;
	[tilespmem:$0x16400] =	vst v63  }
0x1b: {  	_ =	swait.ge [sflag:s31], $0x6400  }
0x1c: {  	[sflag:s31] =	ssyncset.done $0x0  }
0x1d: {  	[sflag:s31] =	ssyncadd.s32 $0xFFFF9C00  }
0x1e: {  	v0 =	vld [tilespmem:s2+$0x0];
	_ =	sdelay $0x4  }
0x1f: {  	v0 =	vshll.u32 v0, $0x4  }
0x20: {  	(v2sf) =	vpush v0, $0x0  }
0x21: {  	(v2sf) =	vpush v0, $0x1  }
0x22: {  	(v2sf) =	vpush v0, $0x2;
	_ =	sdelay $0x1  }
0x23: {  	(v2sf) =	vpush v0, $0x4;
	_ =	sdelay $0x1  }
0x24: {  	(v2sf) =	vpush v0, $0x3  }
0x25: {  	(v2sf) =	vpush v0, $0x5  }
0x26: {  	s19 =	simm.s32 $0x2000;
	s18 =	simm.s32 $0x0;
	s20 =	simm.s32 $0x0;
	(v2sf) =	vpush v0, $0x6  }
.LBB2_2:
0x27: {  	p0 =	sne.s32 s19, $0xE000  }
0x28: {  	s0 =	sadd.s32 $0x6480, s18;
	s24 =	sadd.s32 $0x6980, s18;
	s21 =	smov.u32 s19  }
0x29: {  	s19 =	sadd.s32 $0x2000, s19;
	s28 =	sadd.s32 $0x6780, s18;
	s22 =	sadd.s32 $0x6A00, s18;
	(v2sf) =	vpush v0, $0x7  }
0x2a: {  	s30 =	sadd.s32 $0x6680, s18;
	s25 =	sadd.s32 $0x6800, s18;
	s23 =	sadd.s32 $0x6A80, s18  }
0x2b: {  	s31 =	sadd.s32 $0x6400, s18;
	s1 =	sadd.s32 $0x6600, s18;
	(v2sf) =	vpush v0, $0x8  }
0x2c: {  	s17 =	simm.s32 $0x0;
	s5 =	sadd.s32 $0x6700, s18;
	s20 =	sadd.s32 $0x10, s20  }
0x2d: {  	s7 =	sadd.s32 $0x6500, s18;
	s26 =	sadd.s32 $0x6900, s18;
	s29 =	spop (v2sf);
	(v2sf) =	vpush v0, $0x9  }
0x2e: {  	s9 =	sand.u32 $0x1FFFFFF0, s29;
	s29 =	sadd.s32 $0x6880, s18;
	s14 =	spop (v2sf)  }
0x2f: {  	s9 =	sadd.s32 s3, s9;
	s14 =	sand.u32 $0x1FFFFFF0, s14;
	s15 =	spop (v2sf);
	(v2sf) =	vpush v0, $0xA  }
0x30: {  	[tilespmem:s31], [sflag:$0x1] =	stream.linear.gather [hbm4b:s9+s17], $0x80, $0x38;
	[tilespmem:$0x16400] =	vst v63  }
0x31: {  	s9 =	sadd.s32 s3, s14;
	s14 =	sadd.s32 $0x6580, s18;
	s31 =	spop (v2sf);
	(v2sf) =	vpush v0, $0xB  }
0x32: {  	[tilespmem:s0], [sflag:$0x1] =	stream.linear.gather [hbm4b:s9+s17], $0x80, $0x38;
	[tilespmem:$0x16400] =	vst v63  }
0x33: {  	s0 =	sand.u32 $0x1FFFFFF0, s15;
	s9 =	sand.u32 $0x1FFFFFF0, s31;
	s15 =	spop (v2sf);
	(v2sf) =	vpush v0, $0xC  }
0x34: {  	s0 =	sadd.s32 s3, s0;
	s15 =	sand.u32 $0x1FFFFFF0, s15;
	s31 =	spop (v2sf)  }
0x35: {  	[tilespmem:s7], [sflag:$0x1] =	stream.linear.gather [hbm4b:s0+s17], $0x80, $0x38;
	(v2sf) =	vpush v0, $0xD;
	[tilespmem:$0x16400] =	vst v63  }
0x36: {  	s0 =	sadd.s32 s3, s15;
	s7 =	sand.u32 $0x1FFFFFF0, s31;
	s15 =	spop (v2sf)  }
0x37: {  	[tilespmem:s14], [sflag:$0x1] =	stream.linear.gather [hbm4b:s0+s17], $0x80, $0x38;
	(v2sf) =	vpush v0, $0xE;
	[tilespmem:$0x16400] =	vst v63  }
0x38: {  	s0 =	sadd.s32 s3, s9;
	s9 =	sand.u32 $0x1FFFFFF0, s15;
	s14 =	spop (v2sf)  }
0x39: {  	[tilespmem:s1], [sflag:$0x1] =	stream.linear.gather [hbm4b:s0+s17], $0x80, $0x38;
	(v2sf) =	vpush v0, $0xF;
	[tilespmem:$0x16400] =	vst v63  }
0x3a: {  	s0 =	sadd.s32 s3, s7;
	s1 =	sand.u32 $0x1FFFFFF0, s14;
	s7 =	spop (v2sf)  }
0x3b: {  	[tilespmem:s30], [sflag:$0x1] =	stream.linear.gather [hbm4b:s0+s17], $0x80, $0x38;
	[tilespmem:$0x16400] =	vst v63  }
0x3c: {  	s0 =	sadd.s32 s3, s9;
	s7 =	sand.u32 $0x1FFFFFF0, s7;
	s9 =	spop (v2sf)  }
0x3d: {  	[tilespmem:s5], [sflag:$0x1] =	stream.linear.gather [hbm4b:s0+s17], $0x80, $0x38;
	[tilespmem:$0x16400] =	vst v63  }
0x3e: {  	s0 =	sadd.s32 s3, s1;
	s1 =	sand.u32 $0x1FFFFFF0, s9;
	s5 =	spop (v2sf)  }
0x3f: {  	[tilespmem:s28], [sflag:$0x1] =	stream.linear.gather [hbm4b:s0+s17], $0x80, $0x38;
	[tilespmem:$0x16400] =	vst v63  }
0x40: {  	s0 =	sadd.s32 s3, s7;
	s5 =	sand.u32 $0x1FFFFFF0, s5;
	s7 =	spop (v2sf)  }
0x41: {  	[tilespmem:s25], [sflag:$0x1] =	stream.linear.gather [hbm4b:s0+s17], $0x80, $0x38;
	[tilespmem:$0x16400] =	vst v63  }
0x42: {  	s0 =	sadd.s32 s3, s1;
	s1 =	sand.u32 $0x1FFFFFF0, s7;
	s7 =	spop (v2sf)  }
0x43: {  	[tilespmem:s29], [sflag:$0x1] =	stream.linear.gather [hbm4b:s0+s17], $0x80, $0x38;
	[tilespmem:$0x16400] =	vst v63  }
0x44: {  	s0 =	sadd.s32 s3, s5;
	s5 =	sand.u32 $0x1FFFFFF0, s7;
	s7 =	spop (v2sf)  }
0x45: {  	[tilespmem:s26], [sflag:$0x1] =	stream.linear.gather [hbm4b:s0+s17], $0x80, $0x38;
	[tilespmem:$0x16400] =	vst v63  }
0x46: {  	s0 =	sadd.s32 s3, s1;
	s1 =	sand.u32 $0x1FFFFFF0, s7;
	s7 =	spop (v2sf)  }
0x47: {  	[tilespmem:s24], [sflag:$0x1] =	stream.linear.gather [hbm4b:s0+s17], $0x80, $0x38;
	[tilespmem:$0x16400] =	vst v63  }
0x48: {  	s0 =	sadd.s32 s3, s5;
	s5 =	sand.u32 $0x1FFFFFF0, s7;
	s7 =	spop (v2sf)  }
0x49: {  	[tilespmem:s22], [sflag:$0x1] =	stream.linear.gather [hbm4b:s0+s17], $0x80, $0x38;
	[tilespmem:$0x16400] =	vst v63  }
0x4a: {  	s0 =	sadd.s32 s3, s1;
	s1 =	sand.u32 $0x1FFFFFF0, s7  }
0x4b: {  	[tilespmem:s23], [sflag:$0x1] =	stream.linear.gather [hbm4b:s0+s17], $0x80, $0x38;
	[tilespmem:$0x16400] =	vst v63  }
0x4c: {  	s5 =	sadd.s32 s3, s5;
	s0 =	sadd.s32 $0x6B00, s18  }
0x4d: {  	[tilespmem:s0], [sflag:$0x1] =	stream.linear.gather [hbm4b:s5+s17], $0x80, $0x38;
	[tilespmem:$0x16400] =	vst v63  }
0x4e: {  	s1 =	sadd.s32 s3, s1;
	s0 =	sadd.s32 $0x6B80, s18  }
0x4f: {  	[tilespmem:s0], [sflag:$0x1] =	stream.linear.gather [hbm4b:s1+s17], $0x80, $0x38;
	[tilespmem:$0x16400] =	vst v63  }
0x50: {  	v0 =	vld [tilespmem:s20+$0x0];
	_ =	sdelay $0x4  }
0x51: {  	v0 =	vshll.u32 v0, $0x4  }
0x52: {  	(v2sf) =	vpush v0, $0x0  }
0x53: {  	(v2sf) =	vpush v0, $0x1  }
0x54: {  	(v2sf) =	vpush v0, $0x2;
	_ =	sdelay $0x1  }
0x55: {  	(v2sf) =	vpush v0, $0x4  }
.Ltmp2:
0x56: {  	(pc) =	sbr.rel @p0 .LBB2_2-.Ltmp2, $3  }
0x57: {  	(v2sf) =	vpush v0, $0x3  }
0x58: {  	(v2sf) =	vpush v0, $0x5;
	_ =	sdelay $0x1  }
0x59: {  	s18 =	sshra.s32 s21, $0x2;
	(v2sf) =	vpush v0, $0x6  }
0x5a: {  	_ =	sdelay $0x1  }
0x5b: {  	s0 =	sadd.s32 $0x6480, s18;
	s21 =	sadd.s32 $0x6980, s18  }
0x5c: {  	s1 =	sadd.s32 $0x6780, s18;
	s19 =	sadd.s32 $0x6A00, s18;
	(v2sf) =	vpush v0, $0x7;
	s5 =	sadd.s32 $0x6680, s18  }
0x5d: {  	s7 =	sadd.s32 $0x6800, s18;
	s20 =	sadd.s32 $0x6A80, s18;
	s9 =	sadd.s32 $0x6400, s18  }
0x5e: {  	s14 =	sadd.s32 $0x6600, s18;
	s15 =	sadd.s32 $0x6700, s18;
	(v2sf) =	vpush v0, $0x8;
	s22 =	spop (v2sf)  }
0x5f: {  	s23 =	sadd.s32 $0x6500, s18;
	s22 =	sand.u32 $0x1FFFFFF0, s22;
	s24 =	spop (v2sf)  }
0x60: {  	(v2sf) =	vpush v0, $0x9;
	s22 =	sadd.s32 s3, s22;
	s24 =	sand.u32 $0x1FFFFFF0, s24;
	s25 =	spop (v2sf)  }
0x61: {  	[tilespmem:s9], [sflag:$0x1] =	stream.linear.gather [hbm4b:s22+s17], $0x80, $0x38;
	[tilespmem:$0x16400] =	vst v63  }
0x62: {  	s26 =	sadd.s32 $0x6580, s18;
	(v2sf) =	vpush v0, $0xA;
	s11 =	sadd.s32 s3, s24;
	s16 =	spop (v2sf)  }
0x63: {  	[tilespmem:s0], [sflag:$0x1] =	stream.linear.gather [hbm4b:s11+s17], $0x80, $0x38;
	[tilespmem:$0x16400] =	vst v63  }
0x64: {  	s9 =	sadd.s32 $0x6900, s18;
	s28 =	sand.u32 $0x1FFFFFF0, s25;
	(v2sf) =	vpush v0, $0xB;
	s29 =	spop (v2sf)  }
0x65: {  	s22 =	sadd.s32 s3, s28;
	s0 =	sadd.s32 $0x6880, s18;
	s25 =	sand.u32 $0x1FFFFFF0, s29  }
0x66: {  	(v2sf) =	vpush v0, $0xC;
	[tilespmem:s23], [sflag:$0x1] =	stream.linear.gather [hbm4b:s22+s17], $0x80, $0x38;
	[tilespmem:$0x16400] =	vst v63  }
0x67: {  	s30 =	sand.u32 $0x1FFFFFF0, s16;
	s31 =	spop (v2sf);
	s11 =	sadd.s32 s3, s25  }
0x68: {  	(v2sf) =	vpush v0, $0xD;
	[tilespmem:s26], [sflag:$0x1] =	stream.linear.gather [hbm4b:s11+s17], $0x80, $0x38;
	[tilespmem:$0x16400] =	vst v63  }
0x69: {  	s22 =	sadd.s32 s3, s30;
	s23 =	sand.u32 $0x1FFFFFF0, s31;
	s16 =	spop (v2sf)  }
0x6a: {  	(v2sf) =	vpush v0, $0xE;
	[tilespmem:s14], [sflag:$0x1] =	stream.linear.gather [hbm4b:s22+s17], $0x80, $0x38;
	[tilespmem:$0x16400] =	vst v63  }
0x6b: {  	s23 =	sadd.s32 s3, s23;
	s24 =	sand.u32 $0x1FFFFFF0, s16;
	s25 =	spop (v2sf)  }
0x6c: {  	(v2sf) =	vpush v0, $0xF;
	[tilespmem:s5], [sflag:$0x1] =	stream.linear.gather [hbm4b:s23+s17], $0x80, $0x38;
	[tilespmem:$0x16400] =	vst v63  }
0x6d: {  	s26 =	sand.u32 $0x1FFFFFF0, s25;
	s28 =	spop (v2sf);
	s14 =	sadd.s32 s3, s24  }
0x6e: {  	[tilespmem:s15], [sflag:$0x1] =	stream.linear.gather [hbm4b:s14+s17], $0x80, $0x38;
	[tilespmem:$0x16400] =	vst v63  }
0x6f: {  	s29 =	sand.u32 $0x1FFFFFF0, s28;
	s5 =	sadd.s32 s3, s26;
	s30 =	spop (v2sf)  }
0x70: {  	[tilespmem:s1], [sflag:$0x1] =	stream.linear.gather [hbm4b:s5+s17], $0x80, $0x38;
	[tilespmem:$0x16400] =	vst v63  }
0x71: {  	s14 =	sadd.s32 s3, s29;
	s31 =	sand.u32 $0x1FFFFFF0, s30;
	s11 =	spop (v2sf)  }
0x72: {  	[tilespmem:s7], [sflag:$0x1] =	stream.linear.gather [hbm4b:s14+s17], $0x80, $0x38;
	[tilespmem:$0x16400] =	vst v63  }
0x73: {  	s5 =	sand.u32 $0x1FFFFFF0, s11;
	s1 =	sadd.s32 s3, s31;
	s15 =	spop (v2sf)  }
0x74: {  	[tilespmem:s0], [sflag:$0x1] =	stream.linear.gather [hbm4b:s1+s17], $0x80, $0x38;
	[tilespmem:$0x16400] =	vst v63  }
0x75: {  	s5 =	sadd.s32 s3, s5;
	s16 =	sand.u32 $0x1FFFFFF0, s15;
	s22 =	spop (v2sf)  }
0x76: {  	[tilespmem:s9], [sflag:$0x1] =	stream.linear.gather [hbm4b:s5+s17], $0x80, $0x38;
	[tilespmem:$0x16400] =	vst v63  }
0x77: {  	s0 =	sadd.s32 s3, s16;
	s1 =	sand.u32 $0x1FFFFFF0, s22;
	s23 =	spop (v2sf)  }
0x78: {  	[tilespmem:s21], [sflag:$0x1] =	stream.linear.gather [hbm4b:s0+s17], $0x80, $0x38;
	[tilespmem:$0x16400] =	vst v63  }
0x79: {  	s24 =	sand.u32 $0x1FFFFFF0, s23;
	s1 =	sadd.s32 s3, s1;
	s25 =	spop (v2sf)  }
0x7a: {  	[tilespmem:s19], [sflag:$0x1] =	stream.linear.gather [hbm4b:s1+s17], $0x80, $0x38;
	[tilespmem:$0x16400] =	vst v63  }
0x7b: {  	s26 =	sand.u32 $0x1FFFFFF0, s25;
	s28 =	spop (v2sf);
	s0 =	sadd.s32 s3, s24  }
0x7c: {  	[tilespmem:s20], [sflag:$0x1] =	stream.linear.gather [hbm4b:s0+s17], $0x80, $0x38;
	[tilespmem:$0x16400] =	vst v63  }
0x7d: {  	s30 =	sadd.s32 $0x6B00, s18;
	s29 =	sand.u32 $0x1FFFFFF0, s28;
	s1 =	sadd.s32 s3, s26  }
0x7e: {  	[tilespmem:s30], [sflag:$0x1] =	stream.linear.gather [hbm4b:s1+s17], $0x80, $0x38;
	[tilespmem:$0x16400] =	vst v63  }
0x7f: {  	s31 =	sadd.s32 $0x6B80, s18;
	s19 =	simm.s32 $0x80;
	s0 =	sadd.s32 s3, s29  }
0x80: {  	[tilespmem:s31], [sflag:$0x1] =	stream.linear.gather [hbm4b:s0+s17], $0x80, $0x38;
	[tilespmem:$0x16400] =	vst v63  }
0x81: {  	v0 =	vld [tilespmem:s19+$0x0];
	_ =	sdelay $0x4  }
0x82: {  	v0 =	vshll.u32 v0, $0x4  }
0x83: {  	(v2sf) =	vpush v0, $0x0  }
0x84: {  	(v2sf) =	vpush v0, $0x1  }
0x85: {  	(v2sf) =	vpush v0, $0x2;
	_ =	sdelay $0x1  }
0x86: {  	(v2sf) =	vpush v0, $0x4;
	_ =	sdelay $0x1  }
0x87: {  	(v2sf) =	vpush v0, $0x3  }
0x88: {  	(v2sf) =	vpush v0, $0x5  }
0x89: {  	s18 =	simm.s32 $0x0;
	s20 =	simm.s32 $0x2000;
	(v2sf) =	vpush v0, $0x6  }
.LBB2_4:
0x8a: {  	p0 =	sne.s32 s20, $0xE000  }
0x8b: {  	s0 =	sadd.s32 $0xA480, s18;
	s24 =	sadd.s32 $0xA980, s18;
	s21 =	smov.u32 s20  }
0x8c: {  	s20 =	sadd.s32 $0x2000, s20;
	s28 =	sadd.s32 $0xA780, s18;
	s22 =	sadd.s32 $0xAA00, s18;
	(v2sf) =	vpush v0, $0x7  }
0x8d: {  	s30 =	sadd.s32 $0xA680, s18;
	s26 =	sadd.s32 $0xA800, s18;
	s23 =	sadd.s32 $0xAA80, s18  }
0x8e: {  	s1 =	sadd.s32 $0xA400, s18;
	s5 =	sadd.s32 $0xA600, s18;
	(v2sf) =	vpush v0, $0x8  }
0x8f: {  	s7 =	sadd.s32 $0xA700, s18;
	s19 =	sadd.s32 $0x10, s19  }
0x90: {  	s9 =	sadd.s32 $0xA500, s18;
	s25 =	sadd.s32 $0xA900, s18;
	s14 =	spop (v2sf);
	(v2sf) =	vpush v0, $0x9  }
0x91: {  	s29 =	sadd.s32 $0xA880, s18;
	s14 =	sand.u32 $0x1FFFFFF0, s14;
	s15 =	spop (v2sf)  }
0x92: {  	s14 =	sadd.s32 s3, s14;
	s15 =	sand.u32 $0x1FFFFFF0, s15;
	s31 =	spop (v2sf);
	(v2sf) =	vpush v0, $0xA  }
0x93: {  	[tilespmem:s1], [sflag:$0x2] =	stream.linear.gather [hbm4b:s14+s17], $0x80, $0x38;
	[tilespmem:$0x16400] =	vst v63  }
0x94: {  	s1 =	sadd.s32 s3, s15;
	s14 =	sadd.s32 $0xA580, s18;
	s15 =	spop (v2sf);
	(v2sf) =	vpush v0, $0xB  }
0x95: {  	[tilespmem:s0], [sflag:$0x2] =	stream.linear.gather [hbm4b:s1+s17], $0x80, $0x38;
	[tilespmem:$0x16400] =	vst v63  }
0x96: {  	s0 =	sand.u32 $0x1FFFFFF0, s31;
	s1 =	sand.u32 $0x1FFFFFF0, s15;
	s15 =	spop (v2sf);
	(v2sf) =	vpush v0, $0xC  }
0x97: {  	s0 =	sadd.s32 s3, s0;
	s15 =	sand.u32 $0x1FFFFFF0, s15;
	s31 =	spop (v2sf)  }
0x98: {  	[tilespmem:s9], [sflag:$0x2] =	stream.linear.gather [hbm4b:s0+s17], $0x80, $0x38;
	(v2sf) =	vpush v0, $0xD;
	[tilespmem:$0x16400] =	vst v63  }
0x99: {  	s0 =	sadd.s32 s3, s15;
	s9 =	sand.u32 $0x1FFFFFF0, s31;
	s15 =	spop (v2sf)  }
0x9a: {  	[tilespmem:s14], [sflag:$0x2] =	stream.linear.gather [hbm4b:s0+s17], $0x80, $0x38;
	(v2sf) =	vpush v0, $0xE;
	[tilespmem:$0x16400] =	vst v63  }
0x9b: {  	s0 =	sadd.s32 s3, s1;
	s1 =	sand.u32 $0x1FFFFFF0, s15;
	s14 =	spop (v2sf)  }
0x9c: {  	[tilespmem:s5], [sflag:$0x2] =	stream.linear.gather [hbm4b:s0+s17], $0x80, $0x38;
	(v2sf) =	vpush v0, $0xF;
	[tilespmem:$0x16400] =	vst v63  }
0x9d: {  	s0 =	sadd.s32 s3, s9;
	s5 =	sand.u32 $0x1FFFFFF0, s14;
	s9 =	spop (v2sf)  }
0x9e: {  	[tilespmem:s30], [sflag:$0x2] =	stream.linear.gather [hbm4b:s0+s17], $0x80, $0x38;
	[tilespmem:$0x16400] =	vst v63  }
0x9f: {  	s0 =	sadd.s32 s3, s1;
	s1 =	sand.u32 $0x1FFFFFF0, s9;
	s9 =	spop (v2sf)  }
0xa0: {  	[tilespmem:s7], [sflag:$0x2] =	stream.linear.gather [hbm4b:s0+s17], $0x80, $0x38;
	[tilespmem:$0x16400] =	vst v63  }
0xa1: {  	s0 =	sadd.s32 s3, s5;
	s5 =	sand.u32 $0x1FFFFFF0, s9;
	s7 =	spop (v2sf)  }
0xa2: {  	[tilespmem:s28], [sflag:$0x2] =	stream.linear.gather [hbm4b:s0+s17], $0x80, $0x38;
	[tilespmem:$0x16400] =	vst v63  }
0xa3: {  	s0 =	sadd.s32 s3, s1;
	s1 =	sand.u32 $0x1FFFFFF0, s7;
	s7 =	spop (v2sf)  }
0xa4: {  	[tilespmem:s26], [sflag:$0x2] =	stream.linear.gather [hbm4b:s0+s17], $0x80, $0x38;
	[tilespmem:$0x16400] =	vst v63  }
0xa5: {  	s0 =	sadd.s32 s3, s5;
	s5 =	sand.u32 $0x1FFFFFF0, s7;
	s7 =	spop (v2sf)  }
0xa6: {  	[tilespmem:s29], [sflag:$0x2] =	stream.linear.gather [hbm4b:s0+s17], $0x80, $0x38;
	[tilespmem:$0x16400] =	vst v63  }
0xa7: {  	s0 =	sadd.s32 s3, s1;
	s1 =	sand.u32 $0x1FFFFFF0, s7;
	s7 =	spop (v2sf)  }
0xa8: {  	[tilespmem:s25], [sflag:$0x2] =	stream.linear.gather [hbm4b:s0+s17], $0x80, $0x38;
	[tilespmem:$0x16400] =	vst v63  }
0xa9: {  	s0 =	sadd.s32 s3, s5;
	s5 =	sand.u32 $0x1FFFFFF0, s7;
	s7 =	spop (v2sf)  }
0xaa: {  	[tilespmem:s24], [sflag:$0x2] =	stream.linear.gather [hbm4b:s0+s17], $0x80, $0x38;
	[tilespmem:$0x16400] =	vst v63  }
0xab: {  	s0 =	sadd.s32 s3, s1;
	s1 =	sand.u32 $0x1FFFFFF0, s7;
	s7 =	spop (v2sf)  }
0xac: {  	[tilespmem:s22], [sflag:$0x2] =	stream.linear.gather [hbm4b:s0+s17], $0x80, $0x38;
	[tilespmem:$0x16400] =	vst v63  }
0xad: {  	s0 =	sadd.s32 s3, s5;
	s5 =	sand.u32 $0x1FFFFFF0, s7  }
0xae: {  	[tilespmem:s23], [sflag:$0x2] =	stream.linear.gather [hbm4b:s0+s17], $0x80, $0x38;
	[tilespmem:$0x16400] =	vst v63  }
0xaf: {  	s1 =	sadd.s32 s3, s1;
	s0 =	sadd.s32 $0xAB00, s18  }
0xb0: {  	[tilespmem:s0], [sflag:$0x2] =	stream.linear.gather [hbm4b:s1+s17], $0x80, $0x38;
	[tilespmem:$0x16400] =	vst v63  }
0xb1: {  	s0 =	sadd.s32 $0xAB80, s18;
	s1 =	sadd.s32 s3, s5  }
0xb2: {  	[tilespmem:s0], [sflag:$0x2] =	stream.linear.gather [hbm4b:s1+s17], $0x80, $0x38;
	[tilespmem:$0x16400] =	vst v63  }
0xb3: {  	v0 =	vld [tilespmem:s19+$0x0];
	_ =	sdelay $0x4  }
0xb4: {  	v0 =	vshll.u32 v0, $0x4  }
0xb5: {  	(v2sf) =	vpush v0, $0x0  }
0xb6: {  	(v2sf) =	vpush v0, $0x1  }
0xb7: {  	(v2sf) =	vpush v0, $0x2;
	_ =	sdelay $0x1  }
0xb8: {  	(v2sf) =	vpush v0, $0x4  }
.Ltmp3:
0xb9: {  	(pc) =	sbr.rel @p0 .LBB2_4-.Ltmp3, $3  }
0xba: {  	(v2sf) =	vpush v0, $0x3  }
0xbb: {  	(v2sf) =	vpush v0, $0x5;
	_ =	sdelay $0x1  }
0xbc: {  	s18 =	sshra.s32 s21, $0x2;
	(v2sf) =	vpush v0, $0x6  }
0xbd: {  	_ =	sdelay $0x1  }
0xbe: {  	s0 =	sadd.s32 $0xA480, s18  }
0xbf: {  	s21 =	sadd.s32 $0xA980, s18;
	s1 =	sadd.s32 $0xA780, s18;
	s19 =	sadd.s32 $0xAA00, s18;
	(v2sf) =	vpush v0, $0x7  }
0xc0: {  	s5 =	sadd.s32 $0xA680, s18;
	s7 =	sadd.s32 $0xA800, s18;
	s9 =	sadd.s32 $0xA400, s18  }
0xc1: {  	s14 =	sadd.s32 $0xA600, s18;
	s15 =	sadd.s32 $0xA700, s18;
	(v2sf) =	vpush v0, $0x8;
	s22 =	spop (v2sf)  }
0xc2: {  	s23 =	sadd.s32 $0xA500, s18;
	s22 =	sand.u32 $0x1FFFFFF0, s22;
	s24 =	spop (v2sf)  }
0xc3: {  	(v2sf) =	vpush v0, $0x9;
	s22 =	sadd.s32 s3, s22;
	s24 =	sand.u32 $0x1FFFFFF0, s24;
	s25 =	spop (v2sf)  }
0xc4: {  	[tilespmem:s9], [sflag:$0x2] =	stream.linear.gather [hbm4b:s22+s17], $0x80, $0x38;
	[tilespmem:$0x16400] =	vst v63  }
0xc5: {  	s26 =	sadd.s32 $0xA580, s18;
	(v2sf) =	vpush v0, $0xA;
	s11 =	sadd.s32 s3, s24;
	s16 =	spop (v2sf)  }
0xc6: {  	[tilespmem:s0], [sflag:$0x2] =	stream.linear.gather [hbm4b:s11+s17], $0x80, $0x38;
	[tilespmem:$0x16400] =	vst v63  }
0xc7: {  	s9 =	sadd.s32 $0xA900, s18;
	s28 =	sand.u32 $0x1FFFFFF0, s25;
	(v2sf) =	vpush v0, $0xB;
	s29 =	spop (v2sf)  }
0xc8: {  	s22 =	sadd.s32 s3, s28;
	s0 =	sadd.s32 $0xA880, s18;
	s25 =	sand.u32 $0x1FFFFFF0, s29  }
0xc9: {  	(v2sf) =	vpush v0, $0xC;
	[tilespmem:s23], [sflag:$0x2] =	stream.linear.gather [hbm4b:s22+s17], $0x80, $0x38;
	[tilespmem:$0x16400] =	vst v63  }
0xca: {  	s30 =	sand.u32 $0x1FFFFFF0, s16;
	s31 =	spop (v2sf);
	s11 =	sadd.s32 s3, s25  }
0xcb: {  	(v2sf) =	vpush v0, $0xD;
	[tilespmem:s26], [sflag:$0x2] =	stream.linear.gather [hbm4b:s11+s17], $0x80, $0x38;
	[tilespmem:$0x16400] =	vst v63  }
0xcc: {  	s22 =	sadd.s32 s3, s30;
	s23 =	sand.u32 $0x1FFFFFF0, s31;
	s16 =	spop (v2sf)  }
0xcd: {  	[tilespmem:s14], [sflag:$0x2] =	stream.linear.gather [hbm4b:s22+s17], $0x80, $0x38;
	[tilespmem:$0x16400] =	vst v63  }
0xce: {  	s23 =	sadd.s32 s3, s23;
	s24 =	sand.u32 $0x1FFFFFF0, s16;
	s25 =	spop (v2sf)  }
0xcf: {  	(v2sf) =	vpush v0, $0xE;
	[tilespmem:s5], [sflag:$0x2] =	stream.linear.gather [hbm4b:s23+s17], $0x80, $0x38;
	[tilespmem:$0x16400] =	vst v63  }
0xd0: {  	s26 =	sand.u32 $0x1FFFFFF0, s25;
	s28 =	spop (v2sf);
	s14 =	sadd.s32 s3, s24  }
0xd1: {  	(v2sf) =	vpush v0, $0xF;
	[tilespmem:s15], [sflag:$0x2] =	stream.linear.gather [hbm4b:s14+s17], $0x80, $0x38;
	[tilespmem:$0x16400] =	vst v63  }
0xd2: {  	s29 =	sand.u32 $0x1FFFFFF0, s28;
	s5 =	sadd.s32 s3, s26;
	s30 =	spop (v2sf)  }
0xd3: {  	[tilespmem:s1], [sflag:$0x2] =	stream.linear.gather [hbm4b:s5+s17], $0x80, $0x38;
	[tilespmem:$0x16400] =	vst v63  }
0xd4: {  	s14 =	sadd.s32 s3, s29;
	s31 =	sand.u32 $0x1FFFFFF0, s30;
	s11 =	spop (v2sf)  }
0xd5: {  	[tilespmem:s7], [sflag:$0x2] =	stream.linear.gather [hbm4b:s14+s17], $0x80, $0x38;
	[tilespmem:$0x16400] =	vst v63  }
0xd6: {  	s5 =	sand.u32 $0x1FFFFFF0, s11;
	s1 =	sadd.s32 s3, s31;
	s15 =	spop (v2sf)  }
0xd7: {  	[tilespmem:s0], [sflag:$0x2] =	stream.linear.gather [hbm4b:s1+s17], $0x80, $0x38;
	[tilespmem:$0x16400] =	vst v63  }
0xd8: {  	s5 =	sadd.s32 s3, s5;
	s16 =	sand.u32 $0x1FFFFFF0, s15;
	s22 =	spop (v2sf)  }
0xd9: {  	[tilespmem:s9], [sflag:$0x2] =	stream.linear.gather [hbm4b:s5+s17], $0x80, $0x38;
	[tilespmem:$0x16400] =	vst v63  }
0xda: {  	s0 =	sadd.s32 s3, s16;
	s1 =	sand.u32 $0x1FFFFFF0, s22;
	s23 =	spop (v2sf)  }
0xdb: {  	[tilespmem:s21], [sflag:$0x2] =	stream.linear.gather [hbm4b:s0+s17], $0x80, $0x38;
	[tilespmem:$0x16400] =	vst v63  }
0xdc: {  	s20 =	sadd.s32 $0xAA80, s18;
	s24 =	sand.u32 $0x1FFFFFF0, s23;
	s1 =	sadd.s32 s3, s1  }
0xdd: {  	[tilespmem:s19], [sflag:$0x2] =	stream.linear.gather [hbm4b:s1+s17], $0x80, $0x38;
	[tilespmem:$0x16400] =	vst v63  }
0xde: {  	s30 =	sadd.s32 $0xAB00, s18;
	s25 =	spop (v2sf);
	s0 =	sadd.s32 s3, s24  }
0xdf: {  	[tilespmem:s20], [sflag:$0x2] =	stream.linear.gather [hbm4b:s0+s17], $0x80, $0x38;
	[tilespmem:$0x16400] =	vst v63  }
.Ltmp4:
0xe0: {  	s26 =	sand.u32 $0x1FFFFFF0, s25;
	s28 =	spop (v2sf);
	(pc) =	sbr.rel .LBB2_6-.Ltmp4, $4  }
0xe1: {  	s31 =	sadd.s32 $0xAB80, s18;
	s29 =	sand.u32 $0x1FFFFFF0, s28;
	s1 =	sadd.s32 s3, s26  }
0xe2: {  	[tilespmem:s30], [sflag:$0x2] =	stream.linear.gather [hbm4b:s1+s17], $0x80, $0x38;
	[tilespmem:$0x16400] =	vst v63  }
0xe3: {  	s18 =	simm.s32 $0x100;
	s19 =	simm.s32 $0x180;
	s0 =	sadd.s32 s3, s29  }
0xe4: {  	[tilespmem:s31], [sflag:$0x2] =	stream.linear.gather [hbm4b:s0+s17], $0x80, $0x38;
	[tilespmem:$0x16400] =	vst v63  }
.LBB2_22:
0xe5: {  	s0 =	sshll.u32 s17, $0xC;
	s17 =	sadd.s32 $0x1, s17  }
0xe6: {  	p0 =	sne.s32 s17, $0x64  }
.Ltmp5:
0xe7: {  	_ = 	snop;
	(pc) =	sbr.rel @!p0 .LBB2_23-.Ltmp5, $3  }
0xe8: {  	_ =	sdelay $0x1  }
0xe9: {  	s18 =	sadd.s32 $0x100, s18;
	s19 =	sadd.s32 $0x100, s19;
	s0 =	sadd.s32 s8, s0  }
0xea: {  	[hbm4b:s0+s2] =	stream.linear.scatter [tilespmem:s13], [sflag:$0x4], $0x4000, $0x38;
	[tilespmem:$0x16400] =	vst v63  }
.LBB2_6:
0xeb: {  	_ =	swait.ge [sflag:s10], $0x80  }
0xec: {  	s0 =	simm.s32 $0x7F;
	[sflag:s10] =	ssyncset.done $0x0  }
.LBB2_7:
0xed: {  	p0 =	sne.s32 s0, $0x1;
	s0 =	sadd.s32 $0xFFFFFFFF, s0;
	[sflag:s10] =	ssyncadd.s32 $0xFFFFFF80  }
.Ltmp6:
0xee: {  	(pc) =	sbr.rel @p0 .LBB2_7-.Ltmp6, $3  }
0xef: {  	_ =	sdelay $0x1  }
0xf0: {  	_ =	swait.ge [sflag:s10], $0x80  }
0xf1: {  	[sflag:s10] =	ssyncset.done $0x0  }
0xf2: {  	p0 =	seq.s32 s17, $0x0  }
0xf3: {  	[sflag:s10] =	ssyncadd.s32 $0xFFFFFF80;
	s0 =	simm.s32 @!p0 $0x3  }
0xf4: {  	_ =	swait.ge @!p0 [sflag:s0], $0x4000  }
0xf5: {  	[sflag:s0] =	ssyncset.done @!p0 $0x0  }
0xf6: {  	s20 =	simm.s32 $0x0;
	[sflag:s0] =	ssyncadd.s32 @!p0 $0xFFFFC000  }
0xf7: {  	v0 =	vld [tilespmem:s20+$0x67B0]  }
0xf8: {  	v1 =	vld [tilespmem:s20+$0x6400]  }
0xf9: {  	v2 =	vld [tilespmem:s20+$0x6410]  }
0xfa: {  	v3 =	vld [tilespmem:s20+$0x6420]  }
0xfb: {  	v4 =	vld [tilespmem:s20+$0x6430]  }
0xfc: {  	v5 =	vld [tilespmem:s20+$0x6480];
	v0 =	vmax.f32 v0, $0.0e+00  }
0xfd: {  	v6 =	vld [tilespmem:s20+$0x6490];
	v1 =	vmax.f32 v1, $0.0e+00;
	[tilespmem:s20+$0xE7B0] =	vst v0  }
0xfe: {  	[tilespmem:s20+$0xE400] =	vst v1;
	v0 =	vmax.f32 v2, $0.0e+00;
	v1 =	vld [tilespmem:s20+$0x64A0]  }
0xff: {  	v2 =	vld [tilespmem:s20+$0x64B0];
	[tilespmem:s20+$0xE410] =	vst v0;
	v0 =	vmax.f32 v3, $0.0e+00  }
0x100: {  	v3 =	vld [tilespmem:s20+$0x6500];
	[tilespmem:s20+$0xE420] =	vst v0;
	v0 =	vmax.f32 v4, $0.0e+00  }
0x101: {  	v4 =	vld [tilespmem:s20+$0x6510];
	[tilespmem:s20+$0xE430] =	vst v0;
	v0 =	vmax.f32 v5, $0.0e+00  }
0x102: {  	v5 =	vld [tilespmem:s20+$0x6520];
	[tilespmem:s20+$0xE480] =	vst v0;
	v0 =	vmax.f32 v6, $0.0e+00  }
0x103: {  	[tilespmem:s20+$0xE490] =	vst v0;
	v0 =	vmax.f32 v1, $0.0e+00;
	v1 =	vld [tilespmem:s20+$0x6530]  }
0x104: {  	[tilespmem:s20+$0xE4A0] =	vst v0;
	v0 =	vmax.f32 v2, $0.0e+00;
	v2 =	vld [tilespmem:s20+$0x6580]  }
0x105: {  	[tilespmem:s20+$0xE4B0] =	vst v0;
	v0 =	vmax.f32 v3, $0.0e+00;
	v3 =	vld [tilespmem:s20+$0x6590]  }
0x106: {  	[tilespmem:s20+$0xE500] =	vst v0;
	v0 =	vmax.f32 v4, $0.0e+00;
	v4 =	vld [tilespmem:s20+$0x65A0]  }
0x107: {  	[tilespmem:s20+$0xE510] =	vst v0;
	v0 =	vmax.f32 v5, $0.0e+00;
	v5 =	vld [tilespmem:s20+$0x65B0]  }
0x108: {  	[tilespmem:s20+$0xE520] =	vst v0;
	v0 =	vmax.f32 v1, $0.0e+00;
	v1 =	vld [tilespmem:s20+$0x6600]  }
0x109: {  	[tilespmem:s20+$0xE530] =	vst v0;
	v0 =	vmax.f32 v2, $0.0e+00;
	v2 =	vld [tilespmem:s20+$0x6610]  }
0x10a: {  	[tilespmem:s20+$0xE580] =	vst v0;
	v0 =	vmax.f32 v3, $0.0e+00;
	v3 =	vld [tilespmem:s20+$0x6620]  }
0x10b: {  	[tilespmem:s20+$0xE590] =	vst v0;
	v0 =	vmax.f32 v4, $0.0e+00;
	v4 =	vld [tilespmem:s20+$0x6630]  }
0x10c: {  	[tilespmem:s20+$0xE5A0] =	vst v0;
	v0 =	vmax.f32 v5, $0.0e+00;
	v5 =	vld [tilespmem:s20+$0x6680]  }
0x10d: {  	[tilespmem:s20+$0xE5B0] =	vst v0;
	v0 =	vmax.f32 v1, $0.0e+00;
	v1 =	vld [tilespmem:s20+$0x6690]  }
0x10e: {  	[tilespmem:s20+$0xE600] =	vst v0;
	v0 =	vmax.f32 v2, $0.0e+00;
	v2 =	vld [tilespmem:s20+$0x66A0]  }
0x10f: {  	[tilespmem:s20+$0xE610] =	vst v0;
	v0 =	vmax.f32 v3, $0.0e+00;
	v3 =	vld [tilespmem:s20+$0x66B0]  }
0x110: {  	[tilespmem:s20+$0xE620] =	vst v0;
	v0 =	vmax.f32 v4, $0.0e+00;
	v4 =	vld [tilespmem:s20+$0x6700]  }
0x111: {  	[tilespmem:s20+$0xE630] =	vst v0;
	v0 =	vmax.f32 v5, $0.0e+00;
	v5 =	vld [tilespmem:s20+$0x6710]  }
0x112: {  	[tilespmem:s20+$0xE680] =	vst v0;
	v1 =	vmax.f32 v1, $0.0e+00;
	v0 =	vld [tilespmem:s20+$0x6720]  }
0x113: {  	[tilespmem:s20+$0xE690] =	vst v1;
	v2 =	vmax.f32 v2, $0.0e+00;
	v1 =	vld [tilespmem:s20+$0x6730]  }
0x114: {  	[tilespmem:s20+$0xE6A0] =	vst v2;
	v3 =	vmax.f32 v3, $0.0e+00;
	v2 =	vld [tilespmem:s20+$0x6780]  }
0x115: {  	[tilespmem:s20+$0xE6B0] =	vst v3;
	v4 =	vmax.f32 v4, $0.0e+00;
	v3 =	vld [tilespmem:s20+$0x6790]  }
0x116: {  	s21 =	simm.s32 $0x400;
	s22 =	simm.s32 $0x2000;
	[tilespmem:s20+$0xE700] =	vst v4;
	v5 =	vmax.f32 v5, $0.0e+00;
	v4 =	vld [tilespmem:s20+$0x67A0]  }
.LBB2_9:
0x117: {  	p1 =	sne.s32 s22, $0xF000;
	v6 =	vld [tilespmem:s21+$0x67B0];
	[tilespmem:s20+$0xE710] =	vst v5;
	v0 =	vmax.f32 v0, $0.0e+00  }
0x118: {  	v5 =	vld [tilespmem:s21+$0x6400];
	[tilespmem:s20+$0xE720] =	vst v0;
	v0 =	vmax.f32 v1, $0.0e+00  }
0x119: {  	v1 =	vld [tilespmem:s21+$0x6410];
	[tilespmem:s20+$0xE730] =	vst v0;
	v0 =	vmax.f32 v2, $0.0e+00  }
0x11a: {  	v2 =	vld [tilespmem:s21+$0x6420];
	[tilespmem:s20+$0xE780] =	vst v0;
	v0 =	vmax.f32 v3, $0.0e+00  }
0x11b: {  	v3 =	vld [tilespmem:s21+$0x6430];
	[tilespmem:s20+$0xE790] =	vst v0;
	v0 =	vmax.f32 v4, $0.0e+00  }
0x11c: {  	v4 =	vld [tilespmem:s21+$0x6480];
	v6 =	vmax.f32 v6, $0.0e+00;
	[tilespmem:s20+$0xE7A0] =	vst v0;
	s20 =	smov.u32 s21  }
0x11d: {  	v0 =	vmax.f32 v5, $0.0e+00;
	v5 =	vld [tilespmem:s20+$0x6490];
	[tilespmem:s20+$0xE7B0] =	vst v6  }
0x11e: {  	[tilespmem:s20+$0xE400] =	vst v0;
	v0 =	vmax.f32 v1, $0.0e+00;
	v1 =	vld [tilespmem:s20+$0x64A0]  }
0x11f: {  	[tilespmem:s20+$0xE410] =	vst v0;
	v0 =	vmax.f32 v2, $0.0e+00;
	v2 =	vld [tilespmem:s20+$0x64B0]  }
0x120: {  	[tilespmem:s20+$0xE420] =	vst v0;
	v0 =	vmax.f32 v3, $0.0e+00;
	v3 =	vld [tilespmem:s20+$0x6500]  }
0x121: {  	[tilespmem:s20+$0xE430] =	vst v0;
	v0 =	vmax.f32 v4, $0.0e+00;
	v4 =	vld [tilespmem:s20+$0x6510]  }
0x122: {  	[tilespmem:s20+$0xE480] =	vst v0;
	v0 =	vmax.f32 v5, $0.0e+00;
	v5 =	vld [tilespmem:s20+$0x6520]  }
0x123: {  	[tilespmem:s20+$0xE490] =	vst v0;
	v0 =	vmax.f32 v1, $0.0e+00;
	v1 =	vld [tilespmem:s20+$0x6530]  }
0x124: {  	[tilespmem:s20+$0xE4A0] =	vst v0;
	v0 =	vmax.f32 v2, $0.0e+00;
	v2 =	vld [tilespmem:s20+$0x6580]  }
0x125: {  	[tilespmem:s20+$0xE4B0] =	vst v0;
	v0 =	vmax.f32 v3, $0.0e+00;
	v3 =	vld [tilespmem:s20+$0x6590]  }
0x126: {  	[tilespmem:s20+$0xE500] =	vst v0;
	v0 =	vmax.f32 v4, $0.0e+00;
	v4 =	vld [tilespmem:s20+$0x65A0]  }
0x127: {  	[tilespmem:s20+$0xE510] =	vst v0;
	v0 =	vmax.f32 v5, $0.0e+00;
	v5 =	vld [tilespmem:s20+$0x65B0]  }
0x128: {  	[tilespmem:s20+$0xE520] =	vst v0;
	v0 =	vmax.f32 v1, $0.0e+00;
	v1 =	vld [tilespmem:s20+$0x6600]  }
0x129: {  	[tilespmem:s20+$0xE530] =	vst v0;
	v0 =	vmax.f32 v2, $0.0e+00;
	v2 =	vld [tilespmem:s20+$0x6610]  }
0x12a: {  	[tilespmem:s20+$0xE580] =	vst v0;
	v0 =	vmax.f32 v3, $0.0e+00;
	v3 =	vld [tilespmem:s20+$0x6620]  }
0x12b: {  	[tilespmem:s20+$0xE590] =	vst v0;
	v0 =	vmax.f32 v4, $0.0e+00;
	v4 =	vld [tilespmem:s20+$0x6630]  }
0x12c: {  	[tilespmem:s20+$0xE5A0] =	vst v0;
	v0 =	vmax.f32 v5, $0.0e+00;
	v5 =	vld [tilespmem:s20+$0x6680]  }
0x12d: {  	[tilespmem:s20+$0xE5B0] =	vst v0;
	v0 =	vmax.f32 v1, $0.0e+00;
	v1 =	vld [tilespmem:s20+$0x6690]  }
0x12e: {  	[tilespmem:s20+$0xE600] =	vst v0;
	v0 =	vmax.f32 v2, $0.0e+00;
	v2 =	vld [tilespmem:s20+$0x66A0]  }
0x12f: {  	[tilespmem:s20+$0xE610] =	vst v0;
	v0 =	vmax.f32 v3, $0.0e+00;
	v3 =	vld [tilespmem:s20+$0x66B0]  }
0x130: {  	[tilespmem:s20+$0xE620] =	vst v0;
	v0 =	vmax.f32 v4, $0.0e+00;
	v4 =	vld [tilespmem:s20+$0x6700]  }
0x131: {  	[tilespmem:s20+$0xE630] =	vst v0;
	v0 =	vmax.f32 v5, $0.0e+00;
	v5 =	vld [tilespmem:s20+$0x6710]  }
.Ltmp7:
0x132: {  	[tilespmem:s20+$0xE680] =	vst v0;
	v1 =	vmax.f32 v1, $0.0e+00;
	v0 =	vld [tilespmem:s20+$0x6720];
	(pc) =	sbr.rel @p1 .LBB2_9-.Ltmp7, $4  }
0x133: {  	[tilespmem:s20+$0xE690] =	vst v1;
	v2 =	vmax.f32 v2, $0.0e+00;
	v1 =	vld [tilespmem:s20+$0x6730]  }
0x134: {  	[tilespmem:s20+$0xE6A0] =	vst v2;
	v3 =	vmax.f32 v3, $0.0e+00;
	v2 =	vld [tilespmem:s20+$0x6780]  }
0x135: {  	[tilespmem:s20+$0xE6B0] =	vst v3;
	v4 =	vmax.f32 v4, $0.0e+00;
	v3 =	vld [tilespmem:s20+$0x6790]  }
0x136: {  	s21 =	sshra.s32 s22, $0x2;
	s22 =	sadd.s32 $0x1000, s22;
	[tilespmem:s20+$0xE700] =	vst v4;
	v5 =	vmax.f32 v5, $0.0e+00;
	v4 =	vld [tilespmem:s20+$0x67A0]  }
0x137: {  	v6 =	vld [tilespmem:s21+$0x67B0];
	[tilespmem:s20+$0xE710] =	vst v5;
	v0 =	vmax.f32 v0, $0.0e+00  }
0x138: {  	v5 =	vld [tilespmem:s21+$0x6400];
	[tilespmem:s20+$0xE720] =	vst v0;
	v54 =	vmax.f32 v1, $0.0e+00  }
0x139: {  	v55 =	vld [tilespmem:s21+$0x6410];
	[tilespmem:s20+$0xE730] =	vst v54;
	v56 =	vmax.f32 v2, $0.0e+00  }
0x13a: {  	v57 =	vld [tilespmem:s21+$0x6420];
	[tilespmem:s20+$0xE780] =	vst v56;
	v58 =	vmax.f32 v3, $0.0e+00  }
0x13b: {  	v59 =	vld [tilespmem:s21+$0x6430];
	[tilespmem:s20+$0xE790] =	vst v58;
	v60 =	vmax.f32 v4, $0.0e+00  }
0x13c: {  	v61 =	vld [tilespmem:s21+$0x6480];
	[tilespmem:s20+$0xE7A0] =	vst v60;
	v62 =	vmax.f32 v6, $0.0e+00  }
0x13d: {  	v63 =	vld [tilespmem:s21+$0x6490];
	v5 =	vmax.f32 v5, $0.0e+00;
	[tilespmem:s21+$0xE7B0] =	vst v62  }
0x13e: {  	v10 =	vld [tilespmem:s21+$0x64A0];
	[tilespmem:s21+$0xE400] =	vst v5;
	v9 =	vmax.f32 v55, $0.0e+00  }
0x13f: {  	v12 =	vld [tilespmem:s21+$0x64B0];
	[tilespmem:s21+$0xE410] =	vst v9;
	v11 =	vmax.f32 v57, $0.0e+00  }
0x140: {  	v14 =	vld [tilespmem:s21+$0x6500];
	[tilespmem:s21+$0xE420] =	vst v11;
	v13 =	vmax.f32 v59, $0.0e+00  }
0x141: {  	v16 =	vld [tilespmem:s21+$0x6510];
	[tilespmem:s21+$0xE430] =	vst v13;
	v15 =	vmax.f32 v61, $0.0e+00  }
0x142: {  	v18 =	vld [tilespmem:s21+$0x6520];
	[tilespmem:s21+$0xE480] =	vst v15;
	v17 =	vmax.f32 v63, $0.0e+00  }
0x143: {  	v20 =	vld [tilespmem:s21+$0x6530];
	v19 =	vmax.f32 v10, $0.0e+00;
	[tilespmem:s21+$0xE490] =	vst v17  }
0x144: {  	v22 =	vld [tilespmem:s21+$0x6580];
	v21 =	vmax.f32 v12, $0.0e+00;
	[tilespmem:s21+$0xE4A0] =	vst v19  }
0x145: {  	v24 =	vld [tilespmem:s21+$0x6590];
	v23 =	vmax.f32 v14, $0.0e+00;
	[tilespmem:s21+$0xE4B0] =	vst v21  }
0x146: {  	v26 =	vld [tilespmem:s21+$0x65A0];
	v25 =	vmax.f32 v16, $0.0e+00;
	[tilespmem:s21+$0xE500] =	vst v23  }
0x147: {  	v28 =	vld [tilespmem:s21+$0x65B0];
	v27 =	vmax.f32 v18, $0.0e+00;
	[tilespmem:s21+$0xE510] =	vst v25  }
0x148: {  	v30 =	vld [tilespmem:s21+$0x6600];
	v29 =	vmax.f32 v20, $0.0e+00;
	[tilespmem:s21+$0xE520] =	vst v27  }
0x149: {  	v32 =	vld [tilespmem:s21+$0x6610];
	v31 =	vmax.f32 v22, $0.0e+00;
	[tilespmem:s21+$0xE530] =	vst v29  }
0x14a: {  	v34 =	vld [tilespmem:s21+$0x6620];
	v33 =	vmax.f32 v24, $0.0e+00;
	[tilespmem:s21+$0xE580] =	vst v31  }
0x14b: {  	v36 =	vld [tilespmem:s21+$0x6630];
	v35 =	vmax.f32 v26, $0.0e+00;
	[tilespmem:s21+$0xE590] =	vst v33  }
0x14c: {  	v38 =	vld [tilespmem:s21+$0x6680];
	v37 =	vmax.f32 v28, $0.0e+00;
	[tilespmem:s21+$0xE5A0] =	vst v35  }
0x14d: {  	v40 =	vld [tilespmem:s21+$0x6690];
	v39 =	vmax.f32 v30, $0.0e+00;
	[tilespmem:s21+$0xE5B0] =	vst v37  }
0x14e: {  	v42 =	vld [tilespmem:s21+$0x66A0];
	v41 =	vmax.f32 v32, $0.0e+00;
	[tilespmem:s21+$0xE600] =	vst v39  }
0x14f: {  	v44 =	vld [tilespmem:s21+$0x66B0];
	v43 =	vmax.f32 v34, $0.0e+00;
	[tilespmem:s21+$0xE610] =	vst v41  }
0x150: {  	v46 =	vld [tilespmem:s21+$0x6700];
	v45 =	vmax.f32 v36, $0.0e+00;
	[tilespmem:s21+$0xE620] =	vst v43  }
0x151: {  	v48 =	vld [tilespmem:s21+$0x6710];
	v47 =	vmax.f32 v38, $0.0e+00;
	[tilespmem:s21+$0xE630] =	vst v45  }
0x152: {  	v50 =	vld [tilespmem:s21+$0x6720];
	v49 =	vmax.f32 v40, $0.0e+00;
	[tilespmem:s21+$0xE680] =	vst v47  }
0x153: {  	v52 =	vld [tilespmem:s21+$0x6730];
	v51 =	vmax.f32 v42, $0.0e+00;
	[tilespmem:s21+$0xE690] =	vst v49  }
0x154: {  	v54 =	vld [tilespmem:s21+$0x6780];
	v53 =	vmax.f32 v44, $0.0e+00;
	[tilespmem:s21+$0xE6A0] =	vst v51  }
0x155: {  	v56 =	vld [tilespmem:s21+$0x6790];
	v55 =	vmax.f32 v46, $0.0e+00;
	[tilespmem:s21+$0xE6B0] =	vst v53  }
0x156: {  	v58 =	vld [tilespmem:s21+$0x67A0];
	v57 =	vmax.f32 v48, $0.0e+00;
	[tilespmem:s21+$0xE700] =	vst v55  }
0x157: {  	p1 =	seq.s32 s17, $0x63;
	v59 =	vmax.f32 v50, $0.0e+00;
	[tilespmem:s21+$0xE710] =	vst v57  }
.Ltmp8:
0x158: {  	v60 =	vmax.f32 v52, $0.0e+00;
	[tilespmem:s21+$0xE720] =	vst v59;
	(pc) =	sbr.rel @p1 .LBB2_14-.Ltmp8, $4  }
0x159: {  	v61 =	vmax.f32 v54, $0.0e+00;
	[tilespmem:s21+$0xE730] =	vst v60  }
0x15a: {  	v62 =	vmax.f32 v56, $0.0e+00;
	[tilespmem:s21+$0xE780] =	vst v61  }
0x15b: {  	v63 =	vmax.f32 v58, $0.0e+00;
	[tilespmem:s21+$0xE790] =	vst v62  }
0x15c: {  	[tilespmem:s21+$0xE7A0] =	vst v63  }
0x15d: {  	v0 =	vld [tilespmem:s18+$0x0];
	_ =	sdelay $0x4  }
0x15e: {  	v0 =	vshll.u32 v0, $0x4  }
0x15f: {  	(v2sf) =	vpush v0, $0x0  }
0x160: {  	(v2sf) =	vpush v0, $0x1  }
0x161: {  	(v2sf) =	vpush v0, $0x2;
	_ =	sdelay $0x1  }
0x162: {  	(v2sf) =	vpush v0, $0x4;
	_ =	sdelay $0x1  }
0x163: {  	(v2sf) =	vpush v0, $0x3  }
0x164: {  	(v2sf) =	vpush v0, $0x5  }
0x165: {  	s21 =	simm.s32 $0x2000;
	s20 =	simm.s32 $0x0;
	s22 =	smov.u32 s18;
	(v2sf) =	vpush v0, $0x6  }
.LBB2_12:
0x166: {  	p2 =	sne.s32 s21, $0xE000  }
0x167: {  	s1 =	sadd.s32 $0x6480, s20;
	s26 =	sadd.s32 $0x6980, s20;
	s23 =	smov.u32 s21  }
0x168: {  	s21 =	sadd.s32 $0x2000, s21;
	s30 =	sadd.s32 $0x6780, s20;
	s24 =	sadd.s32 $0x6A00, s20;
	(v2sf) =	vpush v0, $0x7  }
0x169: {  	s0 =	sadd.s32 $0x6680, s20;
	s29 =	sadd.s32 $0x6800, s20;
	s25 =	sadd.s32 $0x6A80, s20  }
0x16a: {  	s5 =	sadd.s32 $0x6400, s20;
	s7 =	sadd.s32 $0x6600, s20;
	(v2sf) =	vpush v0, $0x8  }
0x16b: {  	s9 =	sadd.s32 $0x6700, s20;
	s22 =	sadd.s32 $0x10, s22  }
0x16c: {  	s14 =	sadd.s32 $0x6500, s20;
	s28 =	sadd.s32 $0x6900, s20;
	s15 =	spop (v2sf);
	(v2sf) =	vpush v0, $0x9  }
0x16d: {  	s31 =	sadd.s32 $0x6880, s20;
	s15 =	sand.u32 $0x1FFFFFF0, s15;
	s16 =	spop (v2sf)  }
0x16e: {  	s15 =	sadd.s32 s3, s15;
	s16 =	sand.u32 $0x1FFFFFF0, s16;
	s11 =	spop (v2sf);
	(v2sf) =	vpush v0, $0xA  }
0x16f: {  	[tilespmem:s5], [sflag:$0x1] =	stream.linear.gather [hbm4b:s15+s2], $0x80, $0x38;
	[tilespmem:$0x16400] =	vst v63  }
0x170: {  	s5 =	sadd.s32 s3, s16;
	s15 =	sadd.s32 $0x6580, s20;
	s16 =	spop (v2sf);
	(v2sf) =	vpush v0, $0xB  }
0x171: {  	[tilespmem:s1], [sflag:$0x1] =	stream.linear.gather [hbm4b:s5+s2], $0x80, $0x38;
	[tilespmem:$0x16400] =	vst v63  }
0x172: {  	s1 =	sand.u32 $0x1FFFFFF0, s11;
	s5 =	sand.u32 $0x1FFFFFF0, s16;
	s11 =	spop (v2sf);
	(v2sf) =	vpush v0, $0xC  }
0x173: {  	s1 =	sadd.s32 s3, s1;
	s11 =	sand.u32 $0x1FFFFFF0, s11;
	s16 =	spop (v2sf)  }
0x174: {  	[tilespmem:s14], [sflag:$0x1] =	stream.linear.gather [hbm4b:s1+s2], $0x80, $0x38;
	(v2sf) =	vpush v0, $0xD;
	[tilespmem:$0x16400] =	vst v63  }
0x175: {  	s1 =	sadd.s32 s3, s11;
	s11 =	sand.u32 $0x1FFFFFF0, s16;
	s14 =	spop (v2sf)  }
0x176: {  	[tilespmem:s15], [sflag:$0x1] =	stream.linear.gather [hbm4b:s1+s2], $0x80, $0x38;
	(v2sf) =	vpush v0, $0xE;
	[tilespmem:$0x16400] =	vst v63  }
0x177: {  	s1 =	sadd.s32 s3, s5;
	s5 =	sand.u32 $0x1FFFFFF0, s14;
	s14 =	spop (v2sf)  }
0x178: {  	[tilespmem:s7], [sflag:$0x1] =	stream.linear.gather [hbm4b:s1+s2], $0x80, $0x38;
	(v2sf) =	vpush v0, $0xF;
	[tilespmem:$0x16400] =	vst v63  }
0x179: {  	s1 =	sadd.s32 s3, s11;
	s7 =	sand.u32 $0x1FFFFFF0, s14;
	s11 =	spop (v2sf)  }
0x17a: {  	[tilespmem:s0], [sflag:$0x1] =	stream.linear.gather [hbm4b:s1+s2], $0x80, $0x38;
	[tilespmem:$0x16400] =	vst v63  }
0x17b: {  	s0 =	sadd.s32 s3, s5;
	s1 =	sand.u32 $0x1FFFFFF0, s11;
	s5 =	spop (v2sf)  }
0x17c: {  	[tilespmem:s9], [sflag:$0x1] =	stream.linear.gather [hbm4b:s0+s2], $0x80, $0x38;
	[tilespmem:$0x16400] =	vst v63  }
0x17d: {  	s0 =	sadd.s32 s3, s7;
	s5 =	sand.u32 $0x1FFFFFF0, s5;
	s7 =	spop (v2sf)  }
0x17e: {  	[tilespmem:s30], [sflag:$0x1] =	stream.linear.gather [hbm4b:s0+s2], $0x80, $0x38;
	[tilespmem:$0x16400] =	vst v63  }
0x17f: {  	s0 =	sadd.s32 s3, s1;
	s1 =	sand.u32 $0x1FFFFFF0, s7;
	s7 =	spop (v2sf)  }
0x180: {  	[tilespmem:s29], [sflag:$0x1] =	stream.linear.gather [hbm4b:s0+s2], $0x80, $0x38;
	[tilespmem:$0x16400] =	vst v63  }
0x181: {  	s0 =	sadd.s32 s3, s5;
	s5 =	sand.u32 $0x1FFFFFF0, s7;
	s7 =	spop (v2sf)  }
0x182: {  	[tilespmem:s31], [sflag:$0x1] =	stream.linear.gather [hbm4b:s0+s2], $0x80, $0x38;
	[tilespmem:$0x16400] =	vst v63  }
0x183: {  	s0 =	sadd.s32 s3, s1;
	s1 =	sand.u32 $0x1FFFFFF0, s7;
	s7 =	spop (v2sf)  }
0x184: {  	[tilespmem:s28], [sflag:$0x1] =	stream.linear.gather [hbm4b:s0+s2], $0x80, $0x38;
	[tilespmem:$0x16400] =	vst v63  }
0x185: {  	s0 =	sadd.s32 s3, s5;
	s5 =	sand.u32 $0x1FFFFFF0, s7;
	s7 =	spop (v2sf)  }
0x186: {  	[tilespmem:s26], [sflag:$0x1] =	stream.linear.gather [hbm4b:s0+s2], $0x80, $0x38;
	[tilespmem:$0x16400] =	vst v63  }
0x187: {  	s0 =	sadd.s32 s3, s1;
	s1 =	sand.u32 $0x1FFFFFF0, s7;
	s7 =	spop (v2sf)  }
0x188: {  	[tilespmem:s24], [sflag:$0x1] =	stream.linear.gather [hbm4b:s0+s2], $0x80, $0x38;
	[tilespmem:$0x16400] =	vst v63  }
0x189: {  	s0 =	sadd.s32 s3, s5;
	s5 =	sand.u32 $0x1FFFFFF0, s7  }
0x18a: {  	[tilespmem:s25], [sflag:$0x1] =	stream.linear.gather [hbm4b:s0+s2], $0x80, $0x38;
	[tilespmem:$0x16400] =	vst v63  }
0x18b: {  	s1 =	sadd.s32 s3, s1;
	s0 =	sadd.s32 $0x6B00, s20  }
0x18c: {  	[tilespmem:s0], [sflag:$0x1] =	stream.linear.gather [hbm4b:s1+s2], $0x80, $0x38;
	[tilespmem:$0x16400] =	vst v63  }
0x18d: {  	s0 =	sadd.s32 $0x6B80, s20;
	s1 =	sadd.s32 s3, s5  }
0x18e: {  	[tilespmem:s0], [sflag:$0x1] =	stream.linear.gather [hbm4b:s1+s2], $0x80, $0x38;
	[tilespmem:$0x16400] =	vst v63  }
0x18f: {  	v0 =	vld [tilespmem:s22+$0x0];
	_ =	sdelay $0x4  }
0x190: {  	v0 =	vshll.u32 v0, $0x4  }
0x191: {  	(v2sf) =	vpush v0, $0x0  }
0x192: {  	(v2sf) =	vpush v0, $0x1  }
0x193: {  	(v2sf) =	vpush v0, $0x2;
	_ =	sdelay $0x1  }
0x194: {  	(v2sf) =	vpush v0, $0x4  }
.Ltmp9:
0x195: {  	(pc) =	sbr.rel @p2 .LBB2_12-.Ltmp9, $3  }
0x196: {  	(v2sf) =	vpush v0, $0x3  }
0x197: {  	(v2sf) =	vpush v0, $0x5;
	_ =	sdelay $0x1  }
0x198: {  	s20 =	sshra.s32 s23, $0x2;
	(v2sf) =	vpush v0, $0x6  }
0x199: {  	_ =	sdelay $0x1  }
0x19a: {  	s0 =	sadd.s32 $0x6480, s20;
	s23 =	sadd.s32 $0x6980, s20  }
0x19b: {  	s1 =	sadd.s32 $0x6780, s20;
	s21 =	sadd.s32 $0x6A00, s20;
	(v2sf) =	vpush v0, $0x7;
	s5 =	sadd.s32 $0x6680, s20  }
0x19c: {  	s7 =	sadd.s32 $0x6800, s20;
	s22 =	sadd.s32 $0x6A80, s20;
	s9 =	sadd.s32 $0x6400, s20  }
0x19d: {  	s11 =	sadd.s32 $0x6600, s20;
	s14 =	sadd.s32 $0x6700, s20;
	(v2sf) =	vpush v0, $0x8;
	s15 =	spop (v2sf)  }
0x19e: {  	s16 =	sadd.s32 $0x6500, s20;
	s15 =	sand.u32 $0x1FFFFFF0, s15;
	s24 =	spop (v2sf)  }
0x19f: {  	(v2sf) =	vpush v0, $0x9;
	s15 =	sadd.s32 s3, s15;
	s24 =	sand.u32 $0x1FFFFFF0, s24;
	s25 =	spop (v2sf)  }
0x1a0: {  	[tilespmem:s9], [sflag:$0x1] =	stream.linear.gather [hbm4b:s15+s2], $0x80, $0x38;
	[tilespmem:$0x16400] =	vst v63  }
0x1a1: {  	(v2sf) =	vpush v0, $0xA;
	s26 =	sadd.s32 s3, s24;
	s29 =	sand.u32 $0x1FFFFFF0, s25;
	s28 =	spop (v2sf)  }
0x1a2: {  	[tilespmem:s0], [sflag:$0x1] =	stream.linear.gather [hbm4b:s26+s2], $0x80, $0x38;
	[tilespmem:$0x16400] =	vst v63  }
0x1a3: {  	s9 =	sadd.s32 $0x6900, s20;
	(v2sf) =	vpush v0, $0xB;
	s15 =	sadd.s32 s3, s29;
	s30 =	spop (v2sf)  }
0x1a4: {  	s0 =	sadd.s32 $0x6880, s20;
	s26 =	sadd.s32 $0x6580, s20;
	s25 =	sand.u32 $0x1FFFFFF0, s30  }
0x1a5: {  	(v2sf) =	vpush v0, $0xC;
	[tilespmem:s16], [sflag:$0x1] =	stream.linear.gather [hbm4b:s15+s2], $0x80, $0x38;
	[tilespmem:$0x16400] =	vst v63  }
0x1a6: {  	s31 =	sand.u32 $0x1FFFFFF0, s28;
	s28 =	spop (v2sf);
	s29 =	sadd.s32 s3, s25  }
0x1a7: {  	(v2sf) =	vpush v0, $0xD;
	[tilespmem:s26], [sflag:$0x1] =	stream.linear.gather [hbm4b:s29+s2], $0x80, $0x38;
	[tilespmem:$0x16400] =	vst v63  }
0x1a8: {  	s15 =	sadd.s32 s3, s31;
	s16 =	sand.u32 $0x1FFFFFF0, s28;
	s30 =	spop (v2sf)  }
0x1a9: {  	(v2sf) =	vpush v0, $0xE;
	[tilespmem:s11], [sflag:$0x1] =	stream.linear.gather [hbm4b:s15+s2], $0x80, $0x38;
	[tilespmem:$0x16400] =	vst v63  }
0x1aa: {  	s16 =	sadd.s32 s3, s16;
	s31 =	sand.u32 $0x1FFFFFF0, s30;
	s24 =	spop (v2sf)  }
0x1ab: {  	(v2sf) =	vpush v0, $0xF;
	[tilespmem:s5], [sflag:$0x1] =	stream.linear.gather [hbm4b:s16+s2], $0x80, $0x38;
	[tilespmem:$0x16400] =	vst v63  }
0x1ac: {  	s25 =	sand.u32 $0x1FFFFFF0, s24;
	s26 =	spop (v2sf);
	s11 =	sadd.s32 s3, s31  }
0x1ad: {  	[tilespmem:s14], [sflag:$0x1] =	stream.linear.gather [hbm4b:s11+s2], $0x80, $0x38;
	[tilespmem:$0x16400] =	vst v63  }
0x1ae: {  	s28 =	sand.u32 $0x1FFFFFF0, s26;
	s5 =	sadd.s32 s3, s25;
	s29 =	spop (v2sf)  }
0x1af: {  	[tilespmem:s1], [sflag:$0x1] =	stream.linear.gather [hbm4b:s5+s2], $0x80, $0x38;
	[tilespmem:$0x16400] =	vst v63  }
0x1b0: {  	s11 =	sadd.s32 s3, s28;
	s30 =	sand.u32 $0x1FFFFFF0, s29;
	s31 =	spop (v2sf)  }
0x1b1: {  	[tilespmem:s7], [sflag:$0x1] =	stream.linear.gather [hbm4b:s11+s2], $0x80, $0x38;
	[tilespmem:$0x16400] =	vst v63  }
0x1b2: {  	s5 =	sand.u32 $0x1FFFFFF0, s31;
	s1 =	sadd.s32 s3, s30;
	s11 =	spop (v2sf)  }
0x1b3: {  	[tilespmem:s0], [sflag:$0x1] =	stream.linear.gather [hbm4b:s1+s2], $0x80, $0x38;
	[tilespmem:$0x16400] =	vst v63  }
0x1b4: {  	s5 =	sadd.s32 s3, s5;
	s14 =	sand.u32 $0x1FFFFFF0, s11;
	s15 =	spop (v2sf)  }
0x1b5: {  	[tilespmem:s9], [sflag:$0x1] =	stream.linear.gather [hbm4b:s5+s2], $0x80, $0x38;
	[tilespmem:$0x16400] =	vst v63  }
0x1b6: {  	s0 =	sadd.s32 s3, s14;
	s1 =	sand.u32 $0x1FFFFFF0, s15;
	s16 =	spop (v2sf)  }
0x1b7: {  	[tilespmem:s23], [sflag:$0x1] =	stream.linear.gather [hbm4b:s0+s2], $0x80, $0x38;
	[tilespmem:$0x16400] =	vst v63  }
0x1b8: {  	s24 =	sand.u32 $0x1FFFFFF0, s16;
	s1 =	sadd.s32 s3, s1;
	s25 =	spop (v2sf)  }
0x1b9: {  	[tilespmem:s21], [sflag:$0x1] =	stream.linear.gather [hbm4b:s1+s2], $0x80, $0x38;
	[tilespmem:$0x16400] =	vst v63  }
0x1ba: {  	s26 =	sand.u32 $0x1FFFFFF0, s25;
	s28 =	spop (v2sf);
	s0 =	sadd.s32 s3, s24  }
0x1bb: {  	[tilespmem:s22], [sflag:$0x1] =	stream.linear.gather [hbm4b:s0+s2], $0x80, $0x38;
	[tilespmem:$0x16400] =	vst v63  }
0x1bc: {  	s30 =	sadd.s32 $0x6B00, s20;
	s29 =	sand.u32 $0x1FFFFFF0, s28;
	s1 =	sadd.s32 s3, s26  }
0x1bd: {  	[tilespmem:s30], [sflag:$0x1] =	stream.linear.gather [hbm4b:s1+s2], $0x80, $0x38;
	[tilespmem:$0x16400] =	vst v63  }
0x1be: {  	s31 =	sadd.s32 $0x6B80, s20;
	s0 =	sadd.s32 s3, s29  }
0x1bf: {  	[tilespmem:s31], [sflag:$0x1] =	stream.linear.gather [hbm4b:s0+s2], $0x80, $0x38;
	[tilespmem:$0x16400] =	vst v63  }
.LBB2_14:
0x1c0: {  	s0 =	sshll.u32 s17, $0xF  }
0x1c1: {  	s0 =	sadd.s32 s6, s0  }
0x1c2: {  	s0 =	sshrl.u32 s0, $0x3  }
0x1c3: {  	s1 =	simm.s32 $0xE400;
	s0 =	sadd.s32 s4, s0  }
0x1c4: {  	[hbm4b:s0+s2] =	stream.linear.scatter [tilespmem:s1], [sflag:$0x3], $0x4000, $0x38;
	[tilespmem:$0x16400] =	vst v63  }
0x1c5: {  	_ =	swait.ge [sflag:s12], $0x80  }
0x1c6: {  	s0 =	simm.s32 $0x7F;
	[sflag:s12] =	ssyncset.done $0x0  }
.LBB2_15:
0x1c7: {  	p2 =	sne.s32 s0, $0x1;
	s0 =	sadd.s32 $0xFFFFFFFF, s0;
	[sflag:s12] =	ssyncadd.s32 $0xFFFFFF80  }
.Ltmp10:
0x1c8: {  	(pc) =	sbr.rel @p2 .LBB2_15-.Ltmp10, $3  }
0x1c9: {  	_ =	sdelay $0x1  }
0x1ca: {  	_ =	swait.ge [sflag:s12], $0x80  }
0x1cb: {  	[sflag:s12] =	ssyncset.done $0x0  }
0x1cc: {  	[sflag:s12] =	ssyncadd.s32 $0xFFFFFF80;
	s0 =	simm.s32 @!p0 $0x4  }
0x1cd: {  	_ =	swait.ge @!p0 [sflag:s0], $0x4000  }
0x1ce: {  	[sflag:s0] =	ssyncset.done @!p0 $0x0  }
0x1cf: {  	s20 =	simm.s32 $0x0;
	[sflag:s0] =	ssyncadd.s32 @!p0 $0xFFFFC000  }
0x1d0: {  	v0 =	vld [tilespmem:s20+$0xA7B0]  }
0x1d1: {  	v1 =	vld [tilespmem:s20+$0xA400]  }
0x1d2: {  	v2 =	vld [tilespmem:s20+$0xA410]  }
0x1d3: {  	v3 =	vld [tilespmem:s20+$0xA420]  }
0x1d4: {  	v4 =	vld [tilespmem:s20+$0xA430]  }
0x1d5: {  	v5 =	vld [tilespmem:s20+$0xA480];
	v0 =	vmax.f32 v0, $0.0e+00  }
0x1d6: {  	v6 =	vld [tilespmem:s20+$0xA490];
	v1 =	vmax.f32 v1, $0.0e+00;
	[tilespmem:s20+$0x127B0] =	vst v0  }
0x1d7: {  	[tilespmem:s20+$0x12400] =	vst v1;
	v0 =	vmax.f32 v2, $0.0e+00;
	v1 =	vld [tilespmem:s20+$0xA4A0]  }
0x1d8: {  	v2 =	vld [tilespmem:s20+$0xA4B0];
	[tilespmem:s20+$0x12410] =	vst v0;
	v0 =	vmax.f32 v3, $0.0e+00  }
0x1d9: {  	v3 =	vld [tilespmem:s20+$0xA500];
	[tilespmem:s20+$0x12420] =	vst v0;
	v0 =	vmax.f32 v4, $0.0e+00  }
0x1da: {  	v4 =	vld [tilespmem:s20+$0xA510];
	[tilespmem:s20+$0x12430] =	vst v0;
	v0 =	vmax.f32 v5, $0.0e+00  }
0x1db: {  	v5 =	vld [tilespmem:s20+$0xA520];
	[tilespmem:s20+$0x12480] =	vst v0;
	v0 =	vmax.f32 v6, $0.0e+00  }
0x1dc: {  	[tilespmem:s20+$0x12490] =	vst v0;
	v0 =	vmax.f32 v1, $0.0e+00;
	v1 =	vld [tilespmem:s20+$0xA530]  }
0x1dd: {  	[tilespmem:s20+$0x124A0] =	vst v0;
	v0 =	vmax.f32 v2, $0.0e+00;
	v2 =	vld [tilespmem:s20+$0xA580]  }
0x1de: {  	[tilespmem:s20+$0x124B0] =	vst v0;
	v0 =	vmax.f32 v3, $0.0e+00;
	v3 =	vld [tilespmem:s20+$0xA590]  }
0x1df: {  	[tilespmem:s20+$0x12500] =	vst v0;
	v0 =	vmax.f32 v4, $0.0e+00;
	v4 =	vld [tilespmem:s20+$0xA5A0]  }
0x1e0: {  	[tilespmem:s20+$0x12510] =	vst v0;
	v0 =	vmax.f32 v5, $0.0e+00;
	v5 =	vld [tilespmem:s20+$0xA5B0]  }
0x1e1: {  	[tilespmem:s20+$0x12520] =	vst v0;
	v0 =	vmax.f32 v1, $0.0e+00;
	v1 =	vld [tilespmem:s20+$0xA600]  }
0x1e2: {  	[tilespmem:s20+$0x12530] =	vst v0;
	v0 =	vmax.f32 v2, $0.0e+00;
	v2 =	vld [tilespmem:s20+$0xA610]  }
0x1e3: {  	[tilespmem:s20+$0x12580] =	vst v0;
	v0 =	vmax.f32 v3, $0.0e+00;
	v3 =	vld [tilespmem:s20+$0xA620]  }
0x1e4: {  	[tilespmem:s20+$0x12590] =	vst v0;
	v0 =	vmax.f32 v4, $0.0e+00;
	v4 =	vld [tilespmem:s20+$0xA630]  }
0x1e5: {  	[tilespmem:s20+$0x125A0] =	vst v0;
	v0 =	vmax.f32 v5, $0.0e+00;
	v5 =	vld [tilespmem:s20+$0xA680]  }
0x1e6: {  	[tilespmem:s20+$0x125B0] =	vst v0;
	v0 =	vmax.f32 v1, $0.0e+00;
	v1 =	vld [tilespmem:s20+$0xA690]  }
0x1e7: {  	[tilespmem:s20+$0x12600] =	vst v0;
	v0 =	vmax.f32 v2, $0.0e+00;
	v2 =	vld [tilespmem:s20+$0xA6A0]  }
0x1e8: {  	[tilespmem:s20+$0x12610] =	vst v0;
	v0 =	vmax.f32 v3, $0.0e+00;
	v3 =	vld [tilespmem:s20+$0xA6B0]  }
0x1e9: {  	[tilespmem:s20+$0x12620] =	vst v0;
	v0 =	vmax.f32 v4, $0.0e+00;
	v4 =	vld [tilespmem:s20+$0xA700]  }
0x1ea: {  	[tilespmem:s20+$0x12630] =	vst v0;
	v0 =	vmax.f32 v5, $0.0e+00;
	v5 =	vld [tilespmem:s20+$0xA710]  }
0x1eb: {  	[tilespmem:s20+$0x12680] =	vst v0;
	v1 =	vmax.f32 v1, $0.0e+00;
	v0 =	vld [tilespmem:s20+$0xA720]  }
0x1ec: {  	[tilespmem:s20+$0x12690] =	vst v1;
	v2 =	vmax.f32 v2, $0.0e+00;
	v1 =	vld [tilespmem:s20+$0xA730]  }
0x1ed: {  	[tilespmem:s20+$0x126A0] =	vst v2;
	v3 =	vmax.f32 v3, $0.0e+00;
	v2 =	vld [tilespmem:s20+$0xA780]  }
0x1ee: {  	[tilespmem:s20+$0x126B0] =	vst v3;
	v4 =	vmax.f32 v4, $0.0e+00;
	v3 =	vld [tilespmem:s20+$0xA790]  }
0x1ef: {  	s21 =	simm.s32 $0x400;
	s22 =	simm.s32 $0x2000;
	[tilespmem:s20+$0x12700] =	vst v4;
	v5 =	vmax.f32 v5, $0.0e+00;
	v4 =	vld [tilespmem:s20+$0xA7A0]  }
.LBB2_17:
0x1f0: {  	p0 =	sne.s32 s22, $0xF000;
	v6 =	vld [tilespmem:s21+$0xA7B0];
	[tilespmem:s20+$0x12710] =	vst v5;
	v0 =	vmax.f32 v0, $0.0e+00  }
0x1f1: {  	v5 =	vld [tilespmem:s21+$0xA400];
	[tilespmem:s20+$0x12720] =	vst v0;
	v0 =	vmax.f32 v1, $0.0e+00  }
0x1f2: {  	v1 =	vld [tilespmem:s21+$0xA410];
	[tilespmem:s20+$0x12730] =	vst v0;
	v0 =	vmax.f32 v2, $0.0e+00  }
0x1f3: {  	v2 =	vld [tilespmem:s21+$0xA420];
	[tilespmem:s20+$0x12780] =	vst v0;
	v0 =	vmax.f32 v3, $0.0e+00  }
0x1f4: {  	v3 =	vld [tilespmem:s21+$0xA430];
	[tilespmem:s20+$0x12790] =	vst v0;
	v0 =	vmax.f32 v4, $0.0e+00  }
0x1f5: {  	v4 =	vld [tilespmem:s21+$0xA480];
	v6 =	vmax.f32 v6, $0.0e+00;
	[tilespmem:s20+$0x127A0] =	vst v0;
	s20 =	smov.u32 s21  }
0x1f6: {  	v0 =	vmax.f32 v5, $0.0e+00;
	v5 =	vld [tilespmem:s20+$0xA490];
	[tilespmem:s20+$0x127B0] =	vst v6  }
0x1f7: {  	[tilespmem:s20+$0x12400] =	vst v0;
	v0 =	vmax.f32 v1, $0.0e+00;
	v1 =	vld [tilespmem:s20+$0xA4A0]  }
0x1f8: {  	[tilespmem:s20+$0x12410] =	vst v0;
	v0 =	vmax.f32 v2, $0.0e+00;
	v2 =	vld [tilespmem:s20+$0xA4B0]  }
0x1f9: {  	[tilespmem:s20+$0x12420] =	vst v0;
	v0 =	vmax.f32 v3, $0.0e+00;
	v3 =	vld [tilespmem:s20+$0xA500]  }
0x1fa: {  	[tilespmem:s20+$0x12430] =	vst v0;
	v0 =	vmax.f32 v4, $0.0e+00;
	v4 =	vld [tilespmem:s20+$0xA510]  }
0x1fb: {  	[tilespmem:s20+$0x12480] =	vst v0;
	v0 =	vmax.f32 v5, $0.0e+00;
	v5 =	vld [tilespmem:s20+$0xA520]  }
0x1fc: {  	[tilespmem:s20+$0x12490] =	vst v0;
	v0 =	vmax.f32 v1, $0.0e+00;
	v1 =	vld [tilespmem:s20+$0xA530]  }
0x1fd: {  	[tilespmem:s20+$0x124A0] =	vst v0;
	v0 =	vmax.f32 v2, $0.0e+00;
	v2 =	vld [tilespmem:s20+$0xA580]  }
0x1fe: {  	[tilespmem:s20+$0x124B0] =	vst v0;
	v0 =	vmax.f32 v3, $0.0e+00;
	v3 =	vld [tilespmem:s20+$0xA590]  }
0x1ff: {  	[tilespmem:s20+$0x12500] =	vst v0;
	v0 =	vmax.f32 v4, $0.0e+00;
	v4 =	vld [tilespmem:s20+$0xA5A0]  }
0x200: {  	[tilespmem:s20+$0x12510] =	vst v0;
	v0 =	vmax.f32 v5, $0.0e+00;
	v5 =	vld [tilespmem:s20+$0xA5B0]  }
0x201: {  	[tilespmem:s20+$0x12520] =	vst v0;
	v0 =	vmax.f32 v1, $0.0e+00;
	v1 =	vld [tilespmem:s20+$0xA600]  }
0x202: {  	[tilespmem:s20+$0x12530] =	vst v0;
	v0 =	vmax.f32 v2, $0.0e+00;
	v2 =	vld [tilespmem:s20+$0xA610]  }
0x203: {  	[tilespmem:s20+$0x12580] =	vst v0;
	v0 =	vmax.f32 v3, $0.0e+00;
	v3 =	vld [tilespmem:s20+$0xA620]  }
0x204: {  	[tilespmem:s20+$0x12590] =	vst v0;
	v0 =	vmax.f32 v4, $0.0e+00;
	v4 =	vld [tilespmem:s20+$0xA630]  }
0x205: {  	[tilespmem:s20+$0x125A0] =	vst v0;
	v0 =	vmax.f32 v5, $0.0e+00;
	v5 =	vld [tilespmem:s20+$0xA680]  }
0x206: {  	[tilespmem:s20+$0x125B0] =	vst v0;
	v0 =	vmax.f32 v1, $0.0e+00;
	v1 =	vld [tilespmem:s20+$0xA690]  }
0x207: {  	[tilespmem:s20+$0x12600] =	vst v0;
	v0 =	vmax.f32 v2, $0.0e+00;
	v2 =	vld [tilespmem:s20+$0xA6A0]  }
0x208: {  	[tilespmem:s20+$0x12610] =	vst v0;
	v0 =	vmax.f32 v3, $0.0e+00;
	v3 =	vld [tilespmem:s20+$0xA6B0]  }
0x209: {  	[tilespmem:s20+$0x12620] =	vst v0;
	v0 =	vmax.f32 v4, $0.0e+00;
	v4 =	vld [tilespmem:s20+$0xA700]  }
0x20a: {  	[tilespmem:s20+$0x12630] =	vst v0;
	v0 =	vmax.f32 v5, $0.0e+00;
	v5 =	vld [tilespmem:s20+$0xA710]  }
.Ltmp11:
0x20b: {  	[tilespmem:s20+$0x12680] =	vst v0;
	v1 =	vmax.f32 v1, $0.0e+00;
	v0 =	vld [tilespmem:s20+$0xA720];
	(pc) =	sbr.rel @p0 .LBB2_17-.Ltmp11, $4  }
0x20c: {  	[tilespmem:s20+$0x12690] =	vst v1;
	v2 =	vmax.f32 v2, $0.0e+00;
	v1 =	vld [tilespmem:s20+$0xA730]  }
0x20d: {  	[tilespmem:s20+$0x126A0] =	vst v2;
	v3 =	vmax.f32 v3, $0.0e+00;
	v2 =	vld [tilespmem:s20+$0xA780]  }
0x20e: {  	[tilespmem:s20+$0x126B0] =	vst v3;
	v4 =	vmax.f32 v4, $0.0e+00;
	v3 =	vld [tilespmem:s20+$0xA790]  }
0x20f: {  	s21 =	sshra.s32 s22, $0x2;
	s22 =	sadd.s32 $0x1000, s22;
	[tilespmem:s20+$0x12700] =	vst v4;
	v5 =	vmax.f32 v5, $0.0e+00;
	v4 =	vld [tilespmem:s20+$0xA7A0]  }
0x210: {  	v6 =	vld [tilespmem:s21+$0xA7B0];
	[tilespmem:s20+$0x12710] =	vst v5;
	v0 =	vmax.f32 v0, $0.0e+00  }
0x211: {  	v5 =	vld [tilespmem:s21+$0xA400];
	[tilespmem:s20+$0x12720] =	vst v0;
	v54 =	vmax.f32 v1, $0.0e+00  }
0x212: {  	v55 =	vld [tilespmem:s21+$0xA410];
	[tilespmem:s20+$0x12730] =	vst v54;
	v56 =	vmax.f32 v2, $0.0e+00  }
0x213: {  	v57 =	vld [tilespmem:s21+$0xA420];
	[tilespmem:s20+$0x12780] =	vst v56;
	v58 =	vmax.f32 v3, $0.0e+00  }
0x214: {  	v59 =	vld [tilespmem:s21+$0xA430];
	[tilespmem:s20+$0x12790] =	vst v58;
	v60 =	vmax.f32 v4, $0.0e+00  }
0x215: {  	v61 =	vld [tilespmem:s21+$0xA480];
	[tilespmem:s20+$0x127A0] =	vst v60;
	v62 =	vmax.f32 v6, $0.0e+00  }
0x216: {  	v63 =	vld [tilespmem:s21+$0xA490];
	v5 =	vmax.f32 v5, $0.0e+00;
	[tilespmem:s21+$0x127B0] =	vst v62  }
0x217: {  	v10 =	vld [tilespmem:s21+$0xA4A0];
	[tilespmem:s21+$0x12400] =	vst v5;
	v9 =	vmax.f32 v55, $0.0e+00  }
0x218: {  	v12 =	vld [tilespmem:s21+$0xA4B0];
	[tilespmem:s21+$0x12410] =	vst v9;
	v11 =	vmax.f32 v57, $0.0e+00  }
0x219: {  	v14 =	vld [tilespmem:s21+$0xA500];
	[tilespmem:s21+$0x12420] =	vst v11;
	v13 =	vmax.f32 v59, $0.0e+00  }
0x21a: {  	v16 =	vld [tilespmem:s21+$0xA510];
	[tilespmem:s21+$0x12430] =	vst v13;
	v15 =	vmax.f32 v61, $0.0e+00  }
0x21b: {  	v18 =	vld [tilespmem:s21+$0xA520];
	[tilespmem:s21+$0x12480] =	vst v15;
	v17 =	vmax.f32 v63, $0.0e+00  }
0x21c: {  	v20 =	vld [tilespmem:s21+$0xA530];
	v19 =	vmax.f32 v10, $0.0e+00;
	[tilespmem:s21+$0x12490] =	vst v17  }
0x21d: {  	v22 =	vld [tilespmem:s21+$0xA580];
	v21 =	vmax.f32 v12, $0.0e+00;
	[tilespmem:s21+$0x124A0] =	vst v19  }
0x21e: {  	v24 =	vld [tilespmem:s21+$0xA590];
	v23 =	vmax.f32 v14, $0.0e+00;
	[tilespmem:s21+$0x124B0] =	vst v21  }
0x21f: {  	v26 =	vld [tilespmem:s21+$0xA5A0];
	v25 =	vmax.f32 v16, $0.0e+00;
	[tilespmem:s21+$0x12500] =	vst v23  }
0x220: {  	v28 =	vld [tilespmem:s21+$0xA5B0];
	v27 =	vmax.f32 v18, $0.0e+00;
	[tilespmem:s21+$0x12510] =	vst v25  }
0x221: {  	v30 =	vld [tilespmem:s21+$0xA600];
	v29 =	vmax.f32 v20, $0.0e+00;
	[tilespmem:s21+$0x12520] =	vst v27  }
0x222: {  	v32 =	vld [tilespmem:s21+$0xA610];
	v31 =	vmax.f32 v22, $0.0e+00;
	[tilespmem:s21+$0x12530] =	vst v29  }
0x223: {  	v34 =	vld [tilespmem:s21+$0xA620];
	v33 =	vmax.f32 v24, $0.0e+00;
	[tilespmem:s21+$0x12580] =	vst v31  }
0x224: {  	v36 =	vld [tilespmem:s21+$0xA630];
	v35 =	vmax.f32 v26, $0.0e+00;
	[tilespmem:s21+$0x12590] =	vst v33  }
0x225: {  	v38 =	vld [tilespmem:s21+$0xA680];
	v37 =	vmax.f32 v28, $0.0e+00;
	[tilespmem:s21+$0x125A0] =	vst v35  }
0x226: {  	v40 =	vld [tilespmem:s21+$0xA690];
	v39 =	vmax.f32 v30, $0.0e+00;
	[tilespmem:s21+$0x125B0] =	vst v37  }
0x227: {  	v42 =	vld [tilespmem:s21+$0xA6A0];
	v41 =	vmax.f32 v32, $0.0e+00;
	[tilespmem:s21+$0x12600] =	vst v39  }
0x228: {  	v44 =	vld [tilespmem:s21+$0xA6B0];
	v43 =	vmax.f32 v34, $0.0e+00;
	[tilespmem:s21+$0x12610] =	vst v41  }
0x229: {  	v46 =	vld [tilespmem:s21+$0xA700];
	v45 =	vmax.f32 v36, $0.0e+00;
	[tilespmem:s21+$0x12620] =	vst v43  }
0x22a: {  	v48 =	vld [tilespmem:s21+$0xA710];
	v47 =	vmax.f32 v38, $0.0e+00;
	[tilespmem:s21+$0x12630] =	vst v45  }
0x22b: {  	v50 =	vld [tilespmem:s21+$0xA720];
	v49 =	vmax.f32 v40, $0.0e+00;
	[tilespmem:s21+$0x12680] =	vst v47  }
0x22c: {  	v52 =	vld [tilespmem:s21+$0xA730];
	v51 =	vmax.f32 v42, $0.0e+00;
	[tilespmem:s21+$0x12690] =	vst v49  }
0x22d: {  	v54 =	vld [tilespmem:s21+$0xA780];
	v53 =	vmax.f32 v44, $0.0e+00;
	[tilespmem:s21+$0x126A0] =	vst v51  }
0x22e: {  	v56 =	vld [tilespmem:s21+$0xA790];
	v55 =	vmax.f32 v46, $0.0e+00;
	[tilespmem:s21+$0x126B0] =	vst v53  }
0x22f: {  	v58 =	vld [tilespmem:s21+$0xA7A0];
	v57 =	vmax.f32 v48, $0.0e+00;
	[tilespmem:s21+$0x12700] =	vst v55  }
0x230: {  	v59 =	vmax.f32 v50, $0.0e+00;
	[tilespmem:s21+$0x12710] =	vst v57  }
.Ltmp12:
0x231: {  	v60 =	vmax.f32 v52, $0.0e+00;
	[tilespmem:s21+$0x12720] =	vst v59;
	(pc) =	sbr.rel @p1 .LBB2_22-.Ltmp12, $4  }
0x232: {  	v61 =	vmax.f32 v54, $0.0e+00;
	[tilespmem:s21+$0x12730] =	vst v60  }
0x233: {  	v62 =	vmax.f32 v56, $0.0e+00;
	[tilespmem:s21+$0x12780] =	vst v61  }
0x234: {  	v63 =	vmax.f32 v58, $0.0e+00;
	[tilespmem:s21+$0x12790] =	vst v62  }
0x235: {  	[tilespmem:s21+$0x127A0] =	vst v63  }
0x236: {  	v0 =	vld [tilespmem:s19+$0x0];
	_ =	sdelay $0x4  }
0x237: {  	v0 =	vshll.u32 v0, $0x4  }
0x238: {  	(v2sf) =	vpush v0, $0x0  }
0x239: {  	(v2sf) =	vpush v0, $0x1  }
0x23a: {  	(v2sf) =	vpush v0, $0x2;
	_ =	sdelay $0x1  }
0x23b: {  	(v2sf) =	vpush v0, $0x4;
	_ =	sdelay $0x1  }
0x23c: {  	(v2sf) =	vpush v0, $0x3  }
0x23d: {  	(v2sf) =	vpush v0, $0x5  }
0x23e: {  	s21 =	simm.s32 $0x2000;
	s20 =	simm.s32 $0x0;
	s22 =	smov.u32 s19;
	(v2sf) =	vpush v0, $0x6  }
.LBB2_20:
0x23f: {  	p0 =	sne.s32 s21, $0xE000  }
0x240: {  	s1 =	sadd.s32 $0xA480, s20;
	s26 =	sadd.s32 $0xA980, s20;
	s23 =	smov.u32 s21  }
0x241: {  	s21 =	sadd.s32 $0x2000, s21;
	s30 =	sadd.s32 $0xA780, s20;
	s24 =	sadd.s32 $0xAA00, s20;
	(v2sf) =	vpush v0, $0x7  }
0x242: {  	s0 =	sadd.s32 $0xA680, s20;
	s29 =	sadd.s32 $0xA800, s20;
	s25 =	sadd.s32 $0xAA80, s20  }
0x243: {  	s5 =	sadd.s32 $0xA400, s20;
	s7 =	sadd.s32 $0xA600, s20;
	(v2sf) =	vpush v0, $0x8  }
0x244: {  	s9 =	sadd.s32 $0xA700, s20;
	s22 =	sadd.s32 $0x10, s22  }
0x245: {  	s11 =	sadd.s32 $0xA500, s20;
	s28 =	sadd.s32 $0xA900, s20;
	s14 =	spop (v2sf);
	(v2sf) =	vpush v0, $0x9  }
0x246: {  	s31 =	sadd.s32 $0xA880, s20;
	s14 =	sand.u32 $0x1FFFFFF0, s14;
	s15 =	spop (v2sf)  }
0x247: {  	s14 =	sadd.s32 s3, s14;
	s15 =	sand.u32 $0x1FFFFFF0, s15;
	s16 =	spop (v2sf);
	(v2sf) =	vpush v0, $0xA  }
0x248: {  	[tilespmem:s5], [sflag:$0x2] =	stream.linear.gather [hbm4b:s14+s2], $0x80, $0x38;
	[tilespmem:$0x16400] =	vst v63  }
0x249: {  	s5 =	sadd.s32 s3, s15;
	s14 =	sadd.s32 $0xA580, s20;
	s15 =	spop (v2sf);
	(v2sf) =	vpush v0, $0xB  }
0x24a: {  	[tilespmem:s1], [sflag:$0x2] =	stream.linear.gather [hbm4b:s5+s2], $0x80, $0x38;
	[tilespmem:$0x16400] =	vst v63  }
0x24b: {  	s1 =	sand.u32 $0x1FFFFFF0, s16;
	s5 =	sand.u32 $0x1FFFFFF0, s15;
	s15 =	spop (v2sf);
	(v2sf) =	vpush v0, $0xC  }
0x24c: {  	s1 =	sadd.s32 s3, s1;
	s15 =	sand.u32 $0x1FFFFFF0, s15;
	s16 =	spop (v2sf)  }
0x24d: {  	[tilespmem:s11], [sflag:$0x2] =	stream.linear.gather [hbm4b:s1+s2], $0x80, $0x38;
	(v2sf) =	vpush v0, $0xD;
	[tilespmem:$0x16400] =	vst v63  }
0x24e: {  	s1 =	sadd.s32 s3, s15;
	s11 =	sand.u32 $0x1FFFFFF0, s16;
	s15 =	spop (v2sf)  }
0x24f: {  	[tilespmem:s14], [sflag:$0x2] =	stream.linear.gather [hbm4b:s1+s2], $0x80, $0x38;
	(v2sf) =	vpush v0, $0xE;
	[tilespmem:$0x16400] =	vst v63  }
0x250: {  	s1 =	sadd.s32 s3, s5;
	s5 =	sand.u32 $0x1FFFFFF0, s15;
	s14 =	spop (v2sf)  }
0x251: {  	[tilespmem:s7], [sflag:$0x2] =	stream.linear.gather [hbm4b:s1+s2], $0x80, $0x38;
	(v2sf) =	vpush v0, $0xF;
	[tilespmem:$0x16400] =	vst v63  }
0x252: {  	s1 =	sadd.s32 s3, s11;
	s7 =	sand.u32 $0x1FFFFFF0, s14;
	s11 =	spop (v2sf)  }
0x253: {  	[tilespmem:s0], [sflag:$0x2] =	stream.linear.gather [hbm4b:s1+s2], $0x80, $0x38;
	[tilespmem:$0x16400] =	vst v63  }
0x254: {  	s0 =	sadd.s32 s3, s5;
	s1 =	sand.u32 $0x1FFFFFF0, s11;
	s5 =	spop (v2sf)  }
0x255: {  	[tilespmem:s9], [sflag:$0x2] =	stream.linear.gather [hbm4b:s0+s2], $0x80, $0x38;
	[tilespmem:$0x16400] =	vst v63  }
0x256: {  	s0 =	sadd.s32 s3, s7;
	s5 =	sand.u32 $0x1FFFFFF0, s5;
	s7 =	spop (v2sf)  }
0x257: {  	[tilespmem:s30], [sflag:$0x2] =	stream.linear.gather [hbm4b:s0+s2], $0x80, $0x38;
	[tilespmem:$0x16400] =	vst v63  }
0x258: {  	s0 =	sadd.s32 s3, s1;
	s1 =	sand.u32 $0x1FFFFFF0, s7;
	s7 =	spop (v2sf)  }
0x259: {  	[tilespmem:s29], [sflag:$0x2] =	stream.linear.gather [hbm4b:s0+s2], $0x80, $0x38;
	[tilespmem:$0x16400] =	vst v63  }
0x25a: {  	s0 =	sadd.s32 s3, s5;
	s5 =	sand.u32 $0x1FFFFFF0, s7;
	s7 =	spop (v2sf)  }
0x25b: {  	[tilespmem:s31], [sflag:$0x2] =	stream.linear.gather [hbm4b:s0+s2], $0x80, $0x38;
	[tilespmem:$0x16400] =	vst v63  }
0x25c: {  	s0 =	sadd.s32 s3, s1;
	s1 =	sand.u32 $0x1FFFFFF0, s7;
	s7 =	spop (v2sf)  }
0x25d: {  	[tilespmem:s28], [sflag:$0x2] =	stream.linear.gather [hbm4b:s0+s2], $0x80, $0x38;
	[tilespmem:$0x16400] =	vst v63  }
0x25e: {  	s0 =	sadd.s32 s3, s5;
	s5 =	sand.u32 $0x1FFFFFF0, s7;
	s7 =	spop (v2sf)  }
0x25f: {  	[tilespmem:s26], [sflag:$0x2] =	stream.linear.gather [hbm4b:s0+s2], $0x80, $0x38;
	[tilespmem:$0x16400] =	vst v63  }
0x260: {  	s0 =	sadd.s32 s3, s1;
	s1 =	sand.u32 $0x1FFFFFF0, s7;
	s7 =	spop (v2sf)  }
0x261: {  	[tilespmem:s24], [sflag:$0x2] =	stream.linear.gather [hbm4b:s0+s2], $0x80, $0x38;
	[tilespmem:$0x16400] =	vst v63  }
0x262: {  	s0 =	sadd.s32 s3, s5;
	s5 =	sand.u32 $0x1FFFFFF0, s7  }
0x263: {  	[tilespmem:s25], [sflag:$0x2] =	stream.linear.gather [hbm4b:s0+s2], $0x80, $0x38;
	[tilespmem:$0x16400] =	vst v63  }
0x264: {  	s1 =	sadd.s32 s3, s1;
	s0 =	sadd.s32 $0xAB00, s20  }
0x265: {  	[tilespmem:s0], [sflag:$0x2] =	stream.linear.gather [hbm4b:s1+s2], $0x80, $0x38;
	[tilespmem:$0x16400] =	vst v63  }
0x266: {  	s0 =	sadd.s32 $0xAB80, s20;
	s1 =	sadd.s32 s3, s5  }
0x267: {  	[tilespmem:s0], [sflag:$0x2] =	stream.linear.gather [hbm4b:s1+s2], $0x80, $0x38;
	[tilespmem:$0x16400] =	vst v63  }
0x268: {  	v0 =	vld [tilespmem:s22+$0x0];
	_ =	sdelay $0x4  }
0x269: {  	v0 =	vshll.u32 v0, $0x4  }
0x26a: {  	(v2sf) =	vpush v0, $0x0  }
0x26b: {  	(v2sf) =	vpush v0, $0x1  }
0x26c: {  	(v2sf) =	vpush v0, $0x2;
	_ =	sdelay $0x1  }
0x26d: {  	(v2sf) =	vpush v0, $0x4  }
.Ltmp13:
0x26e: {  	(pc) =	sbr.rel @p0 .LBB2_20-.Ltmp13, $3  }
0x26f: {  	(v2sf) =	vpush v0, $0x3  }
0x270: {  	(v2sf) =	vpush v0, $0x5;
	_ =	sdelay $0x1  }
0x271: {  	s20 =	sshra.s32 s23, $0x2;
	(v2sf) =	vpush v0, $0x6  }
0x272: {  	_ =	sdelay $0x2  }
0x273: {  	s0 =	sadd.s32 $0xA480, s20;
	s23 =	sadd.s32 $0xA980, s20;
	s1 =	sadd.s32 $0xA780, s20;
	(v2sf) =	vpush v0, $0x7  }
0x274: {  	s5 =	sadd.s32 $0xA680, s20;
	s7 =	sadd.s32 $0xA800, s20;
	s9 =	sadd.s32 $0xA400, s20  }
0x275: {  	s11 =	sadd.s32 $0xA600, s20;
	s14 =	sadd.s32 $0xA700, s20;
	(v2sf) =	vpush v0, $0x8;
	s15 =	spop (v2sf)  }
0x276: {  	s16 =	sadd.s32 $0xA500, s20;
	s15 =	sand.u32 $0x1FFFFFF0, s15;
	s24 =	spop (v2sf)  }
0x277: {  	(v2sf) =	vpush v0, $0x9;
	s15 =	sadd.s32 s3, s15;
	s24 =	sand.u32 $0x1FFFFFF0, s24;
	s25 =	spop (v2sf)  }
0x278: {  	[tilespmem:s9], [sflag:$0x2] =	stream.linear.gather [hbm4b:s15+s2], $0x80, $0x38;
	[tilespmem:$0x16400] =	vst v63  }
0x279: {  	(v2sf) =	vpush v0, $0xA;
	s26 =	sadd.s32 s3, s24;
	s29 =	sand.u32 $0x1FFFFFF0, s25;
	s28 =	spop (v2sf)  }
0x27a: {  	[tilespmem:s0], [sflag:$0x2] =	stream.linear.gather [hbm4b:s26+s2], $0x80, $0x38;
	[tilespmem:$0x16400] =	vst v63  }
0x27b: {  	s9 =	sadd.s32 $0xA900, s20;
	(v2sf) =	vpush v0, $0xB;
	s15 =	sadd.s32 s3, s29;
	s30 =	spop (v2sf)  }
0x27c: {  	s0 =	sadd.s32 $0xA880, s20;
	s26 =	sadd.s32 $0xA580, s20;
	s25 =	sand.u32 $0x1FFFFFF0, s30  }
0x27d: {  	(v2sf) =	vpush v0, $0xC;
	[tilespmem:s16], [sflag:$0x2] =	stream.linear.gather [hbm4b:s15+s2], $0x80, $0x38;
	[tilespmem:$0x16400] =	vst v63  }
0x27e: {  	s31 =	sand.u32 $0x1FFFFFF0, s28;
	s28 =	spop (v2sf);
	s29 =	sadd.s32 s3, s25  }
0x27f: {  	(v2sf) =	vpush v0, $0xD;
	[tilespmem:s26], [sflag:$0x2] =	stream.linear.gather [hbm4b:s29+s2], $0x80, $0x38;
	[tilespmem:$0x16400] =	vst v63  }
0x280: {  	s15 =	sadd.s32 s3, s31;
	s16 =	sand.u32 $0x1FFFFFF0, s28;
	s30 =	spop (v2sf)  }
0x281: {  	[tilespmem:s11], [sflag:$0x2] =	stream.linear.gather [hbm4b:s15+s2], $0x80, $0x38;
	[tilespmem:$0x16400] =	vst v63  }
0x282: {  	s16 =	sadd.s32 s3, s16;
	s31 =	sand.u32 $0x1FFFFFF0, s30;
	s24 =	spop (v2sf)  }
0x283: {  	(v2sf) =	vpush v0, $0xE;
	[tilespmem:s5], [sflag:$0x2] =	stream.linear.gather [hbm4b:s16+s2], $0x80, $0x38;
	[tilespmem:$0x16400] =	vst v63  }
0x284: {  	s25 =	sand.u32 $0x1FFFFFF0, s24;
	s26 =	spop (v2sf);
	s11 =	sadd.s32 s3, s31  }
0x285: {  	(v2sf) =	vpush v0, $0xF;
	[tilespmem:s14], [sflag:$0x2] =	stream.linear.gather [hbm4b:s11+s2], $0x80, $0x38;
	[tilespmem:$0x16400] =	vst v63  }
0x286: {  	s28 =	sand.u32 $0x1FFFFFF0, s26;
	s5 =	sadd.s32 s3, s25;
	s29 =	spop (v2sf)  }
0x287: {  	[tilespmem:s1], [sflag:$0x2] =	stream.linear.gather [hbm4b:s5+s2], $0x80, $0x38;
	[tilespmem:$0x16400] =	vst v63  }
0x288: {  	s11 =	sadd.s32 s3, s28;
	s30 =	sand.u32 $0x1FFFFFF0, s29;
	s31 =	spop (v2sf)  }
0x289: {  	[tilespmem:s7], [sflag:$0x2] =	stream.linear.gather [hbm4b:s11+s2], $0x80, $0x38;
	[tilespmem:$0x16400] =	vst v63  }
0x28a: {  	s5 =	sand.u32 $0x1FFFFFF0, s31;
	s1 =	sadd.s32 s3, s30;
	s11 =	spop (v2sf)  }
0x28b: {  	[tilespmem:s0], [sflag:$0x2] =	stream.linear.gather [hbm4b:s1+s2], $0x80, $0x38;
	[tilespmem:$0x16400] =	vst v63  }
0x28c: {  	s5 =	sadd.s32 s3, s5;
	s14 =	sand.u32 $0x1FFFFFF0, s11;
	s15 =	spop (v2sf)  }
0x28d: {  	[tilespmem:s9], [sflag:$0x2] =	stream.linear.gather [hbm4b:s5+s2], $0x80, $0x38;
	[tilespmem:$0x16400] =	vst v63  }
0x28e: {  	s0 =	sadd.s32 s3, s14;
	s1 =	sand.u32 $0x1FFFFFF0, s15;
	s16 =	spop (v2sf)  }
0x28f: {  	[tilespmem:s23], [sflag:$0x2] =	stream.linear.gather [hbm4b:s0+s2], $0x80, $0x38;
	[tilespmem:$0x16400] =	vst v63  }
0x290: {  	s21 =	sadd.s32 $0xAA00, s20;
	s24 =	sand.u32 $0x1FFFFFF0, s16;
	s1 =	sadd.s32 s3, s1  }
0x291: {  	[tilespmem:s21], [sflag:$0x2] =	stream.linear.gather [hbm4b:s1+s2], $0x80, $0x38;
	[tilespmem:$0x16400] =	vst v63  }
0x292: {  	s22 =	sadd.s32 $0xAA80, s20;
	s25 =	spop (v2sf);
	s0 =	sadd.s32 s3, s24  }
0x293: {  	[tilespmem:s22], [sflag:$0x2] =	stream.linear.gather [hbm4b:s0+s2], $0x80, $0x38;
	[tilespmem:$0x16400] =	vst v63  }
.Ltmp14:
0x294: {  	s26 =	sand.u32 $0x1FFFFFF0, s25;
	s28 =	spop (v2sf);
	(pc) =	sbr.rel .LBB2_22-.Ltmp14, $4  }
0x295: {  	s30 =	sadd.s32 $0xAB00, s20;
	s29 =	sand.u32 $0x1FFFFFF0, s28;
	s1 =	sadd.s32 s3, s26  }
0x296: {  	[tilespmem:s30], [sflag:$0x2] =	stream.linear.gather [hbm4b:s1+s2], $0x80, $0x38;
	[tilespmem:$0x16400] =	vst v63  }
0x297: {  	s31 =	sadd.s32 $0xAB80, s20;
	s0 =	sadd.s32 s3, s29  }
0x298: {  	[tilespmem:s31], [sflag:$0x2] =	stream.linear.gather [hbm4b:s0+s2], $0x80, $0x38;
	[tilespmem:$0x16400] =	vst v63  }
.LBB2_24:
0x299: {  	_ =	sfence.sel $0x180000  }
0x29a: {  	[bflag:$0x0] =	sbarrier.arrive $0xFFFF  }
0x29b: {  	_ =	strace $0x90000047  }
0x29c: {  	s0 =	stileid.u32;
	[bflag:$0x2] =	sbarrier.arrive $0xFFFF  }
0x29d: {  	p0 =	sne.s32 s0, $0x0;
	s0 =	rddreg [dreg:$0x2]  }
0x29e: {  	s0 =	sadd.s32 @!p0 $0x100000, s0  }
0x29f: {  	[sflag:s0] =	ssyncadd.tile.s32 @!p0 $0x1;
	_ =	shalt  }
.Lfunc_end2:
_tile_overlayer_lowered:
.L_overlay_start_2:
0x2a0: {  	(tag) =	ssettag $0x2  }
0x2a1: {  	s0 =	rddreg [dreg:$0x0];
	s2 =	stileid.u32  }
0x2a2: {  	s1 =	rddreg [dreg:$0x1];
	p0 =	sne.s32 s2, $0x0  }
0x2a3: {  	s3 =	rddreg [dreg:$0x2];
	[bflag:$0x3] =	sbarrier.arrive $0xFFFF;
	s2 =	simm.s32 @!p0 $0x1C05  }
0x2a4: {  	[timem:s3], [sflag:s2] =	dma.local @!p0 [hbm:s0], s1  }
0x2a5: {  	s0 =	simm.s32 @!p0 $0x5  }
0x2a6: {  	_ =	swait.ge @!p0 [sflag:s0], s1  }
0x2a7: {  	s1 =	ssub.s32 @!p0 $0x0, s1;
	[sflag:s0] =	ssyncset.done @!p0 $0x0  }
0x2a8: {  	[sflag:s0] =	ssyncadd.s32 @!p0 s1  }
0x2a9: {  	[bflag:$0x3] =	sbarrier.arrive $0xFFFF  }
0x2aa: {  	_ =	shalt  }

// kernel: sparse-core-data-format-call.cloned.1.call-start
scs
called_computation_lowered:
.L_overlay_start_0:
0x0: {  	s2 =	sld [smem:$0x3FD9]  }
0x1: {  	s3 =	sld [smem:$0x3FFE];
	_ =	sdelay $0x1  }
0x2: {  	s1 =	srdreg.scid  }
0x3: {  	s0 =	sand.u32 $0x1, s1  }
0x4: {  	s18 =	sshll.u32 s0, $0xA;
	s2 =	sadd.s32 s3, s2  }
0x5: {  	s2 =	sadd.s32 s2, s18  }
0x6: {  	[smem:$0x3FC6] =	sst s2  }
0x7: {  	_ = 	snop  }
0x8: {  	s2 =	sld [smem:$0x3FD0];
	(tm) =	ssettm $0x1  }
0x9: {  	s19 =	sld [smem:$0x3FFB];
	_ =	sdelay $0x3  }
0xa: {  	_ =	strace s19  }
0xb: {  	s3 =	sld [smem:$0x3FFC];
	_ =	sdelay $0x3  }
0xc: {  	_ =	strace s3  }
0xd: {  	s3 =	sld [smem:$0x3FFD];
	_ =	sdelay $0x3  }
0xe: {  	_ =	strace s3  }
0xf: {  	_ =	strace $0x8FFFFFFF  }
0x10: {  	s20 =	sld [smem:$0x3FDB];
	_ =	sdelay $0x1  }
0x11: {  	s4 =	simm.s32 $_scs_section_size  }
0x12: {  	s5 =	simm.s32 $_size__tile_overlayer_lowered;
	s6 =	simm.s32 $_tile_overlayer_lowered  }
0x13: {  	s23 =	simm.s32 $0x1BFF;
	s22 =	sshll.u32 s6, $0x1;
	s3 =	sadd.s32 s4, s20  }
0x14: {  	s7 =	simm.s32 $0x0;
	s21 =	sshll.u32 s5, $0x1;
	s5 =	sadd.s32 s22, s3  }
0x15: {  	[timem:s7], [sflag:s23] =	dma.local [hbm:s5], s21  }
0x16: {  	_ =	swait.ge [sflag:s23], s21  }
0x17: {  	s4 =	ssub.s32 $0x0, s21;
	[sflag:s23] =	ssyncset.done $0x0  }
0x18: {  	[sflag:s23] =	ssyncadd.s32 s4;
	_ =	sdelay $0x1  }
0x19: {  	s24 =	simm.s32 $0x1B8B  }
0x1a: {  	_ =	swait.ge [sflag:s24], $0x1  }
0x1b: {  	[sflag:s24] =	ssyncset.done $0x0  }
0x1c: {  	s26 =	simm.s32 $0x1B8E;
	s25 =	sld [smem:$0x3FFE];
	[sflag:s24] =	ssyncadd.s32 $0xFFFFFFFF  }
0x1d: {  	s27 =	simm.s32 $execute0_lowered;
	[smem:$0x3FD2] =	sst s26  }
0x1e: {  	s5 =	sshll.u32 s27, $0x1;
	_ =	strace $0x80000049;
	[dreg:$0x1] =	wrdreg $0xFFFFFFFF  }
0x1f: {  	s28 =	simm.s32 $_size_execute0_lowered;
	s3 =	sadd.s32 s3, s5;
	[dreg:$0x0] =	wrdreg $0x0  }
0x20: {  	s5 =	sshll.u32 s28, $0x1;
	[dreg:$0x2] =	wrdreg s3  }
0x21: {  	[dreg:$0x3] =	wrdreg s5  }
0x22: {  	[dreg:$0x4] =	wrdreg $0xC0  }
0x23: {  	_ =	task [dreg:s7], $0x5FFFF  }
0x24: {  	[dreg:$0x1] =	wrdreg $0xFFFFFFFF  }
0x25: {  	[dreg:$0x0] =	wrdreg $0x60  }
0x26: {  	[dreg:$0x2] =	wrdreg s25  }
0x27: {  	[dreg:$0x3] =	wrdreg s2  }
0x28: {  	[dreg:$0x4] =	wrdreg $0x9  }
0x29: {  	_ =	task.clear_ibuf [dreg:s7], $0x5FFFF;
	_ =	strace $0x90000049  }
0x2a: {  	s29 =	simm.s32 $0x9;
	_ =	strace $0x8000004B  }
0x2b: {  	_ =	swait.ge [sflag:s29], $0x1  }
0x2c: {  	[sflag:s29] =	ssyncadd.s32 $0xFFFFFFFF  }
0x2d: {  	_ =	strace $0x9000004B  }
0x2e: {  	_ =	sfence  }
0x2f: {  	s30 =	sld [smem:$0x0];
	_ =	sdelay $0x2  }
0x30: {  	s31 =	sshll.u32 s1, $0xD;
	s1 =	sshrl.u32 s1, $0x2  }
0x31: {  	s3 =	sand.u32 $0x4000, s31;
	s1 =	sadd.s32 s1, s30  }
0x32: {  	s0 =	sor.u32 s3, s0;
	s1 =	sshll.u32 s1, $0x11  }
0x33: {  	s0 =	sor.u32 s1, s0  }
0x34: {  	s0 =	sadd.s32 $0x8F2B, s0  }
0x35: {  	[sflag:s0] =	ssyncadd.remote.s32 $0x1  }
0x36: {  	_ =	sfence.sel $0xFFFF  }
0x37: {  	[dreg:$0x0] =	wrdreg $0xFFFFFFFF;
	(pc) =	sbr.abs _section_cstart, $3  }
0x38: {  	[dreg:$0x1] =	wrdreg $0xFFFFFFFF  }
0x39: {  	_ =	task.clear_ibuf [dreg:s7], $0x2FFFF;
	_ =	strace $0x9FFFFFFF  }
0x3a: {  	(tm) =	ssettm $0x7FFFFFFF  }
0x3b: {  	_ =	shalt  }
tec
execute0_lowered:
.L_overlay_start_1:
0x0: {  	(tag) =	ssettag $0x1  }
0x1: {  	s0 =	srdreg.scid  }
0x2: {  	s1 =	sshll.u32 s0, $0x4  }
0x3: {  	s0 =	stileid.u32;
	s1 =	sand.u32 $0x10, s1  }
0x4: {  	s1 =	sor.u32 s0, s1  }
0x5: {  	s6 =	rddreg [dreg:$0x0];
	s4 =	simm.s32 $0x1;
	s2 =	sshll.u32 s1, $0x7  }
0x6: {  	s7 =	simm.s32 $0x2;
	s12 =	simm.s32 $0x0;
	s1 =	ssub.s32 $0x1000, s2  }
0x7: {  	s8 =	simm.s32 $0x8000;
	s13 =	simm.s32 $0x0;
	s3 =	sand.u32 $0xF80, s1  }
0x8: {  	s9 =	simm.s32 $0x0;
	s5 =	sshrl.u32 s1, $0xC;
	p0 =	sne.s32 s3, $0x0  }
.Ltmp0:
0x9: {  	s1 =	rddreg [dreg:$0x2];
	s4 =	simm.s32 @!p0 $0x0;
	(pc) =	sbr.rel .LBB1_1-.Ltmp0, $4  }
0xa: {  	s11 =	simm.s32 $0x0;
	s3 =	rddreg [dreg:$0x1];
	s5 =	sadd.s32 s4, s5  }
0xb: {  	_ =	strace $0x8000004A;
	s4 =	simm.s32 $0x1;
	s5 =	smul.u32 $0xC8, s5  }
0xc: {  	s6 =	sadd.s32 $0xF42C00, s6;
	s10 =	smov.u32 s2;
	[sflag:s4] =	ssyncpa.u1 $0x0  }
0xd: {  	p0 =	por $0x0, $0x0;
	[sflag:s7] =	ssyncpa.u1 $0x0;
	s7 =	sor.u32 $0x1, s5  }
.LBB1_4:
0xe: {  	s16 =	sshll.u32 s13, $0x3;
	s17 =	sand.u32 $0x78, s13  }
0xf: {  	s30 =	sand.u32 $0x7E00, s13;
	s12 =	sshll.u32 s12, $0xF;
	s16 =	sand.u32 $0xC00, s16  }
0x10: {  	[tilespmem:s15+$0x810 ss:$0x81] =	vst.msk $0xffff, v2;
	s31 =	sand.u32 $0x7, s13;
	s16 =	sor.u32 s17, s16;
	s17 =	sadd.s32 s3, s30  }
0x11: {  	[tilespmem:s15+$0x1020 ss:$0x81] =	vst.msk $0xffff, v0;
	s13 =	sshll.u32 s31, $0x12;
	s12 =	sadd.s32 s12, s17;
	s16 =	sshrl.u32 s16, $0x3  }
0x12: {  	[tilespmem:s15+$0x0 ss:$0x81] =	vst.msk $0xffff, v1;
	s13 =	sor.u32 $0x400, s13;
	s12 =	sadd.s32 s16, s12  }
0x13: {  	[hbm4b:s12+s13] =	stream.strided.scatter [tilespmem:s14], [sflag:$0x2], $0x2000, s8, s13, $0x20;
	[tilespmem:$0x8080] =	vst v63  }
.LBB1_5:
0x14: {  	s14 =	sadd.s32 $0x1, s9  }
0x15: {  	s12 =	sadd.s32 $0x1000, s10;
	s16 =	smov.u32 s10;
	p2 =	sgt.s32 s14, $0xC7  }
0x16: {  	s16 =	smov.u32 @p2 s12  }
0x17: {  	s14 =	simm.s32 @p2 $0x0;
	p2 =	sgt.s32 s16, $0xFFF  }
0x18: {  	s16 =	smov.u32 @p2 s2;
	p2 =	sne.s32 s11, s7  }
.Ltmp1:
0x19: {  	p1 =	slt.u32 s11, $0x2;
	(pc) =	sbr.rel @!p2 .LBB1_6-.Ltmp1, $4  }
0x1a: {  	s15 =	simm.s32 @!p1 $0x2  }
0x1b: {  	s13 =	smov.u32 s10;
	p0 =	por !p0, !p0;
	_ =	swait.ge @!p1 [sflag:s15], $0x2000  }
0x1c: {  	s12 =	smov.u32 s9;
	[sflag:s15] =	ssyncset.done @!p1 $0x0;
	s9 =	smov.u32 s14  }
0x1d: {  	s11 =	sadd.s32 $0x1, s11;
	[sflag:s15] =	ssyncadd.s32 @!p1 $0xFFFFE000;
	s10 =	smov.u32 s16  }
.LBB1_1:
0x1e: {  	p1 =	sge.u32 s11, s5  }
0x1f: {  	s14 =	sand.u32 @!p1 $0x1FFFFFF, s9  }
0x20: {  	s15 =	smulhi.u32 @!p1 $0x147AE15, s14;
	_ =	sdelay $0x1  }
0x21: {  	s15 =	smul.u32 @!p1 $0xC8, s15  }
0x22: {  	s16 =	sxor.u32 @!p1 $0xFFFFFFFF, s11;
	s17 =	smul.u32 @!p1 $0xC80, s10  }
0x23: {  	s31 =	sadd.s32 $0xFFFFFFFF, s11;
	s16 =	sshll.u32 @!p1 s16, $0xD;
	s14 =	ssub.s32 @!p1 s14, s15  }
0x24: {  	s15 =	sand.u32 @!p1 $0x2000, s16;
	s16 =	sadd.s32 @!p1 s6, s17;
	s14 =	sshll.u32 @!p1 s14, $0x4  }
0x25: {  	s17 =	simm.s32 @!p1 $0x6400;
	s14 =	sadd.s32 @!p1 s14, s16;
	s16 =	simm.s32 @!p1 $0x40  }
0x26: {  	[tilespmem:s15], [sflag:$0x1] =	stream.strided.gather @!p1 [hbm4b:s14+s16], $0x2000, s17, s16, $0x38;
	[tilespmem:$0x8080] =	vst v63  }
0x27: {  	p1 =	sge.u32 s31, s5  }
.Ltmp2:
0x28: {  	_ = 	snop;
	(pc) =	sbr.rel @p1 .LBB1_5-.Ltmp2, $1  }
0x29: {  	_ =	sdelay $0x3  }
0x2a: {  	s14 =	simm.s32 $0x1  }
0x2b: {  	_ =	swait.ge [sflag:s4], $0x2000;
	s14 =	simm.s32 @!p0 $0x0  }
0x2c: {  	[sflag:s4] =	ssyncset.done $0x0;
	s15 =	sshll.u32 s14, $0xD  }
0x2d: {  	[sflag:s4] =	ssyncadd.s32 $0xFFFFE000;
	s18 =	sor.u32 $0x20, s15  }
0x2e: {  	s14 =	smul.u32 $0x8100, s14;
	v3 =	vld [tilespmem:s18+$0x10]  }
0x2f: {  	s30 =	sand.u32 $0x1, s11;
	v2 =	vld [tilespmem:s18+$0xFFFFFFF0]  }
0x30: {  	s15 =	smul.u32 $0x8100, s30;
	s14 =	sshrl.u32 s14, $0x2;
	v0 =	vld [tilespmem:s18+$0x0]  }
0x31: {  	v1 =	vld [tilespmem:s18+$0xFFFFFFE0];
	s16 =	sor.u32 $0x4000, s14  }
0x32: {  	s31 =	sshrl.u32 s15, $0x2;
	s15 =	sadd.s32 $0x0, s16  }
0x33: {  	s17 =	simm.s32 $0x4;
	s18 =	sadd.s32 $0x40, s18;
	s14 =	sor.u32 $0x4000, s31;
	[tilespmem:s15+$0x1830 ss:$0x81] =	vst.msk $0xffff, v3  }
.LBB1_3:
0x34: {  	v3 =	vld [tilespmem:s18+$0x10];
	p1 =	sne.s32 s17, $0x1FC;
	[tilespmem:s15+$0x810 ss:$0x81] =	vst.msk $0xffff, v2;
	s19 =	smov.u32 s17;
	s17 =	sadd.s32 $0x4, s17  }
.Ltmp3:
0x35: {  	v2 =	vld [tilespmem:s18+$0xFFFFFFF0];
	[tilespmem:s15+$0x1020 ss:$0x81] =	vst.msk $0xffff, v0;
	(pc) =	sbr.rel @p1 .LBB1_3-.Ltmp3, $4  }
0x36: {  	v0 =	vld [tilespmem:s18+$0x0];
	[tilespmem:s15+$0x0 ss:$0x81] =	vst.msk $0xffff, v1  }
0x37: {  	s15 =	sshra.s32 s19, $0x2;
	v1 =	vld [tilespmem:s18+$0xFFFFFFE0]  }
0x38: {  	s15 =	sadd.s32 s15, s16  }
0x39: {  	s18 =	sadd.s32 $0x40, s18;
	[tilespmem:s15+$0x1830 ss:$0x81] =	vst.msk $0xffff, v3  }
.Ltmp4:
0x3a: {  	_ = 	snop;
	(pc) =	sbr.rel .LBB1_4-.Ltmp4, $1  }
0x3b: {  	_ =	sdelay $0x3  }
.LBB1_6:
0x3c: {  	_ =	sfence.sel $0x180000  }
0x3d: {  	s2 =	simm.s32 $0x1;
	[bflag:$0x0] =	sbarrier.arrive $0xFFFF  }
0x3e: {  	s31 =	simm.s32 $0x2;
	[sflag:s2] =	ssyncpa.u1 $0x1  }
0x3f: {  	[sflag:s31] =	ssyncpa.u1 $0x1  }
0x40: {  	p0 =	sne.s32 s0, $0x0;
	_ =	strace $0x9000004A  }
0x41: {  	s0 =	sadd.s32 @!p0 $0x100000, s1;
	[bflag:$0x2] =	sbarrier.arrive $0xFFFF  }
0x42: {  	[sflag:s0] =	ssyncadd.tile.s32 @!p0 $0x1;
	_ =	shalt  }
.Lfunc_end1:
_tile_overlayer_lowered:
.L_overlay_start_2:
0x43: {  	(tag) =	ssettag $0x2  }
0x44: {  	s0 =	rddreg [dreg:$0x0];
	s2 =	stileid.u32  }
0x45: {  	s1 =	rddreg [dreg:$0x1];
	p0 =	sne.s32 s2, $0x0  }
0x46: {  	s3 =	rddreg [dreg:$0x2];
	[bflag:$0x3] =	sbarrier.arrive $0xFFFF;
	s2 =	simm.s32 @!p0 $0x1C01  }
0x47: {  	[timem:s3], [sflag:s2] =	dma.local @!p0 [hbm:s0], s1  }
0x48: {  	s0 =	simm.s32 @!p0 $0x1  }
0x49: {  	_ =	swait.ge @!p0 [sflag:s0], s1  }
0x4a: {  	s1 =	ssub.s32 @!p0 $0x0, s1;
	[sflag:s0] =	ssyncset.done @!p0 $0x0  }
0x4b: {  	[sflag:s0] =	ssyncadd.s32 @!p0 s1  }
0x4c: {  	[bflag:$0x3] =	sbarrier.arrive $0xFFFF  }
0x4d: {  	_ =	shalt  }

</sc_bundles>
